<compile_context>
chip_gen: v7x
topology: tpu7x:2x2x1
jax: 0.10.2.dev20260603
libtpu: 0.0.44.dev20260713+nightly
codegen_flags: <defaults>
</compile_context>

<pallas_src>
import functools

import jax
import jax.numpy as jnp
from jax import lax
from jax.experimental import pallas as pl
from jax.experimental.pallas import tpu as pltpu
from jax.experimental.pallas import tpu_sc as plsc

N_NODES = 100000
N_EDGES = 3200000
TW = 16

NC = 2
NS = 16

GROUP = 80
GROUPS_PER_CHUNK = 5
CHUNK = GROUP * GROUPS_PER_CHUNK
N_CHUNKS = N_EDGES // CHUNK
CHUNKS_PER_TILE = N_CHUNKS // NS
BODIES = CHUNKS_PER_TILE // 2


PACK = 8
NT = 102400
ROWS = NT // PACK


def _bd(w):
    return jnp.kron(jnp.eye(PACK, dtype=jnp.float32), w)


def _tile_b(b):
    return jnp.tile(b, PACK).reshape(1, PACK * b.shape[0])


def _edge_table_body(lgp, hdp, w0a, w0b, b0, w1, b1, w2l, b2l, w2h, b2h,
                     out_lo, out_hi):
    h = jnp.dot(lgp[...], w0a[...], preferred_element_type=jnp.float32)
    h += jnp.dot(hdp[...], w0b[...], preferred_element_type=jnp.float32)
    h = jnp.maximum(h + b0[...], 0.0)
    h = jnp.maximum(jnp.dot(h, w1[...], preferred_element_type=jnp.float32) + b1[...], 0.0)
    out_lo[...] = jnp.dot(h, w2l[...], preferred_element_type=jnp.float32) + b2l[...]
    out_hi[...] = jnp.dot(h, w2h[...], preferred_element_type=jnp.float32) + b2h[...]


def _edge_table(lgp, hdp, eW0, eb0, eW1, eb1, eW2, eb2):
    blk = 3200
    grid = ROWS // blk
    full = lambda shape: pl.BlockSpec(shape, lambda i: (0, 0))
    w2h = jnp.concatenate([eW2[:, 16:20], jnp.zeros((32, 12), jnp.float32)], axis=1)
    b2h = jnp.concatenate([eb2[16:20], jnp.zeros((12,), jnp.float32)])
    return pl.pallas_call(
        _edge_table_body,
        grid=(grid,),
        in_specs=[
            pl.BlockSpec((blk, 4 * PACK), lambda i: (i, 0)),
            pl.BlockSpec((blk, TW * PACK), lambda i: (i, 0)),
            full((4 * PACK, 64 * PACK)), full((TW * PACK, 64 * PACK)),
            full((1, 64 * PACK)),
            full((64 * PACK, 32 * PACK)), full((1, 32 * PACK)),
            full((32 * PACK, TW * PACK)), full((1, TW * PACK)),
            full((32 * PACK, TW * PACK)), full((1, TW * PACK)),
        ],
        out_specs=[
            pl.BlockSpec((blk, TW * PACK), lambda i: (i, 0)),
            pl.BlockSpec((blk, TW * PACK), lambda i: (i, 0)),
        ],
        out_shape=[
            jax.ShapeDtypeStruct((ROWS, TW * PACK), jnp.float32),
            jax.ShapeDtypeStruct((ROWS, TW * PACK), jnp.float32),
        ],
    )(lgp, hdp, _bd(eW0[:4]), _bd(eW0[4:20]), _tile_b(eb0),
      _bd(eW1), _tile_b(eb1),
      _bd(eW2[:, :16]), _tile_b(eb2[:16]),
      _bd(w2h), _tile_b(b2h))


def _make_scatter():
    mesh = plsc.VectorSubcoreMesh(core_axis_name="c", subcore_axis_name="s")

    @functools.partial(
        pl.kernel,
        out_type=jax.ShapeDtypeStruct((NC, NT, TW), jnp.float32),
        mesh=mesh,
        scratch_types=[
            pltpu.VMEM((2 * CHUNK,), jnp.int32),
            pltpu.VMEM((2 * CHUNK,), jnp.int32),
            pltpu.VMEM((2 * CHUNK,), jnp.int32),
            pltpu.VMEM((2 * CHUNK,), jnp.int32),
            pltpu.VMEM((CHUNK, TW), jnp.float32),
            pltpu.VMEM((CHUNK, TW), jnp.float32),
            pltpu.VMEM_SHARED((N_NODES, TW), jnp.float32),
            pltpu.SemaphoreType.DMA,
            pltpu.SemaphoreType.DMA,
            pltpu.SemaphoreType.DMA,
            pltpu.SemaphoreType.DMA,
            pltpu.SemaphoreType.DMA,
        ],
        compiler_params=pltpu.CompilerParams(use_tc_tiling_on_sc=False),
    )
    def scatter_kernel(tlo_hbm, thi_hbm, snd_hbm, rcv_hbm, out_hbm,
                       sbufP, rbufP, sbufQ, rbufQ, rowsA, rowsB, acc,
                       gsemA, gsemB, ssemA, ssemB, isem):
        c = lax.axis_index("c")
        s = lax.axis_index("s")

        def zrow(i, carry):
            rowsB[i] = jnp.zeros((TW,), jnp.float32)
            return carry
        lax.fori_loop(0, CHUNK, zrow, 0)
        row0 = s * (N_NODES // NS)
        for m in range(15):
            pltpu.sync_copy(rowsB, acc.at[pl.ds(row0 + m * CHUNK, CHUNK)])
        pltpu.sync_copy(rowsB.at[pl.ds(0, 250)],
                        acc.at[pl.ds(row0 + 15 * CHUNK, 250)])
        plsc.subcore_barrier()

        def run(tbl):
            def fire_idxpair(pair, sb, rb):
                base = (s * CHUNKS_PER_TILE + 2 * pair) * CHUNK
                pltpu.async_copy(snd_hbm.at[pl.ds(base, 2 * CHUNK)], sb, isem)
                pltpu.async_copy(rcv_hbm.at[pl.ds(base, 2 * CHUNK)], rb, isem)

            def drain_idxpair(sb, rb):
                pltpu.make_async_copy(snd_hbm.at[pl.ds(0, 2 * CHUNK)], sb,
                                      isem).wait()
                pltpu.make_async_copy(rcv_hbm.at[pl.ds(0, 2 * CHUNK)], rb,
                                      isem).wait()

            def fire_gather(sb, half, rows, gsem):
                for j in range(GROUPS_PER_CHUNK):
                    pltpu.async_copy(
                        tbl.at[sb.at[pl.ds(half * CHUNK + j * GROUP, GROUP)]],
                        rows.at[pl.ds(j * GROUP, GROUP)], gsem)

            def drain_gather(sb, half, rows, gsem):
                for j in range(GROUPS_PER_CHUNK):
                    pltpu.make_async_copy(
                        tbl.at[sb.at[pl.ds(half * CHUNK + j * GROUP, GROUP)]],
                        rows.at[pl.ds(j * GROUP, GROUP)], gsem).wait()

            def fire_scatter(rb, half, rows, ssem):
                for j in range(GROUPS_PER_CHUNK):
                    pltpu.async_copy(
                        rows.at[pl.ds(j * GROUP, GROUP)],
                        acc.at[rb.at[pl.ds(half * CHUNK + j * GROUP, GROUP)]],
                        ssem, add=True)

            def drain_scatter(rb, half, rows, ssem):
                for j in range(GROUPS_PER_CHUNK):
                    pltpu.make_async_copy(
                        rows.at[pl.ds(j * GROUP, GROUP)],
                        acc.at[rb.at[pl.ds(half * CHUNK + j * GROUP, GROUP)]],
                        ssem).wait()

            fire_idxpair(0, sbufP, rbufP)
            drain_idxpair(sbufP, rbufP)
            fire_scatter(rbufP, 0, rowsB, ssemB)
            fire_gather(sbufP, 0, rowsA, gsemA)

            def half(t, P_s, P_r, Q_s, Q_r):
                pair_next = lax.rem(t + 1, BODIES)
                drain_scatter(P_r, 1, rowsB, ssemB)
                fire_idxpair(pair_next, Q_s, Q_r)
                fire_gather(P_s, 1, rowsB, gsemB)
                drain_gather(P_s, 0, rowsA, gsemA)
                fire_scatter(P_r, 0, rowsA, ssemA)
                drain_gather(P_s, 1, rowsB, gsemB)
                fire_scatter(P_r, 1, rowsB, ssemB)
                drain_scatter(P_r, 0, rowsA, ssemA)
                drain_idxpair(Q_s, Q_r)
                fire_gather(Q_s, 0, rowsA, gsemA)

            def body(u, carry):
                half(2 * u, sbufP, rbufP, sbufQ, rbufQ)
                half(2 * u + 1, sbufQ, rbufQ, sbufP, rbufP)
                return carry

            lax.fori_loop(0, BODIES // 2, body, 0)

            drain_gather(sbufP, 0, rowsA, gsemA)
            drain_scatter(rbufP, 1, rowsB, ssemB)

        @pl.when(c == 0)
        def _():
            run(tlo_hbm)

        @pl.when(c == 1)
        def _():
            run(thi_hbm)

        plsc.subcore_barrier()

        @pl.when(s == 0)
        def _():
            pltpu.sync_copy(acc, out_hbm.at[c].at[pl.ds(0, N_NODES)])

    return scatter_kernel


_scatter = _make_scatter()


def _node_body(lgp, hdp, parts, w0fa, w0fb, w0c, w0d, b0, w1, b1, w2l, b2l,
               w2h, b2h, out_lg, out_hd):
    p = parts[...]
    h = jnp.dot(lgp[...], w0fa[...], preferred_element_type=jnp.float32)
    h += jnp.dot(hdp[...], w0fb[...], preferred_element_type=jnp.float32)
    h += jnp.dot(p[0], w0c[...], preferred_element_type=jnp.float32)
    h += jnp.dot(p[1], w0d[...], preferred_element_type=jnp.float32)
    h = jnp.maximum(h + b0[...], 0.0)
    h = jnp.maximum(jnp.dot(h, w1[...], preferred_element_type=jnp.float32) + b1[...], 0.0)
    out_lg[...] = jnp.dot(h, w2l[...], preferred_element_type=jnp.float32) + b2l[...]
    out_hd[...] = jnp.dot(h, w2h[...], preferred_element_type=jnp.float32) + b2h[...]


def _node_update(lgp, hdp, parts, nW0, nb0, nW1, nb1, nW2, nb2):
    blk = 3200
    grid = ROWS // blk
    full = lambda shape: pl.BlockSpec(shape, lambda i: tuple(0 for _ in shape))
    w0c = _bd(nW0[20:36])
    w0d = _bd(jnp.concatenate([nW0[36:40], jnp.zeros((12, 64), jnp.float32)],
                              axis=0))
    return pl.pallas_call(
        _node_body,
        grid=(grid,),
        in_specs=[
            pl.BlockSpec((blk, 4 * PACK), lambda i: (i, 0)),
            pl.BlockSpec((blk, TW * PACK), lambda i: (i, 0)),
            pl.BlockSpec((NC, blk, TW * PACK), lambda i: (0, i, 0)),
            full((4 * PACK, 64 * PACK)), full((TW * PACK, 64 * PACK)),
            full((TW * PACK, 64 * PACK)),
            full((TW * PACK, 64 * PACK)), full((1, 64 * PACK)),
            full((64 * PACK, 32 * PACK)), full((1, 32 * PACK)),
            full((32 * PACK, 4 * PACK)), full((1, 4 * PACK)),
            full((32 * PACK, TW * PACK)), full((1, TW * PACK)),
        ],
        out_specs=[
            pl.BlockSpec((blk, 4 * PACK), lambda i: (i, 0)),
            pl.BlockSpec((blk, TW * PACK), lambda i: (i, 0)),
        ],
        out_shape=[
            jax.ShapeDtypeStruct((ROWS, 4 * PACK), jnp.float32),
            jax.ShapeDtypeStruct((ROWS, TW * PACK), jnp.float32),
        ],
    )(lgp, hdp, parts,
      _bd(nW0[:4]), _bd(nW0[4:20]), w0c, w0d, _tile_b(nb0),
      _bd(nW1), _tile_b(nb1),
      _bd(nW2[:, :4]), _tile_b(nb2[:4]),
      _bd(nW2[:, 4:20]), _tile_b(nb2[4:20]))


def kernel(node_logits, node_hidden, senders, receivers,
           edge_W0, edge_b0, edge_W1, edge_b1, edge_W2, edge_b2,
           node_W0, node_b0, node_W1, node_b1, node_W2, node_b2):
    lgp = jnp.pad(node_logits.reshape(-1),
                  (0, (NT - N_NODES) * 4)).reshape(ROWS, 4 * PACK)
    hdp = jnp.pad(node_hidden.reshape(-1),
                  (0, (NT - N_NODES) * TW)).reshape(ROWS, TW * PACK)
    t_lo_p, t_hi_p = _edge_table(lgp, hdp,
                                 edge_W0, edge_b0, edge_W1, edge_b1,
                                 edge_W2, edge_b2)
    parts = _scatter(t_lo_p.reshape(NT, TW), t_hi_p.reshape(NT, TW),
                     senders, receivers)
    out_lgp, out_hdp = _node_update(
        lgp, hdp, parts.reshape(NC, ROWS, TW * PACK),
        node_W0, node_b0, node_W1, node_b1, node_W2, node_b2)
    return (out_lgp.reshape(-1)[:N_NODES * 4].reshape(N_NODES, 4),
            out_hdp.reshape(-1)[:N_NODES * TW].reshape(N_NODES, TW))

# --- scband reference (transcript-rebuilt; emitter-appended) ---
"""Pipeline reference for scband-circuit-gnn-57629871178420 (READ-ONLY COPY).

The authoritative reference and input builder live on the scoring server;
editing this copy changes nothing except your own understanding.
"""

import jax, jax.numpy as jnp
import numpy as np

N_NODES = 100000
N_EDGES = 3200000
ARITY = 2
HIDDEN = 16
LOGIT_DIM = 2 ** ARITY  # 4
FEAT = LOGIT_DIM + HIDDEN  # 20
EDGE_MLP = [FEAT, 64, 32, FEAT]
NODE_MLP = [2 * FEAT, 64, 32, FEAT]


def _init_mlp(key, dims, prefix):
    params = {}
    for i, (fin, fout) in enumerate(zip(dims[:-1], dims[1:])):
        k1 = jax.random.fold_in(key, 2 * i)
        k2 = jax.random.fold_in(key, 2 * i + 1)
        scale = 1.0 / np.sqrt(fin)
        params[f"{prefix}_W{i}"] = jax.random.uniform(k1, (fin, fout), jnp.float32, -scale, scale)
        params[f"{prefix}_b{i}"] = jax.random.uniform(k2, (fout,), jnp.float32, -scale, scale)
    return params


def setup_inputs(seed: int = 0) -> dict:
    key = jax.random.key(seed)
    inp = {}
    inp["node_logits"] = jax.random.normal(jax.random.fold_in(key, 0), (N_NODES, LOGIT_DIM), jnp.float32)
    inp["node_hidden"] = jax.random.normal(jax.random.fold_in(key, 1), (N_NODES, HIDDEN), jnp.float32)
    inp["senders"] = jax.random.randint(jax.random.fold_in(key, 2), (N_EDGES,), 0, N_NODES, jnp.int32)
    inp["receivers"] = jax.random.randint(jax.random.fold_in(key, 3), (N_EDGES,), 0, N_NODES, jnp.int32)
    inp.update(_init_mlp(jax.random.fold_in(key, 10), EDGE_MLP, "edge"))
    inp.update(_init_mlp(jax.random.fold_in(key, 20), NODE_MLP, "node"))
    return inp


def _mlp(x, params, prefix, n_layers):
    for i in range(n_layers):
        x = x @ params[f"{prefix}_W{i}"] + params[f"{prefix}_b{i}"]
        if i < n_layers - 1:
            x = jax.nn.relu(x)
    return x


def reference(node_logits, node_hidden, senders, receivers,
              edge_W0, edge_b0, edge_W1, edge_b1, edge_W2, edge_b2,
              node_W0, node_b0, node_W1, node_b1, node_W2, node_b2):
    eparams = {"edge_W0": edge_W0, "edge_b0": edge_b0, "edge_W1": edge_W1,
               "edge_b1": edge_b1, "edge_W2": edge_W2, "edge_b2": edge_b2}
    nparams = {"node_W0": node_W0, "node_b0": node_b0, "node_W1": node_W1,
               "node_b1": node_b1, "node_W2": node_W2, "node_b2": node_b2}
    # EdgeUpdateModule: gather sender features, concat, MLP
    sender_logits = node_logits[senders]
    sender_hidden = node_hidden[senders]
    message = jnp.concatenate([sender_logits, sender_hidden], axis=-1)
    message = _mlp(message, eparams, "edge", 3)
    # aggregate: segment_sum over receivers
    aggregated = jax.ops.segment_sum(message, receivers, num_segments=N_NODES)
    # NodeUpdateModule (message_passing=True)
    current = jnp.concatenate([node_logits, node_hidden], axis=-1)
    mlp_in = jnp.concatenate([current, aggregated], axis=-1)
    updated = _mlp(mlp_in, nparams, "node", 3)
    new_logits = updated[..., :LOGIT_DIM]
    new_hidden = updated[..., LOGIT_DIM:]
    return (new_logits, new_hidden)

if __name__ == "__main__":
    import jax
    _d = setup_inputs()
    print(jax.jit(kernel)(*tuple(_d.values())))

</pallas_src>

<mosaic_0001>
#map = affine_map<(d0, d1) -> (0, 0)>
#map1 = affine_map<(d0, d1) -> (0)>
#map2 = affine_map<(d0, d1) -> (0, 0, 0)>
module attributes {stable_mosaic.version = 14 : i64} {
  func.func @scatter_kernel(%arg0: i32, %arg1: i32, %arg2: memref<102400x16xf32, #tpu.memory_space<hbm>>, %arg3: memref<102400x16xf32, #tpu.memory_space<hbm>>, %arg4: memref<3200000xi32, #tpu.memory_space<hbm>>, %arg5: memref<3200000xi32, #tpu.memory_space<hbm>>, %arg6: memref<2x102400x16xf32, #tpu.memory_space<hbm>>, %arg7: memref<800xi32, #tpu.memory_space<vmem>>, %arg8: memref<800xi32, #tpu.memory_space<vmem>>, %arg9: memref<800xi32, #tpu.memory_space<vmem>>, %arg10: memref<800xi32, #tpu.memory_space<vmem>>, %arg11: memref<400x16xf32, #tpu.memory_space<vmem>>, %arg12: memref<400x16xf32, #tpu.memory_space<vmem>>, %arg13: memref<100000x16xf32, #tpu.memory_space<vmem_shared>>, %arg14: memref<!tpu.dma_semaphore, #tpu.memory_space<semaphore_mem>>, %arg15: memref<!tpu.dma_semaphore, #tpu.memory_space<semaphore_mem>>, %arg16: memref<!tpu.dma_semaphore, #tpu.memory_space<semaphore_mem>>, %arg17: memref<!tpu.dma_semaphore, #tpu.memory_space<semaphore_mem>>, %arg18: memref<!tpu.dma_semaphore, #tpu.memory_space<semaphore_mem>>) attributes {dimension_semantics = [#tpu.dimension_semantics<core_parallel>, #tpu.dimension_semantics<subcore_parallel>], iteration_bounds = array<i64: 2, 16>, scalar_prefetch = 0 : i64, scratch_operands = 12 : i64, tpu.core_type = #tpu.core_type<sc_vector_subcore>, window_params = [{transform_indices = #map}, {transform_indices = #map}, {transform_indices = #map1}, {transform_indices = #map1}, {transform_indices = #map2}]} {
    %scan3A = arith.constant 0 : i32
    %scan3A_0 = arith.constant 0 : i32
    %scan3A_1 = arith.constant 400 : i32
    %scan3A_2 = arith.addi %scan3A_0, %scan3A_1 : i32
    %scan3A_3 = arith.constant 1 : i32
    scf.for %scan3A_50 = %scan3A_0 to %scan3A_2 step %scan3A_3  : i32 {
      %broadcast_in_dim3A = arith.constant 0.000000e+00 : f32
      %broadcast_in_dim3A_51 = vector.broadcast %broadcast_in_dim3A : f32 to vector<16xf32>
      %swap3A = arith.index_cast %scan3A_50 : i32 to index
      %swap3A_52 = arith.constant 0 : index
      %swap3A_53 = tpu.vector_load %arg12[%swap3A, %swap3A_52] {strides = array<i32>} : memref<400x16xf32, #tpu.memory_space<vmem>>, vector<1x16xf32>,
      %swap3A_54 = vector.shape_cast %swap3A_53 : vector<1x16xf32> to vector<16xf32>
      %swap3A_55 = vector.shape_cast %broadcast_in_dim3A_51 : vector<16xf32> to vector<1x16xf32>
      tpu.vector_store %arg12[%swap3A, %swap3A_52], %swap3A_55 {strides = array<i32>} : memref<400x16xf32, #tpu.memory_space<vmem>>, vector<1x16xf32>,
    }
    %scan3A_4 = arith.constant 400 : i32
    %mul3A = arith.constant 6250 : i32
    %mul3A_5 = arith.muli %arg1, %mul3A : i32
    %add3A = arith.constant 0 : i32
    %add3A_6 = arith.addi %mul3A_5, %add3A : i32
    "tpu.region"() ({
      %run_scoped3A = tpu.sem_alloc : memref<!tpu.dma_semaphore, #tpu.memory_space<semaphore_mem>>
      %dma_start3A = arith.constant 0 : i32
      %dma_start3A_50 = tpu.memref_slice %arg13[%add3A_6, %dma_start3A] : memref<100000x16xf32, #tpu.memory_space<vmem_shared>> -> memref<400x16xf32, #tpu.memory_space<vmem_shared>>
      %dma_start3A_51 = arith.constant 0 : i32
      %dma_start3A_52 = tpu.memref_slice %arg13[%add3A_6, %dma_start3A_51] : memref<100000x16xf32, #tpu.memory_space<vmem_shared>> -> memref<400x16xf32, #tpu.memory_space<vmem_shared>>
      tpu.enqueue_dma source(%arg12 : memref<400x16xf32, #tpu.memory_space<vmem>>) target(%dma_start3A_52 : memref<400x16xf32, #tpu.memory_space<vmem_shared>>) target_semaphore(%run_scoped3A : memref<!tpu.dma_semaphore, #tpu.memory_space<semaphore_mem>>)
      %dma_wait3A = arith.constant 0 : i32
      %dma_wait3A_53 = tpu.memref_slice %arg13[%add3A_6, %dma_wait3A] : memref<100000x16xf32, #tpu.memory_space<vmem_shared>> -> memref<400x16xf32, #tpu.memory_space<vmem_shared>>
      %dma_wait3A_54 = arith.constant 0 : i32
      %dma_wait3A_55 = tpu.memref_slice %arg13[%add3A_6, %dma_wait3A_54] : memref<100000x16xf32, #tpu.memory_space<vmem_shared>> -> memref<400x16xf32, #tpu.memory_space<vmem_shared>>
      tpu.wait_dma2 semaphore(%run_scoped3A : memref<!tpu.dma_semaphore, #tpu.memory_space<semaphore_mem>>) src(%arg12 : memref<400x16xf32, #tpu.memory_space<vmem>>) dst(%dma_wait3A_55 : memref<400x16xf32, #tpu.memory_space<vmem_shared>>)
      tpu.yield
    }) : () -> ()
    %add3A_7 = arith.constant 400 : i32
    %add3A_8 = arith.addi %mul3A_5, %add3A_7 : i32
    "tpu.region"() ({
      %run_scoped3A = tpu.sem_alloc : memref<!tpu.dma_semaphore, #tpu.memory_space<semaphore_mem>>
      %dma_start3A = arith.constant 0 : i32
      %dma_start3A_50 = tpu.memref_slice %arg13[%add3A_8, %dma_start3A] : memref<100000x16xf32, #tpu.memory_space<vmem_shared>> -> memref<400x16xf32, #tpu.memory_space<vmem_shared>>
      %dma_start3A_51 = arith.constant 0 : i32
      %dma_start3A_52 = tpu.memref_slice %arg13[%add3A_8, %dma_start3A_51] : memref<100000x16xf32, #tpu.memory_space<vmem_shared>> -> memref<400x16xf32, #tpu.memory_space<vmem_shared>>
      tpu.enqueue_dma source(%arg12 : memref<400x16xf32, #tpu.memory_space<vmem>>) target(%dma_start3A_52 : memref<400x16xf32, #tpu.memory_space<vmem_shared>>) target_semaphore(%run_scoped3A : memref<!tpu.dma_semaphore, #tpu.memory_space<semaphore_mem>>)
      %dma_wait3A = arith.constant 0 : i32
      %dma_wait3A_53 = tpu.memref_slice %arg13[%add3A_8, %dma_wait3A] : memref<100000x16xf32, #tpu.memory_space<vmem_shared>> -> memref<400x16xf32, #tpu.memory_space<vmem_shared>>
      %dma_wait3A_54 = arith.constant 0 : i32
      %dma_wait3A_55 = tpu.memref_slice %arg13[%add3A_8, %dma_wait3A_54] : memref<100000x16xf32, #tpu.memory_space<vmem_shared>> -> memref<400x16xf32, #tpu.memory_space<vmem_shared>>
      tpu.wait_dma2 semaphore(%run_scoped3A : memref<!tpu.dma_semaphore, #tpu.memory_space<semaphore_mem>>) src(%arg12 : memref<400x16xf32, #tpu.memory_space<vmem>>) dst(%dma_wait3A_55 : memref<400x16xf32, #tpu.memory_space<vmem_shared>>)
      tpu.yield
    }) : () -> ()
    %add3A_9 = arith.constant 800 : i32
    %add3A_10 = arith.addi %mul3A_5, %add3A_9 : i32
    "tpu.region"() ({
      %run_scoped3A = tpu.sem_alloc : memref<!tpu.dma_semaphore, #tpu.memory_space<semaphore_mem>>
      %dma_start3A = arith.constant 0 : i32
      %dma_start3A_50 = tpu.memref_slice %arg13[%add3A_10, %dma_start3A] : memref<100000x16xf32, #tpu.memory_space<vmem_shared>> -> memref<400x16xf32, #tpu.memory_space<vmem_shared>>
      %dma_start3A_51 = arith.constant 0 : i32
      %dma_start3A_52 = tpu.memref_slice %arg13[%add3A_10, %dma_start3A_51] : memref<100000x16xf32, #tpu.memory_space<vmem_shared>> -> memref<400x16xf32, #tpu.memory_space<vmem_shared>>
      tpu.enqueue_dma source(%arg12 : memref<400x16xf32, #tpu.memory_space<vmem>>) target(%dma_start3A_52 : memref<400x16xf32, #tpu.memory_space<vmem_shared>>) target_semaphore(%run_scoped3A : memref<!tpu.dma_semaphore, #tpu.memory_space<semaphore_mem>>)
      %dma_wait3A = arith.constant 0 : i32
      %dma_wait3A_53 = tpu.memref_slice %arg13[%add3A_10, %dma_wait3A] : memref<100000x16xf32, #tpu.memory_space<vmem_shared>> -> memref<400x16xf32, #tpu.memory_space<vmem_shared>>
      %dma_wait3A_54 = arith.constant 0 : i32
      %dma_wait3A_55 = tpu.memref_slice %arg13[%add3A_10, %dma_wait3A_54] : memref<100000x16xf32, #tpu.memory_space<vmem_shared>> -> memref<400x16xf32, #tpu.memory_space<vmem_shared>>
      tpu.wait_dma2 semaphore(%run_scoped3A : memref<!tpu.dma_semaphore, #tpu.memory_space<semaphore_mem>>) src(%arg12 : memref<400x16xf32, #tpu.memory_space<vmem>>) dst(%dma_wait3A_55 : memref<400x16xf32, #tpu.memory_space<vmem_shared>>)
      tpu.yield
    }) : () -> ()
    %add3A_11 = arith.constant 1200 : i32
    %add3A_12 = arith.addi %mul3A_5, %add3A_11 : i32
    "tpu.region"() ({
      %run_scoped3A = tpu.sem_alloc : memref<!tpu.dma_semaphore, #tpu.memory_space<semaphore_mem>>
      %dma_start3A = arith.constant 0 : i32
      %dma_start3A_50 = tpu.memref_slice %arg13[%add3A_12, %dma_start3A] : memref<100000x16xf32, #tpu.memory_space<vmem_shared>> -> memref<400x16xf32, #tpu.memory_space<vmem_shared>>
      %dma_start3A_51 = arith.constant 0 : i32
      %dma_start3A_52 = tpu.memref_slice %arg13[%add3A_12, %dma_start3A_51] : memref<100000x16xf32, #tpu.memory_space<vmem_shared>> -> memref<400x16xf32, #tpu.memory_space<vmem_shared>>
      tpu.enqueue_dma source(%arg12 : memref<400x16xf32, #tpu.memory_space<vmem>>) target(%dma_start3A_52 : memref<400x16xf32, #tpu.memory_space<vmem_shared>>) target_semaphore(%run_scoped3A : memref<!tpu.dma_semaphore, #tpu.memory_space<semaphore_mem>>)
      %dma_wait3A = arith.constant 0 : i32
      %dma_wait3A_53 = tpu.memref_slice %arg13[%add3A_12, %dma_wait3A] : memref<100000x16xf32, #tpu.memory_space<vmem_shared>> -> memref<400x16xf32, #tpu.memory_space<vmem_shared>>
      %dma_wait3A_54 = arith.constant 0 : i32
      %dma_wait3A_55 = tpu.memref_slice %arg13[%add3A_12, %dma_wait3A_54] : memref<100000x16xf32, #tpu.memory_space<vmem_shared>> -> memref<400x16xf32, #tpu.memory_space<vmem_shared>>
      tpu.wait_dma2 semaphore(%run_scoped3A : memref<!tpu.dma_semaphore, #tpu.memory_space<semaphore_mem>>) src(%arg12 : memref<400x16xf32, #tpu.memory_space<vmem>>) dst(%dma_wait3A_55 : memref<400x16xf32, #tpu.memory_space<vmem_shared>>)
      tpu.yield
    }) : () -> ()
    %add3A_13 = arith.constant 1600 : i32
    %add3A_14 = arith.addi %mul3A_5, %add3A_13 : i32
    "tpu.region"() ({
      %run_scoped3A = tpu.sem_alloc : memref<!tpu.dma_semaphore, #tpu.memory_space<semaphore_mem>>
      %dma_start3A = arith.constant 0 : i32
      %dma_start3A_50 = tpu.memref_slice %arg13[%add3A_14, %dma_start3A] : memref<100000x16xf32, #tpu.memory_space<vmem_shared>> -> memref<400x16xf32, #tpu.memory_space<vmem_shared>>
      %dma_start3A_51 = arith.constant 0 : i32
      %dma_start3A_52 = tpu.memref_slice %arg13[%add3A_14, %dma_start3A_51] : memref<100000x16xf32, #tpu.memory_space<vmem_shared>> -> memref<400x16xf32, #tpu.memory_space<vmem_shared>>
      tpu.enqueue_dma source(%arg12 : memref<400x16xf32, #tpu.memory_space<vmem>>) target(%dma_start3A_52 : memref<400x16xf32, #tpu.memory_space<vmem_shared>>) target_semaphore(%run_scoped3A : memref<!tpu.dma_semaphore, #tpu.memory_space<semaphore_mem>>)
      %dma_wait3A = arith.constant 0 : i32
      %dma_wait3A_53 = tpu.memref_slice %arg13[%add3A_14, %dma_wait3A] : memref<100000x16xf32, #tpu.memory_space<vmem_shared>> -> memref<400x16xf32, #tpu.memory_space<vmem_shared>>
      %dma_wait3A_54 = arith.constant 0 : i32
      %dma_wait3A_55 = tpu.memref_slice %arg13[%add3A_14, %dma_wait3A_54] : memref<100000x16xf32, #tpu.memory_space<vmem_shared>> -> memref<400x16xf32, #tpu.memory_space<vmem_shared>>
      tpu.wait_dma2 semaphore(%run_scoped3A : memref<!tpu.dma_semaphore, #tpu.memory_space<semaphore_mem>>) src(%arg12 : memref<400x16xf32, #tpu.memory_space<vmem>>) dst(%dma_wait3A_55 : memref<400x16xf32, #tpu.memory_space<vmem_shared>>)
      tpu.yield
    }) : () -> ()
    %add3A_15 = arith.constant 2000 : i32
    %add3A_16 = arith.addi %mul3A_5, %add3A_15 : i32
    "tpu.region"() ({
      %run_scoped3A = tpu.sem_alloc : memref<!tpu.dma_semaphore, #tpu.memory_space<semaphore_mem>>
      %dma_start3A = arith.constant 0 : i32
      %dma_start3A_50 = tpu.memref_slice %arg13[%add3A_16, %dma_start3A] : memref<100000x16xf32, #tpu.memory_space<vmem_shared>> -> memref<400x16xf32, #tpu.memory_space<vmem_shared>>
      %dma_start3A_51 = arith.constant 0 : i32
      %dma_start3A_52 = tpu.memref_slice %arg13[%add3A_16, %dma_start3A_51] : memref<100000x16xf32, #tpu.memory_space<vmem_shared>> -> memref<400x16xf32, #tpu.memory_space<vmem_shared>>
      tpu.enqueue_dma source(%arg12 : memref<400x16xf32, #tpu.memory_space<vmem>>) target(%dma_start3A_52 : memref<400x16xf32, #tpu.memory_space<vmem_shared>>) target_semaphore(%run_scoped3A : memref<!tpu.dma_semaphore, #tpu.memory_space<semaphore_mem>>)
      %dma_wait3A = arith.constant 0 : i32
      %dma_wait3A_53 = tpu.memref_slice %arg13[%add3A_16, %dma_wait3A] : memref<100000x16xf32, #tpu.memory_space<vmem_shared>> -> memref<400x16xf32, #tpu.memory_space<vmem_shared>>
      %dma_wait3A_54 = arith.constant 0 : i32
      %dma_wait3A_55 = tpu.memref_slice %arg13[%add3A_16, %dma_wait3A_54] : memref<100000x16xf32, #tpu.memory_space<vmem_shared>> -> memref<400x16xf32, #tpu.memory_space<vmem_shared>>
      tpu.wait_dma2 semaphore(%run_scoped3A : memref<!tpu.dma_semaphore, #tpu.memory_space<semaphore_mem>>) src(%arg12 : memref<400x16xf32, #tpu.memory_space<vmem>>) dst(%dma_wait3A_55 : memref<400x16xf32, #tpu.memory_space<vmem_shared>>)
      tpu.yield
    }) : () -> ()
    %add3A_17 = arith.constant 2400 : i32
    %add3A_18 = arith.addi %mul3A_5, %add3A_17 : i32
    "tpu.region"() ({
      %run_scoped3A = tpu.sem_alloc : memref<!tpu.dma_semaphore, #tpu.memory_space<semaphore_mem>>
      %dma_start3A = arith.constant 0 : i32
      %dma_start3A_50 = tpu.memref_slice %arg13[%add3A_18, %dma_start3A] : memref<100000x16xf32, #tpu.memory_space<vmem_shared>> -> memref<400x16xf32, #tpu.memory_space<vmem_shared>>
      %dma_start3A_51 = arith.constant 0 : i32
      %dma_start3A_52 = tpu.memref_slice %arg13[%add3A_18, %dma_start3A_51] : memref<100000x16xf32, #tpu.memory_space<vmem_shared>> -> memref<400x16xf32, #tpu.memory_space<vmem_shared>>
      tpu.enqueue_dma source(%arg12 : memref<400x16xf32, #tpu.memory_space<vmem>>) target(%dma_start3A_52 : memref<400x16xf32, #tpu.memory_space<vmem_shared>>) target_semaphore(%run_scoped3A : memref<!tpu.dma_semaphore, #tpu.memory_space<semaphore_mem>>)
      %dma_wait3A = arith.constant 0 : i32
      %dma_wait3A_53 = tpu.memref_slice %arg13[%add3A_18, %dma_wait3A] : memref<100000x16xf32, #tpu.memory_space<vmem_shared>> -> memref<400x16xf32, #tpu.memory_space<vmem_shared>>
      %dma_wait3A_54 = arith.constant 0 : i32
      %dma_wait3A_55 = tpu.memref_slice %arg13[%add3A_18, %dma_wait3A_54] : memref<100000x16xf32, #tpu.memory_space<vmem_shared>> -> memref<400x16xf32, #tpu.memory_space<vmem_shared>>
      tpu.wait_dma2 semaphore(%run_scoped3A : memref<!tpu.dma_semaphore, #tpu.memory_space<semaphore_mem>>) src(%arg12 : memref<400x16xf32, #tpu.memory_space<vmem>>) dst(%dma_wait3A_55 : memref<400x16xf32, #tpu.memory_space<vmem_shared>>)
      tpu.yield
    }) : () -> ()
    %add3A_19 = arith.constant 2800 : i32
    %add3A_20 = arith.addi %mul3A_5, %add3A_19 : i32
    "tpu.region"() ({
      %run_scoped3A = tpu.sem_alloc : memref<!tpu.dma_semaphore, #tpu.memory_space<semaphore_mem>>
      %dma_start3A = arith.constant 0 : i32
      %dma_start3A_50 = tpu.memref_slice %arg13[%add3A_20, %dma_start3A] : memref<100000x16xf32, #tpu.memory_space<vmem_shared>> -> memref<400x16xf32, #tpu.memory_space<vmem_shared>>
      %dma_start3A_51 = arith.constant 0 : i32
      %dma_start3A_52 = tpu.memref_slice %arg13[%add3A_20, %dma_start3A_51] : memref<100000x16xf32, #tpu.memory_space<vmem_shared>> -> memref<400x16xf32, #tpu.memory_space<vmem_shared>>
      tpu.enqueue_dma source(%arg12 : memref<400x16xf32, #tpu.memory_space<vmem>>) target(%dma_start3A_52 : memref<400x16xf32, #tpu.memory_space<vmem_shared>>) target_semaphore(%run_scoped3A : memref<!tpu.dma_semaphore, #tpu.memory_space<semaphore_mem>>)
      %dma_wait3A = arith.constant 0 : i32
      %dma_wait3A_53 = tpu.memref_slice %arg13[%add3A_20, %dma_wait3A] : memref<100000x16xf32, #tpu.memory_space<vmem_shared>> -> memref<400x16xf32, #tpu.memory_space<vmem_shared>>
      %dma_wait3A_54 = arith.constant 0 : i32
      %dma_wait3A_55 = tpu.memref_slice %arg13[%add3A_20, %dma_wait3A_54] : memref<100000x16xf32, #tpu.memory_space<vmem_shared>> -> memref<400x16xf32, #tpu.memory_space<vmem_shared>>
      tpu.wait_dma2 semaphore(%run_scoped3A : memref<!tpu.dma_semaphore, #tpu.memory_space<semaphore_mem>>) src(%arg12 : memref<400x16xf32, #tpu.memory_space<vmem>>) dst(%dma_wait3A_55 : memref<400x16xf32, #tpu.memory_space<vmem_shared>>)
      tpu.yield
    }) : () -> ()
    %add3A_21 = arith.constant 3200 : i32
    %add3A_22 = arith.addi %mul3A_5, %add3A_21 : i32
    "tpu.region"() ({
      %run_scoped3A = tpu.sem_alloc : memref<!tpu.dma_semaphore, #tpu.memory_space<semaphore_mem>>
      %dma_start3A = arith.constant 0 : i32
      %dma_start3A_50 = tpu.memref_slice %arg13[%add3A_22, %dma_start3A] : memref<100000x16xf32, #tpu.memory_space<vmem_shared>> -> memref<400x16xf32, #tpu.memory_space<vmem_shared>>
      %dma_start3A_51 = arith.constant 0 : i32
      %dma_start3A_52 = tpu.memref_slice %arg13[%add3A_22, %dma_start3A_51] : memref<100000x16xf32, #tpu.memory_space<vmem_shared>> -> memref<400x16xf32, #tpu.memory_space<vmem_shared>>
      tpu.enqueue_dma source(%arg12 : memref<400x16xf32, #tpu.memory_space<vmem>>) target(%dma_start3A_52 : memref<400x16xf32, #tpu.memory_space<vmem_shared>>) target_semaphore(%run_scoped3A : memref<!tpu.dma_semaphore, #tpu.memory_space<semaphore_mem>>)
      %dma_wait3A = arith.constant 0 : i32
      %dma_wait3A_53 = tpu.memref_slice %arg13[%add3A_22, %dma_wait3A] : memref<100000x16xf32, #tpu.memory_space<vmem_shared>> -> memref<400x16xf32, #tpu.memory_space<vmem_shared>>
      %dma_wait3A_54 = arith.constant 0 : i32
      %dma_wait3A_55 = tpu.memref_slice %arg13[%add3A_22, %dma_wait3A_54] : memref<100000x16xf32, #tpu.memory_space<vmem_shared>> -> memref<400x16xf32, #tpu.memory_space<vmem_shared>>
      tpu.wait_dma2 semaphore(%run_scoped3A : memref<!tpu.dma_semaphore, #tpu.memory_space<semaphore_mem>>) src(%arg12 : memref<400x16xf32, #tpu.memory_space<vmem>>) dst(%dma_wait3A_55 : memref<400x16xf32, #tpu.memory_space<vmem_shared>>)
      tpu.yield
    }) : () -> ()
    %add3A_23 = arith.constant 3600 : i32
    %add3A_24 = arith.addi %mul3A_5, %add3A_23 : i32
    "tpu.region"() ({
      %run_scoped3A = tpu.sem_alloc : memref<!tpu.dma_semaphore, #tpu.memory_space<semaphore_mem>>
      %dma_start3A = arith.constant 0 : i32
      %dma_start3A_50 = tpu.memref_slice %arg13[%add3A_24, %dma_start3A] : memref<100000x16xf32, #tpu.memory_space<vmem_shared>> -> memref<400x16xf32, #tpu.memory_space<vmem_shared>>
      %dma_start3A_51 = arith.constant 0 : i32
      %dma_start3A_52 = tpu.memref_slice %arg13[%add3A_24, %dma_start3A_51] : memref<100000x16xf32, #tpu.memory_space<vmem_shared>> -> memref<400x16xf32, #tpu.memory_space<vmem_shared>>
      tpu.enqueue_dma source(%arg12 : memref<400x16xf32, #tpu.memory_space<vmem>>) target(%dma_start3A_52 : memref<400x16xf32, #tpu.memory_space<vmem_shared>>) target_semaphore(%run_scoped3A : memref<!tpu.dma_semaphore, #tpu.memory_space<semaphore_mem>>)
      %dma_wait3A = arith.constant 0 : i32
      %dma_wait3A_53 = tpu.memref_slice %arg13[%add3A_24, %dma_wait3A] : memref<100000x16xf32, #tpu.memory_space<vmem_shared>> -> memref<400x16xf32, #tpu.memory_space<vmem_shared>>
      %dma_wait3A_54 = arith.constant 0 : i32
      %dma_wait3A_55 = tpu.memref_slice %arg13[%add3A_24, %dma_wait3A_54] : memref<100000x16xf32, #tpu.memory_space<vmem_shared>> -> memref<400x16xf32, #tpu.memory_space<vmem_shared>>
      tpu.wait_dma2 semaphore(%run_scoped3A : memref<!tpu.dma_semaphore, #tpu.memory_space<semaphore_mem>>) src(%arg12 : memref<400x16xf32, #tpu.memory_space<vmem>>) dst(%dma_wait3A_55 : memref<400x16xf32, #tpu.memory_space<vmem_shared>>)
      tpu.yield
    }) : () -> ()
    %add3A_25 = arith.constant 4000 : i32
    %add3A_26 = arith.addi %mul3A_5, %add3A_25 : i32
    "tpu.region"() ({
      %run_scoped3A = tpu.sem_alloc : memref<!tpu.dma_semaphore, #tpu.memory_space<semaphore_mem>>
      %dma_start3A = arith.constant 0 : i32
      %dma_start3A_50 = tpu.memref_slice %arg13[%add3A_26, %dma_start3A] : memref<100000x16xf32, #tpu.memory_space<vmem_shared>> -> memref<400x16xf32, #tpu.memory_space<vmem_shared>>
      %dma_start3A_51 = arith.constant 0 : i32
      %dma_start3A_52 = tpu.memref_slice %arg13[%add3A_26, %dma_start3A_51] : memref<100000x16xf32, #tpu.memory_space<vmem_shared>> -> memref<400x16xf32, #tpu.memory_space<vmem_shared>>
      tpu.enqueue_dma source(%arg12 : memref<400x16xf32, #tpu.memory_space<vmem>>) target(%dma_start3A_52 : memref<400x16xf32, #tpu.memory_space<vmem_shared>>) target_semaphore(%run_scoped3A : memref<!tpu.dma_semaphore, #tpu.memory_space<semaphore_mem>>)
      %dma_wait3A = arith.constant 0 : i32
      %dma_wait3A_53 = tpu.memref_slice %arg13[%add3A_26, %dma_wait3A] : memref<100000x16xf32, #tpu.memory_space<vmem_shared>> -> memref<400x16xf32, #tpu.memory_space<vmem_shared>>
      %dma_wait3A_54 = arith.constant 0 : i32
      %dma_wait3A_55 = tpu.memref_slice %arg13[%add3A_26, %dma_wait3A_54] : memref<100000x16xf32, #tpu.memory_space<vmem_shared>> -> memref<400x16xf32, #tpu.memory_space<vmem_shared>>
      tpu.wait_dma2 semaphore(%run_scoped3A : memref<!tpu.dma_semaphore, #tpu.memory_space<semaphore_mem>>) src(%arg12 : memref<400x16xf32, #tpu.memory_space<vmem>>) dst(%dma_wait3A_55 : memref<400x16xf32, #tpu.memory_space<vmem_shared>>)
      tpu.yield
    }) : () -> ()
    %add3A_27 = arith.constant 4400 : i32
    %add3A_28 = arith.addi %mul3A_5, %add3A_27 : i32
    "tpu.region"() ({
      %run_scoped3A = tpu.sem_alloc : memref<!tpu.dma_semaphore, #tpu.memory_space<semaphore_mem>>
      %dma_start3A = arith.constant 0 : i32
      %dma_start3A_50 = tpu.memref_slice %arg13[%add3A_28, %dma_start3A] : memref<100000x16xf32, #tpu.memory_space<vmem_shared>> -> memref<400x16xf32, #tpu.memory_space<vmem_shared>>
      %dma_start3A_51 = arith.constant 0 : i32
      %dma_start3A_52 = tpu.memref_slice %arg13[%add3A_28, %dma_start3A_51] : memref<100000x16xf32, #tpu.memory_space<vmem_shared>> -> memref<400x16xf32, #tpu.memory_space<vmem_shared>>
      tpu.enqueue_dma source(%arg12 : memref<400x16xf32, #tpu.memory_space<vmem>>) target(%dma_start3A_52 : memref<400x16xf32, #tpu.memory_space<vmem_shared>>) target_semaphore(%run_scoped3A : memref<!tpu.dma_semaphore, #tpu.memory_space<semaphore_mem>>)
      %dma_wait3A = arith.constant 0 : i32
      %dma_wait3A_53 = tpu.memref_slice %arg13[%add3A_28, %dma_wait3A] : memref<100000x16xf32, #tpu.memory_space<vmem_shared>> -> memref<400x16xf32, #tpu.memory_space<vmem_shared>>
      %dma_wait3A_54 = arith.constant 0 : i32
      %dma_wait3A_55 = tpu.memref_slice %arg13[%add3A_28, %dma_wait3A_54] : memref<100000x16xf32, #tpu.memory_space<vmem_shared>> -> memref<400x16xf32, #tpu.memory_space<vmem_shared>>
      tpu.wait_dma2 semaphore(%run_scoped3A : memref<!tpu.dma_semaphore, #tpu.memory_space<semaphore_mem>>) src(%arg12 : memref<400x16xf32, #tpu.memory_space<vmem>>) dst(%dma_wait3A_55 : memref<400x16xf32, #tpu.memory_space<vmem_shared>>)
      tpu.yield
    }) : () -> ()
    %add3A_29 = arith.constant 4800 : i32
    %add3A_30 = arith.addi %mul3A_5, %add3A_29 : i32
    "tpu.region"() ({
      %run_scoped3A = tpu.sem_alloc : memref<!tpu.dma_semaphore, #tpu.memory_space<semaphore_mem>>
      %dma_start3A = arith.constant 0 : i32
      %dma_start3A_50 = tpu.memref_slice %arg13[%add3A_30, %dma_start3A] : memref<100000x16xf32, #tpu.memory_space<vmem_shared>> -> memref<400x16xf32, #tpu.memory_space<vmem_shared>>
      %dma_start3A_51 = arith.constant 0 : i32
      %dma_start3A_52 = tpu.memref_slice %arg13[%add3A_30, %dma_start3A_51] : memref<100000x16xf32, #tpu.memory_space<vmem_shared>> -> memref<400x16xf32, #tpu.memory_space<vmem_shared>>
      tpu.enqueue_dma source(%arg12 : memref<400x16xf32, #tpu.memory_space<vmem>>) target(%dma_start3A_52 : memref<400x16xf32, #tpu.memory_space<vmem_shared>>) target_semaphore(%run_scoped3A : memref<!tpu.dma_semaphore, #tpu.memory_space<semaphore_mem>>)
      %dma_wait3A = arith.constant 0 : i32
      %dma_wait3A_53 = tpu.memref_slice %arg13[%add3A_30, %dma_wait3A] : memref<100000x16xf32, #tpu.memory_space<vmem_shared>> -> memref<400x16xf32, #tpu.memory_space<vmem_shared>>
      %dma_wait3A_54 = arith.constant 0 : i32
      %dma_wait3A_55 = tpu.memref_slice %arg13[%add3A_30, %dma_wait3A_54] : memref<100000x16xf32, #tpu.memory_space<vmem_shared>> -> memref<400x16xf32, #tpu.memory_space<vmem_shared>>
      tpu.wait_dma2 semaphore(%run_scoped3A : memref<!tpu.dma_semaphore, #tpu.memory_space<semaphore_mem>>) src(%arg12 : memref<400x16xf32, #tpu.memory_space<vmem>>) dst(%dma_wait3A_55 : memref<400x16xf32, #tpu.memory_space<vmem_shared>>)
      tpu.yield
    }) : () -> ()
    %add3A_31 = arith.constant 5200 : i32
    %add3A_32 = arith.addi %mul3A_5, %add3A_31 : i32
    "tpu.region"() ({
      %run_scoped3A = tpu.sem_alloc : memref<!tpu.dma_semaphore, #tpu.memory_space<semaphore_mem>>
      %dma_start3A = arith.constant 0 : i32
      %dma_start3A_50 = tpu.memref_slice %arg13[%add3A_32, %dma_start3A] : memref<100000x16xf32, #tpu.memory_space<vmem_shared>> -> memref<400x16xf32, #tpu.memory_space<vmem_shared>>
      %dma_start3A_51 = arith.constant 0 : i32
      %dma_start3A_52 = tpu.memref_slice %arg13[%add3A_32, %dma_start3A_51] : memref<100000x16xf32, #tpu.memory_space<vmem_shared>> -> memref<400x16xf32, #tpu.memory_space<vmem_shared>>
      tpu.enqueue_dma source(%arg12 : memref<400x16xf32, #tpu.memory_space<vmem>>) target(%dma_start3A_52 : memref<400x16xf32, #tpu.memory_space<vmem_shared>>) target_semaphore(%run_scoped3A : memref<!tpu.dma_semaphore, #tpu.memory_space<semaphore_mem>>)
      %dma_wait3A = arith.constant 0 : i32
      %dma_wait3A_53 = tpu.memref_slice %arg13[%add3A_32, %dma_wait3A] : memref<100000x16xf32, #tpu.memory_space<vmem_shared>> -> memref<400x16xf32, #tpu.memory_space<vmem_shared>>
      %dma_wait3A_54 = arith.constant 0 : i32
      %dma_wait3A_55 = tpu.memref_slice %arg13[%add3A_32, %dma_wait3A_54] : memref<100000x16xf32, #tpu.memory_space<vmem_shared>> -> memref<400x16xf32, #tpu.memory_space<vmem_shared>>
      tpu.wait_dma2 semaphore(%run_scoped3A : memref<!tpu.dma_semaphore, #tpu.memory_space<semaphore_mem>>) src(%arg12 : memref<400x16xf32, #tpu.memory_space<vmem>>) dst(%dma_wait3A_55 : memref<400x16xf32, #tpu.memory_space<vmem_shared>>)
      tpu.yield
    }) : () -> ()
    %add3A_33 = arith.constant 5600 : i32
    %add3A_34 = arith.addi %mul3A_5, %add3A_33 : i32
    "tpu.region"() ({
      %run_scoped3A = tpu.sem_alloc : memref<!tpu.dma_semaphore, #tpu.memory_space<semaphore_mem>>
      %dma_start3A = arith.constant 0 : i32
      %dma_start3A_50 = tpu.memref_slice %arg13[%add3A_34, %dma_start3A] : memref<100000x16xf32, #tpu.memory_space<vmem_shared>> -> memref<400x16xf32, #tpu.memory_space<vmem_shared>>
      %dma_start3A_51 = arith.constant 0 : i32
      %dma_start3A_52 = tpu.memref_slice %arg13[%add3A_34, %dma_start3A_51] : memref<100000x16xf32, #tpu.memory_space<vmem_shared>> -> memref<400x16xf32, #tpu.memory_space<vmem_shared>>
      tpu.enqueue_dma source(%arg12 : memref<400x16xf32, #tpu.memory_space<vmem>>) target(%dma_start3A_52 : memref<400x16xf32, #tpu.memory_space<vmem_shared>>) target_semaphore(%run_scoped3A : memref<!tpu.dma_semaphore, #tpu.memory_space<semaphore_mem>>)
      %dma_wait3A = arith.constant 0 : i32
      %dma_wait3A_53 = tpu.memref_slice %arg13[%add3A_34, %dma_wait3A] : memref<100000x16xf32, #tpu.memory_space<vmem_shared>> -> memref<400x16xf32, #tpu.memory_space<vmem_shared>>
      %dma_wait3A_54 = arith.constant 0 : i32
      %dma_wait3A_55 = tpu.memref_slice %arg13[%add3A_34, %dma_wait3A_54] : memref<100000x16xf32, #tpu.memory_space<vmem_shared>> -> memref<400x16xf32, #tpu.memory_space<vmem_shared>>
      tpu.wait_dma2 semaphore(%run_scoped3A : memref<!tpu.dma_semaphore, #tpu.memory_space<semaphore_mem>>) src(%arg12 : memref<400x16xf32, #tpu.memory_space<vmem>>) dst(%dma_wait3A_55 : memref<400x16xf32, #tpu.memory_space<vmem_shared>>)
      tpu.yield
    }) : () -> ()
    %add3A_35 = arith.constant 6000 : i32
    %add3A_36 = arith.addi %mul3A_5, %add3A_35 : i32
    "tpu.region"() ({
      %run_scoped3A = tpu.sem_alloc : memref<!tpu.dma_semaphore, #tpu.memory_space<semaphore_mem>>
      %dma_start3A = arith.constant 0 : i32
      %dma_start3A_50 = arith.constant 0 : i32
      %dma_start3A_51 = tpu.memref_slice %arg12[%dma_start3A, %dma_start3A_50] : memref<400x16xf32, #tpu.memory_space<vmem>> -> memref<250x16xf32, #tpu.memory_space<vmem>>
      %dma_start3A_52 = arith.constant 0 : i32
      %dma_start3A_53 = tpu.memref_slice %arg13[%add3A_36, %dma_start3A_52] : memref<100000x16xf32, #tpu.memory_space<vmem_shared>> -> memref<250x16xf32, #tpu.memory_space<vmem_shared>>
      %dma_start3A_54 = arith.constant 0 : i32
      %dma_start3A_55 = tpu.memref_slice %arg13[%add3A_36, %dma_start3A_54] : memref<100000x16xf32, #tpu.memory_space<vmem_shared>> -> memref<250x16xf32, #tpu.memory_space<vmem_shared>>
      %dma_start3A_56 = arith.constant 0 : i32
      %dma_start3A_57 = arith.constant 0 : i32
      %dma_start3A_58 = tpu.memref_slice %arg12[%dma_start3A_56, %dma_start3A_57] : memref<400x16xf32, #tpu.memory_space<vmem>> -> memref<250x16xf32, #tpu.memory_space<vmem>>
      tpu.enqueue_dma source(%dma_start3A_58 : memref<250x16xf32, #tpu.memory_space<vmem>>) target(%dma_start3A_55 : memref<250x16xf32, #tpu.memory_space<vmem_shared>>) target_semaphore(%run_scoped3A : memref<!tpu.dma_semaphore, #tpu.memory_space<semaphore_mem>>)
      %dma_wait3A = arith.constant 0 : i32
      %dma_wait3A_59 = arith.constant 0 : i32
      %dma_wait3A_60 = tpu.memref_slice %arg12[%dma_wait3A, %dma_wait3A_59] : memref<400x16xf32, #tpu.memory_space<vmem>> -> memref<250x16xf32, #tpu.memory_space<vmem>>
      %dma_wait3A_61 = arith.constant 0 : i32
      %dma_wait3A_62 = tpu.memref_slice %arg13[%add3A_36, %dma_wait3A_61] : memref<100000x16xf32, #tpu.memory_space<vmem_shared>> -> memref<250x16xf32, #tpu.memory_space<vmem_shared>>
      %dma_wait3A_63 = arith.constant 0 : i32
      %dma_wait3A_64 = tpu.memref_slice %arg13[%add3A_36, %dma_wait3A_63] : memref<100000x16xf32, #tpu.memory_space<vmem_shared>> -> memref<250x16xf32, #tpu.memory_space<vmem_shared>>
      %dma_wait3A_65 = arith.constant 0 : i32
      %dma_wait3A_66 = arith.constant 0 : i32
      %dma_wait3A_67 = tpu.memref_slice %arg12[%dma_wait3A_65, %dma_wait3A_66] : memref<400x16xf32, #tpu.memory_space<vmem>> -> memref<250x16xf32, #tpu.memory_space<vmem>>
      tpu.wait_dma2 semaphore(%run_scoped3A : memref<!tpu.dma_semaphore, #tpu.memory_space<semaphore_mem>>) src(%dma_wait3A_67 : memref<250x16xf32, #tpu.memory_space<vmem>>) dst(%dma_wait3A_64 : memref<250x16xf32, #tpu.memory_space<vmem_shared>>)
      tpu.yield
    }) : () -> ()
    %barrier3A = arith.constant 0 : index
    tpu.barrier barrier_id(%barrier3A)
    %eq3A = arith.constant 0 : i32
    %eq3A_37 = arith.cmpi eq, %arg0, %eq3A : i32
    %convert_element_type3A = arith.extui %eq3A_37 : i1 to i32
    %cond3A = arith.constant 0 : i32
    %cond3A_38 = arith.cmpi ne, %convert_element_type3A, %cond3A : i32
    scf.if %cond3A_38 {
      %mul3A_50 = arith.constant 500 : i32
      %mul3A_51 = arith.muli %arg1, %mul3A_50 : i32
      %add3A_52 = arith.constant 0 : i32
      %add3A_53 = arith.addi %mul3A_51, %add3A_52 : i32
      %mul3A_54 = arith.constant 400 : i32
      %mul3A_55 = arith.muli %add3A_53, %mul3A_54 : i32
      %dma_start3A = tpu.memref_slice %arg4[%mul3A_55] : memref<3200000xi32, #tpu.memory_space<hbm>> -> memref<800xi32, #tpu.memory_space<hbm>>
      %dma_start3A_56 = tpu.memref_slice %arg4[%mul3A_55] : memref<3200000xi32, #tpu.memory_space<hbm>> -> memref<800xi32, #tpu.memory_space<hbm>>
      tpu.enqueue_dma source(%dma_start3A_56 : memref<800xi32, #tpu.memory_space<hbm>>) target(%arg7 : memref<800xi32, #tpu.memory_space<vmem>>) target_semaphore(%arg18 : memref<!tpu.dma_semaphore, #tpu.memory_space<semaphore_mem>>)
      %dma_start3A_57 = tpu.memref_slice %arg5[%mul3A_55] : memref<3200000xi32, #tpu.memory_space<hbm>> -> memref<800xi32, #tpu.memory_space<hbm>>
      %dma_start3A_58 = tpu.memref_slice %arg5[%mul3A_55] : memref<3200000xi32, #tpu.memory_space<hbm>> -> memref<800xi32, #tpu.memory_space<hbm>>
      tpu.enqueue_dma source(%dma_start3A_58 : memref<800xi32, #tpu.memory_space<hbm>>) target(%arg8 : memref<800xi32, #tpu.memory_space<vmem>>) target_semaphore(%arg18 : memref<!tpu.dma_semaphore, #tpu.memory_space<semaphore_mem>>)
      %dma_wait3A = arith.constant 0 : i32
      %dma_wait3A_59 = tpu.memref_slice %arg4[%dma_wait3A] : memref<3200000xi32, #tpu.memory_space<hbm>> -> memref<800xi32, #tpu.memory_space<hbm>>
      %dma_wait3A_60 = arith.constant 0 : i32
      %dma_wait3A_61 = tpu.memref_slice %arg4[%dma_wait3A_60] : memref<3200000xi32, #tpu.memory_space<hbm>> -> memref<800xi32, #tpu.memory_space<hbm>>
      tpu.wait_dma2 semaphore(%arg18 : memref<!tpu.dma_semaphore, #tpu.memory_space<semaphore_mem>>) src(%dma_wait3A_61 : memref<800xi32, #tpu.memory_space<hbm>>) dst(%arg7 : memref<800xi32, #tpu.memory_space<vmem>>)
      %dma_wait3A_62 = arith.constant 0 : i32
      %dma_wait3A_63 = tpu.memref_slice %arg5[%dma_wait3A_62] : memref<3200000xi32, #tpu.memory_space<hbm>> -> memref<800xi32, #tpu.memory_space<hbm>>
      %dma_wait3A_64 = arith.constant 0 : i32
      %dma_wait3A_65 = tpu.memref_slice %arg5[%dma_wait3A_64] : memref<3200000xi32, #tpu.memory_space<hbm>> -> memref<800xi32, #tpu.memory_space<hbm>>
      tpu.wait_dma2 semaphore(%arg18 : memref<!tpu.dma_semaphore, #tpu.memory_space<semaphore_mem>>) src(%dma_wait3A_65 : memref<800xi32, #tpu.memory_space<hbm>>) dst(%arg8 : memref<800xi32, #tpu.memory_space<vmem>>)
      %dma_start3A_66 = arith.constant 0 : i32
      %dma_start3A_67 = arith.constant 0 : i32
      %dma_start3A_68 = tpu.memref_slice %arg12[%dma_start3A_66, %dma_start3A_67] : memref<400x16xf32, #tpu.memory_space<vmem>> -> memref<80x16xf32, #tpu.memory_space<vmem>>
      %dma_start3A_69 = arith.constant 0 : i32
      %dma_start3A_70 = tpu.memref_slice %arg8[%dma_start3A_69] : memref<800xi32, #tpu.memory_space<vmem>> -> memref<80xi32, #tpu.memory_space<vmem>>
      %dma_start3A_71 = arith.constant 0 : i32
      %dma_start3A_72 = arith.constant 0 : i32
      %dma_start3A_73 = tpu.memref_slice %arg13[%dma_start3A_71, %dma_start3A_72] : memref<100000x16xf32, #tpu.memory_space<vmem_shared>> -> memref<100000x16xf32, #tpu.memory_space<vmem_shared>>
      tpu.enqueue_indirect_dma source(%dma_start3A_68 : memref<80x16xf32, #tpu.memory_space<vmem>>) target(%dma_start3A_73 : memref<100000x16xf32, #tpu.memory_space<vmem_shared>>) offsets(%dma_start3A_70 : memref<80xi32, #tpu.memory_space<vmem>>) semaphore(%arg17 : memref<!tpu.dma_semaphore, #tpu.memory_space<semaphore_mem>>) {add = true}
      %dma_start3A_74 = arith.constant 80 : i32
      %dma_start3A_75 = arith.constant 0 : i32
      %dma_start3A_76 = tpu.memref_slice %arg12[%dma_start3A_74, %dma_start3A_75] : memref<400x16xf32, #tpu.memory_space<vmem>> -> memref<80x16xf32, #tpu.memory_space<vmem>>
      %dma_start3A_77 = arith.constant 80 : i32
      %dma_start3A_78 = tpu.memref_slice %arg8[%dma_start3A_77] : memref<800xi32, #tpu.memory_space<vmem>> -> memref<80xi32, #tpu.memory_space<vmem>>
      %dma_start3A_79 = arith.constant 0 : i32
      %dma_start3A_80 = arith.constant 0 : i32
      %dma_start3A_81 = tpu.memref_slice %arg13[%dma_start3A_79, %dma_start3A_80] : memref<100000x16xf32, #tpu.memory_space<vmem_shared>> -> memref<100000x16xf32, #tpu.memory_space<vmem_shared>>
      tpu.enqueue_indirect_dma source(%dma_start3A_76 : memref<80x16xf32, #tpu.memory_space<vmem>>) target(%dma_start3A_81 : memref<100000x16xf32, #tpu.memory_space<vmem_shared>>) offsets(%dma_start3A_78 : memref<80xi32, #tpu.memory_space<vmem>>) semaphore(%arg17 : memref<!tpu.dma_semaphore, #tpu.memory_space<semaphore_mem>>) {add = true}
      %dma_start3A_82 = arith.constant 160 : i32
      %dma_start3A_83 = arith.constant 0 : i32
      %dma_start3A_84 = tpu.memref_slice %arg12[%dma_start3A_82, %dma_start3A_83] : memref<400x16xf32, #tpu.memory_space<vmem>> -> memref<80x16xf32, #tpu.memory_space<vmem>>
      %dma_start3A_85 = arith.constant 160 : i32
      %dma_start3A_86 = tpu.memref_slice %arg8[%dma_start3A_85] : memref<800xi32, #tpu.memory_space<vmem>> -> memref<80xi32, #tpu.memory_space<vmem>>
      %dma_start3A_87 = arith.constant 0 : i32
      %dma_start3A_88 = arith.constant 0 : i32
      %dma_start3A_89 = tpu.memref_slice %arg13[%dma_start3A_87, %dma_start3A_88] : memref<100000x16xf32, #tpu.memory_space<vmem_shared>> -> memref<100000x16xf32, #tpu.memory_space<vmem_shared>>
      tpu.enqueue_indirect_dma source(%dma_start3A_84 : memref<80x16xf32, #tpu.memory_space<vmem>>) target(%dma_start3A_89 : memref<100000x16xf32, #tpu.memory_space<vmem_shared>>) offsets(%dma_start3A_86 : memref<80xi32, #tpu.memory_space<vmem>>) semaphore(%arg17 : memref<!tpu.dma_semaphore, #tpu.memory_space<semaphore_mem>>) {add = true}
      %dma_start3A_90 = arith.constant 240 : i32
      %dma_start3A_91 = arith.constant 0 : i32
      %dma_start3A_92 = tpu.memref_slice %arg12[%dma_start3A_90, %dma_start3A_91] : memref<400x16xf32, #tpu.memory_space<vmem>> -> memref<80x16xf32, #tpu.memory_space<vmem>>
      %dma_start3A_93 = arith.constant 240 : i32
      %dma_start3A_94 = tpu.memref_slice %arg8[%dma_start3A_93] : memref<800xi32, #tpu.memory_space<vmem>> -> memref<80xi32, #tpu.memory_space<vmem>>
      %dma_start3A_95 = arith.constant 0 : i32
      %dma_start3A_96 = arith.constant 0 : i32
      %dma_start3A_97 = tpu.memref_slice %arg13[%dma_start3A_95, %dma_start3A_96] : memref<100000x16xf32, #tpu.memory_space<vmem_shared>> -> memref<100000x16xf32, #tpu.memory_space<vmem_shared>>
      tpu.enqueue_indirect_dma source(%dma_start3A_92 : memref<80x16xf32, #tpu.memory_space<vmem>>) target(%dma_start3A_97 : memref<100000x16xf32, #tpu.memory_space<vmem_shared>>) offsets(%dma_start3A_94 : memref<80xi32, #tpu.memory_space<vmem>>) semaphore(%arg17 : memref<!tpu.dma_semaphore, #tpu.memory_space<semaphore_mem>>) {add = true}
      %dma_start3A_98 = arith.constant 320 : i32
      %dma_start3A_99 = arith.constant 0 : i32
      %dma_start3A_100 = tpu.memref_slice %arg12[%dma_start3A_98, %dma_start3A_99] : memref<400x16xf32, #tpu.memory_space<vmem>> -> memref<80x16xf32, #tpu.memory_space<vmem>>
      %dma_start3A_101 = arith.constant 320 : i32
      %dma_start3A_102 = tpu.memref_slice %arg8[%dma_start3A_101] : memref<800xi32, #tpu.memory_space<vmem>> -> memref<80xi32, #tpu.memory_space<vmem>>
      %dma_start3A_103 = arith.constant 0 : i32
      %dma_start3A_104 = arith.constant 0 : i32
      %dma_start3A_105 = tpu.memref_slice %arg13[%dma_start3A_103, %dma_start3A_104] : memref<100000x16xf32, #tpu.memory_space<vmem_shared>> -> memref<100000x16xf32, #tpu.memory_space<vmem_shared>>
      tpu.enqueue_indirect_dma source(%dma_start3A_100 : memref<80x16xf32, #tpu.memory_space<vmem>>) target(%dma_start3A_105 : memref<100000x16xf32, #tpu.memory_space<vmem_shared>>) offsets(%dma_start3A_102 : memref<80xi32, #tpu.memory_space<vmem>>) semaphore(%arg17 : memref<!tpu.dma_semaphore, #tpu.memory_space<semaphore_mem>>) {add = true}
      %dma_start3A_106 = arith.constant 0 : i32
      %dma_start3A_107 = arith.constant 0 : i32
      %dma_start3A_108 = tpu.memref_slice %arg11[%dma_start3A_106, %dma_start3A_107] : memref<400x16xf32, #tpu.memory_space<vmem>> -> memref<80x16xf32, #tpu.memory_space<vmem>>
      %dma_start3A_109 = arith.constant 0 : i32
      %dma_start3A_110 = tpu.memref_slice %arg7[%dma_start3A_109] : memref<800xi32, #tpu.memory_space<vmem>> -> memref<80xi32, #tpu.memory_space<vmem>>
      %dma_start3A_111 = arith.constant 0 : i32
      %dma_start3A_112 = arith.constant 0 : i32
      %dma_start3A_113 = tpu.memref_slice %arg2[%dma_start3A_111, %dma_start3A_112] : memref<102400x16xf32, #tpu.memory_space<hbm>> -> memref<102400x16xf32, #tpu.memory_space<hbm>>
      tpu.enqueue_indirect_dma source(%dma_start3A_113 : memref<102400x16xf32, #tpu.memory_space<hbm>>) target(%dma_start3A_108 : memref<80x16xf32, #tpu.memory_space<vmem>>) offsets(%dma_start3A_110 : memref<80xi32, #tpu.memory_space<vmem>>) semaphore(%arg14 : memref<!tpu.dma_semaphore, #tpu.memory_space<semaphore_mem>>)
      %dma_start3A_114 = arith.constant 80 : i32
      %dma_start3A_115 = arith.constant 0 : i32
      %dma_start3A_116 = tpu.memref_slice %arg11[%dma_start3A_114, %dma_start3A_115] : memref<400x16xf32, #tpu.memory_space<vmem>> -> memref<80x16xf32, #tpu.memory_space<vmem>>
      %dma_start3A_117 = arith.constant 80 : i32
      %dma_start3A_118 = tpu.memref_slice %arg7[%dma_start3A_117] : memref<800xi32, #tpu.memory_space<vmem>> -> memref<80xi32, #tpu.memory_space<vmem>>
      %dma_start3A_119 = arith.constant 0 : i32
      %dma_start3A_120 = arith.constant 0 : i32
      %dma_start3A_121 = tpu.memref_slice %arg2[%dma_start3A_119, %dma_start3A_120] : memref<102400x16xf32, #tpu.memory_space<hbm>> -> memref<102400x16xf32, #tpu.memory_space<hbm>>
      tpu.enqueue_indirect_dma source(%dma_start3A_121 : memref<102400x16xf32, #tpu.memory_space<hbm>>) target(%dma_start3A_116 : memref<80x16xf32, #tpu.memory_space<vmem>>) offsets(%dma_start3A_118 : memref<80xi32, #tpu.memory_space<vmem>>) semaphore(%arg14 : memref<!tpu.dma_semaphore, #tpu.memory_space<semaphore_mem>>)
      %dma_start3A_122 = arith.constant 160 : i32
      %dma_start3A_123 = arith.constant 0 : i32
      %dma_start3A_124 = tpu.memref_slice %arg11[%dma_start3A_122, %dma_start3A_123] : memref<400x16xf32, #tpu.memory_space<vmem>> -> memref<80x16xf32, #tpu.memory_space<vmem>>
      %dma_start3A_125 = arith.constant 160 : i32
      %dma_start3A_126 = tpu.memref_slice %arg7[%dma_start3A_125] : memref<800xi32, #tpu.memory_space<vmem>> -> memref<80xi32, #tpu.memory_space<vmem>>
      %dma_start3A_127 = arith.constant 0 : i32
      %dma_start3A_128 = arith.constant 0 : i32
      %dma_start3A_129 = tpu.memref_slice %arg2[%dma_start3A_127, %dma_start3A_128] : memref<102400x16xf32, #tpu.memory_space<hbm>> -> memref<102400x16xf32, #tpu.memory_space<hbm>>
      tpu.enqueue_indirect_dma source(%dma_start3A_129 : memref<102400x16xf32, #tpu.memory_space<hbm>>) target(%dma_start3A_124 : memref<80x16xf32, #tpu.memory_space<vmem>>) offsets(%dma_start3A_126 : memref<80xi32, #tpu.memory_space<vmem>>) semaphore(%arg14 : memref<!tpu.dma_semaphore, #tpu.memory_space<semaphore_mem>>)
      %dma_start3A_130 = arith.constant 240 : i32
      %dma_start3A_131 = arith.constant 0 : i32
      %dma_start3A_132 = tpu.memref_slice %arg11[%dma_start3A_130, %dma_start3A_131] : memref<400x16xf32, #tpu.memory_space<vmem>> -> memref<80x16xf32, #tpu.memory_space<vmem>>
      %dma_start3A_133 = arith.constant 240 : i32
      %dma_start3A_134 = tpu.memref_slice %arg7[%dma_start3A_133] : memref<800xi32, #tpu.memory_space<vmem>> -> memref<80xi32, #tpu.memory_space<vmem>>
      %dma_start3A_135 = arith.constant 0 : i32
      %dma_start3A_136 = arith.constant 0 : i32
      %dma_start3A_137 = tpu.memref_slice %arg2[%dma_start3A_135, %dma_start3A_136] : memref<102400x16xf32, #tpu.memory_space<hbm>> -> memref<102400x16xf32, #tpu.memory_space<hbm>>
      tpu.enqueue_indirect_dma source(%dma_start3A_137 : memref<102400x16xf32, #tpu.memory_space<hbm>>) target(%dma_start3A_132 : memref<80x16xf32, #tpu.memory_space<vmem>>) offsets(%dma_start3A_134 : memref<80xi32, #tpu.memory_space<vmem>>) semaphore(%arg14 : memref<!tpu.dma_semaphore, #tpu.memory_space<semaphore_mem>>)
      %dma_start3A_138 = arith.constant 320 : i32
      %dma_start3A_139 = arith.constant 0 : i32
      %dma_start3A_140 = tpu.memref_slice %arg11[%dma_start3A_138, %dma_start3A_139] : memref<400x16xf32, #tpu.memory_space<vmem>> -> memref<80x16xf32, #tpu.memory_space<vmem>>
      %dma_start3A_141 = arith.constant 320 : i32
      %dma_start3A_142 = tpu.memref_slice %arg7[%dma_start3A_141] : memref<800xi32, #tpu.memory_space<vmem>> -> memref<80xi32, #tpu.memory_space<vmem>>
      %dma_start3A_143 = arith.constant 0 : i32
      %dma_start3A_144 = arith.constant 0 : i32
      %dma_start3A_145 = tpu.memref_slice %arg2[%dma_start3A_143, %dma_start3A_144] : memref<102400x16xf32, #tpu.memory_space<hbm>> -> memref<102400x16xf32, #tpu.memory_space<hbm>>
      tpu.enqueue_indirect_dma source(%dma_start3A_145 : memref<102400x16xf32, #tpu.memory_space<hbm>>) target(%dma_start3A_140 : memref<80x16xf32, #tpu.memory_space<vmem>>) offsets(%dma_start3A_142 : memref<80xi32, #tpu.memory_space<vmem>>) semaphore(%arg14 : memref<!tpu.dma_semaphore, #tpu.memory_space<semaphore_mem>>)
      %scan3A_146 = arith.constant 0 : i32
      %scan3A_147 = arith.constant 0 : i32
      %scan3A_148 = arith.constant 125 : i32
      %scan3A_149 = arith.addi %scan3A_147, %scan3A_148 : i32
      %scan3A_150 = arith.constant 1 : i32
      scf.for %scan3A_232 = %scan3A_147 to %scan3A_149 step %scan3A_150  : i32 {
        %mul3A_233 = arith.constant 2 : i32
        %mul3A_234 = arith.muli %mul3A_233, %scan3A_232 : i32
        %add3A_235 = arith.constant 1 : i32
        %add3A_236 = arith.addi %mul3A_234, %add3A_235 : i32
        %rem3A = arith.constant 250 : i32
        %rem3A_237 = arith.remsi %add3A_236, %rem3A : i32
        %dma_wait3A_238 = arith.constant 0 : i32
        %dma_wait3A_239 = arith.constant 0 : i32
        %dma_wait3A_240 = tpu.memref_slice %arg12[%dma_wait3A_238, %dma_wait3A_239] : memref<400x16xf32, #tpu.memory_space<vmem>> -> memref<80x16xf32, #tpu.memory_space<vmem>>
        %dma_wait3A_241 = arith.constant 400 : i32
        %dma_wait3A_242 = tpu.memref_slice %arg8[%dma_wait3A_241] : memref<800xi32, #tpu.memory_space<vmem>> -> memref<80xi32, #tpu.memory_space<vmem>>
        %dma_wait3A_243 = arith.constant 0 : i32
        %dma_wait3A_244 = arith.constant 0 : i32
        %dma_wait3A_245 = tpu.memref_slice %arg13[%dma_wait3A_243, %dma_wait3A_244] : memref<100000x16xf32, #tpu.memory_space<vmem_shared>> -> memref<100000x16xf32, #tpu.memory_space<vmem_shared>>
        tpu.wait_indirect_dma semaphore(%arg17 : memref<!tpu.dma_semaphore, #tpu.memory_space<semaphore_mem>>) src(%dma_wait3A_240 : memref<80x16xf32, #tpu.memory_space<vmem>>) dst(%dma_wait3A_245 : memref<100000x16xf32, #tpu.memory_space<vmem_shared>>)
        %dma_wait3A_246 = arith.constant 80 : i32
        %dma_wait3A_247 = arith.constant 0 : i32
        %dma_wait3A_248 = tpu.memref_slice %arg12[%dma_wait3A_246, %dma_wait3A_247] : memref<400x16xf32, #tpu.memory_space<vmem>> -> memref<80x16xf32, #tpu.memory_space<vmem>>
        %dma_wait3A_249 = arith.constant 480 : i32
        %dma_wait3A_250 = tpu.memref_slice %arg8[%dma_wait3A_249] : memref<800xi32, #tpu.memory_space<vmem>> -> memref<80xi32, #tpu.memory_space<vmem>>
        %dma_wait3A_251 = arith.constant 0 : i32
        %dma_wait3A_252 = arith.constant 0 : i32
        %dma_wait3A_253 = tpu.memref_slice %arg13[%dma_wait3A_251, %dma_wait3A_252] : memref<100000x16xf32, #tpu.memory_space<vmem_shared>> -> memref<100000x16xf32, #tpu.memory_space<vmem_shared>>
        tpu.wait_indirect_dma semaphore(%arg17 : memref<!tpu.dma_semaphore, #tpu.memory_space<semaphore_mem>>) src(%dma_wait3A_248 : memref<80x16xf32, #tpu.memory_space<vmem>>) dst(%dma_wait3A_253 : memref<100000x16xf32, #tpu.memory_space<vmem_shared>>)
        %dma_wait3A_254 = arith.constant 160 : i32
        %dma_wait3A_255 = arith.constant 0 : i32
        %dma_wait3A_256 = tpu.memref_slice %arg12[%dma_wait3A_254, %dma_wait3A_255] : memref<400x16xf32, #tpu.memory_space<vmem>> -> memref<80x16xf32, #tpu.memory_space<vmem>>
        %dma_wait3A_257 = arith.constant 560 : i32
        %dma_wait3A_258 = tpu.memref_slice %arg8[%dma_wait3A_257] : memref<800xi32, #tpu.memory_space<vmem>> -> memref<80xi32, #tpu.memory_space<vmem>>
        %dma_wait3A_259 = arith.constant 0 : i32
        %dma_wait3A_260 = arith.constant 0 : i32
        %dma_wait3A_261 = tpu.memref_slice %arg13[%dma_wait3A_259, %dma_wait3A_260] : memref<100000x16xf32, #tpu.memory_space<vmem_shared>> -> memref<100000x16xf32, #tpu.memory_space<vmem_shared>>
        tpu.wait_indirect_dma semaphore(%arg17 : memref<!tpu.dma_semaphore, #tpu.memory_space<semaphore_mem>>) src(%dma_wait3A_256 : memref<80x16xf32, #tpu.memory_space<vmem>>) dst(%dma_wait3A_261 : memref<100000x16xf32, #tpu.memory_space<vmem_shared>>)
        %dma_wait3A_262 = arith.constant 240 : i32
        %dma_wait3A_263 = arith.constant 0 : i32
        %dma_wait3A_264 = tpu.memref_slice %arg12[%dma_wait3A_262, %dma_wait3A_263] : memref<400x16xf32, #tpu.memory_space<vmem>> -> memref<80x16xf32, #tpu.memory_space<vmem>>
        %dma_wait3A_265 = arith.constant 640 : i32
        %dma_wait3A_266 = tpu.memref_slice %arg8[%dma_wait3A_265] : memref<800xi32, #tpu.memory_space<vmem>> -> memref<80xi32, #tpu.memory_space<vmem>>
        %dma_wait3A_267 = arith.constant 0 : i32
        %dma_wait3A_268 = arith.constant 0 : i32
        %dma_wait3A_269 = tpu.memref_slice %arg13[%dma_wait3A_267, %dma_wait3A_268] : memref<100000x16xf32, #tpu.memory_space<vmem_shared>> -> memref<100000x16xf32, #tpu.memory_space<vmem_shared>>
        tpu.wait_indirect_dma semaphore(%arg17 : memref<!tpu.dma_semaphore, #tpu.memory_space<semaphore_mem>>) src(%dma_wait3A_264 : memref<80x16xf32, #tpu.memory_space<vmem>>) dst(%dma_wait3A_269 : memref<100000x16xf32, #tpu.memory_space<vmem_shared>>)
        %dma_wait3A_270 = arith.constant 320 : i32
        %dma_wait3A_271 = arith.constant 0 : i32
        %dma_wait3A_272 = tpu.memref_slice %arg12[%dma_wait3A_270, %dma_wait3A_271] : memref<400x16xf32, #tpu.memory_space<vmem>> -> memref<80x16xf32, #tpu.memory_space<vmem>>
        %dma_wait3A_273 = arith.constant 720 : i32
        %dma_wait3A_274 = tpu.memref_slice %arg8[%dma_wait3A_273] : memref<800xi32, #tpu.memory_space<vmem>> -> memref<80xi32, #tpu.memory_space<vmem>>
        %dma_wait3A_275 = arith.constant 0 : i32
        %dma_wait3A_276 = arith.constant 0 : i32
        %dma_wait3A_277 = tpu.memref_slice %arg13[%dma_wait3A_275, %dma_wait3A_276] : memref<100000x16xf32, #tpu.memory_space<vmem_shared>> -> memref<100000x16xf32, #tpu.memory_space<vmem_shared>>
        tpu.wait_indirect_dma semaphore(%arg17 : memref<!tpu.dma_semaphore, #tpu.memory_space<semaphore_mem>>) src(%dma_wait3A_272 : memref<80x16xf32, #tpu.memory_space<vmem>>) dst(%dma_wait3A_277 : memref<100000x16xf32, #tpu.memory_space<vmem_shared>>)
        %mul3A_278 = arith.constant 500 : i32
        %mul3A_279 = arith.muli %arg1, %mul3A_278 : i32
        %mul3A_280 = arith.constant 2 : i32
        %mul3A_281 = arith.muli %mul3A_280, %rem3A_237 : i32
        %add3A_282 = arith.addi %mul3A_279, %mul3A_281 : i32
        %mul3A_283 = arith.constant 400 : i32
        %mul3A_284 = arith.muli %add3A_282, %mul3A_283 : i32
        %dma_start3A_285 = tpu.memref_slice %arg4[%mul3A_284] : memref<3200000xi32, #tpu.memory_space<hbm>> -> memref<800xi32, #tpu.memory_space<hbm>>
        %dma_start3A_286 = tpu.memref_slice %arg4[%mul3A_284] : memref<3200000xi32, #tpu.memory_space<hbm>> -> memref<800xi32, #tpu.memory_space<hbm>>
        tpu.enqueue_dma source(%dma_start3A_286 : memref<800xi32, #tpu.memory_space<hbm>>) target(%arg9 : memref<800xi32, #tpu.memory_space<vmem>>) target_semaphore(%arg18 : memref<!tpu.dma_semaphore, #tpu.memory_space<semaphore_mem>>)
        %dma_start3A_287 = tpu.memref_slice %arg5[%mul3A_284] : memref<3200000xi32, #tpu.memory_space<hbm>> -> memref<800xi32, #tpu.memory_space<hbm>>
        %dma_start3A_288 = tpu.memref_slice %arg5[%mul3A_284] : memref<3200000xi32, #tpu.memory_space<hbm>> -> memref<800xi32, #tpu.memory_space<hbm>>
        tpu.enqueue_dma source(%dma_start3A_288 : memref<800xi32, #tpu.memory_space<hbm>>) target(%arg10 : memref<800xi32, #tpu.memory_space<vmem>>) target_semaphore(%arg18 : memref<!tpu.dma_semaphore, #tpu.memory_space<semaphore_mem>>)
        %dma_start3A_289 = arith.constant 0 : i32
        %dma_start3A_290 = arith.constant 0 : i32
        %dma_start3A_291 = tpu.memref_slice %arg12[%dma_start3A_289, %dma_start3A_290] : memref<400x16xf32, #tpu.memory_space<vmem>> -> memref<80x16xf32, #tpu.memory_space<vmem>>
        %dma_start3A_292 = arith.constant 400 : i32
        %dma_start3A_293 = tpu.memref_slice %arg7[%dma_start3A_292] : memref<800xi32, #tpu.memory_space<vmem>> -> memref<80xi32, #tpu.memory_space<vmem>>
        %dma_start3A_294 = arith.constant 0 : i32
        %dma_start3A_295 = arith.constant 0 : i32
        %dma_start3A_296 = tpu.memref_slice %arg2[%dma_start3A_294, %dma_start3A_295] : memref<102400x16xf32, #tpu.memory_space<hbm>> -> memref<102400x16xf32, #tpu.memory_space<hbm>>
        tpu.enqueue_indirect_dma source(%dma_start3A_296 : memref<102400x16xf32, #tpu.memory_space<hbm>>) target(%dma_start3A_291 : memref<80x16xf32, #tpu.memory_space<vmem>>) offsets(%dma_start3A_293 : memref<80xi32, #tpu.memory_space<vmem>>) semaphore(%arg15 : memref<!tpu.dma_semaphore, #tpu.memory_space<semaphore_mem>>)
        %dma_start3A_297 = arith.constant 80 : i32
        %dma_start3A_298 = arith.constant 0 : i32
        %dma_start3A_299 = tpu.memref_slice %arg12[%dma_start3A_297, %dma_start3A_298] : memref<400x16xf32, #tpu.memory_space<vmem>> -> memref<80x16xf32, #tpu.memory_space<vmem>>
        %dma_start3A_300 = arith.constant 480 : i32
        %dma_start3A_301 = tpu.memref_slice %arg7[%dma_start3A_300] : memref<800xi32, #tpu.memory_space<vmem>> -> memref<80xi32, #tpu.memory_space<vmem>>
        %dma_start3A_302 = arith.constant 0 : i32
        %dma_start3A_303 = arith.constant 0 : i32
        %dma_start3A_304 = tpu.memref_slice %arg2[%dma_start3A_302, %dma_start3A_303] : memref<102400x16xf32, #tpu.memory_space<hbm>> -> memref<102400x16xf32, #tpu.memory_space<hbm>>
        tpu.enqueue_indirect_dma source(%dma_start3A_304 : memref<102400x16xf32, #tpu.memory_space<hbm>>) target(%dma_start3A_299 : memref<80x16xf32, #tpu.memory_space<vmem>>) offsets(%dma_start3A_301 : memref<80xi32, #tpu.memory_space<vmem>>) semaphore(%arg15 : memref<!tpu.dma_semaphore, #tpu.memory_space<semaphore_mem>>)
        %dma_start3A_305 = arith.constant 160 : i32
        %dma_start3A_306 = arith.constant 0 : i32
        %dma_start3A_307 = tpu.memref_slice %arg12[%dma_start3A_305, %dma_start3A_306] : memref<400x16xf32, #tpu.memory_space<vmem>> -> memref<80x16xf32, #tpu.memory_space<vmem>>
        %dma_start3A_308 = arith.constant 560 : i32
        %dma_start3A_309 = tpu.memref_slice %arg7[%dma_start3A_308] : memref<800xi32, #tpu.memory_space<vmem>> -> memref<80xi32, #tpu.memory_space<vmem>>
        %dma_start3A_310 = arith.constant 0 : i32
        %dma_start3A_311 = arith.constant 0 : i32
        %dma_start3A_312 = tpu.memref_slice %arg2[%dma_start3A_310, %dma_start3A_311] : memref<102400x16xf32, #tpu.memory_space<hbm>> -> memref<102400x16xf32, #tpu.memory_space<hbm>>
        tpu.enqueue_indirect_dma source(%dma_start3A_312 : memref<102400x16xf32, #tpu.memory_space<hbm>>) target(%dma_start3A_307 : memref<80x16xf32, #tpu.memory_space<vmem>>) offsets(%dma_start3A_309 : memref<80xi32, #tpu.memory_space<vmem>>) semaphore(%arg15 : memref<!tpu.dma_semaphore, #tpu.memory_space<semaphore_mem>>)
        %dma_start3A_313 = arith.constant 240 : i32
        %dma_start3A_314 = arith.constant 0 : i32
        %dma_start3A_315 = tpu.memref_slice %arg12[%dma_start3A_313, %dma_start3A_314] : memref<400x16xf32, #tpu.memory_space<vmem>> -> memref<80x16xf32, #tpu.memory_space<vmem>>
        %dma_start3A_316 = arith.constant 640 : i32
        %dma_start3A_317 = tpu.memref_slice %arg7[%dma_start3A_316] : memref<800xi32, #tpu.memory_space<vmem>> -> memref<80xi32, #tpu.memory_space<vmem>>
        %dma_start3A_318 = arith.constant 0 : i32
        %dma_start3A_319 = arith.constant 0 : i32
        %dma_start3A_320 = tpu.memref_slice %arg2[%dma_start3A_318, %dma_start3A_319] : memref<102400x16xf32, #tpu.memory_space<hbm>> -> memref<102400x16xf32, #tpu.memory_space<hbm>>
        tpu.enqueue_indirect_dma source(%dma_start3A_320 : memref<102400x16xf32, #tpu.memory_space<hbm>>) target(%dma_start3A_315 : memref<80x16xf32, #tpu.memory_space<vmem>>) offsets(%dma_start3A_317 : memref<80xi32, #tpu.memory_space<vmem>>) semaphore(%arg15 : memref<!tpu.dma_semaphore, #tpu.memory_space<semaphore_mem>>)
        %dma_start3A_321 = arith.constant 320 : i32
        %dma_start3A_322 = arith.constant 0 : i32
        %dma_start3A_323 = tpu.memref_slice %arg12[%dma_start3A_321, %dma_start3A_322] : memref<400x16xf32, #tpu.memory_space<vmem>> -> memref<80x16xf32, #tpu.memory_space<vmem>>
        %dma_start3A_324 = arith.constant 720 : i32
        %dma_start3A_325 = tpu.memref_slice %arg7[%dma_start3A_324] : memref<800xi32, #tpu.memory_space<vmem>> -> memref<80xi32, #tpu.memory_space<vmem>>
        %dma_start3A_326 = arith.constant 0 : i32
        %dma_start3A_327 = arith.constant 0 : i32
        %dma_start3A_328 = tpu.memref_slice %arg2[%dma_start3A_326, %dma_start3A_327] : memref<102400x16xf32, #tpu.memory_space<hbm>> -> memref<102400x16xf32, #tpu.memory_space<hbm>>
        tpu.enqueue_indirect_dma source(%dma_start3A_328 : memref<102400x16xf32, #tpu.memory_space<hbm>>) target(%dma_start3A_323 : memref<80x16xf32, #tpu.memory_space<vmem>>) offsets(%dma_start3A_325 : memref<80xi32, #tpu.memory_space<vmem>>) semaphore(%arg15 : memref<!tpu.dma_semaphore, #tpu.memory_space<semaphore_mem>>)
        %dma_wait3A_329 = arith.constant 0 : i32
        %dma_wait3A_330 = arith.constant 0 : i32
        %dma_wait3A_331 = tpu.memref_slice %arg11[%dma_wait3A_329, %dma_wait3A_330] : memref<400x16xf32, #tpu.memory_space<vmem>> -> memref<80x16xf32, #tpu.memory_space<vmem>>
        %dma_wait3A_332 = arith.constant 0 : i32
        %dma_wait3A_333 = tpu.memref_slice %arg7[%dma_wait3A_332] : memref<800xi32, #tpu.memory_space<vmem>> -> memref<80xi32, #tpu.memory_space<vmem>>
        %dma_wait3A_334 = arith.constant 0 : i32
        %dma_wait3A_335 = arith.constant 0 : i32
        %dma_wait3A_336 = tpu.memref_slice %arg2[%dma_wait3A_334, %dma_wait3A_335] : memref<102400x16xf32, #tpu.memory_space<hbm>> -> memref<102400x16xf32, #tpu.memory_space<hbm>>
        tpu.wait_indirect_dma semaphore(%arg14 : memref<!tpu.dma_semaphore, #tpu.memory_space<semaphore_mem>>) src(%dma_wait3A_336 : memref<102400x16xf32, #tpu.memory_space<hbm>>) dst(%dma_wait3A_331 : memref<80x16xf32, #tpu.memory_space<vmem>>)
        %dma_wait3A_337 = arith.constant 80 : i32
        %dma_wait3A_338 = arith.constant 0 : i32
        %dma_wait3A_339 = tpu.memref_slice %arg11[%dma_wait3A_337, %dma_wait3A_338] : memref<400x16xf32, #tpu.memory_space<vmem>> -> memref<80x16xf32, #tpu.memory_space<vmem>>
        %dma_wait3A_340 = arith.constant 80 : i32
        %dma_wait3A_341 = tpu.memref_slice %arg7[%dma_wait3A_340] : memref<800xi32, #tpu.memory_space<vmem>> -> memref<80xi32, #tpu.memory_space<vmem>>
        %dma_wait3A_342 = arith.constant 0 : i32
        %dma_wait3A_343 = arith.constant 0 : i32
        %dma_wait3A_344 = tpu.memref_slice %arg2[%dma_wait3A_342, %dma_wait3A_343] : memref<102400x16xf32, #tpu.memory_space<hbm>> -> memref<102400x16xf32, #tpu.memory_space<hbm>>
        tpu.wait_indirect_dma semaphore(%arg14 : memref<!tpu.dma_semaphore, #tpu.memory_space<semaphore_mem>>) src(%dma_wait3A_344 : memref<102400x16xf32, #tpu.memory_space<hbm>>) dst(%dma_wait3A_339 : memref<80x16xf32, #tpu.memory_space<vmem>>)
        %dma_wait3A_345 = arith.constant 160 : i32
        %dma_wait3A_346 = arith.constant 0 : i32
        %dma_wait3A_347 = tpu.memref_slice %arg11[%dma_wait3A_345, %dma_wait3A_346] : memref<400x16xf32, #tpu.memory_space<vmem>> -> memref<80x16xf32, #tpu.memory_space<vmem>>
        %dma_wait3A_348 = arith.constant 160 : i32
        %dma_wait3A_349 = tpu.memref_slice %arg7[%dma_wait3A_348] : memref<800xi32, #tpu.memory_space<vmem>> -> memref<80xi32, #tpu.memory_space<vmem>>
        %dma_wait3A_350 = arith.constant 0 : i32
        %dma_wait3A_351 = arith.constant 0 : i32
        %dma_wait3A_352 = tpu.memref_slice %arg2[%dma_wait3A_350, %dma_wait3A_351] : memref<102400x16xf32, #tpu.memory_space<hbm>> -> memref<102400x16xf32, #tpu.memory_space<hbm>>
        tpu.wait_indirect_dma semaphore(%arg14 : memref<!tpu.dma_semaphore, #tpu.memory_space<semaphore_mem>>) src(%dma_wait3A_352 : memref<102400x16xf32, #tpu.memory_space<hbm>>) dst(%dma_wait3A_347 : memref<80x16xf32, #tpu.memory_space<vmem>>)
        %dma_wait3A_353 = arith.constant 240 : i32
        %dma_wait3A_354 = arith.constant 0 : i32
        %dma_wait3A_355 = tpu.memref_slice %arg11[%dma_wait3A_353, %dma_wait3A_354] : memref<400x16xf32, #tpu.memory_space<vmem>> -> memref<80x16xf32, #tpu.memory_space<vmem>>
        %dma_wait3A_356 = arith.constant 240 : i32
        %dma_wait3A_357 = tpu.memref_slice %arg7[%dma_wait3A_356] : memref<800xi32, #tpu.memory_space<vmem>> -> memref<80xi32, #tpu.memory_space<vmem>>
        %dma_wait3A_358 = arith.constant 0 : i32
        %dma_wait3A_359 = arith.constant 0 : i32
        %dma_wait3A_360 = tpu.memref_slice %arg2[%dma_wait3A_358, %dma_wait3A_359] : memref<102400x16xf32, #tpu.memory_space<hbm>> -> memref<102400x16xf32, #tpu.memory_space<hbm>>
        tpu.wait_indirect_dma semaphore(%arg14 : memref<!tpu.dma_semaphore, #tpu.memory_space<semaphore_mem>>) src(%dma_wait3A_360 : memref<102400x16xf32, #tpu.memory_space<hbm>>) dst(%dma_wait3A_355 : memref<80x16xf32, #tpu.memory_space<vmem>>)
        %dma_wait3A_361 = arith.constant 320 : i32
        %dma_wait3A_362 = arith.constant 0 : i32
        %dma_wait3A_363 = tpu.memref_slice %arg11[%dma_wait3A_361, %dma_wait3A_362] : memref<400x16xf32, #tpu.memory_space<vmem>> -> memref<80x16xf32, #tpu.memory_space<vmem>>
        %dma_wait3A_364 = arith.constant 320 : i32
        %dma_wait3A_365 = tpu.memref_slice %arg7[%dma_wait3A_364] : memref<800xi32, #tpu.memory_space<vmem>> -> memref<80xi32, #tpu.memory_space<vmem>>
        %dma_wait3A_366 = arith.constant 0 : i32
        %dma_wait3A_367 = arith.constant 0 : i32
        %dma_wait3A_368 = tpu.memref_slice %arg2[%dma_wait3A_366, %dma_wait3A_367] : memref<102400x16xf32, #tpu.memory_space<hbm>> -> memref<102400x16xf32, #tpu.memory_space<hbm>>
        tpu.wait_indirect_dma semaphore(%arg14 : memref<!tpu.dma_semaphore, #tpu.memory_space<semaphore_mem>>) src(%dma_wait3A_368 : memref<102400x16xf32, #tpu.memory_space<hbm>>) dst(%dma_wait3A_363 : memref<80x16xf32, #tpu.memory_space<vmem>>)
        %dma_start3A_369 = arith.constant 0 : i32
        %dma_start3A_370 = arith.constant 0 : i32
        %dma_start3A_371 = tpu.memref_slice %arg11[%dma_start3A_369, %dma_start3A_370] : memref<400x16xf32, #tpu.memory_space<vmem>> -> memref<80x16xf32, #tpu.memory_space<vmem>>
        %dma_start3A_372 = arith.constant 0 : i32
        %dma_start3A_373 = tpu.memref_slice %arg8[%dma_start3A_372] : memref<800xi32, #tpu.memory_space<vmem>> -> memref<80xi32, #tpu.memory_space<vmem>>
        %dma_start3A_374 = arith.constant 0 : i32
        %dma_start3A_375 = arith.constant 0 : i32
        %dma_start3A_376 = tpu.memref_slice %arg13[%dma_start3A_374, %dma_start3A_375] : memref<100000x16xf32, #tpu.memory_space<vmem_shared>> -> memref<100000x16xf32, #tpu.memory_space<vmem_shared>>
        tpu.enqueue_indirect_dma source(%dma_start3A_371 : memref<80x16xf32, #tpu.memory_space<vmem>>) target(%dma_start3A_376 : memref<100000x16xf32, #tpu.memory_space<vmem_shared>>) offsets(%dma_start3A_373 : memref<80xi32, #tpu.memory_space<vmem>>) semaphore(%arg16 : memref<!tpu.dma_semaphore, #tpu.memory_space<semaphore_mem>>) {add = true}
        %dma_start3A_377 = arith.constant 80 : i32
        %dma_start3A_378 = arith.constant 0 : i32
        %dma_start3A_379 = tpu.memref_slice %arg11[%dma_start3A_377, %dma_start3A_378] : memref<400x16xf32, #tpu.memory_space<vmem>> -> memref<80x16xf32, #tpu.memory_space<vmem>>
        %dma_start3A_380 = arith.constant 80 : i32
        %dma_start3A_381 = tpu.memref_slice %arg8[%dma_start3A_380] : memref<800xi32, #tpu.memory_space<vmem>> -> memref<80xi32, #tpu.memory_space<vmem>>
        %dma_start3A_382 = arith.constant 0 : i32
        %dma_start3A_383 = arith.constant 0 : i32
        %dma_start3A_384 = tpu.memref_slice %arg13[%dma_start3A_382, %dma_start3A_383] : memref<100000x16xf32, #tpu.memory_space<vmem_shared>> -> memref<100000x16xf32, #tpu.memory_space<vmem_shared>>
        tpu.enqueue_indirect_dma source(%dma_start3A_379 : memref<80x16xf32, #tpu.memory_space<vmem>>) target(%dma_start3A_384 : memref<100000x16xf32, #tpu.memory_space<vmem_shared>>) offsets(%dma_start3A_381 : memref<80xi32, #tpu.memory_space<vmem>>) semaphore(%arg16 : memref<!tpu.dma_semaphore, #tpu.memory_space<semaphore_mem>>) {add = true}
        %dma_start3A_385 = arith.constant 160 : i32
        %dma_start3A_386 = arith.constant 0 : i32
        %dma_start3A_387 = tpu.memref_slice %arg11[%dma_start3A_385, %dma_start3A_386] : memref<400x16xf32, #tpu.memory_space<vmem>> -> memref<80x16xf32, #tpu.memory_space<vmem>>
        %dma_start3A_388 = arith.constant 160 : i32
        %dma_start3A_389 = tpu.memref_slice %arg8[%dma_start3A_388] : memref<800xi32, #tpu.memory_space<vmem>> -> memref<80xi32, #tpu.memory_space<vmem>>
        %dma_start3A_390 = arith.constant 0 : i32
        %dma_start3A_391 = arith.constant 0 : i32
        %dma_start3A_392 = tpu.memref_slice %arg13[%dma_start3A_390, %dma_start3A_391] : memref<100000x16xf32, #tpu.memory_space<vmem_shared>> -> memref<100000x16xf32, #tpu.memory_space<vmem_shared>>
        tpu.enqueue_indirect_dma source(%dma_start3A_387 : memref<80x16xf32, #tpu.memory_space<vmem>>) target(%dma_start3A_392 : memref<100000x16xf32, #tpu.memory_space<vmem_shared>>) offsets(%dma_start3A_389 : memref<80xi32, #tpu.memory_space<vmem>>) semaphore(%arg16 : memref<!tpu.dma_semaphore, #tpu.memory_space<semaphore_mem>>) {add = true}
        %dma_start3A_393 = arith.constant 240 : i32
        %dma_start3A_394 = arith.constant 0 : i32
        %dma_start3A_395 = tpu.memref_slice %arg11[%dma_start3A_393, %dma_start3A_394] : memref<400x16xf32, #tpu.memory_space<vmem>> -> memref<80x16xf32, #tpu.memory_space<vmem>>
        %dma_start3A_396 = arith.constant 240 : i32
        %dma_start3A_397 = tpu.memref_slice %arg8[%dma_start3A_396] : memref<800xi32, #tpu.memory_space<vmem>> -> memref<80xi32, #tpu.memory_space<vmem>>
        %dma_start3A_398 = arith.constant 0 : i32
        %dma_start3A_399 = arith.constant 0 : i32
        %dma_start3A_400 = tpu.memref_slice %arg13[%dma_start3A_398, %dma_start3A_399] : memref<100000x16xf32, #tpu.memory_space<vmem_shared>> -> memref<100000x16xf32, #tpu.memory_space<vmem_shared>>
        tpu.enqueue_indirect_dma source(%dma_start3A_395 : memref<80x16xf32, #tpu.memory_space<vmem>>) target(%dma_start3A_400 : memref<100000x16xf32, #tpu.memory_space<vmem_shared>>) offsets(%dma_start3A_397 : memref<80xi32, #tpu.memory_space<vmem>>) semaphore(%arg16 : memref<!tpu.dma_semaphore, #tpu.memory_space<semaphore_mem>>) {add = true}
        %dma_start3A_401 = arith.constant 320 : i32
        %dma_start3A_402 = arith.constant 0 : i32
        %dma_start3A_403 = tpu.memref_slice %arg11[%dma_start3A_401, %dma_start3A_402] : memref<400x16xf32, #tpu.memory_space<vmem>> -> memref<80x16xf32, #tpu.memory_space<vmem>>
        %dma_start3A_404 = arith.constant 320 : i32
        %dma_start3A_405 = tpu.memref_slice %arg8[%dma_start3A_404] : memref<800xi32, #tpu.memory_space<vmem>> -> memref<80xi32, #tpu.memory_space<vmem>>
        %dma_start3A_406 = arith.constant 0 : i32
        %dma_start3A_407 = arith.constant 0 : i32
        %dma_start3A_408 = tpu.memref_slice %arg13[%dma_start3A_406, %dma_start3A_407] : memref<100000x16xf32, #tpu.memory_space<vmem_shared>> -> memref<100000x16xf32, #tpu.memory_space<vmem_shared>>
        tpu.enqueue_indirect_dma source(%dma_start3A_403 : memref<80x16xf32, #tpu.memory_space<vmem>>) target(%dma_start3A_408 : memref<100000x16xf32, #tpu.memory_space<vmem_shared>>) offsets(%dma_start3A_405 : memref<80xi32, #tpu.memory_space<vmem>>) semaphore(%arg16 : memref<!tpu.dma_semaphore, #tpu.memory_space<semaphore_mem>>) {add = true}
        %dma_wait3A_409 = arith.constant 0 : i32
        %dma_wait3A_410 = arith.constant 0 : i32
        %dma_wait3A_411 = tpu.memref_slice %arg12[%dma_wait3A_409, %dma_wait3A_410] : memref<400x16xf32, #tpu.memory_space<vmem>> -> memref<80x16xf32, #tpu.memory_space<vmem>>
        %dma_wait3A_412 = arith.constant 400 : i32
        %dma_wait3A_413 = tpu.memref_slice %arg7[%dma_wait3A_412] : memref<800xi32, #tpu.memory_space<vmem>> -> memref<80xi32, #tpu.memory_space<vmem>>
        %dma_wait3A_414 = arith.constant 0 : i32
        %dma_wait3A_415 = arith.constant 0 : i32
        %dma_wait3A_416 = tpu.memref_slice %arg2[%dma_wait3A_414, %dma_wait3A_415] : memref<102400x16xf32, #tpu.memory_space<hbm>> -> memref<102400x16xf32, #tpu.memory_space<hbm>>
        tpu.wait_indirect_dma semaphore(%arg15 : memref<!tpu.dma_semaphore, #tpu.memory_space<semaphore_mem>>) src(%dma_wait3A_416 : memref<102400x16xf32, #tpu.memory_space<hbm>>) dst(%dma_wait3A_411 : memref<80x16xf32, #tpu.memory_space<vmem>>)
        %dma_wait3A_417 = arith.constant 80 : i32
        %dma_wait3A_418 = arith.constant 0 : i32
        %dma_wait3A_419 = tpu.memref_slice %arg12[%dma_wait3A_417, %dma_wait3A_418] : memref<400x16xf32, #tpu.memory_space<vmem>> -> memref<80x16xf32, #tpu.memory_space<vmem>>
        %dma_wait3A_420 = arith.constant 480 : i32
        %dma_wait3A_421 = tpu.memref_slice %arg7[%dma_wait3A_420] : memref<800xi32, #tpu.memory_space<vmem>> -> memref<80xi32, #tpu.memory_space<vmem>>
        %dma_wait3A_422 = arith.constant 0 : i32
        %dma_wait3A_423 = arith.constant 0 : i32
        %dma_wait3A_424 = tpu.memref_slice %arg2[%dma_wait3A_422, %dma_wait3A_423] : memref<102400x16xf32, #tpu.memory_space<hbm>> -> memref<102400x16xf32, #tpu.memory_space<hbm>>
        tpu.wait_indirect_dma semaphore(%arg15 : memref<!tpu.dma_semaphore, #tpu.memory_space<semaphore_mem>>) src(%dma_wait3A_424 : memref<102400x16xf32, #tpu.memory_space<hbm>>) dst(%dma_wait3A_419 : memref<80x16xf32, #tpu.memory_space<vmem>>)
        %dma_wait3A_425 = arith.constant 160 : i32
        %dma_wait3A_426 = arith.constant 0 : i32
        %dma_wait3A_427 = tpu.memref_slice %arg12[%dma_wait3A_425, %dma_wait3A_426] : memref<400x16xf32, #tpu.memory_space<vmem>> -> memref<80x16xf32, #tpu.memory_space<vmem>>
        %dma_wait3A_428 = arith.constant 560 : i32
        %dma_wait3A_429 = tpu.memref_slice %arg7[%dma_wait3A_428] : memref<800xi32, #tpu.memory_space<vmem>> -> memref<80xi32, #tpu.memory_space<vmem>>
        %dma_wait3A_430 = arith.constant 0 : i32
        %dma_wait3A_431 = arith.constant 0 : i32
        %dma_wait3A_432 = tpu.memref_slice %arg2[%dma_wait3A_430, %dma_wait3A_431] : memref<102400x16xf32, #tpu.memory_space<hbm>> -> memref<102400x16xf32, #tpu.memory_space<hbm>>
        tpu.wait_indirect_dma semaphore(%arg15 : memref<!tpu.dma_semaphore, #tpu.memory_space<semaphore_mem>>) src(%dma_wait3A_432 : memref<102400x16xf32, #tpu.memory_space<hbm>>) dst(%dma_wait3A_427 : memref<80x16xf32, #tpu.memory_space<vmem>>)
        %dma_wait3A_433 = arith.constant 240 : i32
        %dma_wait3A_434 = arith.constant 0 : i32
        %dma_wait3A_435 = tpu.memref_slice %arg12[%dma_wait3A_433, %dma_wait3A_434] : memref<400x16xf32, #tpu.memory_space<vmem>> -> memref<80x16xf32, #tpu.memory_space<vmem>>
        %dma_wait3A_436 = arith.constant 640 : i32
        %dma_wait3A_437 = tpu.memref_slice %arg7[%dma_wait3A_436] : memref<800xi32, #tpu.memory_space<vmem>> -> memref<80xi32, #tpu.memory_space<vmem>>
        %dma_wait3A_438 = arith.constant 0 : i32
        %dma_wait3A_439 = arith.constant 0 : i32
        %dma_wait3A_440 = tpu.memref_slice %arg2[%dma_wait3A_438, %dma_wait3A_439] : memref<102400x16xf32, #tpu.memory_space<hbm>> -> memref<102400x16xf32, #tpu.memory_space<hbm>>
        tpu.wait_indirect_dma semaphore(%arg15 : memref<!tpu.dma_semaphore, #tpu.memory_space<semaphore_mem>>) src(%dma_wait3A_440 : memref<102400x16xf32, #tpu.memory_space<hbm>>) dst(%dma_wait3A_435 : memref<80x16xf32, #tpu.memory_space<vmem>>)
        %dma_wait3A_441 = arith.constant 320 : i32
        %dma_wait3A_442 = arith.constant 0 : i32
        %dma_wait3A_443 = tpu.memref_slice %arg12[%dma_wait3A_441, %dma_wait3A_442] : memref<400x16xf32, #tpu.memory_space<vmem>> -> memref<80x16xf32, #tpu.memory_space<vmem>>
        %dma_wait3A_444 = arith.constant 720 : i32
        %dma_wait3A_445 = tpu.memref_slice %arg7[%dma_wait3A_444] : memref<800xi32, #tpu.memory_space<vmem>> -> memref<80xi32, #tpu.memory_space<vmem>>
        %dma_wait3A_446 = arith.constant 0 : i32
        %dma_wait3A_447 = arith.constant 0 : i32
        %dma_wait3A_448 = tpu.memref_slice %arg2[%dma_wait3A_446, %dma_wait3A_447] : memref<102400x16xf32, #tpu.memory_space<hbm>> -> memref<102400x16xf32, #tpu.memory_space<hbm>>
        tpu.wait_indirect_dma semaphore(%arg15 : memref<!tpu.dma_semaphore, #tpu.memory_space<semaphore_mem>>) src(%dma_wait3A_448 : memref<102400x16xf32, #tpu.memory_space<hbm>>) dst(%dma_wait3A_443 : memref<80x16xf32, #tpu.memory_space<vmem>>)
        %dma_start3A_449 = arith.constant 0 : i32
        %dma_start3A_450 = arith.constant 0 : i32
        %dma_start3A_451 = tpu.memref_slice %arg12[%dma_start3A_449, %dma_start3A_450] : memref<400x16xf32, #tpu.memory_space<vmem>> -> memref<80x16xf32, #tpu.memory_space<vmem>>
        %dma_start3A_452 = arith.constant 400 : i32
        %dma_start3A_453 = tpu.memref_slice %arg8[%dma_start3A_452] : memref<800xi32, #tpu.memory_space<vmem>> -> memref<80xi32, #tpu.memory_space<vmem>>
        %dma_start3A_454 = arith.constant 0 : i32
        %dma_start3A_455 = arith.constant 0 : i32
        %dma_start3A_456 = tpu.memref_slice %arg13[%dma_start3A_454, %dma_start3A_455] : memref<100000x16xf32, #tpu.memory_space<vmem_shared>> -> memref<100000x16xf32, #tpu.memory_space<vmem_shared>>
        tpu.enqueue_indirect_dma source(%dma_start3A_451 : memref<80x16xf32, #tpu.memory_space<vmem>>) target(%dma_start3A_456 : memref<100000x16xf32, #tpu.memory_space<vmem_shared>>) offsets(%dma_start3A_453 : memref<80xi32, #tpu.memory_space<vmem>>) semaphore(%arg17 : memref<!tpu.dma_semaphore, #tpu.memory_space<semaphore_mem>>) {add = true}
        %dma_start3A_457 = arith.constant 80 : i32
        %dma_start3A_458 = arith.constant 0 : i32
        %dma_start3A_459 = tpu.memref_slice %arg12[%dma_start3A_457, %dma_start3A_458] : memref<400x16xf32, #tpu.memory_space<vmem>> -> memref<80x16xf32, #tpu.memory_space<vmem>>
        %dma_start3A_460 = arith.constant 480 : i32
        %dma_start3A_461 = tpu.memref_slice %arg8[%dma_start3A_460] : memref<800xi32, #tpu.memory_space<vmem>> -> memref<80xi32, #tpu.memory_space<vmem>>
        %dma_start3A_462 = arith.constant 0 : i32
        %dma_start3A_463 = arith.constant 0 : i32
        %dma_start3A_464 = tpu.memref_slice %arg13[%dma_start3A_462, %dma_start3A_463] : memref<100000x16xf32, #tpu.memory_space<vmem_shared>> -> memref<100000x16xf32, #tpu.memory_space<vmem_shared>>
        tpu.enqueue_indirect_dma source(%dma_start3A_459 : memref<80x16xf32, #tpu.memory_space<vmem>>) target(%dma_start3A_464 : memref<100000x16xf32, #tpu.memory_space<vmem_shared>>) offsets(%dma_start3A_461 : memref<80xi32, #tpu.memory_space<vmem>>) semaphore(%arg17 : memref<!tpu.dma_semaphore, #tpu.memory_space<semaphore_mem>>) {add = true}
        %dma_start3A_465 = arith.constant 160 : i32
        %dma_start3A_466 = arith.constant 0 : i32
        %dma_start3A_467 = tpu.memref_slice %arg12[%dma_start3A_465, %dma_start3A_466] : memref<400x16xf32, #tpu.memory_space<vmem>> -> memref<80x16xf32, #tpu.memory_space<vmem>>
        %dma_start3A_468 = arith.constant 560 : i32
        %dma_start3A_469 = tpu.memref_slice %arg8[%dma_start3A_468] : memref<800xi32, #tpu.memory_space<vmem>> -> memref<80xi32, #tpu.memory_space<vmem>>
        %dma_start3A_470 = arith.constant 0 : i32
        %dma_start3A_471 = arith.constant 0 : i32
        %dma_start3A_472 = tpu.memref_slice %arg13[%dma_start3A_470, %dma_start3A_471] : memref<100000x16xf32, #tpu.memory_space<vmem_shared>> -> memref<100000x16xf32, #tpu.memory_space<vmem_shared>>
        tpu.enqueue_indirect_dma source(%dma_start3A_467 : memref<80x16xf32, #tpu.memory_space<vmem>>) target(%dma_start3A_472 : memref<100000x16xf32, #tpu.memory_space<vmem_shared>>) offsets(%dma_start3A_469 : memref<80xi32, #tpu.memory_space<vmem>>) semaphore(%arg17 : memref<!tpu.dma_semaphore, #tpu.memory_space<semaphore_mem>>) {add = true}
        %dma_start3A_473 = arith.constant 240 : i32
        %dma_start3A_474 = arith.constant 0 : i32
        %dma_start3A_475 = tpu.memref_slice %arg12[%dma_start3A_473, %dma_start3A_474] : memref<400x16xf32, #tpu.memory_space<vmem>> -> memref<80x16xf32, #tpu.memory_space<vmem>>
        %dma_start3A_476 = arith.constant 640 : i32
        %dma_start3A_477 = tpu.memref_slice %arg8[%dma_start3A_476] : memref<800xi32, #tpu.memory_space<vmem>> -> memref<80xi32, #tpu.memory_space<vmem>>
        %dma_start3A_478 = arith.constant 0 : i32
        %dma_start3A_479 = arith.constant 0 : i32
        %dma_start3A_480 = tpu.memref_slice %arg13[%dma_start3A_478, %dma_start3A_479] : memref<100000x16xf32, #tpu.memory_space<vmem_shared>> -> memref<100000x16xf32, #tpu.memory_space<vmem_shared>>
        tpu.enqueue_indirect_dma source(%dma_start3A_475 : memref<80x16xf32, #tpu.memory_space<vmem>>) target(%dma_start3A_480 : memref<100000x16xf32, #tpu.memory_space<vmem_shared>>) offsets(%dma_start3A_477 : memref<80xi32, #tpu.memory_space<vmem>>) semaphore(%arg17 : memref<!tpu.dma_semaphore, #tpu.memory_space<semaphore_mem>>) {add = true}
        %dma_start3A_481 = arith.constant 320 : i32
        %dma_start3A_482 = arith.constant 0 : i32
        %dma_start3A_483 = tpu.memref_slice %arg12[%dma_start3A_481, %dma_start3A_482] : memref<400x16xf32, #tpu.memory_space<vmem>> -> memref<80x16xf32, #tpu.memory_space<vmem>>
        %dma_start3A_484 = arith.constant 720 : i32
        %dma_start3A_485 = tpu.memref_slice %arg8[%dma_start3A_484] : memref<800xi32, #tpu.memory_space<vmem>> -> memref<80xi32, #tpu.memory_space<vmem>>
        %dma_start3A_486 = arith.constant 0 : i32
        %dma_start3A_487 = arith.constant 0 : i32
        %dma_start3A_488 = tpu.memref_slice %arg13[%dma_start3A_486, %dma_start3A_487] : memref<100000x16xf32, #tpu.memory_space<vmem_shared>> -> memref<100000x16xf32, #tpu.memory_space<vmem_shared>>
        tpu.enqueue_indirect_dma source(%dma_start3A_483 : memref<80x16xf32, #tpu.memory_space<vmem>>) target(%dma_start3A_488 : memref<100000x16xf32, #tpu.memory_space<vmem_shared>>) offsets(%dma_start3A_485 : memref<80xi32, #tpu.memory_space<vmem>>) semaphore(%arg17 : memref<!tpu.dma_semaphore, #tpu.memory_space<semaphore_mem>>) {add = true}
        %dma_wait3A_489 = arith.constant 0 : i32
        %dma_wait3A_490 = arith.constant 0 : i32
        %dma_wait3A_491 = tpu.memref_slice %arg11[%dma_wait3A_489, %dma_wait3A_490] : memref<400x16xf32, #tpu.memory_space<vmem>> -> memref<80x16xf32, #tpu.memory_space<vmem>>
        %dma_wait3A_492 = arith.constant 0 : i32
        %dma_wait3A_493 = tpu.memref_slice %arg8[%dma_wait3A_492] : memref<800xi32, #tpu.memory_space<vmem>> -> memref<80xi32, #tpu.memory_space<vmem>>
        %dma_wait3A_494 = arith.constant 0 : i32
        %dma_wait3A_495 = arith.constant 0 : i32
        %dma_wait3A_496 = tpu.memref_slice %arg13[%dma_wait3A_494, %dma_wait3A_495] : memref<100000x16xf32, #tpu.memory_space<vmem_shared>> -> memref<100000x16xf32, #tpu.memory_space<vmem_shared>>
        tpu.wait_indirect_dma semaphore(%arg16 : memref<!tpu.dma_semaphore, #tpu.memory_space<semaphore_mem>>) src(%dma_wait3A_491 : memref<80x16xf32, #tpu.memory_space<vmem>>) dst(%dma_wait3A_496 : memref<100000x16xf32, #tpu.memory_space<vmem_shared>>)
        %dma_wait3A_497 = arith.constant 80 : i32
        %dma_wait3A_498 = arith.constant 0 : i32
        %dma_wait3A_499 = tpu.memref_slice %arg11[%dma_wait3A_497, %dma_wait3A_498] : memref<400x16xf32, #tpu.memory_space<vmem>> -> memref<80x16xf32, #tpu.memory_space<vmem>>
        %dma_wait3A_500 = arith.constant 80 : i32
        %dma_wait3A_501 = tpu.memref_slice %arg8[%dma_wait3A_500] : memref<800xi32, #tpu.memory_space<vmem>> -> memref<80xi32, #tpu.memory_space<vmem>>
        %dma_wait3A_502 = arith.constant 0 : i32
        %dma_wait3A_503 = arith.constant 0 : i32
        %dma_wait3A_504 = tpu.memref_slice %arg13[%dma_wait3A_502, %dma_wait3A_503] : memref<100000x16xf32, #tpu.memory_space<vmem_shared>> -> memref<100000x16xf32, #tpu.memory_space<vmem_shared>>
        tpu.wait_indirect_dma semaphore(%arg16 : memref<!tpu.dma_semaphore, #tpu.memory_space<semaphore_mem>>) src(%dma_wait3A_499 : memref<80x16xf32, #tpu.memory_space<vmem>>) dst(%dma_wait3A_504 : memref<100000x16xf32, #tpu.memory_space<vmem_shared>>)
        %dma_wait3A_505 = arith.constant 160 : i32
        %dma_wait3A_506 = arith.constant 0 : i32
        %dma_wait3A_507 = tpu.memref_slice %arg11[%dma_wait3A_505, %dma_wait3A_506] : memref<400x16xf32, #tpu.memory_space<vmem>> -> memref<80x16xf32, #tpu.memory_space<vmem>>
        %dma_wait3A_508 = arith.constant 160 : i32
        %dma_wait3A_509 = tpu.memref_slice %arg8[%dma_wait3A_508] : memref<800xi32, #tpu.memory_space<vmem>> -> memref<80xi32, #tpu.memory_space<vmem>>
        %dma_wait3A_510 = arith.constant 0 : i32
        %dma_wait3A_511 = arith.constant 0 : i32
        %dma_wait3A_512 = tpu.memref_slice %arg13[%dma_wait3A_510, %dma_wait3A_511] : memref<100000x16xf32, #tpu.memory_space<vmem_shared>> -> memref<100000x16xf32, #tpu.memory_space<vmem_shared>>
        tpu.wait_indirect_dma semaphore(%arg16 : memref<!tpu.dma_semaphore, #tpu.memory_space<semaphore_mem>>) src(%dma_wait3A_507 : memref<80x16xf32, #tpu.memory_space<vmem>>) dst(%dma_wait3A_512 : memref<100000x16xf32, #tpu.memory_space<vmem_shared>>)
        %dma_wait3A_513 = arith.constant 240 : i32
        %dma_wait3A_514 = arith.constant 0 : i32
        %dma_wait3A_515 = tpu.memref_slice %arg11[%dma_wait3A_513, %dma_wait3A_514] : memref<400x16xf32, #tpu.memory_space<vmem>> -> memref<80x16xf32, #tpu.memory_space<vmem>>
        %dma_wait3A_516 = arith.constant 240 : i32
        %dma_wait3A_517 = tpu.memref_slice %arg8[%dma_wait3A_516] : memref<800xi32, #tpu.memory_space<vmem>> -> memref<80xi32, #tpu.memory_space<vmem>>
        %dma_wait3A_518 = arith.constant 0 : i32
        %dma_wait3A_519 = arith.constant 0 : i32
        %dma_wait3A_520 = tpu.memref_slice %arg13[%dma_wait3A_518, %dma_wait3A_519] : memref<100000x16xf32, #tpu.memory_space<vmem_shared>> -> memref<100000x16xf32, #tpu.memory_space<vmem_shared>>
        tpu.wait_indirect_dma semaphore(%arg16 : memref<!tpu.dma_semaphore, #tpu.memory_space<semaphore_mem>>) src(%dma_wait3A_515 : memref<80x16xf32, #tpu.memory_space<vmem>>) dst(%dma_wait3A_520 : memref<100000x16xf32, #tpu.memory_space<vmem_shared>>)
        %dma_wait3A_521 = arith.constant 320 : i32
        %dma_wait3A_522 = arith.constant 0 : i32
        %dma_wait3A_523 = tpu.memref_slice %arg11[%dma_wait3A_521, %dma_wait3A_522] : memref<400x16xf32, #tpu.memory_space<vmem>> -> memref<80x16xf32, #tpu.memory_space<vmem>>
        %dma_wait3A_524 = arith.constant 320 : i32
        %dma_wait3A_525 = tpu.memref_slice %arg8[%dma_wait3A_524] : memref<800xi32, #tpu.memory_space<vmem>> -> memref<80xi32, #tpu.memory_space<vmem>>
        %dma_wait3A_526 = arith.constant 0 : i32
        %dma_wait3A_527 = arith.constant 0 : i32
        %dma_wait3A_528 = tpu.memref_slice %arg13[%dma_wait3A_526, %dma_wait3A_527] : memref<100000x16xf32, #tpu.memory_space<vmem_shared>> -> memref<100000x16xf32, #tpu.memory_space<vmem_shared>>
        tpu.wait_indirect_dma semaphore(%arg16 : memref<!tpu.dma_semaphore, #tpu.memory_space<semaphore_mem>>) src(%dma_wait3A_523 : memref<80x16xf32, #tpu.memory_space<vmem>>) dst(%dma_wait3A_528 : memref<100000x16xf32, #tpu.memory_space<vmem_shared>>)
        %dma_wait3A_529 = arith.constant 0 : i32
        %dma_wait3A_530 = tpu.memref_slice %arg4[%dma_wait3A_529] : memref<3200000xi32, #tpu.memory_space<hbm>> -> memref<800xi32, #tpu.memory_space<hbm>>
        %dma_wait3A_531 = arith.constant 0 : i32
        %dma_wait3A_532 = tpu.memref_slice %arg4[%dma_wait3A_531] : memref<3200000xi32, #tpu.memory_space<hbm>> -> memref<800xi32, #tpu.memory_space<hbm>>
        tpu.wait_dma2 semaphore(%arg18 : memref<!tpu.dma_semaphore, #tpu.memory_space<semaphore_mem>>) src(%dma_wait3A_532 : memref<800xi32, #tpu.memory_space<hbm>>) dst(%arg9 : memref<800xi32, #tpu.memory_space<vmem>>)
        %dma_wait3A_533 = arith.constant 0 : i32
        %dma_wait3A_534 = tpu.memref_slice %arg5[%dma_wait3A_533] : memref<3200000xi32, #tpu.memory_space<hbm>> -> memref<800xi32, #tpu.memory_space<hbm>>
        %dma_wait3A_535 = arith.constant 0 : i32
        %dma_wait3A_536 = tpu.memref_slice %arg5[%dma_wait3A_535] : memref<3200000xi32, #tpu.memory_space<hbm>> -> memref<800xi32, #tpu.memory_space<hbm>>
        tpu.wait_dma2 semaphore(%arg18 : memref<!tpu.dma_semaphore, #tpu.memory_space<semaphore_mem>>) src(%dma_wait3A_536 : memref<800xi32, #tpu.memory_space<hbm>>) dst(%arg10 : memref<800xi32, #tpu.memory_space<vmem>>)
        %dma_start3A_537 = arith.constant 0 : i32
        %dma_start3A_538 = arith.constant 0 : i32
        %dma_start3A_539 = tpu.memref_slice %arg11[%dma_start3A_537, %dma_start3A_538] : memref<400x16xf32, #tpu.memory_space<vmem>> -> memref<80x16xf32, #tpu.memory_space<vmem>>
        %dma_start3A_540 = arith.constant 0 : i32
        %dma_start3A_541 = tpu.memref_slice %arg9[%dma_start3A_540] : memref<800xi32, #tpu.memory_space<vmem>> -> memref<80xi32, #tpu.memory_space<vmem>>
        %dma_start3A_542 = arith.constant 0 : i32
        %dma_start3A_543 = arith.constant 0 : i32
        %dma_start3A_544 = tpu.memref_slice %arg2[%dma_start3A_542, %dma_start3A_543] : memref<102400x16xf32, #tpu.memory_space<hbm>> -> memref<102400x16xf32, #tpu.memory_space<hbm>>
        tpu.enqueue_indirect_dma source(%dma_start3A_544 : memref<102400x16xf32, #tpu.memory_space<hbm>>) target(%dma_start3A_539 : memref<80x16xf32, #tpu.memory_space<vmem>>) offsets(%dma_start3A_541 : memref<80xi32, #tpu.memory_space<vmem>>) semaphore(%arg14 : memref<!tpu.dma_semaphore, #tpu.memory_space<semaphore_mem>>)
        %dma_start3A_545 = arith.constant 80 : i32
        %dma_start3A_546 = arith.constant 0 : i32
        %dma_start3A_547 = tpu.memref_slice %arg11[%dma_start3A_545, %dma_start3A_546] : memref<400x16xf32, #tpu.memory_space<vmem>> -> memref<80x16xf32, #tpu.memory_space<vmem>>
        %dma_start3A_548 = arith.constant 80 : i32
        %dma_start3A_549 = tpu.memref_slice %arg9[%dma_start3A_548] : memref<800xi32, #tpu.memory_space<vmem>> -> memref<80xi32, #tpu.memory_space<vmem>>
        %dma_start3A_550 = arith.constant 0 : i32
        %dma_start3A_551 = arith.constant 0 : i32
        %dma_start3A_552 = tpu.memref_slice %arg2[%dma_start3A_550, %dma_start3A_551] : memref<102400x16xf32, #tpu.memory_space<hbm>> -> memref<102400x16xf32, #tpu.memory_space<hbm>>
        tpu.enqueue_indirect_dma source(%dma_start3A_552 : memref<102400x16xf32, #tpu.memory_space<hbm>>) target(%dma_start3A_547 : memref<80x16xf32, #tpu.memory_space<vmem>>) offsets(%dma_start3A_549 : memref<80xi32, #tpu.memory_space<vmem>>) semaphore(%arg14 : memref<!tpu.dma_semaphore, #tpu.memory_space<semaphore_mem>>)
        %dma_start3A_553 = arith.constant 160 : i32
        %dma_start3A_554 = arith.constant 0 : i32
        %dma_start3A_555 = tpu.memref_slice %arg11[%dma_start3A_553, %dma_start3A_554] : memref<400x16xf32, #tpu.memory_space<vmem>> -> memref<80x16xf32, #tpu.memory_space<vmem>>
        %dma_start3A_556 = arith.constant 160 : i32
        %dma_start3A_557 = tpu.memref_slice %arg9[%dma_start3A_556] : memref<800xi32, #tpu.memory_space<vmem>> -> memref<80xi32, #tpu.memory_space<vmem>>
        %dma_start3A_558 = arith.constant 0 : i32
        %dma_start3A_559 = arith.constant 0 : i32
        %dma_start3A_560 = tpu.memref_slice %arg2[%dma_start3A_558, %dma_start3A_559] : memref<102400x16xf32, #tpu.memory_space<hbm>> -> memref<102400x16xf32, #tpu.memory_space<hbm>>
        tpu.enqueue_indirect_dma source(%dma_start3A_560 : memref<102400x16xf32, #tpu.memory_space<hbm>>) target(%dma_start3A_555 : memref<80x16xf32, #tpu.memory_space<vmem>>) offsets(%dma_start3A_557 : memref<80xi32, #tpu.memory_space<vmem>>) semaphore(%arg14 : memref<!tpu.dma_semaphore, #tpu.memory_space<semaphore_mem>>)
        %dma_start3A_561 = arith.constant 240 : i32
        %dma_start3A_562 = arith.constant 0 : i32
        %dma_start3A_563 = tpu.memref_slice %arg11[%dma_start3A_561, %dma_start3A_562] : memref<400x16xf32, #tpu.memory_space<vmem>> -> memref<80x16xf32, #tpu.memory_space<vmem>>
        %dma_start3A_564 = arith.constant 240 : i32
        %dma_start3A_565 = tpu.memref_slice %arg9[%dma_start3A_564] : memref<800xi32, #tpu.memory_space<vmem>> -> memref<80xi32, #tpu.memory_space<vmem>>
        %dma_start3A_566 = arith.constant 0 : i32
        %dma_start3A_567 = arith.constant 0 : i32
        %dma_start3A_568 = tpu.memref_slice %arg2[%dma_start3A_566, %dma_start3A_567] : memref<102400x16xf32, #tpu.memory_space<hbm>> -> memref<102400x16xf32, #tpu.memory_space<hbm>>
        tpu.enqueue_indirect_dma source(%dma_start3A_568 : memref<102400x16xf32, #tpu.memory_space<hbm>>) target(%dma_start3A_563 : memref<80x16xf32, #tpu.memory_space<vmem>>) offsets(%dma_start3A_565 : memref<80xi32, #tpu.memory_space<vmem>>) semaphore(%arg14 : memref<!tpu.dma_semaphore, #tpu.memory_space<semaphore_mem>>)
        %dma_start3A_569 = arith.constant 320 : i32
        %dma_start3A_570 = arith.constant 0 : i32
        %dma_start3A_571 = tpu.memref_slice %arg11[%dma_start3A_569, %dma_start3A_570] : memref<400x16xf32, #tpu.memory_space<vmem>> -> memref<80x16xf32, #tpu.memory_space<vmem>>
        %dma_start3A_572 = arith.constant 320 : i32
        %dma_start3A_573 = tpu.memref_slice %arg9[%dma_start3A_572] : memref<800xi32, #tpu.memory_space<vmem>> -> memref<80xi32, #tpu.memory_space<vmem>>
        %dma_start3A_574 = arith.constant 0 : i32
        %dma_start3A_575 = arith.constant 0 : i32
        %dma_start3A_576 = tpu.memref_slice %arg2[%dma_start3A_574, %dma_start3A_575] : memref<102400x16xf32, #tpu.memory_space<hbm>> -> memref<102400x16xf32, #tpu.memory_space<hbm>>
        tpu.enqueue_indirect_dma source(%dma_start3A_576 : memref<102400x16xf32, #tpu.memory_space<hbm>>) target(%dma_start3A_571 : memref<80x16xf32, #tpu.memory_space<vmem>>) offsets(%dma_start3A_573 : memref<80xi32, #tpu.memory_space<vmem>>) semaphore(%arg14 : memref<!tpu.dma_semaphore, #tpu.memory_space<semaphore_mem>>)
        %mul3A_577 = arith.constant 2 : i32
        %mul3A_578 = arith.muli %mul3A_577, %scan3A_232 : i32
        %add3A_579 = arith.constant 1 : i32
        %add3A_580 = arith.addi %mul3A_578, %add3A_579 : i32
        %add3A_581 = arith.constant 1 : i32
        %add3A_582 = arith.addi %add3A_580, %add3A_581 : i32
        %rem3A_583 = arith.constant 250 : i32
        %rem3A_584 = arith.remsi %add3A_582, %rem3A_583 : i32
        %dma_wait3A_585 = arith.constant 0 : i32
        %dma_wait3A_586 = arith.constant 0 : i32
        %dma_wait3A_587 = tpu.memref_slice %arg12[%dma_wait3A_585, %dma_wait3A_586] : memref<400x16xf32, #tpu.memory_space<vmem>> -> memref<80x16xf32, #tpu.memory_space<vmem>>
        %dma_wait3A_588 = arith.constant 400 : i32
        %dma_wait3A_589 = tpu.memref_slice %arg10[%dma_wait3A_588] : memref<800xi32, #tpu.memory_space<vmem>> -> memref<80xi32, #tpu.memory_space<vmem>>
        %dma_wait3A_590 = arith.constant 0 : i32
        %dma_wait3A_591 = arith.constant 0 : i32
        %dma_wait3A_592 = tpu.memref_slice %arg13[%dma_wait3A_590, %dma_wait3A_591] : memref<100000x16xf32, #tpu.memory_space<vmem_shared>> -> memref<100000x16xf32, #tpu.memory_space<vmem_shared>>
        tpu.wait_indirect_dma semaphore(%arg17 : memref<!tpu.dma_semaphore, #tpu.memory_space<semaphore_mem>>) src(%dma_wait3A_587 : memref<80x16xf32, #tpu.memory_space<vmem>>) dst(%dma_wait3A_592 : memref<100000x16xf32, #tpu.memory_space<vmem_shared>>)
        %dma_wait3A_593 = arith.constant 80 : i32
        %dma_wait3A_594 = arith.constant 0 : i32
        %dma_wait3A_595 = tpu.memref_slice %arg12[%dma_wait3A_593, %dma_wait3A_594] : memref<400x16xf32, #tpu.memory_space<vmem>> -> memref<80x16xf32, #tpu.memory_space<vmem>>
        %dma_wait3A_596 = arith.constant 480 : i32
        %dma_wait3A_597 = tpu.memref_slice %arg10[%dma_wait3A_596] : memref<800xi32, #tpu.memory_space<vmem>> -> memref<80xi32, #tpu.memory_space<vmem>>
        %dma_wait3A_598 = arith.constant 0 : i32
        %dma_wait3A_599 = arith.constant 0 : i32
        %dma_wait3A_600 = tpu.memref_slice %arg13[%dma_wait3A_598, %dma_wait3A_599] : memref<100000x16xf32, #tpu.memory_space<vmem_shared>> -> memref<100000x16xf32, #tpu.memory_space<vmem_shared>>
        tpu.wait_indirect_dma semaphore(%arg17 : memref<!tpu.dma_semaphore, #tpu.memory_space<semaphore_mem>>) src(%dma_wait3A_595 : memref<80x16xf32, #tpu.memory_space<vmem>>) dst(%dma_wait3A_600 : memref<100000x16xf32, #tpu.memory_space<vmem_shared>>)
        %dma_wait3A_601 = arith.constant 160 : i32
        %dma_wait3A_602 = arith.constant 0 : i32
        %dma_wait3A_603 = tpu.memref_slice %arg12[%dma_wait3A_601, %dma_wait3A_602] : memref<400x16xf32, #tpu.memory_space<vmem>> -> memref<80x16xf32, #tpu.memory_space<vmem>>
        %dma_wait3A_604 = arith.constant 560 : i32
        %dma_wait3A_605 = tpu.memref_slice %arg10[%dma_wait3A_604] : memref<800xi32, #tpu.memory_space<vmem>> -> memref<80xi32, #tpu.memory_space<vmem>>
        %dma_wait3A_606 = arith.constant 0 : i32
        %dma_wait3A_607 = arith.constant 0 : i32
        %dma_wait3A_608 = tpu.memref_slice %arg13[%dma_wait3A_606, %dma_wait3A_607] : memref<100000x16xf32, #tpu.memory_space<vmem_shared>> -> memref<100000x16xf32, #tpu.memory_space<vmem_shared>>
        tpu.wait_indirect_dma semaphore(%arg17 : memref<!tpu.dma_semaphore, #tpu.memory_space<semaphore_mem>>) src(%dma_wait3A_603 : memref<80x16xf32, #tpu.memory_space<vmem>>) dst(%dma_wait3A_608 : memref<100000x16xf32, #tpu.memory_space<vmem_shared>>)
        %dma_wait3A_609 = arith.constant 240 : i32
        %dma_wait3A_610 = arith.constant 0 : i32
        %dma_wait3A_611 = tpu.memref_slice %arg12[%dma_wait3A_609, %dma_wait3A_610] : memref<400x16xf32, #tpu.memory_space<vmem>> -> memref<80x16xf32, #tpu.memory_space<vmem>>
        %dma_wait3A_612 = arith.constant 640 : i32
        %dma_wait3A_613 = tpu.memref_slice %arg10[%dma_wait3A_612] : memref<800xi32, #tpu.memory_space<vmem>> -> memref<80xi32, #tpu.memory_space<vmem>>
        %dma_wait3A_614 = arith.constant 0 : i32
        %dma_wait3A_615 = arith.constant 0 : i32
        %dma_wait3A_616 = tpu.memref_slice %arg13[%dma_wait3A_614, %dma_wait3A_615] : memref<100000x16xf32, #tpu.memory_space<vmem_shared>> -> memref<100000x16xf32, #tpu.memory_space<vmem_shared>>
        tpu.wait_indirect_dma semaphore(%arg17 : memref<!tpu.dma_semaphore, #tpu.memory_space<semaphore_mem>>) src(%dma_wait3A_611 : memref<80x16xf32, #tpu.memory_space<vmem>>) dst(%dma_wait3A_616 : memref<100000x16xf32, #tpu.memory_space<vmem_shared>>)
        %dma_wait3A_617 = arith.constant 320 : i32
        %dma_wait3A_618 = arith.constant 0 : i32
        %dma_wait3A_619 = tpu.memref_slice %arg12[%dma_wait3A_617, %dma_wait3A_618] : memref<400x16xf32, #tpu.memory_space<vmem>> -> memref<80x16xf32, #tpu.memory_space<vmem>>
        %dma_wait3A_620 = arith.constant 720 : i32
        %dma_wait3A_621 = tpu.memref_slice %arg10[%dma_wait3A_620] : memref<800xi32, #tpu.memory_space<vmem>> -> memref<80xi32, #tpu.memory_space<vmem>>
        %dma_wait3A_622 = arith.constant 0 : i32
        %dma_wait3A_623 = arith.constant 0 : i32
        %dma_wait3A_624 = tpu.memref_slice %arg13[%dma_wait3A_622, %dma_wait3A_623] : memref<100000x16xf32, #tpu.memory_space<vmem_shared>> -> memref<100000x16xf32, #tpu.memory_space<vmem_shared>>
        tpu.wait_indirect_dma semaphore(%arg17 : memref<!tpu.dma_semaphore, #tpu.memory_space<semaphore_mem>>) src(%dma_wait3A_619 : memref<80x16xf32, #tpu.memory_space<vmem>>) dst(%dma_wait3A_624 : memref<100000x16xf32, #tpu.memory_space<vmem_shared>>)
        %mul3A_625 = arith.constant 500 : i32
        %mul3A_626 = arith.muli %arg1, %mul3A_625 : i32
        %mul3A_627 = arith.constant 2 : i32
        %mul3A_628 = arith.muli %mul3A_627, %rem3A_584 : i32
        %add3A_629 = arith.addi %mul3A_626, %mul3A_628 : i32
        %mul3A_630 = arith.constant 400 : i32
        %mul3A_631 = arith.muli %add3A_629, %mul3A_630 : i32
        %dma_start3A_632 = tpu.memref_slice %arg4[%mul3A_631] : memref<3200000xi32, #tpu.memory_space<hbm>> -> memref<800xi32, #tpu.memory_space<hbm>>
        %dma_start3A_633 = tpu.memref_slice %arg4[%mul3A_631] : memref<3200000xi32, #tpu.memory_space<hbm>> -> memref<800xi32, #tpu.memory_space<hbm>>
        tpu.enqueue_dma source(%dma_start3A_633 : memref<800xi32, #tpu.memory_space<hbm>>) target(%arg7 : memref<800xi32, #tpu.memory_space<vmem>>) target_semaphore(%arg18 : memref<!tpu.dma_semaphore, #tpu.memory_space<semaphore_mem>>)
        %dma_start3A_634 = tpu.memref_slice %arg5[%mul3A_631] : memref<3200000xi32, #tpu.memory_space<hbm>> -> memref<800xi32, #tpu.memory_space<hbm>>
        %dma_start3A_635 = tpu.memref_slice %arg5[%mul3A_631] : memref<3200000xi32, #tpu.memory_space<hbm>> -> memref<800xi32, #tpu.memory_space<hbm>>
        tpu.enqueue_dma source(%dma_start3A_635 : memref<800xi32, #tpu.memory_space<hbm>>) target(%arg8 : memref<800xi32, #tpu.memory_space<vmem>>) target_semaphore(%arg18 : memref<!tpu.dma_semaphore, #tpu.memory_space<semaphore_mem>>)
        %dma_start3A_636 = arith.constant 0 : i32
        %dma_start3A_637 = arith.constant 0 : i32
        %dma_start3A_638 = tpu.memref_slice %arg12[%dma_start3A_636, %dma_start3A_637] : memref<400x16xf32, #tpu.memory_space<vmem>> -> memref<80x16xf32, #tpu.memory_space<vmem>>
        %dma_start3A_639 = arith.constant 400 : i32
        %dma_start3A_640 = tpu.memref_slice %arg9[%dma_start3A_639] : memref<800xi32, #tpu.memory_space<vmem>> -> memref<80xi32, #tpu.memory_space<vmem>>
        %dma_start3A_641 = arith.constant 0 : i32
        %dma_start3A_642 = arith.constant 0 : i32
        %dma_start3A_643 = tpu.memref_slice %arg2[%dma_start3A_641, %dma_start3A_642] : memref<102400x16xf32, #tpu.memory_space<hbm>> -> memref<102400x16xf32, #tpu.memory_space<hbm>>
        tpu.enqueue_indirect_dma source(%dma_start3A_643 : memref<102400x16xf32, #tpu.memory_space<hbm>>) target(%dma_start3A_638 : memref<80x16xf32, #tpu.memory_space<vmem>>) offsets(%dma_start3A_640 : memref<80xi32, #tpu.memory_space<vmem>>) semaphore(%arg15 : memref<!tpu.dma_semaphore, #tpu.memory_space<semaphore_mem>>)
        %dma_start3A_644 = arith.constant 80 : i32
        %dma_start3A_645 = arith.constant 0 : i32
        %dma_start3A_646 = tpu.memref_slice %arg12[%dma_start3A_644, %dma_start3A_645] : memref<400x16xf32, #tpu.memory_space<vmem>> -> memref<80x16xf32, #tpu.memory_space<vmem>>
        %dma_start3A_647 = arith.constant 480 : i32
        %dma_start3A_648 = tpu.memref_slice %arg9[%dma_start3A_647] : memref<800xi32, #tpu.memory_space<vmem>> -> memref<80xi32, #tpu.memory_space<vmem>>
        %dma_start3A_649 = arith.constant 0 : i32
        %dma_start3A_650 = arith.constant 0 : i32
        %dma_start3A_651 = tpu.memref_slice %arg2[%dma_start3A_649, %dma_start3A_650] : memref<102400x16xf32, #tpu.memory_space<hbm>> -> memref<102400x16xf32, #tpu.memory_space<hbm>>
        tpu.enqueue_indirect_dma source(%dma_start3A_651 : memref<102400x16xf32, #tpu.memory_space<hbm>>) target(%dma_start3A_646 : memref<80x16xf32, #tpu.memory_space<vmem>>) offsets(%dma_start3A_648 : memref<80xi32, #tpu.memory_space<vmem>>) semaphore(%arg15 : memref<!tpu.dma_semaphore, #tpu.memory_space<semaphore_mem>>)
        %dma_start3A_652 = arith.constant 160 : i32
        %dma_start3A_653 = arith.constant 0 : i32
        %dma_start3A_654 = tpu.memref_slice %arg12[%dma_start3A_652, %dma_start3A_653] : memref<400x16xf32, #tpu.memory_space<vmem>> -> memref<80x16xf32, #tpu.memory_space<vmem>>
        %dma_start3A_655 = arith.constant 560 : i32
        %dma_start3A_656 = tpu.memref_slice %arg9[%dma_start3A_655] : memref<800xi32, #tpu.memory_space<vmem>> -> memref<80xi32, #tpu.memory_space<vmem>>
        %dma_start3A_657 = arith.constant 0 : i32
        %dma_start3A_658 = arith.constant 0 : i32
        %dma_start3A_659 = tpu.memref_slice %arg2[%dma_start3A_657, %dma_start3A_658] : memref<102400x16xf32, #tpu.memory_space<hbm>> -> memref<102400x16xf32, #tpu.memory_space<hbm>>
        tpu.enqueue_indirect_dma source(%dma_start3A_659 : memref<102400x16xf32, #tpu.memory_space<hbm>>) target(%dma_start3A_654 : memref<80x16xf32, #tpu.memory_space<vmem>>) offsets(%dma_start3A_656 : memref<80xi32, #tpu.memory_space<vmem>>) semaphore(%arg15 : memref<!tpu.dma_semaphore, #tpu.memory_space<semaphore_mem>>)
        %dma_start3A_660 = arith.constant 240 : i32
        %dma_start3A_661 = arith.constant 0 : i32
        %dma_start3A_662 = tpu.memref_slice %arg12[%dma_start3A_660, %dma_start3A_661] : memref<400x16xf32, #tpu.memory_space<vmem>> -> memref<80x16xf32, #tpu.memory_space<vmem>>
        %dma_start3A_663 = arith.constant 640 : i32
        %dma_start3A_664 = tpu.memref_slice %arg9[%dma_start3A_663] : memref<800xi32, #tpu.memory_space<vmem>> -> memref<80xi32, #tpu.memory_space<vmem>>
        %dma_start3A_665 = arith.constant 0 : i32
        %dma_start3A_666 = arith.constant 0 : i32
        %dma_start3A_667 = tpu.memref_slice %arg2[%dma_start3A_665, %dma_start3A_666] : memref<102400x16xf32, #tpu.memory_space<hbm>> -> memref<102400x16xf32, #tpu.memory_space<hbm>>
        tpu.enqueue_indirect_dma source(%dma_start3A_667 : memref<102400x16xf32, #tpu.memory_space<hbm>>) target(%dma_start3A_662 : memref<80x16xf32, #tpu.memory_space<vmem>>) offsets(%dma_start3A_664 : memref<80xi32, #tpu.memory_space<vmem>>) semaphore(%arg15 : memref<!tpu.dma_semaphore, #tpu.memory_space<semaphore_mem>>)
        %dma_start3A_668 = arith.constant 320 : i32
        %dma_start3A_669 = arith.constant 0 : i32
        %dma_start3A_670 = tpu.memref_slice %arg12[%dma_start3A_668, %dma_start3A_669] : memref<400x16xf32, #tpu.memory_space<vmem>> -> memref<80x16xf32, #tpu.memory_space<vmem>>
        %dma_start3A_671 = arith.constant 720 : i32
        %dma_start3A_672 = tpu.memref_slice %arg9[%dma_start3A_671] : memref<800xi32, #tpu.memory_space<vmem>> -> memref<80xi32, #tpu.memory_space<vmem>>
        %dma_start3A_673 = arith.constant 0 : i32
        %dma_start3A_674 = arith.constant 0 : i32
        %dma_start3A_675 = tpu.memref_slice %arg2[%dma_start3A_673, %dma_start3A_674] : memref<102400x16xf32, #tpu.memory_space<hbm>> -> memref<102400x16xf32, #tpu.memory_space<hbm>>
        tpu.enqueue_indirect_dma source(%dma_start3A_675 : memref<102400x16xf32, #tpu.memory_space<hbm>>) target(%dma_start3A_670 : memref<80x16xf32, #tpu.memory_space<vmem>>) offsets(%dma_start3A_672 : memref<80xi32, #tpu.memory_space<vmem>>) semaphore(%arg15 : memref<!tpu.dma_semaphore, #tpu.memory_space<semaphore_mem>>)
        %dma_wait3A_676 = arith.constant 0 : i32
        %dma_wait3A_677 = arith.constant 0 : i32
        %dma_wait3A_678 = tpu.memref_slice %arg11[%dma_wait3A_676, %dma_wait3A_677] : memref<400x16xf32, #tpu.memory_space<vmem>> -> memref<80x16xf32, #tpu.memory_space<vmem>>
        %dma_wait3A_679 = arith.constant 0 : i32
        %dma_wait3A_680 = tpu.memref_slice %arg9[%dma_wait3A_679] : memref<800xi32, #tpu.memory_space<vmem>> -> memref<80xi32, #tpu.memory_space<vmem>>
        %dma_wait3A_681 = arith.constant 0 : i32
        %dma_wait3A_682 = arith.constant 0 : i32
        %dma_wait3A_683 = tpu.memref_slice %arg2[%dma_wait3A_681, %dma_wait3A_682] : memref<102400x16xf32, #tpu.memory_space<hbm>> -> memref<102400x16xf32, #tpu.memory_space<hbm>>
        tpu.wait_indirect_dma semaphore(%arg14 : memref<!tpu.dma_semaphore, #tpu.memory_space<semaphore_mem>>) src(%dma_wait3A_683 : memref<102400x16xf32, #tpu.memory_space<hbm>>) dst(%dma_wait3A_678 : memref<80x16xf32, #tpu.memory_space<vmem>>)
        %dma_wait3A_684 = arith.constant 80 : i32
        %dma_wait3A_685 = arith.constant 0 : i32
        %dma_wait3A_686 = tpu.memref_slice %arg11[%dma_wait3A_684, %dma_wait3A_685] : memref<400x16xf32, #tpu.memory_space<vmem>> -> memref<80x16xf32, #tpu.memory_space<vmem>>
        %dma_wait3A_687 = arith.constant 80 : i32
        %dma_wait3A_688 = tpu.memref_slice %arg9[%dma_wait3A_687] : memref<800xi32, #tpu.memory_space<vmem>> -> memref<80xi32, #tpu.memory_space<vmem>>
        %dma_wait3A_689 = arith.constant 0 : i32
        %dma_wait3A_690 = arith.constant 0 : i32
        %dma_wait3A_691 = tpu.memref_slice %arg2[%dma_wait3A_689, %dma_wait3A_690] : memref<102400x16xf32, #tpu.memory_space<hbm>> -> memref<102400x16xf32, #tpu.memory_space<hbm>>
        tpu.wait_indirect_dma semaphore(%arg14 : memref<!tpu.dma_semaphore, #tpu.memory_space<semaphore_mem>>) src(%dma_wait3A_691 : memref<102400x16xf32, #tpu.memory_space<hbm>>) dst(%dma_wait3A_686 : memref<80x16xf32, #tpu.memory_space<vmem>>)
        %dma_wait3A_692 = arith.constant 160 : i32
        %dma_wait3A_693 = arith.constant 0 : i32
        %dma_wait3A_694 = tpu.memref_slice %arg11[%dma_wait3A_692, %dma_wait3A_693] : memref<400x16xf32, #tpu.memory_space<vmem>> -> memref<80x16xf32, #tpu.memory_space<vmem>>
        %dma_wait3A_695 = arith.constant 160 : i32
        %dma_wait3A_696 = tpu.memref_slice %arg9[%dma_wait3A_695] : memref<800xi32, #tpu.memory_space<vmem>> -> memref<80xi32, #tpu.memory_space<vmem>>
        %dma_wait3A_697 = arith.constant 0 : i32
        %dma_wait3A_698 = arith.constant 0 : i32
        %dma_wait3A_699 = tpu.memref_slice %arg2[%dma_wait3A_697, %dma_wait3A_698] : memref<102400x16xf32, #tpu.memory_space<hbm>> -> memref<102400x16xf32, #tpu.memory_space<hbm>>
        tpu.wait_indirect_dma semaphore(%arg14 : memref<!tpu.dma_semaphore, #tpu.memory_space<semaphore_mem>>) src(%dma_wait3A_699 : memref<102400x16xf32, #tpu.memory_space<hbm>>) dst(%dma_wait3A_694 : memref<80x16xf32, #tpu.memory_space<vmem>>)
        %dma_wait3A_700 = arith.constant 240 : i32
        %dma_wait3A_701 = arith.constant 0 : i32
        %dma_wait3A_702 = tpu.memref_slice %arg11[%dma_wait3A_700, %dma_wait3A_701] : memref<400x16xf32, #tpu.memory_space<vmem>> -> memref<80x16xf32, #tpu.memory_space<vmem>>
        %dma_wait3A_703 = arith.constant 240 : i32
        %dma_wait3A_704 = tpu.memref_slice %arg9[%dma_wait3A_703] : memref<800xi32, #tpu.memory_space<vmem>> -> memref<80xi32, #tpu.memory_space<vmem>>
        %dma_wait3A_705 = arith.constant 0 : i32
        %dma_wait3A_706 = arith.constant 0 : i32
        %dma_wait3A_707 = tpu.memref_slice %arg2[%dma_wait3A_705, %dma_wait3A_706] : memref<102400x16xf32, #tpu.memory_space<hbm>> -> memref<102400x16xf32, #tpu.memory_space<hbm>>
        tpu.wait_indirect_dma semaphore(%arg14 : memref<!tpu.dma_semaphore, #tpu.memory_space<semaphore_mem>>) src(%dma_wait3A_707 : memref<102400x16xf32, #tpu.memory_space<hbm>>) dst(%dma_wait3A_702 : memref<80x16xf32, #tpu.memory_space<vmem>>)
        %dma_wait3A_708 = arith.constant 320 : i32
        %dma_wait3A_709 = arith.constant 0 : i32
        %dma_wait3A_710 = tpu.memref_slice %arg11[%dma_wait3A_708, %dma_wait3A_709] : memref<400x16xf32, #tpu.memory_space<vmem>> -> memref<80x16xf32, #tpu.memory_space<vmem>>
        %dma_wait3A_711 = arith.constant 320 : i32
        %dma_wait3A_712 = tpu.memref_slice %arg9[%dma_wait3A_711] : memref<800xi32, #tpu.memory_space<vmem>> -> memref<80xi32, #tpu.memory_space<vmem>>
        %dma_wait3A_713 = arith.constant 0 : i32
        %dma_wait3A_714 = arith.constant 0 : i32
        %dma_wait3A_715 = tpu.memref_slice %arg2[%dma_wait3A_713, %dma_wait3A_714] : memref<102400x16xf32, #tpu.memory_space<hbm>> -> memref<102400x16xf32, #tpu.memory_space<hbm>>
        tpu.wait_indirect_dma semaphore(%arg14 : memref<!tpu.dma_semaphore, #tpu.memory_space<semaphore_mem>>) src(%dma_wait3A_715 : memref<102400x16xf32, #tpu.memory_space<hbm>>) dst(%dma_wait3A_710 : memref<80x16xf32, #tpu.memory_space<vmem>>)
        %dma_start3A_716 = arith.constant 0 : i32
        %dma_start3A_717 = arith.constant 0 : i32
        %dma_start3A_718 = tpu.memref_slice %arg11[%dma_start3A_716, %dma_start3A_717] : memref<400x16xf32, #tpu.memory_space<vmem>> -> memref<80x16xf32, #tpu.memory_space<vmem>>
        %dma_start3A_719 = arith.constant 0 : i32
        %dma_start3A_720 = tpu.memref_slice %arg10[%dma_start3A_719] : memref<800xi32, #tpu.memory_space<vmem>> -> memref<80xi32, #tpu.memory_space<vmem>>
        %dma_start3A_721 = arith.constant 0 : i32
        %dma_start3A_722 = arith.constant 0 : i32
        %dma_start3A_723 = tpu.memref_slice %arg13[%dma_start3A_721, %dma_start3A_722] : memref<100000x16xf32, #tpu.memory_space<vmem_shared>> -> memref<100000x16xf32, #tpu.memory_space<vmem_shared>>
        tpu.enqueue_indirect_dma source(%dma_start3A_718 : memref<80x16xf32, #tpu.memory_space<vmem>>) target(%dma_start3A_723 : memref<100000x16xf32, #tpu.memory_space<vmem_shared>>) offsets(%dma_start3A_720 : memref<80xi32, #tpu.memory_space<vmem>>) semaphore(%arg16 : memref<!tpu.dma_semaphore, #tpu.memory_space<semaphore_mem>>) {add = true}
        %dma_start3A_724 = arith.constant 80 : i32
        %dma_start3A_725 = arith.constant 0 : i32
        %dma_start3A_726 = tpu.memref_slice %arg11[%dma_start3A_724, %dma_start3A_725] : memref<400x16xf32, #tpu.memory_space<vmem>> -> memref<80x16xf32, #tpu.memory_space<vmem>>
        %dma_start3A_727 = arith.constant 80 : i32
        %dma_start3A_728 = tpu.memref_slice %arg10[%dma_start3A_727] : memref<800xi32, #tpu.memory_space<vmem>> -> memref<80xi32, #tpu.memory_space<vmem>>
        %dma_start3A_729 = arith.constant 0 : i32
        %dma_start3A_730 = arith.constant 0 : i32
        %dma_start3A_731 = tpu.memref_slice %arg13[%dma_start3A_729, %dma_start3A_730] : memref<100000x16xf32, #tpu.memory_space<vmem_shared>> -> memref<100000x16xf32, #tpu.memory_space<vmem_shared>>
        tpu.enqueue_indirect_dma source(%dma_start3A_726 : memref<80x16xf32, #tpu.memory_space<vmem>>) target(%dma_start3A_731 : memref<100000x16xf32, #tpu.memory_space<vmem_shared>>) offsets(%dma_start3A_728 : memref<80xi32, #tpu.memory_space<vmem>>) semaphore(%arg16 : memref<!tpu.dma_semaphore, #tpu.memory_space<semaphore_mem>>) {add = true}
        %dma_start3A_732 = arith.constant 160 : i32
        %dma_start3A_733 = arith.constant 0 : i32
        %dma_start3A_734 = tpu.memref_slice %arg11[%dma_start3A_732, %dma_start3A_733] : memref<400x16xf32, #tpu.memory_space<vmem>> -> memref<80x16xf32, #tpu.memory_space<vmem>>
        %dma_start3A_735 = arith.constant 160 : i32
        %dma_start3A_736 = tpu.memref_slice %arg10[%dma_start3A_735] : memref<800xi32, #tpu.memory_space<vmem>> -> memref<80xi32, #tpu.memory_space<vmem>>
        %dma_start3A_737 = arith.constant 0 : i32
        %dma_start3A_738 = arith.constant 0 : i32
        %dma_start3A_739 = tpu.memref_slice %arg13[%dma_start3A_737, %dma_start3A_738] : memref<100000x16xf32, #tpu.memory_space<vmem_shared>> -> memref<100000x16xf32, #tpu.memory_space<vmem_shared>>
        tpu.enqueue_indirect_dma source(%dma_start3A_734 : memref<80x16xf32, #tpu.memory_space<vmem>>) target(%dma_start3A_739 : memref<100000x16xf32, #tpu.memory_space<vmem_shared>>) offsets(%dma_start3A_736 : memref<80xi32, #tpu.memory_space<vmem>>) semaphore(%arg16 : memref<!tpu.dma_semaphore, #tpu.memory_space<semaphore_mem>>) {add = true}
        %dma_start3A_740 = arith.constant 240 : i32
        %dma_start3A_741 = arith.constant 0 : i32
        %dma_start3A_742 = tpu.memref_slice %arg11[%dma_start3A_740, %dma_start3A_741] : memref<400x16xf32, #tpu.memory_space<vmem>> -> memref<80x16xf32, #tpu.memory_space<vmem>>
        %dma_start3A_743 = arith.constant 240 : i32
        %dma_start3A_744 = tpu.memref_slice %arg10[%dma_start3A_743] : memref<800xi32, #tpu.memory_space<vmem>> -> memref<80xi32, #tpu.memory_space<vmem>>
        %dma_start3A_745 = arith.constant 0 : i32
        %dma_start3A_746 = arith.constant 0 : i32
        %dma_start3A_747 = tpu.memref_slice %arg13[%dma_start3A_745, %dma_start3A_746] : memref<100000x16xf32, #tpu.memory_space<vmem_shared>> -> memref<100000x16xf32, #tpu.memory_space<vmem_shared>>
        tpu.enqueue_indirect_dma source(%dma_start3A_742 : memref<80x16xf32, #tpu.memory_space<vmem>>) target(%dma_start3A_747 : memref<100000x16xf32, #tpu.memory_space<vmem_shared>>) offsets(%dma_start3A_744 : memref<80xi32, #tpu.memory_space<vmem>>) semaphore(%arg16 : memref<!tpu.dma_semaphore, #tpu.memory_space<semaphore_mem>>) {add = true}
        %dma_start3A_748 = arith.constant 320 : i32
        %dma_start3A_749 = arith.constant 0 : i32
        %dma_start3A_750 = tpu.memref_slice %arg11[%dma_start3A_748, %dma_start3A_749] : memref<400x16xf32, #tpu.memory_space<vmem>> -> memref<80x16xf32, #tpu.memory_space<vmem>>
        %dma_start3A_751 = arith.constant 320 : i32
        %dma_start3A_752 = tpu.memref_slice %arg10[%dma_start3A_751] : memref<800xi32, #tpu.memory_space<vmem>> -> memref<80xi32, #tpu.memory_space<vmem>>
        %dma_start3A_753 = arith.constant 0 : i32
        %dma_start3A_754 = arith.constant 0 : i32
        %dma_start3A_755 = tpu.memref_slice %arg13[%dma_start3A_753, %dma_start3A_754] : memref<100000x16xf32, #tpu.memory_space<vmem_shared>> -> memref<100000x16xf32, #tpu.memory_space<vmem_shared>>
        tpu.enqueue_indirect_dma source(%dma_start3A_750 : memref<80x16xf32, #tpu.memory_space<vmem>>) target(%dma_start3A_755 : memref<100000x16xf32, #tpu.memory_space<vmem_shared>>) offsets(%dma_start3A_752 : memref<80xi32, #tpu.memory_space<vmem>>) semaphore(%arg16 : memref<!tpu.dma_semaphore, #tpu.memory_space<semaphore_mem>>) {add = true}
        %dma_wait3A_756 = arith.constant 0 : i32
        %dma_wait3A_757 = arith.constant 0 : i32
        %dma_wait3A_758 = tpu.memref_slice %arg12[%dma_wait3A_756, %dma_wait3A_757] : memref<400x16xf32, #tpu.memory_space<vmem>> -> memref<80x16xf32, #tpu.memory_space<vmem>>
        %dma_wait3A_759 = arith.constant 400 : i32
        %dma_wait3A_760 = tpu.memref_slice %arg9[%dma_wait3A_759] : memref<800xi32, #tpu.memory_space<vmem>> -> memref<80xi32, #tpu.memory_space<vmem>>
        %dma_wait3A_761 = arith.constant 0 : i32
        %dma_wait3A_762 = arith.constant 0 : i32
        %dma_wait3A_763 = tpu.memref_slice %arg2[%dma_wait3A_761, %dma_wait3A_762] : memref<102400x16xf32, #tpu.memory_space<hbm>> -> memref<102400x16xf32, #tpu.memory_space<hbm>>
        tpu.wait_indirect_dma semaphore(%arg15 : memref<!tpu.dma_semaphore, #tpu.memory_space<semaphore_mem>>) src(%dma_wait3A_763 : memref<102400x16xf32, #tpu.memory_space<hbm>>) dst(%dma_wait3A_758 : memref<80x16xf32, #tpu.memory_space<vmem>>)
        %dma_wait3A_764 = arith.constant 80 : i32
        %dma_wait3A_765 = arith.constant 0 : i32
        %dma_wait3A_766 = tpu.memref_slice %arg12[%dma_wait3A_764, %dma_wait3A_765] : memref<400x16xf32, #tpu.memory_space<vmem>> -> memref<80x16xf32, #tpu.memory_space<vmem>>
        %dma_wait3A_767 = arith.constant 480 : i32
        %dma_wait3A_768 = tpu.memref_slice %arg9[%dma_wait3A_767] : memref<800xi32, #tpu.memory_space<vmem>> -> memref<80xi32, #tpu.memory_space<vmem>>
        %dma_wait3A_769 = arith.constant 0 : i32
        %dma_wait3A_770 = arith.constant 0 : i32
        %dma_wait3A_771 = tpu.memref_slice %arg2[%dma_wait3A_769, %dma_wait3A_770] : memref<102400x16xf32, #tpu.memory_space<hbm>> -> memref<102400x16xf32, #tpu.memory_space<hbm>>
        tpu.wait_indirect_dma semaphore(%arg15 : memref<!tpu.dma_semaphore, #tpu.memory_space<semaphore_mem>>) src(%dma_wait3A_771 : memref<102400x16xf32, #tpu.memory_space<hbm>>) dst(%dma_wait3A_766 : memref<80x16xf32, #tpu.memory_space<vmem>>)
        %dma_wait3A_772 = arith.constant 160 : i32
        %dma_wait3A_773 = arith.constant 0 : i32
        %dma_wait3A_774 = tpu.memref_slice %arg12[%dma_wait3A_772, %dma_wait3A_773] : memref<400x16xf32, #tpu.memory_space<vmem>> -> memref<80x16xf32, #tpu.memory_space<vmem>>
        %dma_wait3A_775 = arith.constant 560 : i32
        %dma_wait3A_776 = tpu.memref_slice %arg9[%dma_wait3A_775] : memref<800xi32, #tpu.memory_space<vmem>> -> memref<80xi32, #tpu.memory_space<vmem>>
        %dma_wait3A_777 = arith.constant 0 : i32
        %dma_wait3A_778 = arith.constant 0 : i32
        %dma_wait3A_779 = tpu.memref_slice %arg2[%dma_wait3A_777, %dma_wait3A_778] : memref<102400x16xf32, #tpu.memory_space<hbm>> -> memref<102400x16xf32, #tpu.memory_space<hbm>>
        tpu.wait_indirect_dma semaphore(%arg15 : memref<!tpu.dma_semaphore, #tpu.memory_space<semaphore_mem>>) src(%dma_wait3A_779 : memref<102400x16xf32, #tpu.memory_space<hbm>>) dst(%dma_wait3A_774 : memref<80x16xf32, #tpu.memory_space<vmem>>)
        %dma_wait3A_780 = arith.constant 240 : i32
        %dma_wait3A_781 = arith.constant 0 : i32
        %dma_wait3A_782 = tpu.memref_slice %arg12[%dma_wait3A_780, %dma_wait3A_781] : memref<400x16xf32, #tpu.memory_space<vmem>> -> memref<80x16xf32, #tpu.memory_space<vmem>>
        %dma_wait3A_783 = arith.constant 640 : i32
        %dma_wait3A_784 = tpu.memref_slice %arg9[%dma_wait3A_783] : memref<800xi32, #tpu.memory_space<vmem>> -> memref<80xi32, #tpu.memory_space<vmem>>
        %dma_wait3A_785 = arith.constant 0 : i32
        %dma_wait3A_786 = arith.constant 0 : i32
        %dma_wait3A_787 = tpu.memref_slice %arg2[%dma_wait3A_785, %dma_wait3A_786] : memref<102400x16xf32, #tpu.memory_space<hbm>> -> memref<102400x16xf32, #tpu.memory_space<hbm>>
        tpu.wait_indirect_dma semaphore(%arg15 : memref<!tpu.dma_semaphore, #tpu.memory_space<semaphore_mem>>) src(%dma_wait3A_787 : memref<102400x16xf32, #tpu.memory_space<hbm>>) dst(%dma_wait3A_782 : memref<80x16xf32, #tpu.memory_space<vmem>>)
        %dma_wait3A_788 = arith.constant 320 : i32
        %dma_wait3A_789 = arith.constant 0 : i32
        %dma_wait3A_790 = tpu.memref_slice %arg12[%dma_wait3A_788, %dma_wait3A_789] : memref<400x16xf32, #tpu.memory_space<vmem>> -> memref<80x16xf32, #tpu.memory_space<vmem>>
        %dma_wait3A_791 = arith.constant 720 : i32
        %dma_wait3A_792 = tpu.memref_slice %arg9[%dma_wait3A_791] : memref<800xi32, #tpu.memory_space<vmem>> -> memref<80xi32, #tpu.memory_space<vmem>>
        %dma_wait3A_793 = arith.constant 0 : i32
        %dma_wait3A_794 = arith.constant 0 : i32
        %dma_wait3A_795 = tpu.memref_slice %arg2[%dma_wait3A_793, %dma_wait3A_794] : memref<102400x16xf32, #tpu.memory_space<hbm>> -> memref<102400x16xf32, #tpu.memory_space<hbm>>
        tpu.wait_indirect_dma semaphore(%arg15 : memref<!tpu.dma_semaphore, #tpu.memory_space<semaphore_mem>>) src(%dma_wait3A_795 : memref<102400x16xf32, #tpu.memory_space<hbm>>) dst(%dma_wait3A_790 : memref<80x16xf32, #tpu.memory_space<vmem>>)
        %dma_start3A_796 = arith.constant 0 : i32
        %dma_start3A_797 = arith.constant 0 : i32
        %dma_start3A_798 = tpu.memref_slice %arg12[%dma_start3A_796, %dma_start3A_797] : memref<400x16xf32, #tpu.memory_space<vmem>> -> memref<80x16xf32, #tpu.memory_space<vmem>>
        %dma_start3A_799 = arith.constant 400 : i32
        %dma_start3A_800 = tpu.memref_slice %arg10[%dma_start3A_799] : memref<800xi32, #tpu.memory_space<vmem>> -> memref<80xi32, #tpu.memory_space<vmem>>
        %dma_start3A_801 = arith.constant 0 : i32
        %dma_start3A_802 = arith.constant 0 : i32
        %dma_start3A_803 = tpu.memref_slice %arg13[%dma_start3A_801, %dma_start3A_802] : memref<100000x16xf32, #tpu.memory_space<vmem_shared>> -> memref<100000x16xf32, #tpu.memory_space<vmem_shared>>
        tpu.enqueue_indirect_dma source(%dma_start3A_798 : memref<80x16xf32, #tpu.memory_space<vmem>>) target(%dma_start3A_803 : memref<100000x16xf32, #tpu.memory_space<vmem_shared>>) offsets(%dma_start3A_800 : memref<80xi32, #tpu.memory_space<vmem>>) semaphore(%arg17 : memref<!tpu.dma_semaphore, #tpu.memory_space<semaphore_mem>>) {add = true}
        %dma_start3A_804 = arith.constant 80 : i32
        %dma_start3A_805 = arith.constant 0 : i32
        %dma_start3A_806 = tpu.memref_slice %arg12[%dma_start3A_804, %dma_start3A_805] : memref<400x16xf32, #tpu.memory_space<vmem>> -> memref<80x16xf32, #tpu.memory_space<vmem>>
        %dma_start3A_807 = arith.constant 480 : i32
        %dma_start3A_808 = tpu.memref_slice %arg10[%dma_start3A_807] : memref<800xi32, #tpu.memory_space<vmem>> -> memref<80xi32, #tpu.memory_space<vmem>>
        %dma_start3A_809 = arith.constant 0 : i32
        %dma_start3A_810 = arith.constant 0 : i32
        %dma_start3A_811 = tpu.memref_slice %arg13[%dma_start3A_809, %dma_start3A_810] : memref<100000x16xf32, #tpu.memory_space<vmem_shared>> -> memref<100000x16xf32, #tpu.memory_space<vmem_shared>>
        tpu.enqueue_indirect_dma source(%dma_start3A_806 : memref<80x16xf32, #tpu.memory_space<vmem>>) target(%dma_start3A_811 : memref<100000x16xf32, #tpu.memory_space<vmem_shared>>) offsets(%dma_start3A_808 : memref<80xi32, #tpu.memory_space<vmem>>) semaphore(%arg17 : memref<!tpu.dma_semaphore, #tpu.memory_space<semaphore_mem>>) {add = true}
        %dma_start3A_812 = arith.constant 160 : i32
        %dma_start3A_813 = arith.constant 0 : i32
        %dma_start3A_814 = tpu.memref_slice %arg12[%dma_start3A_812, %dma_start3A_813] : memref<400x16xf32, #tpu.memory_space<vmem>> -> memref<80x16xf32, #tpu.memory_space<vmem>>
        %dma_start3A_815 = arith.constant 560 : i32
        %dma_start3A_816 = tpu.memref_slice %arg10[%dma_start3A_815] : memref<800xi32, #tpu.memory_space<vmem>> -> memref<80xi32, #tpu.memory_space<vmem>>
        %dma_start3A_817 = arith.constant 0 : i32
        %dma_start3A_818 = arith.constant 0 : i32
        %dma_start3A_819 = tpu.memref_slice %arg13[%dma_start3A_817, %dma_start3A_818] : memref<100000x16xf32, #tpu.memory_space<vmem_shared>> -> memref<100000x16xf32, #tpu.memory_space<vmem_shared>>
        tpu.enqueue_indirect_dma source(%dma_start3A_814 : memref<80x16xf32, #tpu.memory_space<vmem>>) target(%dma_start3A_819 : memref<100000x16xf32, #tpu.memory_space<vmem_shared>>) offsets(%dma_start3A_816 : memref<80xi32, #tpu.memory_space<vmem>>) semaphore(%arg17 : memref<!tpu.dma_semaphore, #tpu.memory_space<semaphore_mem>>) {add = true}
        %dma_start3A_820 = arith.constant 240 : i32
        %dma_start3A_821 = arith.constant 0 : i32
        %dma_start3A_822 = tpu.memref_slice %arg12[%dma_start3A_820, %dma_start3A_821] : memref<400x16xf32, #tpu.memory_space<vmem>> -> memref<80x16xf32, #tpu.memory_space<vmem>>
        %dma_start3A_823 = arith.constant 640 : i32
        %dma_start3A_824 = tpu.memref_slice %arg10[%dma_start3A_823] : memref<800xi32, #tpu.memory_space<vmem>> -> memref<80xi32, #tpu.memory_space<vmem>>
        %dma_start3A_825 = arith.constant 0 : i32
        %dma_start3A_826 = arith.constant 0 : i32
        %dma_start3A_827 = tpu.memref_slice %arg13[%dma_start3A_825, %dma_start3A_826] : memref<100000x16xf32, #tpu.memory_space<vmem_shared>> -> memref<100000x16xf32, #tpu.memory_space<vmem_shared>>
        tpu.enqueue_indirect_dma source(%dma_start3A_822 : memref<80x16xf32, #tpu.memory_space<vmem>>) target(%dma_start3A_827 : memref<100000x16xf32, #tpu.memory_space<vmem_shared>>) offsets(%dma_start3A_824 : memref<80xi32, #tpu.memory_space<vmem>>) semaphore(%arg17 : memref<!tpu.dma_semaphore, #tpu.memory_space<semaphore_mem>>) {add = true}
        %dma_start3A_828 = arith.constant 320 : i32
        %dma_start3A_829 = arith.constant 0 : i32
        %dma_start3A_830 = tpu.memref_slice %arg12[%dma_start3A_828, %dma_start3A_829] : memref<400x16xf32, #tpu.memory_space<vmem>> -> memref<80x16xf32, #tpu.memory_space<vmem>>
        %dma_start3A_831 = arith.constant 720 : i32
        %dma_start3A_832 = tpu.memref_slice %arg10[%dma_start3A_831] : memref<800xi32, #tpu.memory_space<vmem>> -> memref<80xi32, #tpu.memory_space<vmem>>
        %dma_start3A_833 = arith.constant 0 : i32
        %dma_start3A_834 = arith.constant 0 : i32
        %dma_start3A_835 = tpu.memref_slice %arg13[%dma_start3A_833, %dma_start3A_834] : memref<100000x16xf32, #tpu.memory_space<vmem_shared>> -> memref<100000x16xf32, #tpu.memory_space<vmem_shared>>
        tpu.enqueue_indirect_dma source(%dma_start3A_830 : memref<80x16xf32, #tpu.memory_space<vmem>>) target(%dma_start3A_835 : memref<100000x16xf32, #tpu.memory_space<vmem_shared>>) offsets(%dma_start3A_832 : memref<80xi32, #tpu.memory_space<vmem>>) semaphore(%arg17 : memref<!tpu.dma_semaphore, #tpu.memory_space<semaphore_mem>>) {add = true}
        %dma_wait3A_836 = arith.constant 0 : i32
        %dma_wait3A_837 = arith.constant 0 : i32
        %dma_wait3A_838 = tpu.memref_slice %arg11[%dma_wait3A_836, %dma_wait3A_837] : memref<400x16xf32, #tpu.memory_space<vmem>> -> memref<80x16xf32, #tpu.memory_space<vmem>>
        %dma_wait3A_839 = arith.constant 0 : i32
        %dma_wait3A_840 = tpu.memref_slice %arg10[%dma_wait3A_839] : memref<800xi32, #tpu.memory_space<vmem>> -> memref<80xi32, #tpu.memory_space<vmem>>
        %dma_wait3A_841 = arith.constant 0 : i32
        %dma_wait3A_842 = arith.constant 0 : i32
        %dma_wait3A_843 = tpu.memref_slice %arg13[%dma_wait3A_841, %dma_wait3A_842] : memref<100000x16xf32, #tpu.memory_space<vmem_shared>> -> memref<100000x16xf32, #tpu.memory_space<vmem_shared>>
        tpu.wait_indirect_dma semaphore(%arg16 : memref<!tpu.dma_semaphore, #tpu.memory_space<semaphore_mem>>) src(%dma_wait3A_838 : memref<80x16xf32, #tpu.memory_space<vmem>>) dst(%dma_wait3A_843 : memref<100000x16xf32, #tpu.memory_space<vmem_shared>>)
        %dma_wait3A_844 = arith.constant 80 : i32
        %dma_wait3A_845 = arith.constant 0 : i32
        %dma_wait3A_846 = tpu.memref_slice %arg11[%dma_wait3A_844, %dma_wait3A_845] : memref<400x16xf32, #tpu.memory_space<vmem>> -> memref<80x16xf32, #tpu.memory_space<vmem>>
        %dma_wait3A_847 = arith.constant 80 : i32
        %dma_wait3A_848 = tpu.memref_slice %arg10[%dma_wait3A_847] : memref<800xi32, #tpu.memory_space<vmem>> -> memref<80xi32, #tpu.memory_space<vmem>>
        %dma_wait3A_849 = arith.constant 0 : i32
        %dma_wait3A_850 = arith.constant 0 : i32
        %dma_wait3A_851 = tpu.memref_slice %arg13[%dma_wait3A_849, %dma_wait3A_850] : memref<100000x16xf32, #tpu.memory_space<vmem_shared>> -> memref<100000x16xf32, #tpu.memory_space<vmem_shared>>
        tpu.wait_indirect_dma semaphore(%arg16 : memref<!tpu.dma_semaphore, #tpu.memory_space<semaphore_mem>>) src(%dma_wait3A_846 : memref<80x16xf32, #tpu.memory_space<vmem>>) dst(%dma_wait3A_851 : memref<100000x16xf32, #tpu.memory_space<vmem_shared>>)
        %dma_wait3A_852 = arith.constant 160 : i32
        %dma_wait3A_853 = arith.constant 0 : i32
        %dma_wait3A_854 = tpu.memref_slice %arg11[%dma_wait3A_852, %dma_wait3A_853] : memref<400x16xf32, #tpu.memory_space<vmem>> -> memref<80x16xf32, #tpu.memory_space<vmem>>
        %dma_wait3A_855 = arith.constant 160 : i32
        %dma_wait3A_856 = tpu.memref_slice %arg10[%dma_wait3A_855] : memref<800xi32, #tpu.memory_space<vmem>> -> memref<80xi32, #tpu.memory_space<vmem>>
        %dma_wait3A_857 = arith.constant 0 : i32
        %dma_wait3A_858 = arith.constant 0 : i32
        %dma_wait3A_859 = tpu.memref_slice %arg13[%dma_wait3A_857, %dma_wait3A_858] : memref<100000x16xf32, #tpu.memory_space<vmem_shared>> -> memref<100000x16xf32, #tpu.memory_space<vmem_shared>>
        tpu.wait_indirect_dma semaphore(%arg16 : memref<!tpu.dma_semaphore, #tpu.memory_space<semaphore_mem>>) src(%dma_wait3A_854 : memref<80x16xf32, #tpu.memory_space<vmem>>) dst(%dma_wait3A_859 : memref<100000x16xf32, #tpu.memory_space<vmem_shared>>)
        %dma_wait3A_860 = arith.constant 240 : i32
        %dma_wait3A_861 = arith.constant 0 : i32
        %dma_wait3A_862 = tpu.memref_slice %arg11[%dma_wait3A_860, %dma_wait3A_861] : memref<400x16xf32, #tpu.memory_space<vmem>> -> memref<80x16xf32, #tpu.memory_space<vmem>>
        %dma_wait3A_863 = arith.constant 240 : i32
        %dma_wait3A_864 = tpu.memref_slice %arg10[%dma_wait3A_863] : memref<800xi32, #tpu.memory_space<vmem>> -> memref<80xi32, #tpu.memory_space<vmem>>
        %dma_wait3A_865 = arith.constant 0 : i32
        %dma_wait3A_866 = arith.constant 0 : i32
        %dma_wait3A_867 = tpu.memref_slice %arg13[%dma_wait3A_865, %dma_wait3A_866] : memref<100000x16xf32, #tpu.memory_space<vmem_shared>> -> memref<100000x16xf32, #tpu.memory_space<vmem_shared>>
        tpu.wait_indirect_dma semaphore(%arg16 : memref<!tpu.dma_semaphore, #tpu.memory_space<semaphore_mem>>) src(%dma_wait3A_862 : memref<80x16xf32, #tpu.memory_space<vmem>>) dst(%dma_wait3A_867 : memref<100000x16xf32, #tpu.memory_space<vmem_shared>>)
        %dma_wait3A_868 = arith.constant 320 : i32
        %dma_wait3A_869 = arith.constant 0 : i32
        %dma_wait3A_870 = tpu.memref_slice %arg11[%dma_wait3A_868, %dma_wait3A_869] : memref<400x16xf32, #tpu.memory_space<vmem>> -> memref<80x16xf32, #tpu.memory_space<vmem>>
        %dma_wait3A_871 = arith.constant 320 : i32
        %dma_wait3A_872 = tpu.memref_slice %arg10[%dma_wait3A_871] : memref<800xi32, #tpu.memory_space<vmem>> -> memref<80xi32, #tpu.memory_space<vmem>>
        %dma_wait3A_873 = arith.constant 0 : i32
        %dma_wait3A_874 = arith.constant 0 : i32
        %dma_wait3A_875 = tpu.memref_slice %arg13[%dma_wait3A_873, %dma_wait3A_874] : memref<100000x16xf32, #tpu.memory_space<vmem_shared>> -> memref<100000x16xf32, #tpu.memory_space<vmem_shared>>
        tpu.wait_indirect_dma semaphore(%arg16 : memref<!tpu.dma_semaphore, #tpu.memory_space<semaphore_mem>>) src(%dma_wait3A_870 : memref<80x16xf32, #tpu.memory_space<vmem>>) dst(%dma_wait3A_875 : memref<100000x16xf32, #tpu.memory_space<vmem_shared>>)
        %dma_wait3A_876 = arith.constant 0 : i32
        %dma_wait3A_877 = tpu.memref_slice %arg4[%dma_wait3A_876] : memref<3200000xi32, #tpu.memory_space<hbm>> -> memref<800xi32, #tpu.memory_space<hbm>>
        %dma_wait3A_878 = arith.constant 0 : i32
        %dma_wait3A_879 = tpu.memref_slice %arg4[%dma_wait3A_878] : memref<3200000xi32, #tpu.memory_space<hbm>> -> memref<800xi32, #tpu.memory_space<hbm>>
        tpu.wait_dma2 semaphore(%arg18 : memref<!tpu.dma_semaphore, #tpu.memory_space<semaphore_mem>>) src(%dma_wait3A_879 : memref<800xi32, #tpu.memory_space<hbm>>) dst(%arg7 : memref<800xi32, #tpu.memory_space<vmem>>)
        %dma_wait3A_880 = arith.constant 0 : i32
        %dma_wait3A_881 = tpu.memref_slice %arg5[%dma_wait3A_880] : memref<3200000xi32, #tpu.memory_space<hbm>> -> memref<800xi32, #tpu.memory_space<hbm>>
        %dma_wait3A_882 = arith.constant 0 : i32
        %dma_wait3A_883 = tpu.memref_slice %arg5[%dma_wait3A_882] : memref<3200000xi32, #tpu.memory_space<hbm>> -> memref<800xi32, #tpu.memory_space<hbm>>
        tpu.wait_dma2 semaphore(%arg18 : memref<!tpu.dma_semaphore, #tpu.memory_space<semaphore_mem>>) src(%dma_wait3A_883 : memref<800xi32, #tpu.memory_space<hbm>>) dst(%arg8 : memref<800xi32, #tpu.memory_space<vmem>>)
        %dma_start3A_884 = arith.constant 0 : i32
        %dma_start3A_885 = arith.constant 0 : i32
        %dma_start3A_886 = tpu.memref_slice %arg11[%dma_start3A_884, %dma_start3A_885] : memref<400x16xf32, #tpu.memory_space<vmem>> -> memref<80x16xf32, #tpu.memory_space<vmem>>
        %dma_start3A_887 = arith.constant 0 : i32
        %dma_start3A_888 = tpu.memref_slice %arg7[%dma_start3A_887] : memref<800xi32, #tpu.memory_space<vmem>> -> memref<80xi32, #tpu.memory_space<vmem>>
        %dma_start3A_889 = arith.constant 0 : i32
        %dma_start3A_890 = arith.constant 0 : i32
        %dma_start3A_891 = tpu.memref_slice %arg2[%dma_start3A_889, %dma_start3A_890] : memref<102400x16xf32, #tpu.memory_space<hbm>> -> memref<102400x16xf32, #tpu.memory_space<hbm>>
        tpu.enqueue_indirect_dma source(%dma_start3A_891 : memref<102400x16xf32, #tpu.memory_space<hbm>>) target(%dma_start3A_886 : memref<80x16xf32, #tpu.memory_space<vmem>>) offsets(%dma_start3A_888 : memref<80xi32, #tpu.memory_space<vmem>>) semaphore(%arg14 : memref<!tpu.dma_semaphore, #tpu.memory_space<semaphore_mem>>)
        %dma_start3A_892 = arith.constant 80 : i32
        %dma_start3A_893 = arith.constant 0 : i32
        %dma_start3A_894 = tpu.memref_slice %arg11[%dma_start3A_892, %dma_start3A_893] : memref<400x16xf32, #tpu.memory_space<vmem>> -> memref<80x16xf32, #tpu.memory_space<vmem>>
        %dma_start3A_895 = arith.constant 80 : i32
        %dma_start3A_896 = tpu.memref_slice %arg7[%dma_start3A_895] : memref<800xi32, #tpu.memory_space<vmem>> -> memref<80xi32, #tpu.memory_space<vmem>>
        %dma_start3A_897 = arith.constant 0 : i32
        %dma_start3A_898 = arith.constant 0 : i32
        %dma_start3A_899 = tpu.memref_slice %arg2[%dma_start3A_897, %dma_start3A_898] : memref<102400x16xf32, #tpu.memory_space<hbm>> -> memref<102400x16xf32, #tpu.memory_space<hbm>>
        tpu.enqueue_indirect_dma source(%dma_start3A_899 : memref<102400x16xf32, #tpu.memory_space<hbm>>) target(%dma_start3A_894 : memref<80x16xf32, #tpu.memory_space<vmem>>) offsets(%dma_start3A_896 : memref<80xi32, #tpu.memory_space<vmem>>) semaphore(%arg14 : memref<!tpu.dma_semaphore, #tpu.memory_space<semaphore_mem>>)
        %dma_start3A_900 = arith.constant 160 : i32
        %dma_start3A_901 = arith.constant 0 : i32
        %dma_start3A_902 = tpu.memref_slice %arg11[%dma_start3A_900, %dma_start3A_901] : memref<400x16xf32, #tpu.memory_space<vmem>> -> memref<80x16xf32, #tpu.memory_space<vmem>>
        %dma_start3A_903 = arith.constant 160 : i32
        %dma_start3A_904 = tpu.memref_slice %arg7[%dma_start3A_903] : memref<800xi32, #tpu.memory_space<vmem>> -> memref<80xi32, #tpu.memory_space<vmem>>
        %dma_start3A_905 = arith.constant 0 : i32
        %dma_start3A_906 = arith.constant 0 : i32
        %dma_start3A_907 = tpu.memref_slice %arg2[%dma_start3A_905, %dma_start3A_906] : memref<102400x16xf32, #tpu.memory_space<hbm>> -> memref<102400x16xf32, #tpu.memory_space<hbm>>
        tpu.enqueue_indirect_dma source(%dma_start3A_907 : memref<102400x16xf32, #tpu.memory_space<hbm>>) target(%dma_start3A_902 : memref<80x16xf32, #tpu.memory_space<vmem>>) offsets(%dma_start3A_904 : memref<80xi32, #tpu.memory_space<vmem>>) semaphore(%arg14 : memref<!tpu.dma_semaphore, #tpu.memory_space<semaphore_mem>>)
        %dma_start3A_908 = arith.constant 240 : i32
        %dma_start3A_909 = arith.constant 0 : i32
        %dma_start3A_910 = tpu.memref_slice %arg11[%dma_start3A_908, %dma_start3A_909] : memref<400x16xf32, #tpu.memory_space<vmem>> -> memref<80x16xf32, #tpu.memory_space<vmem>>
        %dma_start3A_911 = arith.constant 240 : i32
        %dma_start3A_912 = tpu.memref_slice %arg7[%dma_start3A_911] : memref<800xi32, #tpu.memory_space<vmem>> -> memref<80xi32, #tpu.memory_space<vmem>>
        %dma_start3A_913 = arith.constant 0 : i32
        %dma_start3A_914 = arith.constant 0 : i32
        %dma_start3A_915 = tpu.memref_slice %arg2[%dma_start3A_913, %dma_start3A_914] : memref<102400x16xf32, #tpu.memory_space<hbm>> -> memref<102400x16xf32, #tpu.memory_space<hbm>>
        tpu.enqueue_indirect_dma source(%dma_start3A_915 : memref<102400x16xf32, #tpu.memory_space<hbm>>) target(%dma_start3A_910 : memref<80x16xf32, #tpu.memory_space<vmem>>) offsets(%dma_start3A_912 : memref<80xi32, #tpu.memory_space<vmem>>) semaphore(%arg14 : memref<!tpu.dma_semaphore, #tpu.memory_space<semaphore_mem>>)
        %dma_start3A_916 = arith.constant 320 : i32
        %dma_start3A_917 = arith.constant 0 : i32
        %dma_start3A_918 = tpu.memref_slice %arg11[%dma_start3A_916, %dma_start3A_917] : memref<400x16xf32, #tpu.memory_space<vmem>> -> memref<80x16xf32, #tpu.memory_space<vmem>>
        %dma_start3A_919 = arith.constant 320 : i32
        %dma_start3A_920 = tpu.memref_slice %arg7[%dma_start3A_919] : memref<800xi32, #tpu.memory_space<vmem>> -> memref<80xi32, #tpu.memory_space<vmem>>
        %dma_start3A_921 = arith.constant 0 : i32
        %dma_start3A_922 = arith.constant 0 : i32
        %dma_start3A_923 = tpu.memref_slice %arg2[%dma_start3A_921, %dma_start3A_922] : memref<102400x16xf32, #tpu.memory_space<hbm>> -> memref<102400x16xf32, #tpu.memory_space<hbm>>
        tpu.enqueue_indirect_dma source(%dma_start3A_923 : memref<102400x16xf32, #tpu.memory_space<hbm>>) target(%dma_start3A_918 : memref<80x16xf32, #tpu.memory_space<vmem>>) offsets(%dma_start3A_920 : memref<80xi32, #tpu.memory_space<vmem>>) semaphore(%arg14 : memref<!tpu.dma_semaphore, #tpu.memory_space<semaphore_mem>>)
      }
      %scan3A_151 = arith.constant 125 : i32
      %dma_wait3A_152 = arith.constant 0 : i32
      %dma_wait3A_153 = arith.constant 0 : i32
      %dma_wait3A_154 = tpu.memref_slice %arg11[%dma_wait3A_152, %dma_wait3A_153] : memref<400x16xf32, #tpu.memory_space<vmem>> -> memref<80x16xf32, #tpu.memory_space<vmem>>
      %dma_wait3A_155 = arith.constant 0 : i32
      %dma_wait3A_156 = tpu.memref_slice %arg7[%dma_wait3A_155] : memref<800xi32, #tpu.memory_space<vmem>> -> memref<80xi32, #tpu.memory_space<vmem>>
      %dma_wait3A_157 = arith.constant 0 : i32
      %dma_wait3A_158 = arith.constant 0 : i32
      %dma_wait3A_159 = tpu.memref_slice %arg2[%dma_wait3A_157, %dma_wait3A_158] : memref<102400x16xf32, #tpu.memory_space<hbm>> -> memref<102400x16xf32, #tpu.memory_space<hbm>>
      tpu.wait_indirect_dma semaphore(%arg14 : memref<!tpu.dma_semaphore, #tpu.memory_space<semaphore_mem>>) src(%dma_wait3A_159 : memref<102400x16xf32, #tpu.memory_space<hbm>>) dst(%dma_wait3A_154 : memref<80x16xf32, #tpu.memory_space<vmem>>)
      %dma_wait3A_160 = arith.constant 80 : i32
      %dma_wait3A_161 = arith.constant 0 : i32
      %dma_wait3A_162 = tpu.memref_slice %arg11[%dma_wait3A_160, %dma_wait3A_161] : memref<400x16xf32, #tpu.memory_space<vmem>> -> memref<80x16xf32, #tpu.memory_space<vmem>>
      %dma_wait3A_163 = arith.constant 80 : i32
      %dma_wait3A_164 = tpu.memref_slice %arg7[%dma_wait3A_163] : memref<800xi32, #tpu.memory_space<vmem>> -> memref<80xi32, #tpu.memory_space<vmem>>
      %dma_wait3A_165 = arith.constant 0 : i32
      %dma_wait3A_166 = arith.constant 0 : i32
      %dma_wait3A_167 = tpu.memref_slice %arg2[%dma_wait3A_165, %dma_wait3A_166] : memref<102400x16xf32, #tpu.memory_space<hbm>> -> memref<102400x16xf32, #tpu.memory_space<hbm>>
      tpu.wait_indirect_dma semaphore(%arg14 : memref<!tpu.dma_semaphore, #tpu.memory_space<semaphore_mem>>) src(%dma_wait3A_167 : memref<102400x16xf32, #tpu.memory_space<hbm>>) dst(%dma_wait3A_162 : memref<80x16xf32, #tpu.memory_space<vmem>>)
      %dma_wait3A_168 = arith.constant 160 : i32
      %dma_wait3A_169 = arith.constant 0 : i32
      %dma_wait3A_170 = tpu.memref_slice %arg11[%dma_wait3A_168, %dma_wait3A_169] : memref<400x16xf32, #tpu.memory_space<vmem>> -> memref<80x16xf32, #tpu.memory_space<vmem>>
      %dma_wait3A_171 = arith.constant 160 : i32
      %dma_wait3A_172 = tpu.memref_slice %arg7[%dma_wait3A_171] : memref<800xi32, #tpu.memory_space<vmem>> -> memref<80xi32, #tpu.memory_space<vmem>>
      %dma_wait3A_173 = arith.constant 0 : i32
      %dma_wait3A_174 = arith.constant 0 : i32
      %dma_wait3A_175 = tpu.memref_slice %arg2[%dma_wait3A_173, %dma_wait3A_174] : memref<102400x16xf32, #tpu.memory_space<hbm>> -> memref<102400x16xf32, #tpu.memory_space<hbm>>
      tpu.wait_indirect_dma semaphore(%arg14 : memref<!tpu.dma_semaphore, #tpu.memory_space<semaphore_mem>>) src(%dma_wait3A_175 : memref<102400x16xf32, #tpu.memory_space<hbm>>) dst(%dma_wait3A_170 : memref<80x16xf32, #tpu.memory_space<vmem>>)
      %dma_wait3A_176 = arith.constant 240 : i32
      %dma_wait3A_177 = arith.constant 0 : i32
      %dma_wait3A_178 = tpu.memref_slice %arg11[%dma_wait3A_176, %dma_wait3A_177] : memref<400x16xf32, #tpu.memory_space<vmem>> -> memref<80x16xf32, #tpu.memory_space<vmem>>
      %dma_wait3A_179 = arith.constant 240 : i32
      %dma_wait3A_180 = tpu.memref_slice %arg7[%dma_wait3A_179] : memref<800xi32, #tpu.memory_space<vmem>> -> memref<80xi32, #tpu.memory_space<vmem>>
      %dma_wait3A_181 = arith.constant 0 : i32
      %dma_wait3A_182 = arith.constant 0 : i32
      %dma_wait3A_183 = tpu.memref_slice %arg2[%dma_wait3A_181, %dma_wait3A_182] : memref<102400x16xf32, #tpu.memory_space<hbm>> -> memref<102400x16xf32, #tpu.memory_space<hbm>>
      tpu.wait_indirect_dma semaphore(%arg14 : memref<!tpu.dma_semaphore, #tpu.memory_space<semaphore_mem>>) src(%dma_wait3A_183 : memref<102400x16xf32, #tpu.memory_space<hbm>>) dst(%dma_wait3A_178 : memref<80x16xf32, #tpu.memory_space<vmem>>)
      %dma_wait3A_184 = arith.constant 320 : i32
      %dma_wait3A_185 = arith.constant 0 : i32
      %dma_wait3A_186 = tpu.memref_slice %arg11[%dma_wait3A_184, %dma_wait3A_185] : memref<400x16xf32, #tpu.memory_space<vmem>> -> memref<80x16xf32, #tpu.memory_space<vmem>>
      %dma_wait3A_187 = arith.constant 320 : i32
      %dma_wait3A_188 = tpu.memref_slice %arg7[%dma_wait3A_187] : memref<800xi32, #tpu.memory_space<vmem>> -> memref<80xi32, #tpu.memory_space<vmem>>
      %dma_wait3A_189 = arith.constant 0 : i32
      %dma_wait3A_190 = arith.constant 0 : i32
      %dma_wait3A_191 = tpu.memref_slice %arg2[%dma_wait3A_189, %dma_wait3A_190] : memref<102400x16xf32, #tpu.memory_space<hbm>> -> memref<102400x16xf32, #tpu.memory_space<hbm>>
      tpu.wait_indirect_dma semaphore(%arg14 : memref<!tpu.dma_semaphore, #tpu.memory_space<semaphore_mem>>) src(%dma_wait3A_191 : memref<102400x16xf32, #tpu.memory_space<hbm>>) dst(%dma_wait3A_186 : memref<80x16xf32, #tpu.memory_space<vmem>>)
      %dma_wait3A_192 = arith.constant 0 : i32
      %dma_wait3A_193 = arith.constant 0 : i32
      %dma_wait3A_194 = tpu.memref_slice %arg12[%dma_wait3A_192, %dma_wait3A_193] : memref<400x16xf32, #tpu.memory_space<vmem>> -> memref<80x16xf32, #tpu.memory_space<vmem>>
      %dma_wait3A_195 = arith.constant 400 : i32
      %dma_wait3A_196 = tpu.memref_slice %arg8[%dma_wait3A_195] : memref<800xi32, #tpu.memory_space<vmem>> -> memref<80xi32, #tpu.memory_space<vmem>>
      %dma_wait3A_197 = arith.constant 0 : i32
      %dma_wait3A_198 = arith.constant 0 : i32
      %dma_wait3A_199 = tpu.memref_slice %arg13[%dma_wait3A_197, %dma_wait3A_198] : memref<100000x16xf32, #tpu.memory_space<vmem_shared>> -> memref<100000x16xf32, #tpu.memory_space<vmem_shared>>
      tpu.wait_indirect_dma semaphore(%arg17 : memref<!tpu.dma_semaphore, #tpu.memory_space<semaphore_mem>>) src(%dma_wait3A_194 : memref<80x16xf32, #tpu.memory_space<vmem>>) dst(%dma_wait3A_199 : memref<100000x16xf32, #tpu.memory_space<vmem_shared>>)
      %dma_wait3A_200 = arith.constant 80 : i32
      %dma_wait3A_201 = arith.constant 0 : i32
      %dma_wait3A_202 = tpu.memref_slice %arg12[%dma_wait3A_200, %dma_wait3A_201] : memref<400x16xf32, #tpu.memory_space<vmem>> -> memref<80x16xf32, #tpu.memory_space<vmem>>
      %dma_wait3A_203 = arith.constant 480 : i32
      %dma_wait3A_204 = tpu.memref_slice %arg8[%dma_wait3A_203] : memref<800xi32, #tpu.memory_space<vmem>> -> memref<80xi32, #tpu.memory_space<vmem>>
      %dma_wait3A_205 = arith.constant 0 : i32
      %dma_wait3A_206 = arith.constant 0 : i32
      %dma_wait3A_207 = tpu.memref_slice %arg13[%dma_wait3A_205, %dma_wait3A_206] : memref<100000x16xf32, #tpu.memory_space<vmem_shared>> -> memref<100000x16xf32, #tpu.memory_space<vmem_shared>>
      tpu.wait_indirect_dma semaphore(%arg17 : memref<!tpu.dma_semaphore, #tpu.memory_space<semaphore_mem>>) src(%dma_wait3A_202 : memref<80x16xf32, #tpu.memory_space<vmem>>) dst(%dma_wait3A_207 : memref<100000x16xf32, #tpu.memory_space<vmem_shared>>)
      %dma_wait3A_208 = arith.constant 160 : i32
      %dma_wait3A_209 = arith.constant 0 : i32
      %dma_wait3A_210 = tpu.memref_slice %arg12[%dma_wait3A_208, %dma_wait3A_209] : memref<400x16xf32, #tpu.memory_space<vmem>> -> memref<80x16xf32, #tpu.memory_space<vmem>>
      %dma_wait3A_211 = arith.constant 560 : i32
      %dma_wait3A_212 = tpu.memref_slice %arg8[%dma_wait3A_211] : memref<800xi32, #tpu.memory_space<vmem>> -> memref<80xi32, #tpu.memory_space<vmem>>
      %dma_wait3A_213 = arith.constant 0 : i32
      %dma_wait3A_214 = arith.constant 0 : i32
      %dma_wait3A_215 = tpu.memref_slice %arg13[%dma_wait3A_213, %dma_wait3A_214] : memref<100000x16xf32, #tpu.memory_space<vmem_shared>> -> memref<100000x16xf32, #tpu.memory_space<vmem_shared>>
      tpu.wait_indirect_dma semaphore(%arg17 : memref<!tpu.dma_semaphore, #tpu.memory_space<semaphore_mem>>) src(%dma_wait3A_210 : memref<80x16xf32, #tpu.memory_space<vmem>>) dst(%dma_wait3A_215 : memref<100000x16xf32, #tpu.memory_space<vmem_shared>>)
      %dma_wait3A_216 = arith.constant 240 : i32
      %dma_wait3A_217 = arith.constant 0 : i32
      %dma_wait3A_218 = tpu.memref_slice %arg12[%dma_wait3A_216, %dma_wait3A_217] : memref<400x16xf32, #tpu.memory_space<vmem>> -> memref<80x16xf32, #tpu.memory_space<vmem>>
      %dma_wait3A_219 = arith.constant 640 : i32
      %dma_wait3A_220 = tpu.memref_slice %arg8[%dma_wait3A_219] : memref<800xi32, #tpu.memory_space<vmem>> -> memref<80xi32, #tpu.memory_space<vmem>>
      %dma_wait3A_221 = arith.constant 0 : i32
      %dma_wait3A_222 = arith.constant 0 : i32
      %dma_wait3A_223 = tpu.memref_slice %arg13[%dma_wait3A_221, %dma_wait3A_222] : memref<100000x16xf32, #tpu.memory_space<vmem_shared>> -> memref<100000x16xf32, #tpu.memory_space<vmem_shared>>
      tpu.wait_indirect_dma semaphore(%arg17 : memref<!tpu.dma_semaphore, #tpu.memory_space<semaphore_mem>>) src(%dma_wait3A_218 : memref<80x16xf32, #tpu.memory_space<vmem>>) dst(%dma_wait3A_223 : memref<100000x16xf32, #tpu.memory_space<vmem_shared>>)
      %dma_wait3A_224 = arith.constant 320 : i32
      %dma_wait3A_225 = arith.constant 0 : i32
      %dma_wait3A_226 = tpu.memref_slice %arg12[%dma_wait3A_224, %dma_wait3A_225] : memref<400x16xf32, #tpu.memory_space<vmem>> -> memref<80x16xf32, #tpu.memory_space<vmem>>
      %dma_wait3A_227 = arith.constant 720 : i32
      %dma_wait3A_228 = tpu.memref_slice %arg8[%dma_wait3A_227] : memref<800xi32, #tpu.memory_space<vmem>> -> memref<80xi32, #tpu.memory_space<vmem>>
      %dma_wait3A_229 = arith.constant 0 : i32
      %dma_wait3A_230 = arith.constant 0 : i32
      %dma_wait3A_231 = tpu.memref_slice %arg13[%dma_wait3A_229, %dma_wait3A_230] : memref<100000x16xf32, #tpu.memory_space<vmem_shared>> -> memref<100000x16xf32, #tpu.memory_space<vmem_shared>>
      tpu.wait_indirect_dma semaphore(%arg17 : memref<!tpu.dma_semaphore, #tpu.memory_space<semaphore_mem>>) src(%dma_wait3A_226 : memref<80x16xf32, #tpu.memory_space<vmem>>) dst(%dma_wait3A_231 : memref<100000x16xf32, #tpu.memory_space<vmem_shared>>)
    } else {
    }
    %eq3A_39 = arith.constant 1 : i32
    %eq3A_40 = arith.cmpi eq, %arg0, %eq3A_39 : i32
    %convert_element_type3A_41 = arith.extui %eq3A_40 : i1 to i32
    %cond3A_42 = arith.constant 0 : i32
    %cond3A_43 = arith.cmpi ne, %convert_element_type3A_41, %cond3A_42 : i32
    scf.if %cond3A_43 {
      %mul3A_50 = arith.constant 500 : i32
      %mul3A_51 = arith.muli %arg1, %mul3A_50 : i32
      %add3A_52 = arith.constant 0 : i32
      %add3A_53 = arith.addi %mul3A_51, %add3A_52 : i32
      %mul3A_54 = arith.constant 400 : i32
      %mul3A_55 = arith.muli %add3A_53, %mul3A_54 : i32
      %dma_start3A = tpu.memref_slice %arg4[%mul3A_55] : memref<3200000xi32, #tpu.memory_space<hbm>> -> memref<800xi32, #tpu.memory_space<hbm>>
      %dma_start3A_56 = tpu.memref_slice %arg4[%mul3A_55] : memref<3200000xi32, #tpu.memory_space<hbm>> -> memref<800xi32, #tpu.memory_space<hbm>>
      tpu.enqueue_dma source(%dma_start3A_56 : memref<800xi32, #tpu.memory_space<hbm>>) target(%arg7 : memref<800xi32, #tpu.memory_space<vmem>>) target_semaphore(%arg18 : memref<!tpu.dma_semaphore, #tpu.memory_space<semaphore_mem>>)
      %dma_start3A_57 = tpu.memref_slice %arg5[%mul3A_55] : memref<3200000xi32, #tpu.memory_space<hbm>> -> memref<800xi32, #tpu.memory_space<hbm>>
      %dma_start3A_58 = tpu.memref_slice %arg5[%mul3A_55] : memref<3200000xi32, #tpu.memory_space<hbm>> -> memref<800xi32, #tpu.memory_space<hbm>>
      tpu.enqueue_dma source(%dma_start3A_58 : memref<800xi32, #tpu.memory_space<hbm>>) target(%arg8 : memref<800xi32, #tpu.memory_space<vmem>>) target_semaphore(%arg18 : memref<!tpu.dma_semaphore, #tpu.memory_space<semaphore_mem>>)
      %dma_wait3A = arith.constant 0 : i32
      %dma_wait3A_59 = tpu.memref_slice %arg4[%dma_wait3A] : memref<3200000xi32, #tpu.memory_space<hbm>> -> memref<800xi32, #tpu.memory_space<hbm>>
      %dma_wait3A_60 = arith.constant 0 : i32
      %dma_wait3A_61 = tpu.memref_slice %arg4[%dma_wait3A_60] : memref<3200000xi32, #tpu.memory_space<hbm>> -> memref<800xi32, #tpu.memory_space<hbm>>
      tpu.wait_dma2 semaphore(%arg18 : memref<!tpu.dma_semaphore, #tpu.memory_space<semaphore_mem>>) src(%dma_wait3A_61 : memref<800xi32, #tpu.memory_space<hbm>>) dst(%arg7 : memref<800xi32, #tpu.memory_space<vmem>>)
      %dma_wait3A_62 = arith.constant 0 : i32
      %dma_wait3A_63 = tpu.memref_slice %arg5[%dma_wait3A_62] : memref<3200000xi32, #tpu.memory_space<hbm>> -> memref<800xi32, #tpu.memory_space<hbm>>
      %dma_wait3A_64 = arith.constant 0 : i32
      %dma_wait3A_65 = tpu.memref_slice %arg5[%dma_wait3A_64] : memref<3200000xi32, #tpu.memory_space<hbm>> -> memref<800xi32, #tpu.memory_space<hbm>>
      tpu.wait_dma2 semaphore(%arg18 : memref<!tpu.dma_semaphore, #tpu.memory_space<semaphore_mem>>) src(%dma_wait3A_65 : memref<800xi32, #tpu.memory_space<hbm>>) dst(%arg8 : memref<800xi32, #tpu.memory_space<vmem>>)
      %dma_start3A_66 = arith.constant 0 : i32
      %dma_start3A_67 = arith.constant 0 : i32
      %dma_start3A_68 = tpu.memref_slice %arg12[%dma_start3A_66, %dma_start3A_67] : memref<400x16xf32, #tpu.memory_space<vmem>> -> memref<80x16xf32, #tpu.memory_space<vmem>>
      %dma_start3A_69 = arith.constant 0 : i32
      %dma_start3A_70 = tpu.memref_slice %arg8[%dma_start3A_69] : memref<800xi32, #tpu.memory_space<vmem>> -> memref<80xi32, #tpu.memory_space<vmem>>
      %dma_start3A_71 = arith.constant 0 : i32
      %dma_start3A_72 = arith.constant 0 : i32
      %dma_start3A_73 = tpu.memref_slice %arg13[%dma_start3A_71, %dma_start3A_72] : memref<100000x16xf32, #tpu.memory_space<vmem_shared>> -> memref<100000x16xf32, #tpu.memory_space<vmem_shared>>
      tpu.enqueue_indirect_dma source(%dma_start3A_68 : memref<80x16xf32, #tpu.memory_space<vmem>>) target(%dma_start3A_73 : memref<100000x16xf32, #tpu.memory_space<vmem_shared>>) offsets(%dma_start3A_70 : memref<80xi32, #tpu.memory_space<vmem>>) semaphore(%arg17 : memref<!tpu.dma_semaphore, #tpu.memory_space<semaphore_mem>>) {add = true}
      %dma_start3A_74 = arith.constant 80 : i32
      %dma_start3A_75 = arith.constant 0 : i32
      %dma_start3A_76 = tpu.memref_slice %arg12[%dma_start3A_74, %dma_start3A_75] : memref<400x16xf32, #tpu.memory_space<vmem>> -> memref<80x16xf32, #tpu.memory_space<vmem>>
      %dma_start3A_77 = arith.constant 80 : i32
      %dma_start3A_78 = tpu.memref_slice %arg8[%dma_start3A_77] : memref<800xi32, #tpu.memory_space<vmem>> -> memref<80xi32, #tpu.memory_space<vmem>>
      %dma_start3A_79 = arith.constant 0 : i32
      %dma_start3A_80 = arith.constant 0 : i32
      %dma_start3A_81 = tpu.memref_slice %arg13[%dma_start3A_79, %dma_start3A_80] : memref<100000x16xf32, #tpu.memory_space<vmem_shared>> -> memref<100000x16xf32, #tpu.memory_space<vmem_shared>>
      tpu.enqueue_indirect_dma source(%dma_start3A_76 : memref<80x16xf32, #tpu.memory_space<vmem>>) target(%dma_start3A_81 : memref<100000x16xf32, #tpu.memory_space<vmem_shared>>) offsets(%dma_start3A_78 : memref<80xi32, #tpu.memory_space<vmem>>) semaphore(%arg17 : memref<!tpu.dma_semaphore, #tpu.memory_space<semaphore_mem>>) {add = true}
      %dma_start3A_82 = arith.constant 160 : i32
      %dma_start3A_83 = arith.constant 0 : i32
      %dma_start3A_84 = tpu.memref_slice %arg12[%dma_start3A_82, %dma_start3A_83] : memref<400x16xf32, #tpu.memory_space<vmem>> -> memref<80x16xf32, #tpu.memory_space<vmem>>
      %dma_start3A_85 = arith.constant 160 : i32
      %dma_start3A_86 = tpu.memref_slice %arg8[%dma_start3A_85] : memref<800xi32, #tpu.memory_space<vmem>> -> memref<80xi32, #tpu.memory_space<vmem>>
      %dma_start3A_87 = arith.constant 0 : i32
      %dma_start3A_88 = arith.constant 0 : i32
      %dma_start3A_89 = tpu.memref_slice %arg13[%dma_start3A_87, %dma_start3A_88] : memref<100000x16xf32, #tpu.memory_space<vmem_shared>> -> memref<100000x16xf32, #tpu.memory_space<vmem_shared>>
      tpu.enqueue_indirect_dma source(%dma_start3A_84 : memref<80x16xf32, #tpu.memory_space<vmem>>) target(%dma_start3A_89 : memref<100000x16xf32, #tpu.memory_space<vmem_shared>>) offsets(%dma_start3A_86 : memref<80xi32, #tpu.memory_space<vmem>>) semaphore(%arg17 : memref<!tpu.dma_semaphore, #tpu.memory_space<semaphore_mem>>) {add = true}
      %dma_start3A_90 = arith.constant 240 : i32
      %dma_start3A_91 = arith.constant 0 : i32
      %dma_start3A_92 = tpu.memref_slice %arg12[%dma_start3A_90, %dma_start3A_91] : memref<400x16xf32, #tpu.memory_space<vmem>> -> memref<80x16xf32, #tpu.memory_space<vmem>>
      %dma_start3A_93 = arith.constant 240 : i32
      %dma_start3A_94 = tpu.memref_slice %arg8[%dma_start3A_93] : memref<800xi32, #tpu.memory_space<vmem>> -> memref<80xi32, #tpu.memory_space<vmem>>
      %dma_start3A_95 = arith.constant 0 : i32
      %dma_start3A_96 = arith.constant 0 : i32
      %dma_start3A_97 = tpu.memref_slice %arg13[%dma_start3A_95, %dma_start3A_96] : memref<100000x16xf32, #tpu.memory_space<vmem_shared>> -> memref<100000x16xf32, #tpu.memory_space<vmem_shared>>
      tpu.enqueue_indirect_dma source(%dma_start3A_92 : memref<80x16xf32, #tpu.memory_space<vmem>>) target(%dma_start3A_97 : memref<100000x16xf32, #tpu.memory_space<vmem_shared>>) offsets(%dma_start3A_94 : memref<80xi32, #tpu.memory_space<vmem>>) semaphore(%arg17 : memref<!tpu.dma_semaphore, #tpu.memory_space<semaphore_mem>>) {add = true}
      %dma_start3A_98 = arith.constant 320 : i32
      %dma_start3A_99 = arith.constant 0 : i32
      %dma_start3A_100 = tpu.memref_slice %arg12[%dma_start3A_98, %dma_start3A_99] : memref<400x16xf32, #tpu.memory_space<vmem>> -> memref<80x16xf32, #tpu.memory_space<vmem>>
      %dma_start3A_101 = arith.constant 320 : i32
      %dma_start3A_102 = tpu.memref_slice %arg8[%dma_start3A_101] : memref<800xi32, #tpu.memory_space<vmem>> -> memref<80xi32, #tpu.memory_space<vmem>>
      %dma_start3A_103 = arith.constant 0 : i32
      %dma_start3A_104 = arith.constant 0 : i32
      %dma_start3A_105 = tpu.memref_slice %arg13[%dma_start3A_103, %dma_start3A_104] : memref<100000x16xf32, #tpu.memory_space<vmem_shared>> -> memref<100000x16xf32, #tpu.memory_space<vmem_shared>>
      tpu.enqueue_indirect_dma source(%dma_start3A_100 : memref<80x16xf32, #tpu.memory_space<vmem>>) target(%dma_start3A_105 : memref<100000x16xf32, #tpu.memory_space<vmem_shared>>) offsets(%dma_start3A_102 : memref<80xi32, #tpu.memory_space<vmem>>) semaphore(%arg17 : memref<!tpu.dma_semaphore, #tpu.memory_space<semaphore_mem>>) {add = true}
      %dma_start3A_106 = arith.constant 0 : i32
      %dma_start3A_107 = arith.constant 0 : i32
      %dma_start3A_108 = tpu.memref_slice %arg11[%dma_start3A_106, %dma_start3A_107] : memref<400x16xf32, #tpu.memory_space<vmem>> -> memref<80x16xf32, #tpu.memory_space<vmem>>
      %dma_start3A_109 = arith.constant 0 : i32
      %dma_start3A_110 = tpu.memref_slice %arg7[%dma_start3A_109] : memref<800xi32, #tpu.memory_space<vmem>> -> memref<80xi32, #tpu.memory_space<vmem>>
      %dma_start3A_111 = arith.constant 0 : i32
      %dma_start3A_112 = arith.constant 0 : i32
      %dma_start3A_113 = tpu.memref_slice %arg3[%dma_start3A_111, %dma_start3A_112] : memref<102400x16xf32, #tpu.memory_space<hbm>> -> memref<102400x16xf32, #tpu.memory_space<hbm>>
      tpu.enqueue_indirect_dma source(%dma_start3A_113 : memref<102400x16xf32, #tpu.memory_space<hbm>>) target(%dma_start3A_108 : memref<80x16xf32, #tpu.memory_space<vmem>>) offsets(%dma_start3A_110 : memref<80xi32, #tpu.memory_space<vmem>>) semaphore(%arg14 : memref<!tpu.dma_semaphore, #tpu.memory_space<semaphore_mem>>)
      %dma_start3A_114 = arith.constant 80 : i32
      %dma_start3A_115 = arith.constant 0 : i32
      %dma_start3A_116 = tpu.memref_slice %arg11[%dma_start3A_114, %dma_start3A_115] : memref<400x16xf32, #tpu.memory_space<vmem>> -> memref<80x16xf32, #tpu.memory_space<vmem>>
      %dma_start3A_117 = arith.constant 80 : i32
      %dma_start3A_118 = tpu.memref_slice %arg7[%dma_start3A_117] : memref<800xi32, #tpu.memory_space<vmem>> -> memref<80xi32, #tpu.memory_space<vmem>>
      %dma_start3A_119 = arith.constant 0 : i32
      %dma_start3A_120 = arith.constant 0 : i32
      %dma_start3A_121 = tpu.memref_slice %arg3[%dma_start3A_119, %dma_start3A_120] : memref<102400x16xf32, #tpu.memory_space<hbm>> -> memref<102400x16xf32, #tpu.memory_space<hbm>>
      tpu.enqueue_indirect_dma source(%dma_start3A_121 : memref<102400x16xf32, #tpu.memory_space<hbm>>) target(%dma_start3A_116 : memref<80x16xf32, #tpu.memory_space<vmem>>) offsets(%dma_start3A_118 : memref<80xi32, #tpu.memory_space<vmem>>) semaphore(%arg14 : memref<!tpu.dma_semaphore, #tpu.memory_space<semaphore_mem>>)
      %dma_start3A_122 = arith.constant 160 : i32
      %dma_start3A_123 = arith.constant 0 : i32
      %dma_start3A_124 = tpu.memref_slice %arg11[%dma_start3A_122, %dma_start3A_123] : memref<400x16xf32, #tpu.memory_space<vmem>> -> memref<80x16xf32, #tpu.memory_space<vmem>>
      %dma_start3A_125 = arith.constant 160 : i32
      %dma_start3A_126 = tpu.memref_slice %arg7[%dma_start3A_125] : memref<800xi32, #tpu.memory_space<vmem>> -> memref<80xi32, #tpu.memory_space<vmem>>
      %dma_start3A_127 = arith.constant 0 : i32
      %dma_start3A_128 = arith.constant 0 : i32
      %dma_start3A_129 = tpu.memref_slice %arg3[%dma_start3A_127, %dma_start3A_128] : memref<102400x16xf32, #tpu.memory_space<hbm>> -> memref<102400x16xf32, #tpu.memory_space<hbm>>
      tpu.enqueue_indirect_dma source(%dma_start3A_129 : memref<102400x16xf32, #tpu.memory_space<hbm>>) target(%dma_start3A_124 : memref<80x16xf32, #tpu.memory_space<vmem>>) offsets(%dma_start3A_126 : memref<80xi32, #tpu.memory_space<vmem>>) semaphore(%arg14 : memref<!tpu.dma_semaphore, #tpu.memory_space<semaphore_mem>>)
      %dma_start3A_130 = arith.constant 240 : i32
      %dma_start3A_131 = arith.constant 0 : i32
      %dma_start3A_132 = tpu.memref_slice %arg11[%dma_start3A_130, %dma_start3A_131] : memref<400x16xf32, #tpu.memory_space<vmem>> -> memref<80x16xf32, #tpu.memory_space<vmem>>
      %dma_start3A_133 = arith.constant 240 : i32
      %dma_start3A_134 = tpu.memref_slice %arg7[%dma_start3A_133] : memref<800xi32, #tpu.memory_space<vmem>> -> memref<80xi32, #tpu.memory_space<vmem>>
      %dma_start3A_135 = arith.constant 0 : i32
      %dma_start3A_136 = arith.constant 0 : i32
      %dma_start3A_137 = tpu.memref_slice %arg3[%dma_start3A_135, %dma_start3A_136] : memref<102400x16xf32, #tpu.memory_space<hbm>> -> memref<102400x16xf32, #tpu.memory_space<hbm>>
      tpu.enqueue_indirect_dma source(%dma_start3A_137 : memref<102400x16xf32, #tpu.memory_space<hbm>>) target(%dma_start3A_132 : memref<80x16xf32, #tpu.memory_space<vmem>>) offsets(%dma_start3A_134 : memref<80xi32, #tpu.memory_space<vmem>>) semaphore(%arg14 : memref<!tpu.dma_semaphore, #tpu.memory_space<semaphore_mem>>)
      %dma_start3A_138 = arith.constant 320 : i32
      %dma_start3A_139 = arith.constant 0 : i32
      %dma_start3A_140 = tpu.memref_slice %arg11[%dma_start3A_138, %dma_start3A_139] : memref<400x16xf32, #tpu.memory_space<vmem>> -> memref<80x16xf32, #tpu.memory_space<vmem>>
      %dma_start3A_141 = arith.constant 320 : i32
      %dma_start3A_142 = tpu.memref_slice %arg7[%dma_start3A_141] : memref<800xi32, #tpu.memory_space<vmem>> -> memref<80xi32, #tpu.memory_space<vmem>>
      %dma_start3A_143 = arith.constant 0 : i32
      %dma_start3A_144 = arith.constant 0 : i32
      %dma_start3A_145 = tpu.memref_slice %arg3[%dma_start3A_143, %dma_start3A_144] : memref<102400x16xf32, #tpu.memory_space<hbm>> -> memref<102400x16xf32, #tpu.memory_space<hbm>>
      tpu.enqueue_indirect_dma source(%dma_start3A_145 : memref<102400x16xf32, #tpu.memory_space<hbm>>) target(%dma_start3A_140 : memref<80x16xf32, #tpu.memory_space<vmem>>) offsets(%dma_start3A_142 : memref<80xi32, #tpu.memory_space<vmem>>) semaphore(%arg14 : memref<!tpu.dma_semaphore, #tpu.memory_space<semaphore_mem>>)
      %scan3A_146 = arith.constant 0 : i32
      %scan3A_147 = arith.constant 0 : i32
      %scan3A_148 = arith.constant 125 : i32
      %scan3A_149 = arith.addi %scan3A_147, %scan3A_148 : i32
      %scan3A_150 = arith.constant 1 : i32
      scf.for %scan3A_232 = %scan3A_147 to %scan3A_149 step %scan3A_150  : i32 {
        %mul3A_233 = arith.constant 2 : i32
        %mul3A_234 = arith.muli %mul3A_233, %scan3A_232 : i32
        %add3A_235 = arith.constant 1 : i32
        %add3A_236 = arith.addi %mul3A_234, %add3A_235 : i32
        %rem3A = arith.constant 250 : i32
        %rem3A_237 = arith.remsi %add3A_236, %rem3A : i32
        %dma_wait3A_238 = arith.constant 0 : i32
        %dma_wait3A_239 = arith.constant 0 : i32
        %dma_wait3A_240 = tpu.memref_slice %arg12[%dma_wait3A_238, %dma_wait3A_239] : memref<400x16xf32, #tpu.memory_space<vmem>> -> memref<80x16xf32, #tpu.memory_space<vmem>>
        %dma_wait3A_241 = arith.constant 400 : i32
        %dma_wait3A_242 = tpu.memref_slice %arg8[%dma_wait3A_241] : memref<800xi32, #tpu.memory_space<vmem>> -> memref<80xi32, #tpu.memory_space<vmem>>
        %dma_wait3A_243 = arith.constant 0 : i32
        %dma_wait3A_244 = arith.constant 0 : i32
        %dma_wait3A_245 = tpu.memref_slice %arg13[%dma_wait3A_243, %dma_wait3A_244] : memref<100000x16xf32, #tpu.memory_space<vmem_shared>> -> memref<100000x16xf32, #tpu.memory_space<vmem_shared>>
        tpu.wait_indirect_dma semaphore(%arg17 : memref<!tpu.dma_semaphore, #tpu.memory_space<semaphore_mem>>) src(%dma_wait3A_240 : memref<80x16xf32, #tpu.memory_space<vmem>>) dst(%dma_wait3A_245 : memref<100000x16xf32, #tpu.memory_space<vmem_shared>>)
        %dma_wait3A_246 = arith.constant 80 : i32
        %dma_wait3A_247 = arith.constant 0 : i32
        %dma_wait3A_248 = tpu.memref_slice %arg12[%dma_wait3A_246, %dma_wait3A_247] : memref<400x16xf32, #tpu.memory_space<vmem>> -> memref<80x16xf32, #tpu.memory_space<vmem>>
        %dma_wait3A_249 = arith.constant 480 : i32
        %dma_wait3A_250 = tpu.memref_slice %arg8[%dma_wait3A_249] : memref<800xi32, #tpu.memory_space<vmem>> -> memref<80xi32, #tpu.memory_space<vmem>>
        %dma_wait3A_251 = arith.constant 0 : i32
        %dma_wait3A_252 = arith.constant 0 : i32
        %dma_wait3A_253 = tpu.memref_slice %arg13[%dma_wait3A_251, %dma_wait3A_252] : memref<100000x16xf32, #tpu.memory_space<vmem_shared>> -> memref<100000x16xf32, #tpu.memory_space<vmem_shared>>
        tpu.wait_indirect_dma semaphore(%arg17 : memref<!tpu.dma_semaphore, #tpu.memory_space<semaphore_mem>>) src(%dma_wait3A_248 : memref<80x16xf32, #tpu.memory_space<vmem>>) dst(%dma_wait3A_253 : memref<100000x16xf32, #tpu.memory_space<vmem_shared>>)
        %dma_wait3A_254 = arith.constant 160 : i32
        %dma_wait3A_255 = arith.constant 0 : i32
        %dma_wait3A_256 = tpu.memref_slice %arg12[%dma_wait3A_254, %dma_wait3A_255] : memref<400x16xf32, #tpu.memory_space<vmem>> -> memref<80x16xf32, #tpu.memory_space<vmem>>
        %dma_wait3A_257 = arith.constant 560 : i32
        %dma_wait3A_258 = tpu.memref_slice %arg8[%dma_wait3A_257] : memref<800xi32, #tpu.memory_space<vmem>> -> memref<80xi32, #tpu.memory_space<vmem>>
        %dma_wait3A_259 = arith.constant 0 : i32
        %dma_wait3A_260 = arith.constant 0 : i32
        %dma_wait3A_261 = tpu.memref_slice %arg13[%dma_wait3A_259, %dma_wait3A_260] : memref<100000x16xf32, #tpu.memory_space<vmem_shared>> -> memref<100000x16xf32, #tpu.memory_space<vmem_shared>>
        tpu.wait_indirect_dma semaphore(%arg17 : memref<!tpu.dma_semaphore, #tpu.memory_space<semaphore_mem>>) src(%dma_wait3A_256 : memref<80x16xf32, #tpu.memory_space<vmem>>) dst(%dma_wait3A_261 : memref<100000x16xf32, #tpu.memory_space<vmem_shared>>)
        %dma_wait3A_262 = arith.constant 240 : i32
        %dma_wait3A_263 = arith.constant 0 : i32
        %dma_wait3A_264 = tpu.memref_slice %arg12[%dma_wait3A_262, %dma_wait3A_263] : memref<400x16xf32, #tpu.memory_space<vmem>> -> memref<80x16xf32, #tpu.memory_space<vmem>>
        %dma_wait3A_265 = arith.constant 640 : i32
        %dma_wait3A_266 = tpu.memref_slice %arg8[%dma_wait3A_265] : memref<800xi32, #tpu.memory_space<vmem>> -> memref<80xi32, #tpu.memory_space<vmem>>
        %dma_wait3A_267 = arith.constant 0 : i32
        %dma_wait3A_268 = arith.constant 0 : i32
        %dma_wait3A_269 = tpu.memref_slice %arg13[%dma_wait3A_267, %dma_wait3A_268] : memref<100000x16xf32, #tpu.memory_space<vmem_shared>> -> memref<100000x16xf32, #tpu.memory_space<vmem_shared>>
        tpu.wait_indirect_dma semaphore(%arg17 : memref<!tpu.dma_semaphore, #tpu.memory_space<semaphore_mem>>) src(%dma_wait3A_264 : memref<80x16xf32, #tpu.memory_space<vmem>>) dst(%dma_wait3A_269 : memref<100000x16xf32, #tpu.memory_space<vmem_shared>>)
        %dma_wait3A_270 = arith.constant 320 : i32
        %dma_wait3A_271 = arith.constant 0 : i32
        %dma_wait3A_272 = tpu.memref_slice %arg12[%dma_wait3A_270, %dma_wait3A_271] : memref<400x16xf32, #tpu.memory_space<vmem>> -> memref<80x16xf32, #tpu.memory_space<vmem>>
        %dma_wait3A_273 = arith.constant 720 : i32
        %dma_wait3A_274 = tpu.memref_slice %arg8[%dma_wait3A_273] : memref<800xi32, #tpu.memory_space<vmem>> -> memref<80xi32, #tpu.memory_space<vmem>>
        %dma_wait3A_275 = arith.constant 0 : i32
        %dma_wait3A_276 = arith.constant 0 : i32
        %dma_wait3A_277 = tpu.memref_slice %arg13[%dma_wait3A_275, %dma_wait3A_276] : memref<100000x16xf32, #tpu.memory_space<vmem_shared>> -> memref<100000x16xf32, #tpu.memory_space<vmem_shared>>
        tpu.wait_indirect_dma semaphore(%arg17 : memref<!tpu.dma_semaphore, #tpu.memory_space<semaphore_mem>>) src(%dma_wait3A_272 : memref<80x16xf32, #tpu.memory_space<vmem>>) dst(%dma_wait3A_277 : memref<100000x16xf32, #tpu.memory_space<vmem_shared>>)
        %mul3A_278 = arith.constant 500 : i32
        %mul3A_279 = arith.muli %arg1, %mul3A_278 : i32
        %mul3A_280 = arith.constant 2 : i32
        %mul3A_281 = arith.muli %mul3A_280, %rem3A_237 : i32
        %add3A_282 = arith.addi %mul3A_279, %mul3A_281 : i32
        %mul3A_283 = arith.constant 400 : i32
        %mul3A_284 = arith.muli %add3A_282, %mul3A_283 : i32
        %dma_start3A_285 = tpu.memref_slice %arg4[%mul3A_284] : memref<3200000xi32, #tpu.memory_space<hbm>> -> memref<800xi32, #tpu.memory_space<hbm>>
        %dma_start3A_286 = tpu.memref_slice %arg4[%mul3A_284] : memref<3200000xi32, #tpu.memory_space<hbm>> -> memref<800xi32, #tpu.memory_space<hbm>>
        tpu.enqueue_dma source(%dma_start3A_286 : memref<800xi32, #tpu.memory_space<hbm>>) target(%arg9 : memref<800xi32, #tpu.memory_space<vmem>>) target_semaphore(%arg18 : memref<!tpu.dma_semaphore, #tpu.memory_space<semaphore_mem>>)
        %dma_start3A_287 = tpu.memref_slice %arg5[%mul3A_284] : memref<3200000xi32, #tpu.memory_space<hbm>> -> memref<800xi32, #tpu.memory_space<hbm>>
        %dma_start3A_288 = tpu.memref_slice %arg5[%mul3A_284] : memref<3200000xi32, #tpu.memory_space<hbm>> -> memref<800xi32, #tpu.memory_space<hbm>>
        tpu.enqueue_dma source(%dma_start3A_288 : memref<800xi32, #tpu.memory_space<hbm>>) target(%arg10 : memref<800xi32, #tpu.memory_space<vmem>>) target_semaphore(%arg18 : memref<!tpu.dma_semaphore, #tpu.memory_space<semaphore_mem>>)
        %dma_start3A_289 = arith.constant 0 : i32
        %dma_start3A_290 = arith.constant 0 : i32
        %dma_start3A_291 = tpu.memref_slice %arg12[%dma_start3A_289, %dma_start3A_290] : memref<400x16xf32, #tpu.memory_space<vmem>> -> memref<80x16xf32, #tpu.memory_space<vmem>>
        %dma_start3A_292 = arith.constant 400 : i32
        %dma_start3A_293 = tpu.memref_slice %arg7[%dma_start3A_292] : memref<800xi32, #tpu.memory_space<vmem>> -> memref<80xi32, #tpu.memory_space<vmem>>
        %dma_start3A_294 = arith.constant 0 : i32
        %dma_start3A_295 = arith.constant 0 : i32
        %dma_start3A_296 = tpu.memref_slice %arg3[%dma_start3A_294, %dma_start3A_295] : memref<102400x16xf32, #tpu.memory_space<hbm>> -> memref<102400x16xf32, #tpu.memory_space<hbm>>
        tpu.enqueue_indirect_dma source(%dma_start3A_296 : memref<102400x16xf32, #tpu.memory_space<hbm>>) target(%dma_start3A_291 : memref<80x16xf32, #tpu.memory_space<vmem>>) offsets(%dma_start3A_293 : memref<80xi32, #tpu.memory_space<vmem>>) semaphore(%arg15 : memref<!tpu.dma_semaphore, #tpu.memory_space<semaphore_mem>>)
        %dma_start3A_297 = arith.constant 80 : i32
        %dma_start3A_298 = arith.constant 0 : i32
        %dma_start3A_299 = tpu.memref_slice %arg12[%dma_start3A_297, %dma_start3A_298] : memref<400x16xf32, #tpu.memory_space<vmem>> -> memref<80x16xf32, #tpu.memory_space<vmem>>
        %dma_start3A_300 = arith.constant 480 : i32
        %dma_start3A_301 = tpu.memref_slice %arg7[%dma_start3A_300] : memref<800xi32, #tpu.memory_space<vmem>> -> memref<80xi32, #tpu.memory_space<vmem>>
        %dma_start3A_302 = arith.constant 0 : i32
        %dma_start3A_303 = arith.constant 0 : i32
        %dma_start3A_304 = tpu.memref_slice %arg3[%dma_start3A_302, %dma_start3A_303] : memref<102400x16xf32, #tpu.memory_space<hbm>> -> memref<102400x16xf32, #tpu.memory_space<hbm>>
        tpu.enqueue_indirect_dma source(%dma_start3A_304 : memref<102400x16xf32, #tpu.memory_space<hbm>>) target(%dma_start3A_299 : memref<80x16xf32, #tpu.memory_space<vmem>>) offsets(%dma_start3A_301 : memref<80xi32, #tpu.memory_space<vmem>>) semaphore(%arg15 : memref<!tpu.dma_semaphore, #tpu.memory_space<semaphore_mem>>)
        %dma_start3A_305 = arith.constant 160 : i32
        %dma_start3A_306 = arith.constant 0 : i32
        %dma_start3A_307 = tpu.memref_slice %arg12[%dma_start3A_305, %dma_start3A_306] : memref<400x16xf32, #tpu.memory_space<vmem>> -> memref<80x16xf32, #tpu.memory_space<vmem>>
        %dma_start3A_308 = arith.constant 560 : i32
        %dma_start3A_309 = tpu.memref_slice %arg7[%dma_start3A_308] : memref<800xi32, #tpu.memory_space<vmem>> -> memref<80xi32, #tpu.memory_space<vmem>>
        %dma_start3A_310 = arith.constant 0 : i32
        %dma_start3A_311 = arith.constant 0 : i32
        %dma_start3A_312 = tpu.memref_slice %arg3[%dma_start3A_310, %dma_start3A_311] : memref<102400x16xf32, #tpu.memory_space<hbm>> -> memref<102400x16xf32, #tpu.memory_space<hbm>>
        tpu.enqueue_indirect_dma source(%dma_start3A_312 : memref<102400x16xf32, #tpu.memory_space<hbm>>) target(%dma_start3A_307 : memref<80x16xf32, #tpu.memory_space<vmem>>) offsets(%dma_start3A_309 : memref<80xi32, #tpu.memory_space<vmem>>) semaphore(%arg15 : memref<!tpu.dma_semaphore, #tpu.memory_space<semaphore_mem>>)
        %dma_start3A_313 = arith.constant 240 : i32
        %dma_start3A_314 = arith.constant 0 : i32
        %dma_start3A_315 = tpu.memref_slice %arg12[%dma_start3A_313, %dma_start3A_314] : memref<400x16xf32, #tpu.memory_space<vmem>> -> memref<80x16xf32, #tpu.memory_space<vmem>>
        %dma_start3A_316 = arith.constant 640 : i32
        %dma_start3A_317 = tpu.memref_slice %arg7[%dma_start3A_316] : memref<800xi32, #tpu.memory_space<vmem>> -> memref<80xi32, #tpu.memory_space<vmem>>
        %dma_start3A_318 = arith.constant 0 : i32
        %dma_start3A_319 = arith.constant 0 : i32
        %dma_start3A_320 = tpu.memref_slice %arg3[%dma_start3A_318, %dma_start3A_319] : memref<102400x16xf32, #tpu.memory_space<hbm>> -> memref<102400x16xf32, #tpu.memory_space<hbm>>
        tpu.enqueue_indirect_dma source(%dma_start3A_320 : memref<102400x16xf32, #tpu.memory_space<hbm>>) target(%dma_start3A_315 : memref<80x16xf32, #tpu.memory_space<vmem>>) offsets(%dma_start3A_317 : memref<80xi32, #tpu.memory_space<vmem>>) semaphore(%arg15 : memref<!tpu.dma_semaphore, #tpu.memory_space<semaphore_mem>>)
        %dma_start3A_321 = arith.constant 320 : i32
        %dma_start3A_322 = arith.constant 0 : i32
        %dma_start3A_323 = tpu.memref_slice %arg12[%dma_start3A_321, %dma_start3A_322] : memref<400x16xf32, #tpu.memory_space<vmem>> -> memref<80x16xf32, #tpu.memory_space<vmem>>
        %dma_start3A_324 = arith.constant 720 : i32
        %dma_start3A_325 = tpu.memref_slice %arg7[%dma_start3A_324] : memref<800xi32, #tpu.memory_space<vmem>> -> memref<80xi32, #tpu.memory_space<vmem>>
        %dma_start3A_326 = arith.constant 0 : i32
        %dma_start3A_327 = arith.constant 0 : i32
        %dma_start3A_328 = tpu.memref_slice %arg3[%dma_start3A_326, %dma_start3A_327] : memref<102400x16xf32, #tpu.memory_space<hbm>> -> memref<102400x16xf32, #tpu.memory_space<hbm>>
        tpu.enqueue_indirect_dma source(%dma_start3A_328 : memref<102400x16xf32, #tpu.memory_space<hbm>>) target(%dma_start3A_323 : memref<80x16xf32, #tpu.memory_space<vmem>>) offsets(%dma_start3A_325 : memref<80xi32, #tpu.memory_space<vmem>>) semaphore(%arg15 : memref<!tpu.dma_semaphore, #tpu.memory_space<semaphore_mem>>)
        %dma_wait3A_329 = arith.constant 0 : i32
        %dma_wait3A_330 = arith.constant 0 : i32
        %dma_wait3A_331 = tpu.memref_slice %arg11[%dma_wait3A_329, %dma_wait3A_330] : memref<400x16xf32, #tpu.memory_space<vmem>> -> memref<80x16xf32, #tpu.memory_space<vmem>>
        %dma_wait3A_332 = arith.constant 0 : i32
        %dma_wait3A_333 = tpu.memref_slice %arg7[%dma_wait3A_332] : memref<800xi32, #tpu.memory_space<vmem>> -> memref<80xi32, #tpu.memory_space<vmem>>
        %dma_wait3A_334 = arith.constant 0 : i32
        %dma_wait3A_335 = arith.constant 0 : i32
        %dma_wait3A_336 = tpu.memref_slice %arg3[%dma_wait3A_334, %dma_wait3A_335] : memref<102400x16xf32, #tpu.memory_space<hbm>> -> memref<102400x16xf32, #tpu.memory_space<hbm>>
        tpu.wait_indirect_dma semaphore(%arg14 : memref<!tpu.dma_semaphore, #tpu.memory_space<semaphore_mem>>) src(%dma_wait3A_336 : memref<102400x16xf32, #tpu.memory_space<hbm>>) dst(%dma_wait3A_331 : memref<80x16xf32, #tpu.memory_space<vmem>>)
        %dma_wait3A_337 = arith.constant 80 : i32
        %dma_wait3A_338 = arith.constant 0 : i32
        %dma_wait3A_339 = tpu.memref_slice %arg11[%dma_wait3A_337, %dma_wait3A_338] : memref<400x16xf32, #tpu.memory_space<vmem>> -> memref<80x16xf32, #tpu.memory_space<vmem>>
        %dma_wait3A_340 = arith.constant 80 : i32
        %dma_wait3A_341 = tpu.memref_slice %arg7[%dma_wait3A_340] : memref<800xi32, #tpu.memory_space<vmem>> -> memref<80xi32, #tpu.memory_space<vmem>>
        %dma_wait3A_342 = arith.constant 0 : i32
        %dma_wait3A_343 = arith.constant 0 : i32
        %dma_wait3A_344 = tpu.memref_slice %arg3[%dma_wait3A_342, %dma_wait3A_343] : memref<102400x16xf32, #tpu.memory_space<hbm>> -> memref<102400x16xf32, #tpu.memory_space<hbm>>
        tpu.wait_indirect_dma semaphore(%arg14 : memref<!tpu.dma_semaphore, #tpu.memory_space<semaphore_mem>>) src(%dma_wait3A_344 : memref<102400x16xf32, #tpu.memory_space<hbm>>) dst(%dma_wait3A_339 : memref<80x16xf32, #tpu.memory_space<vmem>>)
        %dma_wait3A_345 = arith.constant 160 : i32
        %dma_wait3A_346 = arith.constant 0 : i32
        %dma_wait3A_347 = tpu.memref_slice %arg11[%dma_wait3A_345, %dma_wait3A_346] : memref<400x16xf32, #tpu.memory_space<vmem>> -> memref<80x16xf32, #tpu.memory_space<vmem>>
        %dma_wait3A_348 = arith.constant 160 : i32
        %dma_wait3A_349 = tpu.memref_slice %arg7[%dma_wait3A_348] : memref<800xi32, #tpu.memory_space<vmem>> -> memref<80xi32, #tpu.memory_space<vmem>>
        %dma_wait3A_350 = arith.constant 0 : i32
        %dma_wait3A_351 = arith.constant 0 : i32
        %dma_wait3A_352 = tpu.memref_slice %arg3[%dma_wait3A_350, %dma_wait3A_351] : memref<102400x16xf32, #tpu.memory_space<hbm>> -> memref<102400x16xf32, #tpu.memory_space<hbm>>
        tpu.wait_indirect_dma semaphore(%arg14 : memref<!tpu.dma_semaphore, #tpu.memory_space<semaphore_mem>>) src(%dma_wait3A_352 : memref<102400x16xf32, #tpu.memory_space<hbm>>) dst(%dma_wait3A_347 : memref<80x16xf32, #tpu.memory_space<vmem>>)
        %dma_wait3A_353 = arith.constant 240 : i32
        %dma_wait3A_354 = arith.constant 0 : i32
        %dma_wait3A_355 = tpu.memref_slice %arg11[%dma_wait3A_353, %dma_wait3A_354] : memref<400x16xf32, #tpu.memory_space<vmem>> -> memref<80x16xf32, #tpu.memory_space<vmem>>
        %dma_wait3A_356 = arith.constant 240 : i32
        %dma_wait3A_357 = tpu.memref_slice %arg7[%dma_wait3A_356] : memref<800xi32, #tpu.memory_space<vmem>> -> memref<80xi32, #tpu.memory_space<vmem>>
        %dma_wait3A_358 = arith.constant 0 : i32
        %dma_wait3A_359 = arith.constant 0 : i32
        %dma_wait3A_360 = tpu.memref_slice %arg3[%dma_wait3A_358, %dma_wait3A_359] : memref<102400x16xf32, #tpu.memory_space<hbm>> -> memref<102400x16xf32, #tpu.memory_space<hbm>>
        tpu.wait_indirect_dma semaphore(%arg14 : memref<!tpu.dma_semaphore, #tpu.memory_space<semaphore_mem>>) src(%dma_wait3A_360 : memref<102400x16xf32, #tpu.memory_space<hbm>>) dst(%dma_wait3A_355 : memref<80x16xf32, #tpu.memory_space<vmem>>)
        %dma_wait3A_361 = arith.constant 320 : i32
        %dma_wait3A_362 = arith.constant 0 : i32
        %dma_wait3A_363 = tpu.memref_slice %arg11[%dma_wait3A_361, %dma_wait3A_362] : memref<400x16xf32, #tpu.memory_space<vmem>> -> memref<80x16xf32, #tpu.memory_space<vmem>>
        %dma_wait3A_364 = arith.constant 320 : i32
        %dma_wait3A_365 = tpu.memref_slice %arg7[%dma_wait3A_364] : memref<800xi32, #tpu.memory_space<vmem>> -> memref<80xi32, #tpu.memory_space<vmem>>
        %dma_wait3A_366 = arith.constant 0 : i32
        %dma_wait3A_367 = arith.constant 0 : i32
        %dma_wait3A_368 = tpu.memref_slice %arg3[%dma_wait3A_366, %dma_wait3A_367] : memref<102400x16xf32, #tpu.memory_space<hbm>> -> memref<102400x16xf32, #tpu.memory_space<hbm>>
        tpu.wait_indirect_dma semaphore(%arg14 : memref<!tpu.dma_semaphore, #tpu.memory_space<semaphore_mem>>) src(%dma_wait3A_368 : memref<102400x16xf32, #tpu.memory_space<hbm>>) dst(%dma_wait3A_363 : memref<80x16xf32, #tpu.memory_space<vmem>>)
        %dma_start3A_369 = arith.constant 0 : i32
        %dma_start3A_370 = arith.constant 0 : i32
        %dma_start3A_371 = tpu.memref_slice %arg11[%dma_start3A_369, %dma_start3A_370] : memref<400x16xf32, #tpu.memory_space<vmem>> -> memref<80x16xf32, #tpu.memory_space<vmem>>
        %dma_start3A_372 = arith.constant 0 : i32
        %dma_start3A_373 = tpu.memref_slice %arg8[%dma_start3A_372] : memref<800xi32, #tpu.memory_space<vmem>> -> memref<80xi32, #tpu.memory_space<vmem>>
        %dma_start3A_374 = arith.constant 0 : i32
        %dma_start3A_375 = arith.constant 0 : i32
        %dma_start3A_376 = tpu.memref_slice %arg13[%dma_start3A_374, %dma_start3A_375] : memref<100000x16xf32, #tpu.memory_space<vmem_shared>> -> memref<100000x16xf32, #tpu.memory_space<vmem_shared>>
        tpu.enqueue_indirect_dma source(%dma_start3A_371 : memref<80x16xf32, #tpu.memory_space<vmem>>) target(%dma_start3A_376 : memref<100000x16xf32, #tpu.memory_space<vmem_shared>>) offsets(%dma_start3A_373 : memref<80xi32, #tpu.memory_space<vmem>>) semaphore(%arg16 : memref<!tpu.dma_semaphore, #tpu.memory_space<semaphore_mem>>) {add = true}
        %dma_start3A_377 = arith.constant 80 : i32
        %dma_start3A_378 = arith.constant 0 : i32
        %dma_start3A_379 = tpu.memref_slice %arg11[%dma_start3A_377, %dma_start3A_378] : memref<400x16xf32, #tpu.memory_space<vmem>> -> memref<80x16xf32, #tpu.memory_space<vmem>>
        %dma_start3A_380 = arith.constant 80 : i32
        %dma_start3A_381 = tpu.memref_slice %arg8[%dma_start3A_380] : memref<800xi32, #tpu.memory_space<vmem>> -> memref<80xi32, #tpu.memory_space<vmem>>
        %dma_start3A_382 = arith.constant 0 : i32
        %dma_start3A_383 = arith.constant 0 : i32
        %dma_start3A_384 = tpu.memref_slice %arg13[%dma_start3A_382, %dma_start3A_383] : memref<100000x16xf32, #tpu.memory_space<vmem_shared>> -> memref<100000x16xf32, #tpu.memory_space<vmem_shared>>
        tpu.enqueue_indirect_dma source(%dma_start3A_379 : memref<80x16xf32, #tpu.memory_space<vmem>>) target(%dma_start3A_384 : memref<100000x16xf32, #tpu.memory_space<vmem_shared>>) offsets(%dma_start3A_381 : memref<80xi32, #tpu.memory_space<vmem>>) semaphore(%arg16 : memref<!tpu.dma_semaphore, #tpu.memory_space<semaphore_mem>>) {add = true}
        %dma_start3A_385 = arith.constant 160 : i32
        %dma_start3A_386 = arith.constant 0 : i32
        %dma_start3A_387 = tpu.memref_slice %arg11[%dma_start3A_385, %dma_start3A_386] : memref<400x16xf32, #tpu.memory_space<vmem>> -> memref<80x16xf32, #tpu.memory_space<vmem>>
        %dma_start3A_388 = arith.constant 160 : i32
        %dma_start3A_389 = tpu.memref_slice %arg8[%dma_start3A_388] : memref<800xi32, #tpu.memory_space<vmem>> -> memref<80xi32, #tpu.memory_space<vmem>>
        %dma_start3A_390 = arith.constant 0 : i32
        %dma_start3A_391 = arith.constant 0 : i32
        %dma_start3A_392 = tpu.memref_slice %arg13[%dma_start3A_390, %dma_start3A_391] : memref<100000x16xf32, #tpu.memory_space<vmem_shared>> -> memref<100000x16xf32, #tpu.memory_space<vmem_shared>>
        tpu.enqueue_indirect_dma source(%dma_start3A_387 : memref<80x16xf32, #tpu.memory_space<vmem>>) target(%dma_start3A_392 : memref<100000x16xf32, #tpu.memory_space<vmem_shared>>) offsets(%dma_start3A_389 : memref<80xi32, #tpu.memory_space<vmem>>) semaphore(%arg16 : memref<!tpu.dma_semaphore, #tpu.memory_space<semaphore_mem>>) {add = true}
        %dma_start3A_393 = arith.constant 240 : i32
        %dma_start3A_394 = arith.constant 0 : i32
        %dma_start3A_395 = tpu.memref_slice %arg11[%dma_start3A_393, %dma_start3A_394] : memref<400x16xf32, #tpu.memory_space<vmem>> -> memref<80x16xf32, #tpu.memory_space<vmem>>
        %dma_start3A_396 = arith.constant 240 : i32
        %dma_start3A_397 = tpu.memref_slice %arg8[%dma_start3A_396] : memref<800xi32, #tpu.memory_space<vmem>> -> memref<80xi32, #tpu.memory_space<vmem>>
        %dma_start3A_398 = arith.constant 0 : i32
        %dma_start3A_399 = arith.constant 0 : i32
        %dma_start3A_400 = tpu.memref_slice %arg13[%dma_start3A_398, %dma_start3A_399] : memref<100000x16xf32, #tpu.memory_space<vmem_shared>> -> memref<100000x16xf32, #tpu.memory_space<vmem_shared>>
        tpu.enqueue_indirect_dma source(%dma_start3A_395 : memref<80x16xf32, #tpu.memory_space<vmem>>) target(%dma_start3A_400 : memref<100000x16xf32, #tpu.memory_space<vmem_shared>>) offsets(%dma_start3A_397 : memref<80xi32, #tpu.memory_space<vmem>>) semaphore(%arg16 : memref<!tpu.dma_semaphore, #tpu.memory_space<semaphore_mem>>) {add = true}
        %dma_start3A_401 = arith.constant 320 : i32
        %dma_start3A_402 = arith.constant 0 : i32
        %dma_start3A_403 = tpu.memref_slice %arg11[%dma_start3A_401, %dma_start3A_402] : memref<400x16xf32, #tpu.memory_space<vmem>> -> memref<80x16xf32, #tpu.memory_space<vmem>>
        %dma_start3A_404 = arith.constant 320 : i32
        %dma_start3A_405 = tpu.memref_slice %arg8[%dma_start3A_404] : memref<800xi32, #tpu.memory_space<vmem>> -> memref<80xi32, #tpu.memory_space<vmem>>
        %dma_start3A_406 = arith.constant 0 : i32
        %dma_start3A_407 = arith.constant 0 : i32
        %dma_start3A_408 = tpu.memref_slice %arg13[%dma_start3A_406, %dma_start3A_407] : memref<100000x16xf32, #tpu.memory_space<vmem_shared>> -> memref<100000x16xf32, #tpu.memory_space<vmem_shared>>
        tpu.enqueue_indirect_dma source(%dma_start3A_403 : memref<80x16xf32, #tpu.memory_space<vmem>>) target(%dma_start3A_408 : memref<100000x16xf32, #tpu.memory_space<vmem_shared>>) offsets(%dma_start3A_405 : memref<80xi32, #tpu.memory_space<vmem>>) semaphore(%arg16 : memref<!tpu.dma_semaphore, #tpu.memory_space<semaphore_mem>>) {add = true}
        %dma_wait3A_409 = arith.constant 0 : i32
        %dma_wait3A_410 = arith.constant 0 : i32
        %dma_wait3A_411 = tpu.memref_slice %arg12[%dma_wait3A_409, %dma_wait3A_410] : memref<400x16xf32, #tpu.memory_space<vmem>> -> memref<80x16xf32, #tpu.memory_space<vmem>>
        %dma_wait3A_412 = arith.constant 400 : i32
        %dma_wait3A_413 = tpu.memref_slice %arg7[%dma_wait3A_412] : memref<800xi32, #tpu.memory_space<vmem>> -> memref<80xi32, #tpu.memory_space<vmem>>
        %dma_wait3A_414 = arith.constant 0 : i32
        %dma_wait3A_415 = arith.constant 0 : i32
        %dma_wait3A_416 = tpu.memref_slice %arg3[%dma_wait3A_414, %dma_wait3A_415] : memref<102400x16xf32, #tpu.memory_space<hbm>> -> memref<102400x16xf32, #tpu.memory_space<hbm>>
        tpu.wait_indirect_dma semaphore(%arg15 : memref<!tpu.dma_semaphore, #tpu.memory_space<semaphore_mem>>) src(%dma_wait3A_416 : memref<102400x16xf32, #tpu.memory_space<hbm>>) dst(%dma_wait3A_411 : memref<80x16xf32, #tpu.memory_space<vmem>>)
        %dma_wait3A_417 = arith.constant 80 : i32
        %dma_wait3A_418 = arith.constant 0 : i32
        %dma_wait3A_419 = tpu.memref_slice %arg12[%dma_wait3A_417, %dma_wait3A_418] : memref<400x16xf32, #tpu.memory_space<vmem>> -> memref<80x16xf32, #tpu.memory_space<vmem>>
        %dma_wait3A_420 = arith.constant 480 : i32
        %dma_wait3A_421 = tpu.memref_slice %arg7[%dma_wait3A_420] : memref<800xi32, #tpu.memory_space<vmem>> -> memref<80xi32, #tpu.memory_space<vmem>>
        %dma_wait3A_422 = arith.constant 0 : i32
        %dma_wait3A_423 = arith.constant 0 : i32
        %dma_wait3A_424 = tpu.memref_slice %arg3[%dma_wait3A_422, %dma_wait3A_423] : memref<102400x16xf32, #tpu.memory_space<hbm>> -> memref<102400x16xf32, #tpu.memory_space<hbm>>
        tpu.wait_indirect_dma semaphore(%arg15 : memref<!tpu.dma_semaphore, #tpu.memory_space<semaphore_mem>>) src(%dma_wait3A_424 : memref<102400x16xf32, #tpu.memory_space<hbm>>) dst(%dma_wait3A_419 : memref<80x16xf32, #tpu.memory_space<vmem>>)
        %dma_wait3A_425 = arith.constant 160 : i32
        %dma_wait3A_426 = arith.constant 0 : i32
        %dma_wait3A_427 = tpu.memref_slice %arg12[%dma_wait3A_425, %dma_wait3A_426] : memref<400x16xf32, #tpu.memory_space<vmem>> -> memref<80x16xf32, #tpu.memory_space<vmem>>
        %dma_wait3A_428 = arith.constant 560 : i32
        %dma_wait3A_429 = tpu.memref_slice %arg7[%dma_wait3A_428] : memref<800xi32, #tpu.memory_space<vmem>> -> memref<80xi32, #tpu.memory_space<vmem>>
        %dma_wait3A_430 = arith.constant 0 : i32
        %dma_wait3A_431 = arith.constant 0 : i32
        %dma_wait3A_432 = tpu.memref_slice %arg3[%dma_wait3A_430, %dma_wait3A_431] : memref<102400x16xf32, #tpu.memory_space<hbm>> -> memref<102400x16xf32, #tpu.memory_space<hbm>>
        tpu.wait_indirect_dma semaphore(%arg15 : memref<!tpu.dma_semaphore, #tpu.memory_space<semaphore_mem>>) src(%dma_wait3A_432 : memref<102400x16xf32, #tpu.memory_space<hbm>>) dst(%dma_wait3A_427 : memref<80x16xf32, #tpu.memory_space<vmem>>)
        %dma_wait3A_433 = arith.constant 240 : i32
        %dma_wait3A_434 = arith.constant 0 : i32
        %dma_wait3A_435 = tpu.memref_slice %arg12[%dma_wait3A_433, %dma_wait3A_434] : memref<400x16xf32, #tpu.memory_space<vmem>> -> memref<80x16xf32, #tpu.memory_space<vmem>>
        %dma_wait3A_436 = arith.constant 640 : i32
        %dma_wait3A_437 = tpu.memref_slice %arg7[%dma_wait3A_436] : memref<800xi32, #tpu.memory_space<vmem>> -> memref<80xi32, #tpu.memory_space<vmem>>
        %dma_wait3A_438 = arith.constant 0 : i32
        %dma_wait3A_439 = arith.constant 0 : i32
        %dma_wait3A_440 = tpu.memref_slice %arg3[%dma_wait3A_438, %dma_wait3A_439] : memref<102400x16xf32, #tpu.memory_space<hbm>> -> memref<102400x16xf32, #tpu.memory_space<hbm>>
        tpu.wait_indirect_dma semaphore(%arg15 : memref<!tpu.dma_semaphore, #tpu.memory_space<semaphore_mem>>) src(%dma_wait3A_440 : memref<102400x16xf32, #tpu.memory_space<hbm>>) dst(%dma_wait3A_435 : memref<80x16xf32, #tpu.memory_space<vmem>>)
        %dma_wait3A_441 = arith.constant 320 : i32
        %dma_wait3A_442 = arith.constant 0 : i32
        %dma_wait3A_443 = tpu.memref_slice %arg12[%dma_wait3A_441, %dma_wait3A_442] : memref<400x16xf32, #tpu.memory_space<vmem>> -> memref<80x16xf32, #tpu.memory_space<vmem>>
        %dma_wait3A_444 = arith.constant 720 : i32
        %dma_wait3A_445 = tpu.memref_slice %arg7[%dma_wait3A_444] : memref<800xi32, #tpu.memory_space<vmem>> -> memref<80xi32, #tpu.memory_space<vmem>>
        %dma_wait3A_446 = arith.constant 0 : i32
        %dma_wait3A_447 = arith.constant 0 : i32
        %dma_wait3A_448 = tpu.memref_slice %arg3[%dma_wait3A_446, %dma_wait3A_447] : memref<102400x16xf32, #tpu.memory_space<hbm>> -> memref<102400x16xf32, #tpu.memory_space<hbm>>
        tpu.wait_indirect_dma semaphore(%arg15 : memref<!tpu.dma_semaphore, #tpu.memory_space<semaphore_mem>>) src(%dma_wait3A_448 : memref<102400x16xf32, #tpu.memory_space<hbm>>) dst(%dma_wait3A_443 : memref<80x16xf32, #tpu.memory_space<vmem>>)
        %dma_start3A_449 = arith.constant 0 : i32
        %dma_start3A_450 = arith.constant 0 : i32
        %dma_start3A_451 = tpu.memref_slice %arg12[%dma_start3A_449, %dma_start3A_450] : memref<400x16xf32, #tpu.memory_space<vmem>> -> memref<80x16xf32, #tpu.memory_space<vmem>>
        %dma_start3A_452 = arith.constant 400 : i32
        %dma_start3A_453 = tpu.memref_slice %arg8[%dma_start3A_452] : memref<800xi32, #tpu.memory_space<vmem>> -> memref<80xi32, #tpu.memory_space<vmem>>
        %dma_start3A_454 = arith.constant 0 : i32
        %dma_start3A_455 = arith.constant 0 : i32
        %dma_start3A_456 = tpu.memref_slice %arg13[%dma_start3A_454, %dma_start3A_455] : memref<100000x16xf32, #tpu.memory_space<vmem_shared>> -> memref<100000x16xf32, #tpu.memory_space<vmem_shared>>
        tpu.enqueue_indirect_dma source(%dma_start3A_451 : memref<80x16xf32, #tpu.memory_space<vmem>>) target(%dma_start3A_456 : memref<100000x16xf32, #tpu.memory_space<vmem_shared>>) offsets(%dma_start3A_453 : memref<80xi32, #tpu.memory_space<vmem>>) semaphore(%arg17 : memref<!tpu.dma_semaphore, #tpu.memory_space<semaphore_mem>>) {add = true}
        %dma_start3A_457 = arith.constant 80 : i32
        %dma_start3A_458 = arith.constant 0 : i32
        %dma_start3A_459 = tpu.memref_slice %arg12[%dma_start3A_457, %dma_start3A_458] : memref<400x16xf32, #tpu.memory_space<vmem>> -> memref<80x16xf32, #tpu.memory_space<vmem>>
        %dma_start3A_460 = arith.constant 480 : i32
        %dma_start3A_461 = tpu.memref_slice %arg8[%dma_start3A_460] : memref<800xi32, #tpu.memory_space<vmem>> -> memref<80xi32, #tpu.memory_space<vmem>>
        %dma_start3A_462 = arith.constant 0 : i32
        %dma_start3A_463 = arith.constant 0 : i32
        %dma_start3A_464 = tpu.memref_slice %arg13[%dma_start3A_462, %dma_start3A_463] : memref<100000x16xf32, #tpu.memory_space<vmem_shared>> -> memref<100000x16xf32, #tpu.memory_space<vmem_shared>>
        tpu.enqueue_indirect_dma source(%dma_start3A_459 : memref<80x16xf32, #tpu.memory_space<vmem>>) target(%dma_start3A_464 : memref<100000x16xf32, #tpu.memory_space<vmem_shared>>) offsets(%dma_start3A_461 : memref<80xi32, #tpu.memory_space<vmem>>) semaphore(%arg17 : memref<!tpu.dma_semaphore, #tpu.memory_space<semaphore_mem>>) {add = true}
        %dma_start3A_465 = arith.constant 160 : i32
        %dma_start3A_466 = arith.constant 0 : i32
        %dma_start3A_467 = tpu.memref_slice %arg12[%dma_start3A_465, %dma_start3A_466] : memref<400x16xf32, #tpu.memory_space<vmem>> -> memref<80x16xf32, #tpu.memory_space<vmem>>
        %dma_start3A_468 = arith.constant 560 : i32
        %dma_start3A_469 = tpu.memref_slice %arg8[%dma_start3A_468] : memref<800xi32, #tpu.memory_space<vmem>> -> memref<80xi32, #tpu.memory_space<vmem>>
        %dma_start3A_470 = arith.constant 0 : i32
        %dma_start3A_471 = arith.constant 0 : i32
        %dma_start3A_472 = tpu.memref_slice %arg13[%dma_start3A_470, %dma_start3A_471] : memref<100000x16xf32, #tpu.memory_space<vmem_shared>> -> memref<100000x16xf32, #tpu.memory_space<vmem_shared>>
        tpu.enqueue_indirect_dma source(%dma_start3A_467 : memref<80x16xf32, #tpu.memory_space<vmem>>) target(%dma_start3A_472 : memref<100000x16xf32, #tpu.memory_space<vmem_shared>>) offsets(%dma_start3A_469 : memref<80xi32, #tpu.memory_space<vmem>>) semaphore(%arg17 : memref<!tpu.dma_semaphore, #tpu.memory_space<semaphore_mem>>) {add = true}
        %dma_start3A_473 = arith.constant 240 : i32
        %dma_start3A_474 = arith.constant 0 : i32
        %dma_start3A_475 = tpu.memref_slice %arg12[%dma_start3A_473, %dma_start3A_474] : memref<400x16xf32, #tpu.memory_space<vmem>> -> memref<80x16xf32, #tpu.memory_space<vmem>>
        %dma_start3A_476 = arith.constant 640 : i32
        %dma_start3A_477 = tpu.memref_slice %arg8[%dma_start3A_476] : memref<800xi32, #tpu.memory_space<vmem>> -> memref<80xi32, #tpu.memory_space<vmem>>
        %dma_start3A_478 = arith.constant 0 : i32
        %dma_start3A_479 = arith.constant 0 : i32
        %dma_start3A_480 = tpu.memref_slice %arg13[%dma_start3A_478, %dma_start3A_479] : memref<100000x16xf32, #tpu.memory_space<vmem_shared>> -> memref<100000x16xf32, #tpu.memory_space<vmem_shared>>
        tpu.enqueue_indirect_dma source(%dma_start3A_475 : memref<80x16xf32, #tpu.memory_space<vmem>>) target(%dma_start3A_480 : memref<100000x16xf32, #tpu.memory_space<vmem_shared>>) offsets(%dma_start3A_477 : memref<80xi32, #tpu.memory_space<vmem>>) semaphore(%arg17 : memref<!tpu.dma_semaphore, #tpu.memory_space<semaphore_mem>>) {add = true}
        %dma_start3A_481 = arith.constant 320 : i32
        %dma_start3A_482 = arith.constant 0 : i32
        %dma_start3A_483 = tpu.memref_slice %arg12[%dma_start3A_481, %dma_start3A_482] : memref<400x16xf32, #tpu.memory_space<vmem>> -> memref<80x16xf32, #tpu.memory_space<vmem>>
        %dma_start3A_484 = arith.constant 720 : i32
        %dma_start3A_485 = tpu.memref_slice %arg8[%dma_start3A_484] : memref<800xi32, #tpu.memory_space<vmem>> -> memref<80xi32, #tpu.memory_space<vmem>>
        %dma_start3A_486 = arith.constant 0 : i32
        %dma_start3A_487 = arith.constant 0 : i32
        %dma_start3A_488 = tpu.memref_slice %arg13[%dma_start3A_486, %dma_start3A_487] : memref<100000x16xf32, #tpu.memory_space<vmem_shared>> -> memref<100000x16xf32, #tpu.memory_space<vmem_shared>>
        tpu.enqueue_indirect_dma source(%dma_start3A_483 : memref<80x16xf32, #tpu.memory_space<vmem>>) target(%dma_start3A_488 : memref<100000x16xf32, #tpu.memory_space<vmem_shared>>) offsets(%dma_start3A_485 : memref<80xi32, #tpu.memory_space<vmem>>) semaphore(%arg17 : memref<!tpu.dma_semaphore, #tpu.memory_space<semaphore_mem>>) {add = true}
        %dma_wait3A_489 = arith.constant 0 : i32
        %dma_wait3A_490 = arith.constant 0 : i32
        %dma_wait3A_491 = tpu.memref_slice %arg11[%dma_wait3A_489, %dma_wait3A_490] : memref<400x16xf32, #tpu.memory_space<vmem>> -> memref<80x16xf32, #tpu.memory_space<vmem>>
        %dma_wait3A_492 = arith.constant 0 : i32
        %dma_wait3A_493 = tpu.memref_slice %arg8[%dma_wait3A_492] : memref<800xi32, #tpu.memory_space<vmem>> -> memref<80xi32, #tpu.memory_space<vmem>>
        %dma_wait3A_494 = arith.constant 0 : i32
        %dma_wait3A_495 = arith.constant 0 : i32
        %dma_wait3A_496 = tpu.memref_slice %arg13[%dma_wait3A_494, %dma_wait3A_495] : memref<100000x16xf32, #tpu.memory_space<vmem_shared>> -> memref<100000x16xf32, #tpu.memory_space<vmem_shared>>
        tpu.wait_indirect_dma semaphore(%arg16 : memref<!tpu.dma_semaphore, #tpu.memory_space<semaphore_mem>>) src(%dma_wait3A_491 : memref<80x16xf32, #tpu.memory_space<vmem>>) dst(%dma_wait3A_496 : memref<100000x16xf32, #tpu.memory_space<vmem_shared>>)
        %dma_wait3A_497 = arith.constant 80 : i32
        %dma_wait3A_498 = arith.constant 0 : i32
        %dma_wait3A_499 = tpu.memref_slice %arg11[%dma_wait3A_497, %dma_wait3A_498] : memref<400x16xf32, #tpu.memory_space<vmem>> -> memref<80x16xf32, #tpu.memory_space<vmem>>
        %dma_wait3A_500 = arith.constant 80 : i32
        %dma_wait3A_501 = tpu.memref_slice %arg8[%dma_wait3A_500] : memref<800xi32, #tpu.memory_space<vmem>> -> memref<80xi32, #tpu.memory_space<vmem>>
        %dma_wait3A_502 = arith.constant 0 : i32
        %dma_wait3A_503 = arith.constant 0 : i32
        %dma_wait3A_504 = tpu.memref_slice %arg13[%dma_wait3A_502, %dma_wait3A_503] : memref<100000x16xf32, #tpu.memory_space<vmem_shared>> -> memref<100000x16xf32, #tpu.memory_space<vmem_shared>>
        tpu.wait_indirect_dma semaphore(%arg16 : memref<!tpu.dma_semaphore, #tpu.memory_space<semaphore_mem>>) src(%dma_wait3A_499 : memref<80x16xf32, #tpu.memory_space<vmem>>) dst(%dma_wait3A_504 : memref<100000x16xf32, #tpu.memory_space<vmem_shared>>)
        %dma_wait3A_505 = arith.constant 160 : i32
        %dma_wait3A_506 = arith.constant 0 : i32
        %dma_wait3A_507 = tpu.memref_slice %arg11[%dma_wait3A_505, %dma_wait3A_506] : memref<400x16xf32, #tpu.memory_space<vmem>> -> memref<80x16xf32, #tpu.memory_space<vmem>>
        %dma_wait3A_508 = arith.constant 160 : i32
        %dma_wait3A_509 = tpu.memref_slice %arg8[%dma_wait3A_508] : memref<800xi32, #tpu.memory_space<vmem>> -> memref<80xi32, #tpu.memory_space<vmem>>
        %dma_wait3A_510 = arith.constant 0 : i32
        %dma_wait3A_511 = arith.constant 0 : i32
        %dma_wait3A_512 = tpu.memref_slice %arg13[%dma_wait3A_510, %dma_wait3A_511] : memref<100000x16xf32, #tpu.memory_space<vmem_shared>> -> memref<100000x16xf32, #tpu.memory_space<vmem_shared>>
        tpu.wait_indirect_dma semaphore(%arg16 : memref<!tpu.dma_semaphore, #tpu.memory_space<semaphore_mem>>) src(%dma_wait3A_507 : memref<80x16xf32, #tpu.memory_space<vmem>>) dst(%dma_wait3A_512 : memref<100000x16xf32, #tpu.memory_space<vmem_shared>>)
        %dma_wait3A_513 = arith.constant 240 : i32
        %dma_wait3A_514 = arith.constant 0 : i32
        %dma_wait3A_515 = tpu.memref_slice %arg11[%dma_wait3A_513, %dma_wait3A_514] : memref<400x16xf32, #tpu.memory_space<vmem>> -> memref<80x16xf32, #tpu.memory_space<vmem>>
        %dma_wait3A_516 = arith.constant 240 : i32
        %dma_wait3A_517 = tpu.memref_slice %arg8[%dma_wait3A_516] : memref<800xi32, #tpu.memory_space<vmem>> -> memref<80xi32, #tpu.memory_space<vmem>>
        %dma_wait3A_518 = arith.constant 0 : i32
        %dma_wait3A_519 = arith.constant 0 : i32
        %dma_wait3A_520 = tpu.memref_slice %arg13[%dma_wait3A_518, %dma_wait3A_519] : memref<100000x16xf32, #tpu.memory_space<vmem_shared>> -> memref<100000x16xf32, #tpu.memory_space<vmem_shared>>
        tpu.wait_indirect_dma semaphore(%arg16 : memref<!tpu.dma_semaphore, #tpu.memory_space<semaphore_mem>>) src(%dma_wait3A_515 : memref<80x16xf32, #tpu.memory_space<vmem>>) dst(%dma_wait3A_520 : memref<100000x16xf32, #tpu.memory_space<vmem_shared>>)
        %dma_wait3A_521 = arith.constant 320 : i32
        %dma_wait3A_522 = arith.constant 0 : i32
        %dma_wait3A_523 = tpu.memref_slice %arg11[%dma_wait3A_521, %dma_wait3A_522] : memref<400x16xf32, #tpu.memory_space<vmem>> -> memref<80x16xf32, #tpu.memory_space<vmem>>
        %dma_wait3A_524 = arith.constant 320 : i32
        %dma_wait3A_525 = tpu.memref_slice %arg8[%dma_wait3A_524] : memref<800xi32, #tpu.memory_space<vmem>> -> memref<80xi32, #tpu.memory_space<vmem>>
        %dma_wait3A_526 = arith.constant 0 : i32
        %dma_wait3A_527 = arith.constant 0 : i32
        %dma_wait3A_528 = tpu.memref_slice %arg13[%dma_wait3A_526, %dma_wait3A_527] : memref<100000x16xf32, #tpu.memory_space<vmem_shared>> -> memref<100000x16xf32, #tpu.memory_space<vmem_shared>>
        tpu.wait_indirect_dma semaphore(%arg16 : memref<!tpu.dma_semaphore, #tpu.memory_space<semaphore_mem>>) src(%dma_wait3A_523 : memref<80x16xf32, #tpu.memory_space<vmem>>) dst(%dma_wait3A_528 : memref<100000x16xf32, #tpu.memory_space<vmem_shared>>)
        %dma_wait3A_529 = arith.constant 0 : i32
        %dma_wait3A_530 = tpu.memref_slice %arg4[%dma_wait3A_529] : memref<3200000xi32, #tpu.memory_space<hbm>> -> memref<800xi32, #tpu.memory_space<hbm>>
        %dma_wait3A_531 = arith.constant 0 : i32
        %dma_wait3A_532 = tpu.memref_slice %arg4[%dma_wait3A_531] : memref<3200000xi32, #tpu.memory_space<hbm>> -> memref<800xi32, #tpu.memory_space<hbm>>
        tpu.wait_dma2 semaphore(%arg18 : memref<!tpu.dma_semaphore, #tpu.memory_space<semaphore_mem>>) src(%dma_wait3A_532 : memref<800xi32, #tpu.memory_space<hbm>>) dst(%arg9 : memref<800xi32, #tpu.memory_space<vmem>>)
        %dma_wait3A_533 = arith.constant 0 : i32
        %dma_wait3A_534 = tpu.memref_slice %arg5[%dma_wait3A_533] : memref<3200000xi32, #tpu.memory_space<hbm>> -> memref<800xi32, #tpu.memory_space<hbm>>
        %dma_wait3A_535 = arith.constant 0 : i32
        %dma_wait3A_536 = tpu.memref_slice %arg5[%dma_wait3A_535] : memref<3200000xi32, #tpu.memory_space<hbm>> -> memref<800xi32, #tpu.memory_space<hbm>>
        tpu.wait_dma2 semaphore(%arg18 : memref<!tpu.dma_semaphore, #tpu.memory_space<semaphore_mem>>) src(%dma_wait3A_536 : memref<800xi32, #tpu.memory_space<hbm>>) dst(%arg10 : memref<800xi32, #tpu.memory_space<vmem>>)
        %dma_start3A_537 = arith.constant 0 : i32
        %dma_start3A_538 = arith.constant 0 : i32
        %dma_start3A_539 = tpu.memref_slice %arg11[%dma_start3A_537, %dma_start3A_538] : memref<400x16xf32, #tpu.memory_space<vmem>> -> memref<80x16xf32, #tpu.memory_space<vmem>>
        %dma_start3A_540 = arith.constant 0 : i32
        %dma_start3A_541 = tpu.memref_slice %arg9[%dma_start3A_540] : memref<800xi32, #tpu.memory_space<vmem>> -> memref<80xi32, #tpu.memory_space<vmem>>
        %dma_start3A_542 = arith.constant 0 : i32
        %dma_start3A_543 = arith.constant 0 : i32
        %dma_start3A_544 = tpu.memref_slice %arg3[%dma_start3A_542, %dma_start3A_543] : memref<102400x16xf32, #tpu.memory_space<hbm>> -> memref<102400x16xf32, #tpu.memory_space<hbm>>
        tpu.enqueue_indirect_dma source(%dma_start3A_544 : memref<102400x16xf32, #tpu.memory_space<hbm>>) target(%dma_start3A_539 : memref<80x16xf32, #tpu.memory_space<vmem>>) offsets(%dma_start3A_541 : memref<80xi32, #tpu.memory_space<vmem>>) semaphore(%arg14 : memref<!tpu.dma_semaphore, #tpu.memory_space<semaphore_mem>>)
        %dma_start3A_545 = arith.constant 80 : i32
        %dma_start3A_546 = arith.constant 0 : i32
        %dma_start3A_547 = tpu.memref_slice %arg11[%dma_start3A_545, %dma_start3A_546] : memref<400x16xf32, #tpu.memory_space<vmem>> -> memref<80x16xf32, #tpu.memory_space<vmem>>
        %dma_start3A_548 = arith.constant 80 : i32
        %dma_start3A_549 = tpu.memref_slice %arg9[%dma_start3A_548] : memref<800xi32, #tpu.memory_space<vmem>> -> memref<80xi32, #tpu.memory_space<vmem>>
        %dma_start3A_550 = arith.constant 0 : i32
        %dma_start3A_551 = arith.constant 0 : i32
        %dma_start3A_552 = tpu.memref_slice %arg3[%dma_start3A_550, %dma_start3A_551] : memref<102400x16xf32, #tpu.memory_space<hbm>> -> memref<102400x16xf32, #tpu.memory_space<hbm>>
        tpu.enqueue_indirect_dma source(%dma_start3A_552 : memref<102400x16xf32, #tpu.memory_space<hbm>>) target(%dma_start3A_547 : memref<80x16xf32, #tpu.memory_space<vmem>>) offsets(%dma_start3A_549 : memref<80xi32, #tpu.memory_space<vmem>>) semaphore(%arg14 : memref<!tpu.dma_semaphore, #tpu.memory_space<semaphore_mem>>)
        %dma_start3A_553 = arith.constant 160 : i32
        %dma_start3A_554 = arith.constant 0 : i32
        %dma_start3A_555 = tpu.memref_slice %arg11[%dma_start3A_553, %dma_start3A_554] : memref<400x16xf32, #tpu.memory_space<vmem>> -> memref<80x16xf32, #tpu.memory_space<vmem>>
        %dma_start3A_556 = arith.constant 160 : i32
        %dma_start3A_557 = tpu.memref_slice %arg9[%dma_start3A_556] : memref<800xi32, #tpu.memory_space<vmem>> -> memref<80xi32, #tpu.memory_space<vmem>>
        %dma_start3A_558 = arith.constant 0 : i32
        %dma_start3A_559 = arith.constant 0 : i32
        %dma_start3A_560 = tpu.memref_slice %arg3[%dma_start3A_558, %dma_start3A_559] : memref<102400x16xf32, #tpu.memory_space<hbm>> -> memref<102400x16xf32, #tpu.memory_space<hbm>>
        tpu.enqueue_indirect_dma source(%dma_start3A_560 : memref<102400x16xf32, #tpu.memory_space<hbm>>) target(%dma_start3A_555 : memref<80x16xf32, #tpu.memory_space<vmem>>) offsets(%dma_start3A_557 : memref<80xi32, #tpu.memory_space<vmem>>) semaphore(%arg14 : memref<!tpu.dma_semaphore, #tpu.memory_space<semaphore_mem>>)
        %dma_start3A_561 = arith.constant 240 : i32
        %dma_start3A_562 = arith.constant 0 : i32
        %dma_start3A_563 = tpu.memref_slice %arg11[%dma_start3A_561, %dma_start3A_562] : memref<400x16xf32, #tpu.memory_space<vmem>> -> memref<80x16xf32, #tpu.memory_space<vmem>>
        %dma_start3A_564 = arith.constant 240 : i32
        %dma_start3A_565 = tpu.memref_slice %arg9[%dma_start3A_564] : memref<800xi32, #tpu.memory_space<vmem>> -> memref<80xi32, #tpu.memory_space<vmem>>
        %dma_start3A_566 = arith.constant 0 : i32
        %dma_start3A_567 = arith.constant 0 : i32
        %dma_start3A_568 = tpu.memref_slice %arg3[%dma_start3A_566, %dma_start3A_567] : memref<102400x16xf32, #tpu.memory_space<hbm>> -> memref<102400x16xf32, #tpu.memory_space<hbm>>
        tpu.enqueue_indirect_dma source(%dma_start3A_568 : memref<102400x16xf32, #tpu.memory_space<hbm>>) target(%dma_start3A_563 : memref<80x16xf32, #tpu.memory_space<vmem>>) offsets(%dma_start3A_565 : memref<80xi32, #tpu.memory_space<vmem>>) semaphore(%arg14 : memref<!tpu.dma_semaphore, #tpu.memory_space<semaphore_mem>>)
        %dma_start3A_569 = arith.constant 320 : i32
        %dma_start3A_570 = arith.constant 0 : i32
        %dma_start3A_571 = tpu.memref_slice %arg11[%dma_start3A_569, %dma_start3A_570] : memref<400x16xf32, #tpu.memory_space<vmem>> -> memref<80x16xf32, #tpu.memory_space<vmem>>
        %dma_start3A_572 = arith.constant 320 : i32
        %dma_start3A_573 = tpu.memref_slice %arg9[%dma_start3A_572] : memref<800xi32, #tpu.memory_space<vmem>> -> memref<80xi32, #tpu.memory_space<vmem>>
        %dma_start3A_574 = arith.constant 0 : i32
        %dma_start3A_575 = arith.constant 0 : i32
        %dma_start3A_576 = tpu.memref_slice %arg3[%dma_start3A_574, %dma_start3A_575] : memref<102400x16xf32, #tpu.memory_space<hbm>> -> memref<102400x16xf32, #tpu.memory_space<hbm>>
        tpu.enqueue_indirect_dma source(%dma_start3A_576 : memref<102400x16xf32, #tpu.memory_space<hbm>>) target(%dma_start3A_571 : memref<80x16xf32, #tpu.memory_space<vmem>>) offsets(%dma_start3A_573 : memref<80xi32, #tpu.memory_space<vmem>>) semaphore(%arg14 : memref<!tpu.dma_semaphore, #tpu.memory_space<semaphore_mem>>)
        %mul3A_577 = arith.constant 2 : i32
        %mul3A_578 = arith.muli %mul3A_577, %scan3A_232 : i32
        %add3A_579 = arith.constant 1 : i32
        %add3A_580 = arith.addi %mul3A_578, %add3A_579 : i32
        %add3A_581 = arith.constant 1 : i32
        %add3A_582 = arith.addi %add3A_580, %add3A_581 : i32
        %rem3A_583 = arith.constant 250 : i32
        %rem3A_584 = arith.remsi %add3A_582, %rem3A_583 : i32
        %dma_wait3A_585 = arith.constant 0 : i32
        %dma_wait3A_586 = arith.constant 0 : i32
        %dma_wait3A_587 = tpu.memref_slice %arg12[%dma_wait3A_585, %dma_wait3A_586] : memref<400x16xf32, #tpu.memory_space<vmem>> -> memref<80x16xf32, #tpu.memory_space<vmem>>
        %dma_wait3A_588 = arith.constant 400 : i32
        %dma_wait3A_589 = tpu.memref_slice %arg10[%dma_wait3A_588] : memref<800xi32, #tpu.memory_space<vmem>> -> memref<80xi32, #tpu.memory_space<vmem>>
        %dma_wait3A_590 = arith.constant 0 : i32
        %dma_wait3A_591 = arith.constant 0 : i32
        %dma_wait3A_592 = tpu.memref_slice %arg13[%dma_wait3A_590, %dma_wait3A_591] : memref<100000x16xf32, #tpu.memory_space<vmem_shared>> -> memref<100000x16xf32, #tpu.memory_space<vmem_shared>>
        tpu.wait_indirect_dma semaphore(%arg17 : memref<!tpu.dma_semaphore, #tpu.memory_space<semaphore_mem>>) src(%dma_wait3A_587 : memref<80x16xf32, #tpu.memory_space<vmem>>) dst(%dma_wait3A_592 : memref<100000x16xf32, #tpu.memory_space<vmem_shared>>)
        %dma_wait3A_593 = arith.constant 80 : i32
        %dma_wait3A_594 = arith.constant 0 : i32
        %dma_wait3A_595 = tpu.memref_slice %arg12[%dma_wait3A_593, %dma_wait3A_594] : memref<400x16xf32, #tpu.memory_space<vmem>> -> memref<80x16xf32, #tpu.memory_space<vmem>>
        %dma_wait3A_596 = arith.constant 480 : i32
        %dma_wait3A_597 = tpu.memref_slice %arg10[%dma_wait3A_596] : memref<800xi32, #tpu.memory_space<vmem>> -> memref<80xi32, #tpu.memory_space<vmem>>
        %dma_wait3A_598 = arith.constant 0 : i32
        %dma_wait3A_599 = arith.constant 0 : i32
        %dma_wait3A_600 = tpu.memref_slice %arg13[%dma_wait3A_598, %dma_wait3A_599] : memref<100000x16xf32, #tpu.memory_space<vmem_shared>> -> memref<100000x16xf32, #tpu.memory_space<vmem_shared>>
        tpu.wait_indirect_dma semaphore(%arg17 : memref<!tpu.dma_semaphore, #tpu.memory_space<semaphore_mem>>) src(%dma_wait3A_595 : memref<80x16xf32, #tpu.memory_space<vmem>>) dst(%dma_wait3A_600 : memref<100000x16xf32, #tpu.memory_space<vmem_shared>>)
        %dma_wait3A_601 = arith.constant 160 : i32
        %dma_wait3A_602 = arith.constant 0 : i32
        %dma_wait3A_603 = tpu.memref_slice %arg12[%dma_wait3A_601, %dma_wait3A_602] : memref<400x16xf32, #tpu.memory_space<vmem>> -> memref<80x16xf32, #tpu.memory_space<vmem>>
        %dma_wait3A_604 = arith.constant 560 : i32
        %dma_wait3A_605 = tpu.memref_slice %arg10[%dma_wait3A_604] : memref<800xi32, #tpu.memory_space<vmem>> -> memref<80xi32, #tpu.memory_space<vmem>>
        %dma_wait3A_606 = arith.constant 0 : i32
        %dma_wait3A_607 = arith.constant 0 : i32
        %dma_wait3A_608 = tpu.memref_slice %arg13[%dma_wait3A_606, %dma_wait3A_607] : memref<100000x16xf32, #tpu.memory_space<vmem_shared>> -> memref<100000x16xf32, #tpu.memory_space<vmem_shared>>
        tpu.wait_indirect_dma semaphore(%arg17 : memref<!tpu.dma_semaphore, #tpu.memory_space<semaphore_mem>>) src(%dma_wait3A_603 : memref<80x16xf32, #tpu.memory_space<vmem>>) dst(%dma_wait3A_608 : memref<100000x16xf32, #tpu.memory_space<vmem_shared>>)
        %dma_wait3A_609 = arith.constant 240 : i32
        %dma_wait3A_610 = arith.constant 0 : i32
        %dma_wait3A_611 = tpu.memref_slice %arg12[%dma_wait3A_609, %dma_wait3A_610] : memref<400x16xf32, #tpu.memory_space<vmem>> -> memref<80x16xf32, #tpu.memory_space<vmem>>
        %dma_wait3A_612 = arith.constant 640 : i32
        %dma_wait3A_613 = tpu.memref_slice %arg10[%dma_wait3A_612] : memref<800xi32, #tpu.memory_space<vmem>> -> memref<80xi32, #tpu.memory_space<vmem>>
        %dma_wait3A_614 = arith.constant 0 : i32
        %dma_wait3A_615 = arith.constant 0 : i32
        %dma_wait3A_616 = tpu.memref_slice %arg13[%dma_wait3A_614, %dma_wait3A_615] : memref<100000x16xf32, #tpu.memory_space<vmem_shared>> -> memref<100000x16xf32, #tpu.memory_space<vmem_shared>>
        tpu.wait_indirect_dma semaphore(%arg17 : memref<!tpu.dma_semaphore, #tpu.memory_space<semaphore_mem>>) src(%dma_wait3A_611 : memref<80x16xf32, #tpu.memory_space<vmem>>) dst(%dma_wait3A_616 : memref<100000x16xf32, #tpu.memory_space<vmem_shared>>)
        %dma_wait3A_617 = arith.constant 320 : i32
        %dma_wait3A_618 = arith.constant 0 : i32
        %dma_wait3A_619 = tpu.memref_slice %arg12[%dma_wait3A_617, %dma_wait3A_618] : memref<400x16xf32, #tpu.memory_space<vmem>> -> memref<80x16xf32, #tpu.memory_space<vmem>>
        %dma_wait3A_620 = arith.constant 720 : i32
        %dma_wait3A_621 = tpu.memref_slice %arg10[%dma_wait3A_620] : memref<800xi32, #tpu.memory_space<vmem>> -> memref<80xi32, #tpu.memory_space<vmem>>
        %dma_wait3A_622 = arith.constant 0 : i32
        %dma_wait3A_623 = arith.constant 0 : i32
        %dma_wait3A_624 = tpu.memref_slice %arg13[%dma_wait3A_622, %dma_wait3A_623] : memref<100000x16xf32, #tpu.memory_space<vmem_shared>> -> memref<100000x16xf32, #tpu.memory_space<vmem_shared>>
        tpu.wait_indirect_dma semaphore(%arg17 : memref<!tpu.dma_semaphore, #tpu.memory_space<semaphore_mem>>) src(%dma_wait3A_619 : memref<80x16xf32, #tpu.memory_space<vmem>>) dst(%dma_wait3A_624 : memref<100000x16xf32, #tpu.memory_space<vmem_shared>>)
        %mul3A_625 = arith.constant 500 : i32
        %mul3A_626 = arith.muli %arg1, %mul3A_625 : i32
        %mul3A_627 = arith.constant 2 : i32
        %mul3A_628 = arith.muli %mul3A_627, %rem3A_584 : i32
        %add3A_629 = arith.addi %mul3A_626, %mul3A_628 : i32
        %mul3A_630 = arith.constant 400 : i32
        %mul3A_631 = arith.muli %add3A_629, %mul3A_630 : i32
        %dma_start3A_632 = tpu.memref_slice %arg4[%mul3A_631] : memref<3200000xi32, #tpu.memory_space<hbm>> -> memref<800xi32, #tpu.memory_space<hbm>>
        %dma_start3A_633 = tpu.memref_slice %arg4[%mul3A_631] : memref<3200000xi32, #tpu.memory_space<hbm>> -> memref<800xi32, #tpu.memory_space<hbm>>
        tpu.enqueue_dma source(%dma_start3A_633 : memref<800xi32, #tpu.memory_space<hbm>>) target(%arg7 : memref<800xi32, #tpu.memory_space<vmem>>) target_semaphore(%arg18 : memref<!tpu.dma_semaphore, #tpu.memory_space<semaphore_mem>>)
        %dma_start3A_634 = tpu.memref_slice %arg5[%mul3A_631] : memref<3200000xi32, #tpu.memory_space<hbm>> -> memref<800xi32, #tpu.memory_space<hbm>>
        %dma_start3A_635 = tpu.memref_slice %arg5[%mul3A_631] : memref<3200000xi32, #tpu.memory_space<hbm>> -> memref<800xi32, #tpu.memory_space<hbm>>
        tpu.enqueue_dma source(%dma_start3A_635 : memref<800xi32, #tpu.memory_space<hbm>>) target(%arg8 : memref<800xi32, #tpu.memory_space<vmem>>) target_semaphore(%arg18 : memref<!tpu.dma_semaphore, #tpu.memory_space<semaphore_mem>>)
        %dma_start3A_636 = arith.constant 0 : i32
        %dma_start3A_637 = arith.constant 0 : i32
        %dma_start3A_638 = tpu.memref_slice %arg12[%dma_start3A_636, %dma_start3A_637] : memref<400x16xf32, #tpu.memory_space<vmem>> -> memref<80x16xf32, #tpu.memory_space<vmem>>
        %dma_start3A_639 = arith.constant 400 : i32
        %dma_start3A_640 = tpu.memref_slice %arg9[%dma_start3A_639] : memref<800xi32, #tpu.memory_space<vmem>> -> memref<80xi32, #tpu.memory_space<vmem>>
        %dma_start3A_641 = arith.constant 0 : i32
        %dma_start3A_642 = arith.constant 0 : i32
        %dma_start3A_643 = tpu.memref_slice %arg3[%dma_start3A_641, %dma_start3A_642] : memref<102400x16xf32, #tpu.memory_space<hbm>> -> memref<102400x16xf32, #tpu.memory_space<hbm>>
        tpu.enqueue_indirect_dma source(%dma_start3A_643 : memref<102400x16xf32, #tpu.memory_space<hbm>>) target(%dma_start3A_638 : memref<80x16xf32, #tpu.memory_space<vmem>>) offsets(%dma_start3A_640 : memref<80xi32, #tpu.memory_space<vmem>>) semaphore(%arg15 : memref<!tpu.dma_semaphore, #tpu.memory_space<semaphore_mem>>)
        %dma_start3A_644 = arith.constant 80 : i32
        %dma_start3A_645 = arith.constant 0 : i32
        %dma_start3A_646 = tpu.memref_slice %arg12[%dma_start3A_644, %dma_start3A_645] : memref<400x16xf32, #tpu.memory_space<vmem>> -> memref<80x16xf32, #tpu.memory_space<vmem>>
        %dma_start3A_647 = arith.constant 480 : i32
        %dma_start3A_648 = tpu.memref_slice %arg9[%dma_start3A_647] : memref<800xi32, #tpu.memory_space<vmem>> -> memref<80xi32, #tpu.memory_space<vmem>>
        %dma_start3A_649 = arith.constant 0 : i32
        %dma_start3A_650 = arith.constant 0 : i32
        %dma_start3A_651 = tpu.memref_slice %arg3[%dma_start3A_649, %dma_start3A_650] : memref<102400x16xf32, #tpu.memory_space<hbm>> -> memref<102400x16xf32, #tpu.memory_space<hbm>>
        tpu.enqueue_indirect_dma source(%dma_start3A_651 : memref<102400x16xf32, #tpu.memory_space<hbm>>) target(%dma_start3A_646 : memref<80x16xf32, #tpu.memory_space<vmem>>) offsets(%dma_start3A_648 : memref<80xi32, #tpu.memory_space<vmem>>) semaphore(%arg15 : memref<!tpu.dma_semaphore, #tpu.memory_space<semaphore_mem>>)
        %dma_start3A_652 = arith.constant 160 : i32
        %dma_start3A_653 = arith.constant 0 : i32
        %dma_start3A_654 = tpu.memref_slice %arg12[%dma_start3A_652, %dma_start3A_653] : memref<400x16xf32, #tpu.memory_space<vmem>> -> memref<80x16xf32, #tpu.memory_space<vmem>>
        %dma_start3A_655 = arith.constant 560 : i32
        %dma_start3A_656 = tpu.memref_slice %arg9[%dma_start3A_655] : memref<800xi32, #tpu.memory_space<vmem>> -> memref<80xi32, #tpu.memory_space<vmem>>
        %dma_start3A_657 = arith.constant 0 : i32
        %dma_start3A_658 = arith.constant 0 : i32
        %dma_start3A_659 = tpu.memref_slice %arg3[%dma_start3A_657, %dma_start3A_658] : memref<102400x16xf32, #tpu.memory_space<hbm>> -> memref<102400x16xf32, #tpu.memory_space<hbm>>
        tpu.enqueue_indirect_dma source(%dma_start3A_659 : memref<102400x16xf32, #tpu.memory_space<hbm>>) target(%dma_start3A_654 : memref<80x16xf32, #tpu.memory_space<vmem>>) offsets(%dma_start3A_656 : memref<80xi32, #tpu.memory_space<vmem>>) semaphore(%arg15 : memref<!tpu.dma_semaphore, #tpu.memory_space<semaphore_mem>>)
        %dma_start3A_660 = arith.constant 240 : i32
        %dma_start3A_661 = arith.constant 0 : i32
        %dma_start3A_662 = tpu.memref_slice %arg12[%dma_start3A_660, %dma_start3A_661] : memref<400x16xf32, #tpu.memory_space<vmem>> -> memref<80x16xf32, #tpu.memory_space<vmem>>
        %dma_start3A_663 = arith.constant 640 : i32
        %dma_start3A_664 = tpu.memref_slice %arg9[%dma_start3A_663] : memref<800xi32, #tpu.memory_space<vmem>> -> memref<80xi32, #tpu.memory_space<vmem>>
        %dma_start3A_665 = arith.constant 0 : i32
        %dma_start3A_666 = arith.constant 0 : i32
        %dma_start3A_667 = tpu.memref_slice %arg3[%dma_start3A_665, %dma_start3A_666] : memref<102400x16xf32, #tpu.memory_space<hbm>> -> memref<102400x16xf32, #tpu.memory_space<hbm>>
        tpu.enqueue_indirect_dma source(%dma_start3A_667 : memref<102400x16xf32, #tpu.memory_space<hbm>>) target(%dma_start3A_662 : memref<80x16xf32, #tpu.memory_space<vmem>>) offsets(%dma_start3A_664 : memref<80xi32, #tpu.memory_space<vmem>>) semaphore(%arg15 : memref<!tpu.dma_semaphore, #tpu.memory_space<semaphore_mem>>)
        %dma_start3A_668 = arith.constant 320 : i32
        %dma_start3A_669 = arith.constant 0 : i32
        %dma_start3A_670 = tpu.memref_slice %arg12[%dma_start3A_668, %dma_start3A_669] : memref<400x16xf32, #tpu.memory_space<vmem>> -> memref<80x16xf32, #tpu.memory_space<vmem>>
        %dma_start3A_671 = arith.constant 720 : i32
        %dma_start3A_672 = tpu.memref_slice %arg9[%dma_start3A_671] : memref<800xi32, #tpu.memory_space<vmem>> -> memref<80xi32, #tpu.memory_space<vmem>>
        %dma_start3A_673 = arith.constant 0 : i32
        %dma_start3A_674 = arith.constant 0 : i32
        %dma_start3A_675 = tpu.memref_slice %arg3[%dma_start3A_673, %dma_start3A_674] : memref<102400x16xf32, #tpu.memory_space<hbm>> -> memref<102400x16xf32, #tpu.memory_space<hbm>>
        tpu.enqueue_indirect_dma source(%dma_start3A_675 : memref<102400x16xf32, #tpu.memory_space<hbm>>) target(%dma_start3A_670 : memref<80x16xf32, #tpu.memory_space<vmem>>) offsets(%dma_start3A_672 : memref<80xi32, #tpu.memory_space<vmem>>) semaphore(%arg15 : memref<!tpu.dma_semaphore, #tpu.memory_space<semaphore_mem>>)
        %dma_wait3A_676 = arith.constant 0 : i32
        %dma_wait3A_677 = arith.constant 0 : i32
        %dma_wait3A_678 = tpu.memref_slice %arg11[%dma_wait3A_676, %dma_wait3A_677] : memref<400x16xf32, #tpu.memory_space<vmem>> -> memref<80x16xf32, #tpu.memory_space<vmem>>
        %dma_wait3A_679 = arith.constant 0 : i32
        %dma_wait3A_680 = tpu.memref_slice %arg9[%dma_wait3A_679] : memref<800xi32, #tpu.memory_space<vmem>> -> memref<80xi32, #tpu.memory_space<vmem>>
        %dma_wait3A_681 = arith.constant 0 : i32
        %dma_wait3A_682 = arith.constant 0 : i32
        %dma_wait3A_683 = tpu.memref_slice %arg3[%dma_wait3A_681, %dma_wait3A_682] : memref<102400x16xf32, #tpu.memory_space<hbm>> -> memref<102400x16xf32, #tpu.memory_space<hbm>>
        tpu.wait_indirect_dma semaphore(%arg14 : memref<!tpu.dma_semaphore, #tpu.memory_space<semaphore_mem>>) src(%dma_wait3A_683 : memref<102400x16xf32, #tpu.memory_space<hbm>>) dst(%dma_wait3A_678 : memref<80x16xf32, #tpu.memory_space<vmem>>)
        %dma_wait3A_684 = arith.constant 80 : i32
        %dma_wait3A_685 = arith.constant 0 : i32
        %dma_wait3A_686 = tpu.memref_slice %arg11[%dma_wait3A_684, %dma_wait3A_685] : memref<400x16xf32, #tpu.memory_space<vmem>> -> memref<80x16xf32, #tpu.memory_space<vmem>>
        %dma_wait3A_687 = arith.constant 80 : i32
        %dma_wait3A_688 = tpu.memref_slice %arg9[%dma_wait3A_687] : memref<800xi32, #tpu.memory_space<vmem>> -> memref<80xi32, #tpu.memory_space<vmem>>
        %dma_wait3A_689 = arith.constant 0 : i32
        %dma_wait3A_690 = arith.constant 0 : i32
        %dma_wait3A_691 = tpu.memref_slice %arg3[%dma_wait3A_689, %dma_wait3A_690] : memref<102400x16xf32, #tpu.memory_space<hbm>> -> memref<102400x16xf32, #tpu.memory_space<hbm>>
        tpu.wait_indirect_dma semaphore(%arg14 : memref<!tpu.dma_semaphore, #tpu.memory_space<semaphore_mem>>) src(%dma_wait3A_691 : memref<102400x16xf32, #tpu.memory_space<hbm>>) dst(%dma_wait3A_686 : memref<80x16xf32, #tpu.memory_space<vmem>>)
        %dma_wait3A_692 = arith.constant 160 : i32
        %dma_wait3A_693 = arith.constant 0 : i32
        %dma_wait3A_694 = tpu.memref_slice %arg11[%dma_wait3A_692, %dma_wait3A_693] : memref<400x16xf32, #tpu.memory_space<vmem>> -> memref<80x16xf32, #tpu.memory_space<vmem>>
        %dma_wait3A_695 = arith.constant 160 : i32
        %dma_wait3A_696 = tpu.memref_slice %arg9[%dma_wait3A_695] : memref<800xi32, #tpu.memory_space<vmem>> -> memref<80xi32, #tpu.memory_space<vmem>>
        %dma_wait3A_697 = arith.constant 0 : i32
        %dma_wait3A_698 = arith.constant 0 : i32
        %dma_wait3A_699 = tpu.memref_slice %arg3[%dma_wait3A_697, %dma_wait3A_698] : memref<102400x16xf32, #tpu.memory_space<hbm>> -> memref<102400x16xf32, #tpu.memory_space<hbm>>
        tpu.wait_indirect_dma semaphore(%arg14 : memref<!tpu.dma_semaphore, #tpu.memory_space<semaphore_mem>>) src(%dma_wait3A_699 : memref<102400x16xf32, #tpu.memory_space<hbm>>) dst(%dma_wait3A_694 : memref<80x16xf32, #tpu.memory_space<vmem>>)
        %dma_wait3A_700 = arith.constant 240 : i32
        %dma_wait3A_701 = arith.constant 0 : i32
        %dma_wait3A_702 = tpu.memref_slice %arg11[%dma_wait3A_700, %dma_wait3A_701] : memref<400x16xf32, #tpu.memory_space<vmem>> -> memref<80x16xf32, #tpu.memory_space<vmem>>
        %dma_wait3A_703 = arith.constant 240 : i32
        %dma_wait3A_704 = tpu.memref_slice %arg9[%dma_wait3A_703] : memref<800xi32, #tpu.memory_space<vmem>> -> memref<80xi32, #tpu.memory_space<vmem>>
        %dma_wait3A_705 = arith.constant 0 : i32
        %dma_wait3A_706 = arith.constant 0 : i32
        %dma_wait3A_707 = tpu.memref_slice %arg3[%dma_wait3A_705, %dma_wait3A_706] : memref<102400x16xf32, #tpu.memory_space<hbm>> -> memref<102400x16xf32, #tpu.memory_space<hbm>>
        tpu.wait_indirect_dma semaphore(%arg14 : memref<!tpu.dma_semaphore, #tpu.memory_space<semaphore_mem>>) src(%dma_wait3A_707 : memref<102400x16xf32, #tpu.memory_space<hbm>>) dst(%dma_wait3A_702 : memref<80x16xf32, #tpu.memory_space<vmem>>)
        %dma_wait3A_708 = arith.constant 320 : i32
        %dma_wait3A_709 = arith.constant 0 : i32
        %dma_wait3A_710 = tpu.memref_slice %arg11[%dma_wait3A_708, %dma_wait3A_709] : memref<400x16xf32, #tpu.memory_space<vmem>> -> memref<80x16xf32, #tpu.memory_space<vmem>>
        %dma_wait3A_711 = arith.constant 320 : i32
        %dma_wait3A_712 = tpu.memref_slice %arg9[%dma_wait3A_711] : memref<800xi32, #tpu.memory_space<vmem>> -> memref<80xi32, #tpu.memory_space<vmem>>
        %dma_wait3A_713 = arith.constant 0 : i32
        %dma_wait3A_714 = arith.constant 0 : i32
        %dma_wait3A_715 = tpu.memref_slice %arg3[%dma_wait3A_713, %dma_wait3A_714] : memref<102400x16xf32, #tpu.memory_space<hbm>> -> memref<102400x16xf32, #tpu.memory_space<hbm>>
        tpu.wait_indirect_dma semaphore(%arg14 : memref<!tpu.dma_semaphore, #tpu.memory_space<semaphore_mem>>) src(%dma_wait3A_715 : memref<102400x16xf32, #tpu.memory_space<hbm>>) dst(%dma_wait3A_710 : memref<80x16xf32, #tpu.memory_space<vmem>>)
        %dma_start3A_716 = arith.constant 0 : i32
        %dma_start3A_717 = arith.constant 0 : i32
        %dma_start3A_718 = tpu.memref_slice %arg11[%dma_start3A_716, %dma_start3A_717] : memref<400x16xf32, #tpu.memory_space<vmem>> -> memref<80x16xf32, #tpu.memory_space<vmem>>
        %dma_start3A_719 = arith.constant 0 : i32
        %dma_start3A_720 = tpu.memref_slice %arg10[%dma_start3A_719] : memref<800xi32, #tpu.memory_space<vmem>> -> memref<80xi32, #tpu.memory_space<vmem>>
        %dma_start3A_721 = arith.constant 0 : i32
        %dma_start3A_722 = arith.constant 0 : i32
        %dma_start3A_723 = tpu.memref_slice %arg13[%dma_start3A_721, %dma_start3A_722] : memref<100000x16xf32, #tpu.memory_space<vmem_shared>> -> memref<100000x16xf32, #tpu.memory_space<vmem_shared>>
        tpu.enqueue_indirect_dma source(%dma_start3A_718 : memref<80x16xf32, #tpu.memory_space<vmem>>) target(%dma_start3A_723 : memref<100000x16xf32, #tpu.memory_space<vmem_shared>>) offsets(%dma_start3A_720 : memref<80xi32, #tpu.memory_space<vmem>>) semaphore(%arg16 : memref<!tpu.dma_semaphore, #tpu.memory_space<semaphore_mem>>) {add = true}
        %dma_start3A_724 = arith.constant 80 : i32
        %dma_start3A_725 = arith.constant 0 : i32
        %dma_start3A_726 = tpu.memref_slice %arg11[%dma_start3A_724, %dma_start3A_725] : memref<400x16xf32, #tpu.memory_space<vmem>> -> memref<80x16xf32, #tpu.memory_space<vmem>>
        %dma_start3A_727 = arith.constant 80 : i32
        %dma_start3A_728 = tpu.memref_slice %arg10[%dma_start3A_727] : memref<800xi32, #tpu.memory_space<vmem>> -> memref<80xi32, #tpu.memory_space<vmem>>
        %dma_start3A_729 = arith.constant 0 : i32
        %dma_start3A_730 = arith.constant 0 : i32
        %dma_start3A_731 = tpu.memref_slice %arg13[%dma_start3A_729, %dma_start3A_730] : memref<100000x16xf32, #tpu.memory_space<vmem_shared>> -> memref<100000x16xf32, #tpu.memory_space<vmem_shared>>
        tpu.enqueue_indirect_dma source(%dma_start3A_726 : memref<80x16xf32, #tpu.memory_space<vmem>>) target(%dma_start3A_731 : memref<100000x16xf32, #tpu.memory_space<vmem_shared>>) offsets(%dma_start3A_728 : memref<80xi32, #tpu.memory_space<vmem>>) semaphore(%arg16 : memref<!tpu.dma_semaphore, #tpu.memory_space<semaphore_mem>>) {add = true}
        %dma_start3A_732 = arith.constant 160 : i32
        %dma_start3A_733 = arith.constant 0 : i32
        %dma_start3A_734 = tpu.memref_slice %arg11[%dma_start3A_732, %dma_start3A_733] : memref<400x16xf32, #tpu.memory_space<vmem>> -> memref<80x16xf32, #tpu.memory_space<vmem>>
        %dma_start3A_735 = arith.constant 160 : i32
        %dma_start3A_736 = tpu.memref_slice %arg10[%dma_start3A_735] : memref<800xi32, #tpu.memory_space<vmem>> -> memref<80xi32, #tpu.memory_space<vmem>>
        %dma_start3A_737 = arith.constant 0 : i32
        %dma_start3A_738 = arith.constant 0 : i32
        %dma_start3A_739 = tpu.memref_slice %arg13[%dma_start3A_737, %dma_start3A_738] : memref<100000x16xf32, #tpu.memory_space<vmem_shared>> -> memref<100000x16xf32, #tpu.memory_space<vmem_shared>>
        tpu.enqueue_indirect_dma source(%dma_start3A_734 : memref<80x16xf32, #tpu.memory_space<vmem>>) target(%dma_start3A_739 : memref<100000x16xf32, #tpu.memory_space<vmem_shared>>) offsets(%dma_start3A_736 : memref<80xi32, #tpu.memory_space<vmem>>) semaphore(%arg16 : memref<!tpu.dma_semaphore, #tpu.memory_space<semaphore_mem>>) {add = true}
        %dma_start3A_740 = arith.constant 240 : i32
        %dma_start3A_741 = arith.constant 0 : i32
        %dma_start3A_742 = tpu.memref_slice %arg11[%dma_start3A_740, %dma_start3A_741] : memref<400x16xf32, #tpu.memory_space<vmem>> -> memref<80x16xf32, #tpu.memory_space<vmem>>
        %dma_start3A_743 = arith.constant 240 : i32
        %dma_start3A_744 = tpu.memref_slice %arg10[%dma_start3A_743] : memref<800xi32, #tpu.memory_space<vmem>> -> memref<80xi32, #tpu.memory_space<vmem>>
        %dma_start3A_745 = arith.constant 0 : i32
        %dma_start3A_746 = arith.constant 0 : i32
        %dma_start3A_747 = tpu.memref_slice %arg13[%dma_start3A_745, %dma_start3A_746] : memref<100000x16xf32, #tpu.memory_space<vmem_shared>> -> memref<100000x16xf32, #tpu.memory_space<vmem_shared>>
        tpu.enqueue_indirect_dma source(%dma_start3A_742 : memref<80x16xf32, #tpu.memory_space<vmem>>) target(%dma_start3A_747 : memref<100000x16xf32, #tpu.memory_space<vmem_shared>>) offsets(%dma_start3A_744 : memref<80xi32, #tpu.memory_space<vmem>>) semaphore(%arg16 : memref<!tpu.dma_semaphore, #tpu.memory_space<semaphore_mem>>) {add = true}
        %dma_start3A_748 = arith.constant 320 : i32
        %dma_start3A_749 = arith.constant 0 : i32
        %dma_start3A_750 = tpu.memref_slice %arg11[%dma_start3A_748, %dma_start3A_749] : memref<400x16xf32, #tpu.memory_space<vmem>> -> memref<80x16xf32, #tpu.memory_space<vmem>>
        %dma_start3A_751 = arith.constant 320 : i32
        %dma_start3A_752 = tpu.memref_slice %arg10[%dma_start3A_751] : memref<800xi32, #tpu.memory_space<vmem>> -> memref<80xi32, #tpu.memory_space<vmem>>
        %dma_start3A_753 = arith.constant 0 : i32
        %dma_start3A_754 = arith.constant 0 : i32
        %dma_start3A_755 = tpu.memref_slice %arg13[%dma_start3A_753, %dma_start3A_754] : memref<100000x16xf32, #tpu.memory_space<vmem_shared>> -> memref<100000x16xf32, #tpu.memory_space<vmem_shared>>
        tpu.enqueue_indirect_dma source(%dma_start3A_750 : memref<80x16xf32, #tpu.memory_space<vmem>>) target(%dma_start3A_755 : memref<100000x16xf32, #tpu.memory_space<vmem_shared>>) offsets(%dma_start3A_752 : memref<80xi32, #tpu.memory_space<vmem>>) semaphore(%arg16 : memref<!tpu.dma_semaphore, #tpu.memory_space<semaphore_mem>>) {add = true}
        %dma_wait3A_756 = arith.constant 0 : i32
        %dma_wait3A_757 = arith.constant 0 : i32
        %dma_wait3A_758 = tpu.memref_slice %arg12[%dma_wait3A_756, %dma_wait3A_757] : memref<400x16xf32, #tpu.memory_space<vmem>> -> memref<80x16xf32, #tpu.memory_space<vmem>>
        %dma_wait3A_759 = arith.constant 400 : i32
        %dma_wait3A_760 = tpu.memref_slice %arg9[%dma_wait3A_759] : memref<800xi32, #tpu.memory_space<vmem>> -> memref<80xi32, #tpu.memory_space<vmem>>
        %dma_wait3A_761 = arith.constant 0 : i32
        %dma_wait3A_762 = arith.constant 0 : i32
        %dma_wait3A_763 = tpu.memref_slice %arg3[%dma_wait3A_761, %dma_wait3A_762] : memref<102400x16xf32, #tpu.memory_space<hbm>> -> memref<102400x16xf32, #tpu.memory_space<hbm>>
        tpu.wait_indirect_dma semaphore(%arg15 : memref<!tpu.dma_semaphore, #tpu.memory_space<semaphore_mem>>) src(%dma_wait3A_763 : memref<102400x16xf32, #tpu.memory_space<hbm>>) dst(%dma_wait3A_758 : memref<80x16xf32, #tpu.memory_space<vmem>>)
        %dma_wait3A_764 = arith.constant 80 : i32
        %dma_wait3A_765 = arith.constant 0 : i32
        %dma_wait3A_766 = tpu.memref_slice %arg12[%dma_wait3A_764, %dma_wait3A_765] : memref<400x16xf32, #tpu.memory_space<vmem>> -> memref<80x16xf32, #tpu.memory_space<vmem>>
        %dma_wait3A_767 = arith.constant 480 : i32
        %dma_wait3A_768 = tpu.memref_slice %arg9[%dma_wait3A_767] : memref<800xi32, #tpu.memory_space<vmem>> -> memref<80xi32, #tpu.memory_space<vmem>>
        %dma_wait3A_769 = arith.constant 0 : i32
        %dma_wait3A_770 = arith.constant 0 : i32
        %dma_wait3A_771 = tpu.memref_slice %arg3[%dma_wait3A_769, %dma_wait3A_770] : memref<102400x16xf32, #tpu.memory_space<hbm>> -> memref<102400x16xf32, #tpu.memory_space<hbm>>
        tpu.wait_indirect_dma semaphore(%arg15 : memref<!tpu.dma_semaphore, #tpu.memory_space<semaphore_mem>>) src(%dma_wait3A_771 : memref<102400x16xf32, #tpu.memory_space<hbm>>) dst(%dma_wait3A_766 : memref<80x16xf32, #tpu.memory_space<vmem>>)
        %dma_wait3A_772 = arith.constant 160 : i32
        %dma_wait3A_773 = arith.constant 0 : i32
        %dma_wait3A_774 = tpu.memref_slice %arg12[%dma_wait3A_772, %dma_wait3A_773] : memref<400x16xf32, #tpu.memory_space<vmem>> -> memref<80x16xf32, #tpu.memory_space<vmem>>
        %dma_wait3A_775 = arith.constant 560 : i32
        %dma_wait3A_776 = tpu.memref_slice %arg9[%dma_wait3A_775] : memref<800xi32, #tpu.memory_space<vmem>> -> memref<80xi32, #tpu.memory_space<vmem>>
        %dma_wait3A_777 = arith.constant 0 : i32
        %dma_wait3A_778 = arith.constant 0 : i32
        %dma_wait3A_779 = tpu.memref_slice %arg3[%dma_wait3A_777, %dma_wait3A_778] : memref<102400x16xf32, #tpu.memory_space<hbm>> -> memref<102400x16xf32, #tpu.memory_space<hbm>>
        tpu.wait_indirect_dma semaphore(%arg15 : memref<!tpu.dma_semaphore, #tpu.memory_space<semaphore_mem>>) src(%dma_wait3A_779 : memref<102400x16xf32, #tpu.memory_space<hbm>>) dst(%dma_wait3A_774 : memref<80x16xf32, #tpu.memory_space<vmem>>)
        %dma_wait3A_780 = arith.constant 240 : i32
        %dma_wait3A_781 = arith.constant 0 : i32
        %dma_wait3A_782 = tpu.memref_slice %arg12[%dma_wait3A_780, %dma_wait3A_781] : memref<400x16xf32, #tpu.memory_space<vmem>> -> memref<80x16xf32, #tpu.memory_space<vmem>>
        %dma_wait3A_783 = arith.constant 640 : i32
        %dma_wait3A_784 = tpu.memref_slice %arg9[%dma_wait3A_783] : memref<800xi32, #tpu.memory_space<vmem>> -> memref<80xi32, #tpu.memory_space<vmem>>
        %dma_wait3A_785 = arith.constant 0 : i32
        %dma_wait3A_786 = arith.constant 0 : i32
        %dma_wait3A_787 = tpu.memref_slice %arg3[%dma_wait3A_785, %dma_wait3A_786] : memref<102400x16xf32, #tpu.memory_space<hbm>> -> memref<102400x16xf32, #tpu.memory_space<hbm>>
        tpu.wait_indirect_dma semaphore(%arg15 : memref<!tpu.dma_semaphore, #tpu.memory_space<semaphore_mem>>) src(%dma_wait3A_787 : memref<102400x16xf32, #tpu.memory_space<hbm>>) dst(%dma_wait3A_782 : memref<80x16xf32, #tpu.memory_space<vmem>>)
        %dma_wait3A_788 = arith.constant 320 : i32
        %dma_wait3A_789 = arith.constant 0 : i32
        %dma_wait3A_790 = tpu.memref_slice %arg12[%dma_wait3A_788, %dma_wait3A_789] : memref<400x16xf32, #tpu.memory_space<vmem>> -> memref<80x16xf32, #tpu.memory_space<vmem>>
        %dma_wait3A_791 = arith.constant 720 : i32
        %dma_wait3A_792 = tpu.memref_slice %arg9[%dma_wait3A_791] : memref<800xi32, #tpu.memory_space<vmem>> -> memref<80xi32, #tpu.memory_space<vmem>>
        %dma_wait3A_793 = arith.constant 0 : i32
        %dma_wait3A_794 = arith.constant 0 : i32
        %dma_wait3A_795 = tpu.memref_slice %arg3[%dma_wait3A_793, %dma_wait3A_794] : memref<102400x16xf32, #tpu.memory_space<hbm>> -> memref<102400x16xf32, #tpu.memory_space<hbm>>
        tpu.wait_indirect_dma semaphore(%arg15 : memref<!tpu.dma_semaphore, #tpu.memory_space<semaphore_mem>>) src(%dma_wait3A_795 : memref<102400x16xf32, #tpu.memory_space<hbm>>) dst(%dma_wait3A_790 : memref<80x16xf32, #tpu.memory_space<vmem>>)
        %dma_start3A_796 = arith.constant 0 : i32
        %dma_start3A_797 = arith.constant 0 : i32
        %dma_start3A_798 = tpu.memref_slice %arg12[%dma_start3A_796, %dma_start3A_797] : memref<400x16xf32, #tpu.memory_space<vmem>> -> memref<80x16xf32, #tpu.memory_space<vmem>>
        %dma_start3A_799 = arith.constant 400 : i32
        %dma_start3A_800 = tpu.memref_slice %arg10[%dma_start3A_799] : memref<800xi32, #tpu.memory_space<vmem>> -> memref<80xi32, #tpu.memory_space<vmem>>
        %dma_start3A_801 = arith.constant 0 : i32
        %dma_start3A_802 = arith.constant 0 : i32
        %dma_start3A_803 = tpu.memref_slice %arg13[%dma_start3A_801, %dma_start3A_802] : memref<100000x16xf32, #tpu.memory_space<vmem_shared>> -> memref<100000x16xf32, #tpu.memory_space<vmem_shared>>
        tpu.enqueue_indirect_dma source(%dma_start3A_798 : memref<80x16xf32, #tpu.memory_space<vmem>>) target(%dma_start3A_803 : memref<100000x16xf32, #tpu.memory_space<vmem_shared>>) offsets(%dma_start3A_800 : memref<80xi32, #tpu.memory_space<vmem>>) semaphore(%arg17 : memref<!tpu.dma_semaphore, #tpu.memory_space<semaphore_mem>>) {add = true}
        %dma_start3A_804 = arith.constant 80 : i32
        %dma_start3A_805 = arith.constant 0 : i32
        %dma_start3A_806 = tpu.memref_slice %arg12[%dma_start3A_804, %dma_start3A_805] : memref<400x16xf32, #tpu.memory_space<vmem>> -> memref<80x16xf32, #tpu.memory_space<vmem>>
        %dma_start3A_807 = arith.constant 480 : i32
        %dma_start3A_808 = tpu.memref_slice %arg10[%dma_start3A_807] : memref<800xi32, #tpu.memory_space<vmem>> -> memref<80xi32, #tpu.memory_space<vmem>>
        %dma_start3A_809 = arith.constant 0 : i32
        %dma_start3A_810 = arith.constant 0 : i32
        %dma_start3A_811 = tpu.memref_slice %arg13[%dma_start3A_809, %dma_start3A_810] : memref<100000x16xf32, #tpu.memory_space<vmem_shared>> -> memref<100000x16xf32, #tpu.memory_space<vmem_shared>>
        tpu.enqueue_indirect_dma source(%dma_start3A_806 : memref<80x16xf32, #tpu.memory_space<vmem>>) target(%dma_start3A_811 : memref<100000x16xf32, #tpu.memory_space<vmem_shared>>) offsets(%dma_start3A_808 : memref<80xi32, #tpu.memory_space<vmem>>) semaphore(%arg17 : memref<!tpu.dma_semaphore, #tpu.memory_space<semaphore_mem>>) {add = true}
        %dma_start3A_812 = arith.constant 160 : i32
        %dma_start3A_813 = arith.constant 0 : i32
        %dma_start3A_814 = tpu.memref_slice %arg12[%dma_start3A_812, %dma_start3A_813] : memref<400x16xf32, #tpu.memory_space<vmem>> -> memref<80x16xf32, #tpu.memory_space<vmem>>
        %dma_start3A_815 = arith.constant 560 : i32
        %dma_start3A_816 = tpu.memref_slice %arg10[%dma_start3A_815] : memref<800xi32, #tpu.memory_space<vmem>> -> memref<80xi32, #tpu.memory_space<vmem>>
        %dma_start3A_817 = arith.constant 0 : i32
        %dma_start3A_818 = arith.constant 0 : i32
        %dma_start3A_819 = tpu.memref_slice %arg13[%dma_start3A_817, %dma_start3A_818] : memref<100000x16xf32, #tpu.memory_space<vmem_shared>> -> memref<100000x16xf32, #tpu.memory_space<vmem_shared>>
        tpu.enqueue_indirect_dma source(%dma_start3A_814 : memref<80x16xf32, #tpu.memory_space<vmem>>) target(%dma_start3A_819 : memref<100000x16xf32, #tpu.memory_space<vmem_shared>>) offsets(%dma_start3A_816 : memref<80xi32, #tpu.memory_space<vmem>>) semaphore(%arg17 : memref<!tpu.dma_semaphore, #tpu.memory_space<semaphore_mem>>) {add = true}
        %dma_start3A_820 = arith.constant 240 : i32
        %dma_start3A_821 = arith.constant 0 : i32
        %dma_start3A_822 = tpu.memref_slice %arg12[%dma_start3A_820, %dma_start3A_821] : memref<400x16xf32, #tpu.memory_space<vmem>> -> memref<80x16xf32, #tpu.memory_space<vmem>>
        %dma_start3A_823 = arith.constant 640 : i32
        %dma_start3A_824 = tpu.memref_slice %arg10[%dma_start3A_823] : memref<800xi32, #tpu.memory_space<vmem>> -> memref<80xi32, #tpu.memory_space<vmem>>
        %dma_start3A_825 = arith.constant 0 : i32
        %dma_start3A_826 = arith.constant 0 : i32
        %dma_start3A_827 = tpu.memref_slice %arg13[%dma_start3A_825, %dma_start3A_826] : memref<100000x16xf32, #tpu.memory_space<vmem_shared>> -> memref<100000x16xf32, #tpu.memory_space<vmem_shared>>
        tpu.enqueue_indirect_dma source(%dma_start3A_822 : memref<80x16xf32, #tpu.memory_space<vmem>>) target(%dma_start3A_827 : memref<100000x16xf32, #tpu.memory_space<vmem_shared>>) offsets(%dma_start3A_824 : memref<80xi32, #tpu.memory_space<vmem>>) semaphore(%arg17 : memref<!tpu.dma_semaphore, #tpu.memory_space<semaphore_mem>>) {add = true}
        %dma_start3A_828 = arith.constant 320 : i32
        %dma_start3A_829 = arith.constant 0 : i32
        %dma_start3A_830 = tpu.memref_slice %arg12[%dma_start3A_828, %dma_start3A_829] : memref<400x16xf32, #tpu.memory_space<vmem>> -> memref<80x16xf32, #tpu.memory_space<vmem>>
        %dma_start3A_831 = arith.constant 720 : i32
        %dma_start3A_832 = tpu.memref_slice %arg10[%dma_start3A_831] : memref<800xi32, #tpu.memory_space<vmem>> -> memref<80xi32, #tpu.memory_space<vmem>>
        %dma_start3A_833 = arith.constant 0 : i32
        %dma_start3A_834 = arith.constant 0 : i32
        %dma_start3A_835 = tpu.memref_slice %arg13[%dma_start3A_833, %dma_start3A_834] : memref<100000x16xf32, #tpu.memory_space<vmem_shared>> -> memref<100000x16xf32, #tpu.memory_space<vmem_shared>>
        tpu.enqueue_indirect_dma source(%dma_start3A_830 : memref<80x16xf32, #tpu.memory_space<vmem>>) target(%dma_start3A_835 : memref<100000x16xf32, #tpu.memory_space<vmem_shared>>) offsets(%dma_start3A_832 : memref<80xi32, #tpu.memory_space<vmem>>) semaphore(%arg17 : memref<!tpu.dma_semaphore, #tpu.memory_space<semaphore_mem>>) {add = true}
        %dma_wait3A_836 = arith.constant 0 : i32
        %dma_wait3A_837 = arith.constant 0 : i32
        %dma_wait3A_838 = tpu.memref_slice %arg11[%dma_wait3A_836, %dma_wait3A_837] : memref<400x16xf32, #tpu.memory_space<vmem>> -> memref<80x16xf32, #tpu.memory_space<vmem>>
        %dma_wait3A_839 = arith.constant 0 : i32
        %dma_wait3A_840 = tpu.memref_slice %arg10[%dma_wait3A_839] : memref<800xi32, #tpu.memory_space<vmem>> -> memref<80xi32, #tpu.memory_space<vmem>>
        %dma_wait3A_841 = arith.constant 0 : i32
        %dma_wait3A_842 = arith.constant 0 : i32
        %dma_wait3A_843 = tpu.memref_slice %arg13[%dma_wait3A_841, %dma_wait3A_842] : memref<100000x16xf32, #tpu.memory_space<vmem_shared>> -> memref<100000x16xf32, #tpu.memory_space<vmem_shared>>
        tpu.wait_indirect_dma semaphore(%arg16 : memref<!tpu.dma_semaphore, #tpu.memory_space<semaphore_mem>>) src(%dma_wait3A_838 : memref<80x16xf32, #tpu.memory_space<vmem>>) dst(%dma_wait3A_843 : memref<100000x16xf32, #tpu.memory_space<vmem_shared>>)
        %dma_wait3A_844 = arith.constant 80 : i32
        %dma_wait3A_845 = arith.constant 0 : i32
        %dma_wait3A_846 = tpu.memref_slice %arg11[%dma_wait3A_844, %dma_wait3A_845] : memref<400x16xf32, #tpu.memory_space<vmem>> -> memref<80x16xf32, #tpu.memory_space<vmem>>
        %dma_wait3A_847 = arith.constant 80 : i32
        %dma_wait3A_848 = tpu.memref_slice %arg10[%dma_wait3A_847] : memref<800xi32, #tpu.memory_space<vmem>> -> memref<80xi32, #tpu.memory_space<vmem>>
        %dma_wait3A_849 = arith.constant 0 : i32
        %dma_wait3A_850 = arith.constant 0 : i32
        %dma_wait3A_851 = tpu.memref_slice %arg13[%dma_wait3A_849, %dma_wait3A_850] : memref<100000x16xf32, #tpu.memory_space<vmem_shared>> -> memref<100000x16xf32, #tpu.memory_space<vmem_shared>>
        tpu.wait_indirect_dma semaphore(%arg16 : memref<!tpu.dma_semaphore, #tpu.memory_space<semaphore_mem>>) src(%dma_wait3A_846 : memref<80x16xf32, #tpu.memory_space<vmem>>) dst(%dma_wait3A_851 : memref<100000x16xf32, #tpu.memory_space<vmem_shared>>)
        %dma_wait3A_852 = arith.constant 160 : i32
        %dma_wait3A_853 = arith.constant 0 : i32
        %dma_wait3A_854 = tpu.memref_slice %arg11[%dma_wait3A_852, %dma_wait3A_853] : memref<400x16xf32, #tpu.memory_space<vmem>> -> memref<80x16xf32, #tpu.memory_space<vmem>>
        %dma_wait3A_855 = arith.constant 160 : i32
        %dma_wait3A_856 = tpu.memref_slice %arg10[%dma_wait3A_855] : memref<800xi32, #tpu.memory_space<vmem>> -> memref<80xi32, #tpu.memory_space<vmem>>
        %dma_wait3A_857 = arith.constant 0 : i32
        %dma_wait3A_858 = arith.constant 0 : i32
        %dma_wait3A_859 = tpu.memref_slice %arg13[%dma_wait3A_857, %dma_wait3A_858] : memref<100000x16xf32, #tpu.memory_space<vmem_shared>> -> memref<100000x16xf32, #tpu.memory_space<vmem_shared>>
        tpu.wait_indirect_dma semaphore(%arg16 : memref<!tpu.dma_semaphore, #tpu.memory_space<semaphore_mem>>) src(%dma_wait3A_854 : memref<80x16xf32, #tpu.memory_space<vmem>>) dst(%dma_wait3A_859 : memref<100000x16xf32, #tpu.memory_space<vmem_shared>>)
        %dma_wait3A_860 = arith.constant 240 : i32
        %dma_wait3A_861 = arith.constant 0 : i32
        %dma_wait3A_862 = tpu.memref_slice %arg11[%dma_wait3A_860, %dma_wait3A_861] : memref<400x16xf32, #tpu.memory_space<vmem>> -> memref<80x16xf32, #tpu.memory_space<vmem>>
        %dma_wait3A_863 = arith.constant 240 : i32
        %dma_wait3A_864 = tpu.memref_slice %arg10[%dma_wait3A_863] : memref<800xi32, #tpu.memory_space<vmem>> -> memref<80xi32, #tpu.memory_space<vmem>>
        %dma_wait3A_865 = arith.constant 0 : i32
        %dma_wait3A_866 = arith.constant 0 : i32
        %dma_wait3A_867 = tpu.memref_slice %arg13[%dma_wait3A_865, %dma_wait3A_866] : memref<100000x16xf32, #tpu.memory_space<vmem_shared>> -> memref<100000x16xf32, #tpu.memory_space<vmem_shared>>
        tpu.wait_indirect_dma semaphore(%arg16 : memref<!tpu.dma_semaphore, #tpu.memory_space<semaphore_mem>>) src(%dma_wait3A_862 : memref<80x16xf32, #tpu.memory_space<vmem>>) dst(%dma_wait3A_867 : memref<100000x16xf32, #tpu.memory_space<vmem_shared>>)
        %dma_wait3A_868 = arith.constant 320 : i32
        %dma_wait3A_869 = arith.constant 0 : i32
        %dma_wait3A_870 = tpu.memref_slice %arg11[%dma_wait3A_868, %dma_wait3A_869] : memref<400x16xf32, #tpu.memory_space<vmem>> -> memref<80x16xf32, #tpu.memory_space<vmem>>
        %dma_wait3A_871 = arith.constant 320 : i32
        %dma_wait3A_872 = tpu.memref_slice %arg10[%dma_wait3A_871] : memref<800xi32, #tpu.memory_space<vmem>> -> memref<80xi32, #tpu.memory_space<vmem>>
        %dma_wait3A_873 = arith.constant 0 : i32
        %dma_wait3A_874 = arith.constant 0 : i32
        %dma_wait3A_875 = tpu.memref_slice %arg13[%dma_wait3A_873, %dma_wait3A_874] : memref<100000x16xf32, #tpu.memory_space<vmem_shared>> -> memref<100000x16xf32, #tpu.memory_space<vmem_shared>>
        tpu.wait_indirect_dma semaphore(%arg16 : memref<!tpu.dma_semaphore, #tpu.memory_space<semaphore_mem>>) src(%dma_wait3A_870 : memref<80x16xf32, #tpu.memory_space<vmem>>) dst(%dma_wait3A_875 : memref<100000x16xf32, #tpu.memory_space<vmem_shared>>)
        %dma_wait3A_876 = arith.constant 0 : i32
        %dma_wait3A_877 = tpu.memref_slice %arg4[%dma_wait3A_876] : memref<3200000xi32, #tpu.memory_space<hbm>> -> memref<800xi32, #tpu.memory_space<hbm>>
        %dma_wait3A_878 = arith.constant 0 : i32
        %dma_wait3A_879 = tpu.memref_slice %arg4[%dma_wait3A_878] : memref<3200000xi32, #tpu.memory_space<hbm>> -> memref<800xi32, #tpu.memory_space<hbm>>
        tpu.wait_dma2 semaphore(%arg18 : memref<!tpu.dma_semaphore, #tpu.memory_space<semaphore_mem>>) src(%dma_wait3A_879 : memref<800xi32, #tpu.memory_space<hbm>>) dst(%arg7 : memref<800xi32, #tpu.memory_space<vmem>>)
        %dma_wait3A_880 = arith.constant 0 : i32
        %dma_wait3A_881 = tpu.memref_slice %arg5[%dma_wait3A_880] : memref<3200000xi32, #tpu.memory_space<hbm>> -> memref<800xi32, #tpu.memory_space<hbm>>
        %dma_wait3A_882 = arith.constant 0 : i32
        %dma_wait3A_883 = tpu.memref_slice %arg5[%dma_wait3A_882] : memref<3200000xi32, #tpu.memory_space<hbm>> -> memref<800xi32, #tpu.memory_space<hbm>>
        tpu.wait_dma2 semaphore(%arg18 : memref<!tpu.dma_semaphore, #tpu.memory_space<semaphore_mem>>) src(%dma_wait3A_883 : memref<800xi32, #tpu.memory_space<hbm>>) dst(%arg8 : memref<800xi32, #tpu.memory_space<vmem>>)
        %dma_start3A_884 = arith.constant 0 : i32
        %dma_start3A_885 = arith.constant 0 : i32
        %dma_start3A_886 = tpu.memref_slice %arg11[%dma_start3A_884, %dma_start3A_885] : memref<400x16xf32, #tpu.memory_space<vmem>> -> memref<80x16xf32, #tpu.memory_space<vmem>>
        %dma_start3A_887 = arith.constant 0 : i32
        %dma_start3A_888 = tpu.memref_slice %arg7[%dma_start3A_887] : memref<800xi32, #tpu.memory_space<vmem>> -> memref<80xi32, #tpu.memory_space<vmem>>
        %dma_start3A_889 = arith.constant 0 : i32
        %dma_start3A_890 = arith.constant 0 : i32
        %dma_start3A_891 = tpu.memref_slice %arg3[%dma_start3A_889, %dma_start3A_890] : memref<102400x16xf32, #tpu.memory_space<hbm>> -> memref<102400x16xf32, #tpu.memory_space<hbm>>
        tpu.enqueue_indirect_dma source(%dma_start3A_891 : memref<102400x16xf32, #tpu.memory_space<hbm>>) target(%dma_start3A_886 : memref<80x16xf32, #tpu.memory_space<vmem>>) offsets(%dma_start3A_888 : memref<80xi32, #tpu.memory_space<vmem>>) semaphore(%arg14 : memref<!tpu.dma_semaphore, #tpu.memory_space<semaphore_mem>>)
        %dma_start3A_892 = arith.constant 80 : i32
        %dma_start3A_893 = arith.constant 0 : i32
        %dma_start3A_894 = tpu.memref_slice %arg11[%dma_start3A_892, %dma_start3A_893] : memref<400x16xf32, #tpu.memory_space<vmem>> -> memref<80x16xf32, #tpu.memory_space<vmem>>
        %dma_start3A_895 = arith.constant 80 : i32
        %dma_start3A_896 = tpu.memref_slice %arg7[%dma_start3A_895] : memref<800xi32, #tpu.memory_space<vmem>> -> memref<80xi32, #tpu.memory_space<vmem>>
        %dma_start3A_897 = arith.constant 0 : i32
        %dma_start3A_898 = arith.constant 0 : i32
        %dma_start3A_899 = tpu.memref_slice %arg3[%dma_start3A_897, %dma_start3A_898] : memref<102400x16xf32, #tpu.memory_space<hbm>> -> memref<102400x16xf32, #tpu.memory_space<hbm>>
        tpu.enqueue_indirect_dma source(%dma_start3A_899 : memref<102400x16xf32, #tpu.memory_space<hbm>>) target(%dma_start3A_894 : memref<80x16xf32, #tpu.memory_space<vmem>>) offsets(%dma_start3A_896 : memref<80xi32, #tpu.memory_space<vmem>>) semaphore(%arg14 : memref<!tpu.dma_semaphore, #tpu.memory_space<semaphore_mem>>)
        %dma_start3A_900 = arith.constant 160 : i32
        %dma_start3A_901 = arith.constant 0 : i32
        %dma_start3A_902 = tpu.memref_slice %arg11[%dma_start3A_900, %dma_start3A_901] : memref<400x16xf32, #tpu.memory_space<vmem>> -> memref<80x16xf32, #tpu.memory_space<vmem>>
        %dma_start3A_903 = arith.constant 160 : i32
        %dma_start3A_904 = tpu.memref_slice %arg7[%dma_start3A_903] : memref<800xi32, #tpu.memory_space<vmem>> -> memref<80xi32, #tpu.memory_space<vmem>>
        %dma_start3A_905 = arith.constant 0 : i32
        %dma_start3A_906 = arith.constant 0 : i32
        %dma_start3A_907 = tpu.memref_slice %arg3[%dma_start3A_905, %dma_start3A_906] : memref<102400x16xf32, #tpu.memory_space<hbm>> -> memref<102400x16xf32, #tpu.memory_space<hbm>>
        tpu.enqueue_indirect_dma source(%dma_start3A_907 : memref<102400x16xf32, #tpu.memory_space<hbm>>) target(%dma_start3A_902 : memref<80x16xf32, #tpu.memory_space<vmem>>) offsets(%dma_start3A_904 : memref<80xi32, #tpu.memory_space<vmem>>) semaphore(%arg14 : memref<!tpu.dma_semaphore, #tpu.memory_space<semaphore_mem>>)
        %dma_start3A_908 = arith.constant 240 : i32
        %dma_start3A_909 = arith.constant 0 : i32
        %dma_start3A_910 = tpu.memref_slice %arg11[%dma_start3A_908, %dma_start3A_909] : memref<400x16xf32, #tpu.memory_space<vmem>> -> memref<80x16xf32, #tpu.memory_space<vmem>>
        %dma_start3A_911 = arith.constant 240 : i32
        %dma_start3A_912 = tpu.memref_slice %arg7[%dma_start3A_911] : memref<800xi32, #tpu.memory_space<vmem>> -> memref<80xi32, #tpu.memory_space<vmem>>
        %dma_start3A_913 = arith.constant 0 : i32
        %dma_start3A_914 = arith.constant 0 : i32
        %dma_start3A_915 = tpu.memref_slice %arg3[%dma_start3A_913, %dma_start3A_914] : memref<102400x16xf32, #tpu.memory_space<hbm>> -> memref<102400x16xf32, #tpu.memory_space<hbm>>
        tpu.enqueue_indirect_dma source(%dma_start3A_915 : memref<102400x16xf32, #tpu.memory_space<hbm>>) target(%dma_start3A_910 : memref<80x16xf32, #tpu.memory_space<vmem>>) offsets(%dma_start3A_912 : memref<80xi32, #tpu.memory_space<vmem>>) semaphore(%arg14 : memref<!tpu.dma_semaphore, #tpu.memory_space<semaphore_mem>>)
        %dma_start3A_916 = arith.constant 320 : i32
        %dma_start3A_917 = arith.constant 0 : i32
        %dma_start3A_918 = tpu.memref_slice %arg11[%dma_start3A_916, %dma_start3A_917] : memref<400x16xf32, #tpu.memory_space<vmem>> -> memref<80x16xf32, #tpu.memory_space<vmem>>
        %dma_start3A_919 = arith.constant 320 : i32
        %dma_start3A_920 = tpu.memref_slice %arg7[%dma_start3A_919] : memref<800xi32, #tpu.memory_space<vmem>> -> memref<80xi32, #tpu.memory_space<vmem>>
        %dma_start3A_921 = arith.constant 0 : i32
        %dma_start3A_922 = arith.constant 0 : i32
        %dma_start3A_923 = tpu.memref_slice %arg3[%dma_start3A_921, %dma_start3A_922] : memref<102400x16xf32, #tpu.memory_space<hbm>> -> memref<102400x16xf32, #tpu.memory_space<hbm>>
        tpu.enqueue_indirect_dma source(%dma_start3A_923 : memref<102400x16xf32, #tpu.memory_space<hbm>>) target(%dma_start3A_918 : memref<80x16xf32, #tpu.memory_space<vmem>>) offsets(%dma_start3A_920 : memref<80xi32, #tpu.memory_space<vmem>>) semaphore(%arg14 : memref<!tpu.dma_semaphore, #tpu.memory_space<semaphore_mem>>)
      }
      %scan3A_151 = arith.constant 125 : i32
      %dma_wait3A_152 = arith.constant 0 : i32
      %dma_wait3A_153 = arith.constant 0 : i32
      %dma_wait3A_154 = tpu.memref_slice %arg11[%dma_wait3A_152, %dma_wait3A_153] : memref<400x16xf32, #tpu.memory_space<vmem>> -> memref<80x16xf32, #tpu.memory_space<vmem>>
      %dma_wait3A_155 = arith.constant 0 : i32
      %dma_wait3A_156 = tpu.memref_slice %arg7[%dma_wait3A_155] : memref<800xi32, #tpu.memory_space<vmem>> -> memref<80xi32, #tpu.memory_space<vmem>>
      %dma_wait3A_157 = arith.constant 0 : i32
      %dma_wait3A_158 = arith.constant 0 : i32
      %dma_wait3A_159 = tpu.memref_slice %arg3[%dma_wait3A_157, %dma_wait3A_158] : memref<102400x16xf32, #tpu.memory_space<hbm>> -> memref<102400x16xf32, #tpu.memory_space<hbm>>
      tpu.wait_indirect_dma semaphore(%arg14 : memref<!tpu.dma_semaphore, #tpu.memory_space<semaphore_mem>>) src(%dma_wait3A_159 : memref<102400x16xf32, #tpu.memory_space<hbm>>) dst(%dma_wait3A_154 : memref<80x16xf32, #tpu.memory_space<vmem>>)
      %dma_wait3A_160 = arith.constant 80 : i32
      %dma_wait3A_161 = arith.constant 0 : i32
      %dma_wait3A_162 = tpu.memref_slice %arg11[%dma_wait3A_160, %dma_wait3A_161] : memref<400x16xf32, #tpu.memory_space<vmem>> -> memref<80x16xf32, #tpu.memory_space<vmem>>
      %dma_wait3A_163 = arith.constant 80 : i32
      %dma_wait3A_164 = tpu.memref_slice %arg7[%dma_wait3A_163] : memref<800xi32, #tpu.memory_space<vmem>> -> memref<80xi32, #tpu.memory_space<vmem>>
      %dma_wait3A_165 = arith.constant 0 : i32
      %dma_wait3A_166 = arith.constant 0 : i32
      %dma_wait3A_167 = tpu.memref_slice %arg3[%dma_wait3A_165, %dma_wait3A_166] : memref<102400x16xf32, #tpu.memory_space<hbm>> -> memref<102400x16xf32, #tpu.memory_space<hbm>>
      tpu.wait_indirect_dma semaphore(%arg14 : memref<!tpu.dma_semaphore, #tpu.memory_space<semaphore_mem>>) src(%dma_wait3A_167 : memref<102400x16xf32, #tpu.memory_space<hbm>>) dst(%dma_wait3A_162 : memref<80x16xf32, #tpu.memory_space<vmem>>)
      %dma_wait3A_168 = arith.constant 160 : i32
      %dma_wait3A_169 = arith.constant 0 : i32
      %dma_wait3A_170 = tpu.memref_slice %arg11[%dma_wait3A_168, %dma_wait3A_169] : memref<400x16xf32, #tpu.memory_space<vmem>> -> memref<80x16xf32, #tpu.memory_space<vmem>>
      %dma_wait3A_171 = arith.constant 160 : i32
      %dma_wait3A_172 = tpu.memref_slice %arg7[%dma_wait3A_171] : memref<800xi32, #tpu.memory_space<vmem>> -> memref<80xi32, #tpu.memory_space<vmem>>
      %dma_wait3A_173 = arith.constant 0 : i32
      %dma_wait3A_174 = arith.constant 0 : i32
      %dma_wait3A_175 = tpu.memref_slice %arg3[%dma_wait3A_173, %dma_wait3A_174] : memref<102400x16xf32, #tpu.memory_space<hbm>> -> memref<102400x16xf32, #tpu.memory_space<hbm>>
      tpu.wait_indirect_dma semaphore(%arg14 : memref<!tpu.dma_semaphore, #tpu.memory_space<semaphore_mem>>) src(%dma_wait3A_175 : memref<102400x16xf32, #tpu.memory_space<hbm>>) dst(%dma_wait3A_170 : memref<80x16xf32, #tpu.memory_space<vmem>>)
      %dma_wait3A_176 = arith.constant 240 : i32
      %dma_wait3A_177 = arith.constant 0 : i32
      %dma_wait3A_178 = tpu.memref_slice %arg11[%dma_wait3A_176, %dma_wait3A_177] : memref<400x16xf32, #tpu.memory_space<vmem>> -> memref<80x16xf32, #tpu.memory_space<vmem>>
      %dma_wait3A_179 = arith.constant 240 : i32
      %dma_wait3A_180 = tpu.memref_slice %arg7[%dma_wait3A_179] : memref<800xi32, #tpu.memory_space<vmem>> -> memref<80xi32, #tpu.memory_space<vmem>>
      %dma_wait3A_181 = arith.constant 0 : i32
      %dma_wait3A_182 = arith.constant 0 : i32
      %dma_wait3A_183 = tpu.memref_slice %arg3[%dma_wait3A_181, %dma_wait3A_182] : memref<102400x16xf32, #tpu.memory_space<hbm>> -> memref<102400x16xf32, #tpu.memory_space<hbm>>
      tpu.wait_indirect_dma semaphore(%arg14 : memref<!tpu.dma_semaphore, #tpu.memory_space<semaphore_mem>>) src(%dma_wait3A_183 : memref<102400x16xf32, #tpu.memory_space<hbm>>) dst(%dma_wait3A_178 : memref<80x16xf32, #tpu.memory_space<vmem>>)
      %dma_wait3A_184 = arith.constant 320 : i32
      %dma_wait3A_185 = arith.constant 0 : i32
      %dma_wait3A_186 = tpu.memref_slice %arg11[%dma_wait3A_184, %dma_wait3A_185] : memref<400x16xf32, #tpu.memory_space<vmem>> -> memref<80x16xf32, #tpu.memory_space<vmem>>
      %dma_wait3A_187 = arith.constant 320 : i32
      %dma_wait3A_188 = tpu.memref_slice %arg7[%dma_wait3A_187] : memref<800xi32, #tpu.memory_space<vmem>> -> memref<80xi32, #tpu.memory_space<vmem>>
      %dma_wait3A_189 = arith.constant 0 : i32
      %dma_wait3A_190 = arith.constant 0 : i32
      %dma_wait3A_191 = tpu.memref_slice %arg3[%dma_wait3A_189, %dma_wait3A_190] : memref<102400x16xf32, #tpu.memory_space<hbm>> -> memref<102400x16xf32, #tpu.memory_space<hbm>>
      tpu.wait_indirect_dma semaphore(%arg14 : memref<!tpu.dma_semaphore, #tpu.memory_space<semaphore_mem>>) src(%dma_wait3A_191 : memref<102400x16xf32, #tpu.memory_space<hbm>>) dst(%dma_wait3A_186 : memref<80x16xf32, #tpu.memory_space<vmem>>)
      %dma_wait3A_192 = arith.constant 0 : i32
      %dma_wait3A_193 = arith.constant 0 : i32
      %dma_wait3A_194 = tpu.memref_slice %arg12[%dma_wait3A_192, %dma_wait3A_193] : memref<400x16xf32, #tpu.memory_space<vmem>> -> memref<80x16xf32, #tpu.memory_space<vmem>>
      %dma_wait3A_195 = arith.constant 400 : i32
      %dma_wait3A_196 = tpu.memref_slice %arg8[%dma_wait3A_195] : memref<800xi32, #tpu.memory_space<vmem>> -> memref<80xi32, #tpu.memory_space<vmem>>
      %dma_wait3A_197 = arith.constant 0 : i32
      %dma_wait3A_198 = arith.constant 0 : i32
      %dma_wait3A_199 = tpu.memref_slice %arg13[%dma_wait3A_197, %dma_wait3A_198] : memref<100000x16xf32, #tpu.memory_space<vmem_shared>> -> memref<100000x16xf32, #tpu.memory_space<vmem_shared>>
      tpu.wait_indirect_dma semaphore(%arg17 : memref<!tpu.dma_semaphore, #tpu.memory_space<semaphore_mem>>) src(%dma_wait3A_194 : memref<80x16xf32, #tpu.memory_space<vmem>>) dst(%dma_wait3A_199 : memref<100000x16xf32, #tpu.memory_space<vmem_shared>>)
      %dma_wait3A_200 = arith.constant 80 : i32
      %dma_wait3A_201 = arith.constant 0 : i32
      %dma_wait3A_202 = tpu.memref_slice %arg12[%dma_wait3A_200, %dma_wait3A_201] : memref<400x16xf32, #tpu.memory_space<vmem>> -> memref<80x16xf32, #tpu.memory_space<vmem>>
      %dma_wait3A_203 = arith.constant 480 : i32
      %dma_wait3A_204 = tpu.memref_slice %arg8[%dma_wait3A_203] : memref<800xi32, #tpu.memory_space<vmem>> -> memref<80xi32, #tpu.memory_space<vmem>>
      %dma_wait3A_205 = arith.constant 0 : i32
      %dma_wait3A_206 = arith.constant 0 : i32
      %dma_wait3A_207 = tpu.memref_slice %arg13[%dma_wait3A_205, %dma_wait3A_206] : memref<100000x16xf32, #tpu.memory_space<vmem_shared>> -> memref<100000x16xf32, #tpu.memory_space<vmem_shared>>
      tpu.wait_indirect_dma semaphore(%arg17 : memref<!tpu.dma_semaphore, #tpu.memory_space<semaphore_mem>>) src(%dma_wait3A_202 : memref<80x16xf32, #tpu.memory_space<vmem>>) dst(%dma_wait3A_207 : memref<100000x16xf32, #tpu.memory_space<vmem_shared>>)
      %dma_wait3A_208 = arith.constant 160 : i32
      %dma_wait3A_209 = arith.constant 0 : i32
      %dma_wait3A_210 = tpu.memref_slice %arg12[%dma_wait3A_208, %dma_wait3A_209] : memref<400x16xf32, #tpu.memory_space<vmem>> -> memref<80x16xf32, #tpu.memory_space<vmem>>
      %dma_wait3A_211 = arith.constant 560 : i32
      %dma_wait3A_212 = tpu.memref_slice %arg8[%dma_wait3A_211] : memref<800xi32, #tpu.memory_space<vmem>> -> memref<80xi32, #tpu.memory_space<vmem>>
      %dma_wait3A_213 = arith.constant 0 : i32
      %dma_wait3A_214 = arith.constant 0 : i32
      %dma_wait3A_215 = tpu.memref_slice %arg13[%dma_wait3A_213, %dma_wait3A_214] : memref<100000x16xf32, #tpu.memory_space<vmem_shared>> -> memref<100000x16xf32, #tpu.memory_space<vmem_shared>>
      tpu.wait_indirect_dma semaphore(%arg17 : memref<!tpu.dma_semaphore, #tpu.memory_space<semaphore_mem>>) src(%dma_wait3A_210 : memref<80x16xf32, #tpu.memory_space<vmem>>) dst(%dma_wait3A_215 : memref<100000x16xf32, #tpu.memory_space<vmem_shared>>)
      %dma_wait3A_216 = arith.constant 240 : i32
      %dma_wait3A_217 = arith.constant 0 : i32
      %dma_wait3A_218 = tpu.memref_slice %arg12[%dma_wait3A_216, %dma_wait3A_217] : memref<400x16xf32, #tpu.memory_space<vmem>> -> memref<80x16xf32, #tpu.memory_space<vmem>>
      %dma_wait3A_219 = arith.constant 640 : i32
      %dma_wait3A_220 = tpu.memref_slice %arg8[%dma_wait3A_219] : memref<800xi32, #tpu.memory_space<vmem>> -> memref<80xi32, #tpu.memory_space<vmem>>
      %dma_wait3A_221 = arith.constant 0 : i32
      %dma_wait3A_222 = arith.constant 0 : i32
      %dma_wait3A_223 = tpu.memref_slice %arg13[%dma_wait3A_221, %dma_wait3A_222] : memref<100000x16xf32, #tpu.memory_space<vmem_shared>> -> memref<100000x16xf32, #tpu.memory_space<vmem_shared>>
      tpu.wait_indirect_dma semaphore(%arg17 : memref<!tpu.dma_semaphore, #tpu.memory_space<semaphore_mem>>) src(%dma_wait3A_218 : memref<80x16xf32, #tpu.memory_space<vmem>>) dst(%dma_wait3A_223 : memref<100000x16xf32, #tpu.memory_space<vmem_shared>>)
      %dma_wait3A_224 = arith.constant 320 : i32
      %dma_wait3A_225 = arith.constant 0 : i32
      %dma_wait3A_226 = tpu.memref_slice %arg12[%dma_wait3A_224, %dma_wait3A_225] : memref<400x16xf32, #tpu.memory_space<vmem>> -> memref<80x16xf32, #tpu.memory_space<vmem>>
      %dma_wait3A_227 = arith.constant 720 : i32
      %dma_wait3A_228 = tpu.memref_slice %arg8[%dma_wait3A_227] : memref<800xi32, #tpu.memory_space<vmem>> -> memref<80xi32, #tpu.memory_space<vmem>>
      %dma_wait3A_229 = arith.constant 0 : i32
      %dma_wait3A_230 = arith.constant 0 : i32
      %dma_wait3A_231 = tpu.memref_slice %arg13[%dma_wait3A_229, %dma_wait3A_230] : memref<100000x16xf32, #tpu.memory_space<vmem_shared>> -> memref<100000x16xf32, #tpu.memory_space<vmem_shared>>
      tpu.wait_indirect_dma semaphore(%arg17 : memref<!tpu.dma_semaphore, #tpu.memory_space<semaphore_mem>>) src(%dma_wait3A_226 : memref<80x16xf32, #tpu.memory_space<vmem>>) dst(%dma_wait3A_231 : memref<100000x16xf32, #tpu.memory_space<vmem_shared>>)
    } else {
    }
    %barrier3A_44 = arith.constant 0 : index
    tpu.barrier barrier_id(%barrier3A_44)
    %eq3A_45 = arith.constant 0 : i32
    %eq3A_46 = arith.cmpi eq, %arg1, %eq3A_45 : i32
    %convert_element_type3A_47 = arith.extui %eq3A_46 : i1 to i32
    %cond3A_48 = arith.constant 0 : i32
    %cond3A_49 = arith.cmpi ne, %convert_element_type3A_47, %cond3A_48 : i32
    scf.if %cond3A_49 {
      "tpu.region"() ({
        %run_scoped3A = tpu.sem_alloc : memref<!tpu.dma_semaphore, #tpu.memory_space<semaphore_mem>>
        %dma_start3A = arith.constant 0 : i32
        %dma_start3A_50 = arith.constant 0 : i32
        %dma_start3A_51 = tpu.memref_slice %arg6[%arg0, %dma_start3A, %dma_start3A_50] : memref<2x102400x16xf32, #tpu.memory_space<hbm>> -> memref<1x102400x16xf32, #tpu.memory_space<hbm>>
        %dma_start3A_52 = tpu.memref_squeeze %dma_start3A_51 : memref<1x102400x16xf32, #tpu.memory_space<hbm>> -> memref<102400x16xf32, #tpu.memory_space<hbm>>
        %dma_start3A_53 = arith.constant 0 : i32
        %dma_start3A_54 = arith.constant 0 : i32
        %dma_start3A_55 = tpu.memref_slice %dma_start3A_52[%dma_start3A_53, %dma_start3A_54] : memref<102400x16xf32, #tpu.memory_space<hbm>> -> memref<100000x16xf32, #tpu.memory_space<hbm>>
        tpu.enqueue_dma source(%arg13 : memref<100000x16xf32, #tpu.memory_space<vmem_shared>>) target(%dma_start3A_55 : memref<100000x16xf32, #tpu.memory_space<hbm>>) target_semaphore(%run_scoped3A : memref<!tpu.dma_semaphore, #tpu.memory_space<semaphore_mem>>)
        %dma_wait3A = arith.constant 0 : i32
        %dma_wait3A_56 = arith.constant 0 : i32
        %dma_wait3A_57 = tpu.memref_slice %arg6[%arg0, %dma_wait3A, %dma_wait3A_56] : memref<2x102400x16xf32, #tpu.memory_space<hbm>> -> memref<1x102400x16xf32, #tpu.memory_space<hbm>>
        %dma_wait3A_58 = tpu.memref_squeeze %dma_wait3A_57 : memref<1x102400x16xf32, #tpu.memory_space<hbm>> -> memref<102400x16xf32, #tpu.memory_space<hbm>>
        %dma_wait3A_59 = arith.constant 0 : i32
        %dma_wait3A_60 = arith.constant 0 : i32
        %dma_wait3A_61 = tpu.memref_slice %dma_wait3A_58[%dma_wait3A_59, %dma_wait3A_60] : memref<102400x16xf32, #tpu.memory_space<hbm>> -> memref<100000x16xf32, #tpu.memory_space<hbm>>
        tpu.wait_dma2 semaphore(%run_scoped3A : memref<!tpu.dma_semaphore, #tpu.memory_space<semaphore_mem>>) src(%arg13 : memref<100000x16xf32, #tpu.memory_space<vmem_shared>>) dst(%dma_wait3A_61 : memref<100000x16xf32, #tpu.memory_space<hbm>>)
        tpu.yield
      }) : () -> ()
    } else {
    }
    return
  }
}

module attributes {stable_mosaic.version = 14 : i64} {
  func.func @_edge_table_body(%arg0: i32, %arg1: memref<3200x32xf32, #tpu.memory_space<vmem>>, %arg2: memref<3200x128xf32, #tpu.memory_space<vmem>>, %arg3: memref<32x512xf32, #tpu.memory_space<vmem>>, %arg4: memref<128x512xf32, #tpu.memory_space<vmem>>, %arg5: memref<1x512xf32, #tpu.memory_space<vmem>>, %arg6: memref<512x256xf32, #tpu.memory_space<vmem>>, %arg7: memref<1x256xf32, #tpu.memory_space<vmem>>, %arg8: memref<256x128xf32, #tpu.memory_space<vmem>>, %arg9: memref<1x128xf32, #tpu.memory_space<vmem>>, %arg10: memref<256x128xf32, #tpu.memory_space<vmem>>, %arg11: memref<1x128xf32, #tpu.memory_space<vmem>>, %arg12: memref<3200x128xf32, #tpu.memory_space<vmem>>, %arg13: memref<3200x128xf32, #tpu.memory_space<vmem>>) attributes {dimension_semantics = [#tpu.dimension_semantics<arbitrary>], iteration_bounds = array<i64: 4>, scalar_prefetch = 0 : i64, scratch_operands = 0 : i64, tpu.core_type = #tpu.core_type<tc>, window_params = [{transform_indices = @transform_0, window_bounds = array<i64: 3200, 32>}, {transform_indices = @transform_1, window_bounds = array<i64: 3200, 128>}, {pipeline_mode = #tpu.pipeline_mode<synchronous>, transform_indices = @transform_2, window_bounds = array<i64: 32, 512>}, {pipeline_mode = #tpu.pipeline_mode<synchronous>, transform_indices = @transform_3, window_bounds = array<i64: 128, 512>}, {pipeline_mode = #tpu.pipeline_mode<synchronous>, transform_indices = @transform_4, window_bounds = array<i64: 1, 512>}, {pipeline_mode = #tpu.pipeline_mode<synchronous>, transform_indices = @transform_5, window_bounds = array<i64: 512, 256>}, {pipeline_mode = #tpu.pipeline_mode<synchronous>, transform_indices = @transform_6, window_bounds = array<i64: 1, 256>}, {pipeline_mode = #tpu.pipeline_mode<synchronous>, transform_indices = @transform_7, window_bounds = array<i64: 256, 128>}, {pipeline_mode = #tpu.pipeline_mode<synchronous>, transform_indices = @transform_8, window_bounds = array<i64: 1, 128>}, {pipeline_mode = #tpu.pipeline_mode<synchronous>, transform_indices = @transform_9, window_bounds = array<i64: 256, 128>}, {pipeline_mode = #tpu.pipeline_mode<synchronous>, transform_indices = @transform_10, window_bounds = array<i64: 1, 128>}, {transform_indices = @transform_11, window_bounds = array<i64: 3200, 128>}, {transform_indices = @transform_12, window_bounds = array<i64: 3200, 128>}]} {
    %get3A = arith.constant 0 : index
    %get3A_0 = arith.constant 0 : index
    %get3A_1 = vector.load %arg1[%get3A, %get3A_0] : memref<3200x32xf32, #tpu.memory_space<vmem>>, vector<3200x32xf32>
    %get3A_2 = arith.constant 0 : index
    %get3A_3 = arith.constant 0 : index
    %get3A_4 = vector.load %arg3[%get3A_2, %get3A_3] : memref<32x512xf32, #tpu.memory_space<vmem>>, vector<32x512xf32>
    %dot_general3A = arith.constant dense<0.000000e+00> : vector<3200x512xf32>
    %dot_general3A_5 = tpu.matmul %get3A_1, %get3A_4, %dot_general3A {dimension_numbers = #tpu.dot_dimension_numbers<[1], [0], [0], [1], [0, 0, 1, 1], [], []>, transpose_lhs_hint = false} : vector<3200x32xf32>, vector<32x512xf32>, vector<3200x512xf32> -> vector<3200x512xf32>
    %get3A_6 = arith.constant 0 : index
    %get3A_7 = arith.constant 0 : index
    %get3A_8 = vector.load %arg2[%get3A_6, %get3A_7] : memref<3200x128xf32, #tpu.memory_space<vmem>>, vector<3200x128xf32>
    %get3A_9 = arith.constant 0 : index
    %get3A_10 = arith.constant 0 : index
    %get3A_11 = vector.load %arg4[%get3A_9, %get3A_10] : memref<128x512xf32, #tpu.memory_space<vmem>>, vector<128x512xf32>
    %dot_general3A_12 = arith.constant dense<0.000000e+00> : vector<3200x512xf32>
    %dot_general3A_13 = tpu.matmul %get3A_8, %get3A_11, %dot_general3A_12 {dimension_numbers = #tpu.dot_dimension_numbers<[1], [0], [0], [1], [0, 0, 1, 1], [], []>, transpose_lhs_hint = false} : vector<3200x128xf32>, vector<128x512xf32>, vector<3200x512xf32> -> vector<3200x512xf32>
    %add3A = arith.addf %dot_general3A_5, %dot_general3A_13 : vector<3200x512xf32>
    %get3A_14 = arith.constant 0 : index
    %get3A_15 = arith.constant 0 : index
    %get3A_16 = vector.load %arg5[%get3A_14, %get3A_15] : memref<1x512xf32, #tpu.memory_space<vmem>>, vector<1x512xf32>
    %add3A_17 = vector.broadcast %get3A_16 : vector<1x512xf32> to vector<3200x512xf32>
    %add3A_18 = arith.addf %add3A, %add3A_17 : vector<3200x512xf32>
    %max3A = arith.constant 0.000000e+00 : f32
    %max3A_19 = vector.broadcast %max3A : f32 to vector<3200x512xf32>
    %max3A_20 = arith.maximumf %add3A_18, %max3A_19 : vector<3200x512xf32>
    %get3A_21 = arith.constant 0 : index
    %get3A_22 = arith.constant 0 : index
    %get3A_23 = vector.load %arg6[%get3A_21, %get3A_22] : memref<512x256xf32, #tpu.memory_space<vmem>>, vector<512x256xf32>
    %dot_general3A_24 = arith.constant dense<0.000000e+00> : vector<3200x256xf32>
    %dot_general3A_25 = tpu.matmul %max3A_20, %get3A_23, %dot_general3A_24 {dimension_numbers = #tpu.dot_dimension_numbers<[1], [0], [0], [1], [0, 0, 1, 1], [], []>, transpose_lhs_hint = false} : vector<3200x512xf32>, vector<512x256xf32>, vector<3200x256xf32> -> vector<3200x256xf32>
    %get3A_26 = arith.constant 0 : index
    %get3A_27 = arith.constant 0 : index
    %get3A_28 = vector.load %arg7[%get3A_26, %get3A_27] : memref<1x256xf32, #tpu.memory_space<vmem>>, vector<1x256xf32>
    %add3A_29 = vector.broadcast %get3A_28 : vector<1x256xf32> to vector<3200x256xf32>
    %add3A_30 = arith.addf %dot_general3A_25, %add3A_29 : vector<3200x256xf32>
    %max3A_31 = arith.constant 0.000000e+00 : f32
    %max3A_32 = vector.broadcast %max3A_31 : f32 to vector<3200x256xf32>
    %max3A_33 = arith.maximumf %add3A_30, %max3A_32 : vector<3200x256xf32>
    %get3A_34 = arith.constant 0 : index
    %get3A_35 = arith.constant 0 : index
    %get3A_36 = vector.load %arg8[%get3A_34, %get3A_35] : memref<256x128xf32, #tpu.memory_space<vmem>>, vector<256x128xf32>
    %dot_general3A_37 = arith.constant dense<0.000000e+00> : vector<3200x128xf32>
    %dot_general3A_38 = tpu.matmul %max3A_33, %get3A_36, %dot_general3A_37 {dimension_numbers = #tpu.dot_dimension_numbers<[1], [0], [0], [1], [0, 0, 1, 1], [], []>, transpose_lhs_hint = false} : vector<3200x256xf32>, vector<256x128xf32>, vector<3200x128xf32> -> vector<3200x128xf32>
    %get3A_39 = arith.constant 0 : index
    %get3A_40 = arith.constant 0 : index
    %get3A_41 = vector.load %arg9[%get3A_39, %get3A_40] : memref<1x128xf32, #tpu.memory_space<vmem>>, vector<1x128xf32>
    %add3A_42 = vector.broadcast %get3A_41 : vector<1x128xf32> to vector<3200x128xf32>
    %add3A_43 = arith.addf %dot_general3A_38, %add3A_42 : vector<3200x128xf32>
    %swap3A = arith.constant 0 : index
    %swap3A_44 = arith.constant 0 : index
    %swap3A_45 = vector.load %arg12[%swap3A, %swap3A_44] : memref<3200x128xf32, #tpu.memory_space<vmem>>, vector<3200x128xf32>
    tpu.vector_store %arg12[%swap3A, %swap3A_44], %add3A_43 {strides = array<i32>} : memref<3200x128xf32, #tpu.memory_space<vmem>>, vector<3200x128xf32>,
    %get3A_46 = arith.constant 0 : index
    %get3A_47 = arith.constant 0 : index
    %get3A_48 = vector.load %arg10[%get3A_46, %get3A_47] : memref<256x128xf32, #tpu.memory_space<vmem>>, vector<256x128xf32>
    %dot_general3A_49 = arith.constant dense<0.000000e+00> : vector<3200x128xf32>
    %dot_general3A_50 = tpu.matmul %max3A_33, %get3A_48, %dot_general3A_49 {dimension_numbers = #tpu.dot_dimension_numbers<[1], [0], [0], [1], [0, 0, 1, 1], [], []>, transpose_lhs_hint = false} : vector<3200x256xf32>, vector<256x128xf32>, vector<3200x128xf32> -> vector<3200x128xf32>
    %get3A_51 = arith.constant 0 : index
    %get3A_52 = arith.constant 0 : index
    %get3A_53 = vector.load %arg11[%get3A_51, %get3A_52] : memref<1x128xf32, #tpu.memory_space<vmem>>, vector<1x128xf32>
    %add3A_54 = vector.broadcast %get3A_53 : vector<1x128xf32> to vector<3200x128xf32>
    %add3A_55 = arith.addf %dot_general3A_50, %add3A_54 : vector<3200x128xf32>
    %swap3A_56 = arith.constant 0 : index
    %swap3A_57 = arith.constant 0 : index
    %swap3A_58 = vector.load %arg13[%swap3A_56, %swap3A_57] : memref<3200x128xf32, #tpu.memory_space<vmem>>, vector<3200x128xf32>
    tpu.vector_store %arg13[%swap3A_56, %swap3A_57], %add3A_55 {strides = array<i32>} : memref<3200x128xf32, #tpu.memory_space<vmem>>, vector<3200x128xf32>,
    return
  }
  func.func @transform_0(%arg0: i32) -> (i32, i32) {
    %c0_i32 = arith.constant 0 : i32
    %c0_i32_0 = arith.constant 0 : i32
    return %arg0, %c0_i32 : i32, i32
  }
  func.func @transform_1(%arg0: i32) -> (i32, i32) {
    %c0_i32 = arith.constant 0 : i32
    %c0_i32_0 = arith.constant 0 : i32
    return %arg0, %c0_i32 : i32, i32
  }
  func.func @transform_2(%arg0: i32) -> (i32, i32) {
    %c0_i32 = arith.constant 0 : i32
    %c0_i32_0 = arith.constant 0 : i32
    %c0_i32_1 = arith.constant 0 : i32
    return %c0_i32, %c0_i32_0 : i32, i32
  }
  func.func @transform_3(%arg0: i32) -> (i32, i32) {
    %c0_i32 = arith.constant 0 : i32
    %c0_i32_0 = arith.constant 0 : i32
    %c0_i32_1 = arith.constant 0 : i32
    return %c0_i32, %c0_i32_0 : i32, i32
  }
  func.func @transform_4(%arg0: i32) -> (i32, i32) {
    %c0_i32 = arith.constant 0 : i32
    %c0_i32_0 = arith.constant 0 : i32
    %c0_i32_1 = arith.constant 0 : i32
    return %c0_i32, %c0_i32_0 : i32, i32
  }
  func.func @transform_5(%arg0: i32) -> (i32, i32) {
    %c0_i32 = arith.constant 0 : i32
    %c0_i32_0 = arith.constant 0 : i32
    %c0_i32_1 = arith.constant 0 : i32
    return %c0_i32, %c0_i32_0 : i32, i32
  }
  func.func @transform_6(%arg0: i32) -> (i32, i32) {
    %c0_i32 = arith.constant 0 : i32
    %c0_i32_0 = arith.constant 0 : i32
    %c0_i32_1 = arith.constant 0 : i32
    return %c0_i32, %c0_i32_0 : i32, i32
  }
  func.func @transform_7(%arg0: i32) -> (i32, i32) {
    %c0_i32 = arith.constant 0 : i32
    %c0_i32_0 = arith.constant 0 : i32
    %c0_i32_1 = arith.constant 0 : i32
    return %c0_i32, %c0_i32_0 : i32, i32
  }
  func.func @transform_8(%arg0: i32) -> (i32, i32) {
    %c0_i32 = arith.constant 0 : i32
    %c0_i32_0 = arith.constant 0 : i32
    %c0_i32_1 = arith.constant 0 : i32
    return %c0_i32, %c0_i32_0 : i32, i32
  }
  func.func @transform_9(%arg0: i32) -> (i32, i32) {
    %c0_i32 = arith.constant 0 : i32
    %c0_i32_0 = arith.constant 0 : i32
    %c0_i32_1 = arith.constant 0 : i32
    return %c0_i32, %c0_i32_0 : i32, i32
  }
  func.func @transform_10(%arg0: i32) -> (i32, i32) {
    %c0_i32 = arith.constant 0 : i32
    %c0_i32_0 = arith.constant 0 : i32
    %c0_i32_1 = arith.constant 0 : i32
    return %c0_i32, %c0_i32_0 : i32, i32
  }
  func.func @transform_11(%arg0: i32) -> (i32, i32) {
    %c0_i32 = arith.constant 0 : i32
    %c0_i32_0 = arith.constant 0 : i32
    return %arg0, %c0_i32 : i32, i32
  }
  func.func @transform_12(%arg0: i32) -> (i32, i32) {
    %c0_i32 = arith.constant 0 : i32
    %c0_i32_0 = arith.constant 0 : i32
    return %arg0, %c0_i32 : i32, i32
  }
}

module attributes {stable_mosaic.version = 14 : i64} {
  func.func @_node_body(%arg0: i32, %arg1: memref<3200x32xf32, #tpu.memory_space<vmem>>, %arg2: memref<3200x128xf32, #tpu.memory_space<vmem>>, %arg3: memref<2x3200x128xf32, #tpu.memory_space<vmem>>, %arg4: memref<32x512xf32, #tpu.memory_space<vmem>>, %arg5: memref<128x512xf32, #tpu.memory_space<vmem>>, %arg6: memref<128x512xf32, #tpu.memory_space<vmem>>, %arg7: memref<128x512xf32, #tpu.memory_space<vmem>>, %arg8: memref<1x512xf32, #tpu.memory_space<vmem>>, %arg9: memref<512x256xf32, #tpu.memory_space<vmem>>, %arg10: memref<1x256xf32, #tpu.memory_space<vmem>>, %arg11: memref<256x32xf32, #tpu.memory_space<vmem>>, %arg12: memref<1x32xf32, #tpu.memory_space<vmem>>, %arg13: memref<256x128xf32, #tpu.memory_space<vmem>>, %arg14: memref<1x128xf32, #tpu.memory_space<vmem>>, %arg15: memref<3200x32xf32, #tpu.memory_space<vmem>>, %arg16: memref<3200x128xf32, #tpu.memory_space<vmem>>) attributes {dimension_semantics = [#tpu.dimension_semantics<arbitrary>], iteration_bounds = array<i64: 4>, scalar_prefetch = 0 : i64, scratch_operands = 0 : i64, tpu.core_type = #tpu.core_type<tc>, window_params = [{transform_indices = @transform_0, window_bounds = array<i64: 3200, 32>}, {transform_indices = @transform_1, window_bounds = array<i64: 3200, 128>}, {transform_indices = @transform_2, window_bounds = array<i64: 2, 3200, 128>}, {pipeline_mode = #tpu.pipeline_mode<synchronous>, transform_indices = @transform_3, window_bounds = array<i64: 32, 512>}, {pipeline_mode = #tpu.pipeline_mode<synchronous>, transform_indices = @transform_4, window_bounds = array<i64: 128, 512>}, {pipeline_mode = #tpu.pipeline_mode<synchronous>, transform_indices = @transform_5, window_bounds = array<i64: 128, 512>}, {pipeline_mode = #tpu.pipeline_mode<synchronous>, transform_indices = @transform_6, window_bounds = array<i64: 128, 512>}, {pipeline_mode = #tpu.pipeline_mode<synchronous>, transform_indices = @transform_7, window_bounds = array<i64: 1, 512>}, {pipeline_mode = #tpu.pipeline_mode<synchronous>, transform_indices = @transform_8, window_bounds = array<i64: 512, 256>}, {pipeline_mode = #tpu.pipeline_mode<synchronous>, transform_indices = @transform_9, window_bounds = array<i64: 1, 256>}, {pipeline_mode = #tpu.pipeline_mode<synchronous>, transform_indices = @transform_10, window_bounds = array<i64: 256, 32>}, {pipeline_mode = #tpu.pipeline_mode<synchronous>, transform_indices = @transform_11, window_bounds = array<i64: 1, 32>}, {pipeline_mode = #tpu.pipeline_mode<synchronous>, transform_indices = @transform_12, window_bounds = array<i64: 256, 128>}, {pipeline_mode = #tpu.pipeline_mode<synchronous>, transform_indices = @transform_13, window_bounds = array<i64: 1, 128>}, {transform_indices = @transform_14, window_bounds = array<i64: 3200, 32>}, {transform_indices = @transform_15, window_bounds = array<i64: 3200, 128>}]} {
    %get3A = arith.constant 0 : index
    %get3A_0 = arith.constant 0 : index
    %get3A_1 = arith.constant 0 : index
    %get3A_2 = vector.load %arg3[%get3A, %get3A_0, %get3A_1] : memref<2x3200x128xf32, #tpu.memory_space<vmem>>, vector<2x3200x128xf32>
    %get3A_3 = arith.constant 0 : index
    %get3A_4 = arith.constant 0 : index
    %get3A_5 = vector.load %arg1[%get3A_3, %get3A_4] : memref<3200x32xf32, #tpu.memory_space<vmem>>, vector<3200x32xf32>
    %get3A_6 = arith.constant 0 : index
    %get3A_7 = arith.constant 0 : index
    %get3A_8 = vector.load %arg4[%get3A_6, %get3A_7] : memref<32x512xf32, #tpu.memory_space<vmem>>, vector<32x512xf32>
    %dot_general3A = arith.constant dense<0.000000e+00> : vector<3200x512xf32>
    %dot_general3A_9 = tpu.matmul %get3A_5, %get3A_8, %dot_general3A {dimension_numbers = #tpu.dot_dimension_numbers<[1], [0], [0], [1], [0, 0, 1, 1], [], []>, transpose_lhs_hint = false} : vector<3200x32xf32>, vector<32x512xf32>, vector<3200x512xf32> -> vector<3200x512xf32>
    %get3A_10 = arith.constant 0 : index
    %get3A_11 = arith.constant 0 : index
    %get3A_12 = vector.load %arg2[%get3A_10, %get3A_11] : memref<3200x128xf32, #tpu.memory_space<vmem>>, vector<3200x128xf32>
    %get3A_13 = arith.constant 0 : index
    %get3A_14 = arith.constant 0 : index
    %get3A_15 = vector.load %arg5[%get3A_13, %get3A_14] : memref<128x512xf32, #tpu.memory_space<vmem>>, vector<128x512xf32>
    %dot_general3A_16 = arith.constant dense<0.000000e+00> : vector<3200x512xf32>
    %dot_general3A_17 = tpu.matmul %get3A_12, %get3A_15, %dot_general3A_16 {dimension_numbers = #tpu.dot_dimension_numbers<[1], [0], [0], [1], [0, 0, 1, 1], [], []>, transpose_lhs_hint = false} : vector<3200x128xf32>, vector<128x512xf32>, vector<3200x512xf32> -> vector<3200x512xf32>
    %add3A = arith.addf %dot_general3A_9, %dot_general3A_17 : vector<3200x512xf32>
    %slice3A = vector.extract_strided_slice %get3A_2 {offsets = [0, 0, 0], sizes = [1, 3200, 128], strides = [1, 1, 1]} : vector<2x3200x128xf32> to vector<1x3200x128xf32>
    %squeeze3A = vector.shape_cast %slice3A : vector<1x3200x128xf32> to vector<3200x128xf32>
    %get3A_18 = arith.constant 0 : index
    %get3A_19 = arith.constant 0 : index
    %get3A_20 = vector.load %arg6[%get3A_18, %get3A_19] : memref<128x512xf32, #tpu.memory_space<vmem>>, vector<128x512xf32>
    %dot_general3A_21 = arith.constant dense<0.000000e+00> : vector<3200x512xf32>
    %dot_general3A_22 = tpu.matmul %squeeze3A, %get3A_20, %dot_general3A_21 {dimension_numbers = #tpu.dot_dimension_numbers<[1], [0], [0], [1], [0, 0, 1, 1], [], []>, transpose_lhs_hint = false} : vector<3200x128xf32>, vector<128x512xf32>, vector<3200x512xf32> -> vector<3200x512xf32>
    %add3A_23 = arith.addf %add3A, %dot_general3A_22 : vector<3200x512xf32>
    %slice3A_24 = vector.extract_strided_slice %get3A_2 {offsets = [1, 0, 0], sizes = [1, 3200, 128], strides = [1, 1, 1]} : vector<2x3200x128xf32> to vector<1x3200x128xf32>
    %squeeze3A_25 = vector.shape_cast %slice3A_24 : vector<1x3200x128xf32> to vector<3200x128xf32>
    %get3A_26 = arith.constant 0 : index
    %get3A_27 = arith.constant 0 : index
    %get3A_28 = vector.load %arg7[%get3A_26, %get3A_27] : memref<128x512xf32, #tpu.memory_space<vmem>>, vector<128x512xf32>
    %dot_general3A_29 = arith.constant dense<0.000000e+00> : vector<3200x512xf32>
    %dot_general3A_30 = tpu.matmul %squeeze3A_25, %get3A_28, %dot_general3A_29 {dimension_numbers = #tpu.dot_dimension_numbers<[1], [0], [0], [1], [0, 0, 1, 1], [], []>, transpose_lhs_hint = false} : vector<3200x128xf32>, vector<128x512xf32>, vector<3200x512xf32> -> vector<3200x512xf32>
    %add3A_31 = arith.addf %add3A_23, %dot_general3A_30 : vector<3200x512xf32>
    %get3A_32 = arith.constant 0 : index
    %get3A_33 = arith.constant 0 : index
    %get3A_34 = vector.load %arg8[%get3A_32, %get3A_33] : memref<1x512xf32, #tpu.memory_space<vmem>>, vector<1x512xf32>
    %add3A_35 = vector.broadcast %get3A_34 : vector<1x512xf32> to vector<3200x512xf32>
    %add3A_36 = arith.addf %add3A_31, %add3A_35 : vector<3200x512xf32>
    %max3A = arith.constant 0.000000e+00 : f32
    %max3A_37 = vector.broadcast %max3A : f32 to vector<3200x512xf32>
    %max3A_38 = arith.maximumf %add3A_36, %max3A_37 : vector<3200x512xf32>
    %get3A_39 = arith.constant 0 : index
    %get3A_40 = arith.constant 0 : index
    %get3A_41 = vector.load %arg9[%get3A_39, %get3A_40] : memref<512x256xf32, #tpu.memory_space<vmem>>, vector<512x256xf32>
    %dot_general3A_42 = arith.constant dense<0.000000e+00> : vector<3200x256xf32>
    %dot_general3A_43 = tpu.matmul %max3A_38, %get3A_41, %dot_general3A_42 {dimension_numbers = #tpu.dot_dimension_numbers<[1], [0], [0], [1], [0, 0, 1, 1], [], []>, transpose_lhs_hint = false} : vector<3200x512xf32>, vector<512x256xf32>, vector<3200x256xf32> -> vector<3200x256xf32>
    %get3A_44 = arith.constant 0 : index
    %get3A_45 = arith.constant 0 : index
    %get3A_46 = vector.load %arg10[%get3A_44, %get3A_45] : memref<1x256xf32, #tpu.memory_space<vmem>>, vector<1x256xf32>
    %add3A_47 = vector.broadcast %get3A_46 : vector<1x256xf32> to vector<3200x256xf32>
    %add3A_48 = arith.addf %dot_general3A_43, %add3A_47 : vector<3200x256xf32>
    %max3A_49 = arith.constant 0.000000e+00 : f32
    %max3A_50 = vector.broadcast %max3A_49 : f32 to vector<3200x256xf32>
    %max3A_51 = arith.maximumf %add3A_48, %max3A_50 : vector<3200x256xf32>
    %get3A_52 = arith.constant 0 : index
    %get3A_53 = arith.constant 0 : index
    %get3A_54 = vector.load %arg11[%get3A_52, %get3A_53] : memref<256x32xf32, #tpu.memory_space<vmem>>, vector<256x32xf32>
    %dot_general3A_55 = arith.constant dense<0.000000e+00> : vector<3200x32xf32>
    %dot_general3A_56 = tpu.matmul %max3A_51, %get3A_54, %dot_general3A_55 {dimension_numbers = #tpu.dot_dimension_numbers<[1], [0], [0], [1], [0, 0, 1, 1], [], []>, transpose_lhs_hint = false} : vector<3200x256xf32>, vector<256x32xf32>, vector<3200x32xf32> -> vector<3200x32xf32>
    %get3A_57 = arith.constant 0 : index
    %get3A_58 = arith.constant 0 : index
    %get3A_59 = vector.load %arg12[%get3A_57, %get3A_58] : memref<1x32xf32, #tpu.memory_space<vmem>>, vector<1x32xf32>
    %add3A_60 = vector.broadcast %get3A_59 : vector<1x32xf32> to vector<3200x32xf32>
    %add3A_61 = arith.addf %dot_general3A_56, %add3A_60 : vector<3200x32xf32>
    %swap3A = arith.constant 0 : index
    %swap3A_62 = arith.constant 0 : index
    %swap3A_63 = vector.load %arg15[%swap3A, %swap3A_62] : memref<3200x32xf32, #tpu.memory_space<vmem>>, vector<3200x32xf32>
    tpu.vector_store %arg15[%swap3A, %swap3A_62], %add3A_61 {strides = array<i32>} : memref<3200x32xf32, #tpu.memory_space<vmem>>, vector<3200x32xf32>,
    %get3A_64 = arith.constant 0 : index
    %get3A_65 = arith.constant 0 : index
    %get3A_66 = vector.load %arg13[%get3A_64, %get3A_65] : memref<256x128xf32, #tpu.memory_space<vmem>>, vector<256x128xf32>
    %dot_general3A_67 = arith.constant dense<0.000000e+00> : vector<3200x128xf32>
    %dot_general3A_68 = tpu.matmul %max3A_51, %get3A_66, %dot_general3A_67 {dimension_numbers = #tpu.dot_dimension_numbers<[1], [0], [0], [1], [0, 0, 1, 1], [], []>, transpose_lhs_hint = false} : vector<3200x256xf32>, vector<256x128xf32>, vector<3200x128xf32> -> vector<3200x128xf32>
    %get3A_69 = arith.constant 0 : index
    %get3A_70 = arith.constant 0 : index
    %get3A_71 = vector.load %arg14[%get3A_69, %get3A_70] : memref<1x128xf32, #tpu.memory_space<vmem>>, vector<1x128xf32>
    %add3A_72 = vector.broadcast %get3A_71 : vector<1x128xf32> to vector<3200x128xf32>
    %add3A_73 = arith.addf %dot_general3A_68, %add3A_72 : vector<3200x128xf32>
    %swap3A_74 = arith.constant 0 : index
    %swap3A_75 = arith.constant 0 : index
    %swap3A_76 = vector.load %arg16[%swap3A_74, %swap3A_75] : memref<3200x128xf32, #tpu.memory_space<vmem>>, vector<3200x128xf32>
    tpu.vector_store %arg16[%swap3A_74, %swap3A_75], %add3A_73 {strides = array<i32>} : memref<3200x128xf32, #tpu.memory_space<vmem>>, vector<3200x128xf32>,
    return
  }
  func.func @transform_0(%arg0: i32) -> (i32, i32) {
    %c0_i32 = arith.constant 0 : i32
    %c0_i32_0 = arith.constant 0 : i32
    return %arg0, %c0_i32 : i32, i32
  }
  func.func @transform_1(%arg0: i32) -> (i32, i32) {
    %c0_i32 = arith.constant 0 : i32
    %c0_i32_0 = arith.constant 0 : i32
    return %arg0, %c0_i32 : i32, i32
  }
  func.func @transform_2(%arg0: i32) -> (i32, i32, i32) {
    %c0_i32 = arith.constant 0 : i32
    %c0_i32_0 = arith.constant 0 : i32
    %c0_i32_1 = arith.constant 0 : i32
    return %c0_i32, %arg0, %c0_i32_0 : i32, i32, i32
  }
  func.func @transform_3(%arg0: i32) -> (i32, i32) {
    %c0_i32 = arith.constant 0 : i32
    %c0_i32_0 = arith.constant 0 : i32
    %c0_i32_1 = arith.constant 0 : i32
    return %c0_i32, %c0_i32_0 : i32, i32
  }
  func.func @transform_4(%arg0: i32) -> (i32, i32) {
    %c0_i32 = arith.constant 0 : i32
    %c0_i32_0 = arith.constant 0 : i32
    %c0_i32_1 = arith.constant 0 : i32
    return %c0_i32, %c0_i32_0 : i32, i32
  }
  func.func @transform_5(%arg0: i32) -> (i32, i32) {
    %c0_i32 = arith.constant 0 : i32
    %c0_i32_0 = arith.constant 0 : i32
    %c0_i32_1 = arith.constant 0 : i32
    return %c0_i32, %c0_i32_0 : i32, i32
  }
  func.func @transform_6(%arg0: i32) -> (i32, i32) {
    %c0_i32 = arith.constant 0 : i32
    %c0_i32_0 = arith.constant 0 : i32
    %c0_i32_1 = arith.constant 0 : i32
    return %c0_i32, %c0_i32_0 : i32, i32
  }
  func.func @transform_7(%arg0: i32) -> (i32, i32) {
    %c0_i32 = arith.constant 0 : i32
    %c0_i32_0 = arith.constant 0 : i32
    %c0_i32_1 = arith.constant 0 : i32
    return %c0_i32, %c0_i32_0 : i32, i32
  }
  func.func @transform_8(%arg0: i32) -> (i32, i32) {
    %c0_i32 = arith.constant 0 : i32
    %c0_i32_0 = arith.constant 0 : i32
    %c0_i32_1 = arith.constant 0 : i32
    return %c0_i32, %c0_i32_0 : i32, i32
  }
  func.func @transform_9(%arg0: i32) -> (i32, i32) {
    %c0_i32 = arith.constant 0 : i32
    %c0_i32_0 = arith.constant 0 : i32
    %c0_i32_1 = arith.constant 0 : i32
    return %c0_i32, %c0_i32_0 : i32, i32
  }
  func.func @transform_10(%arg0: i32) -> (i32, i32) {
    %c0_i32 = arith.constant 0 : i32
    %c0_i32_0 = arith.constant 0 : i32
    %c0_i32_1 = arith.constant 0 : i32
    return %c0_i32, %c0_i32_0 : i32, i32
  }
  func.func @transform_11(%arg0: i32) -> (i32, i32) {
    %c0_i32 = arith.constant 0 : i32
    %c0_i32_0 = arith.constant 0 : i32
    %c0_i32_1 = arith.constant 0 : i32
    return %c0_i32, %c0_i32_0 : i32, i32
  }
  func.func @transform_12(%arg0: i32) -> (i32, i32) {
    %c0_i32 = arith.constant 0 : i32
    %c0_i32_0 = arith.constant 0 : i32
    %c0_i32_1 = arith.constant 0 : i32
    return %c0_i32, %c0_i32_0 : i32, i32
  }
  func.func @transform_13(%arg0: i32) -> (i32, i32) {
    %c0_i32 = arith.constant 0 : i32
    %c0_i32_0 = arith.constant 0 : i32
    %c0_i32_1 = arith.constant 0 : i32
    return %c0_i32, %c0_i32_0 : i32, i32
  }
  func.func @transform_14(%arg0: i32) -> (i32, i32) {
    %c0_i32 = arith.constant 0 : i32
    %c0_i32_0 = arith.constant 0 : i32
    return %arg0, %c0_i32 : i32, i32
  }
  func.func @transform_15(%arg0: i32) -> (i32, i32) {
    %c0_i32 = arith.constant 0 : i32
    %c0_i32_0 = arith.constant 0 : i32
    return %arg0, %c0_i32 : i32, i32
  }
}

</mosaic_0001>

<sc_bundles>
// kernel: kernel.5.cloned.1.call-start
scs
__scs_entry_jumppad:
0x0: {  	(pc) =	sbr.rel $0x88, $3  }
0x1: {  	(tag) =	ssettag $0x0;
	lr =	simm.s32 $0x1  }
0x2: {  	[smem:$0x3F91] =	sst lr;
	_ =	strace $0xD0000000  }
0x3: {  	_ = 	snop  }
0x4: {  	_ = 	snop  }
0x5: {  	_ = 	snop  }
0x6: {  	_ = 	snop  }
0x7: {  	_ = 	snop  }
__scs_overlays_trampoline_lowered:
0x8: {  	[smem:$0x3FA0] =	sst s0  }
0x9: {  	[smem:$0x3FA1] =	sst s1  }
0xa: {  	[smem:$0x3FA2] =	sst s2  }
0xb: {  	[smem:$0x3FA3] =	sst s3  }
0xc: {  	[smem:$0x3FA4] =	sst s4  }
0xd: {  	[smem:$0x3FA5] =	sst s5  }
0xe: {  	[smem:$0x3FA6] =	sst s6  }
0xf: {  	[smem:$0x3FA7] =	sst s7  }
0x10: {  	[smem:$0x3FA8] =	sst s8  }
0x11: {  	[smem:$0x3FA9] =	sst s9;
	s0 =	simm.s32 @!p0 $0x0  }
0x12: {  	s1 =	sld [smem:$0x3F8F];
	s0 =	simm.s32 @p0 $0x1  }
0x13: {  	[smem:$0x3FAA] =	sst s0;
	s0 =	simm.s32 @!p1 $0x0  }
0x14: {  	s2 =	sld [smem:$0x3F8E];
	s0 =	simm.s32 @p1 $0x1  }
0x15: {  	[smem:$0x3FAB] =	sst s0;
	s0 =	simm.s32 @!p2 $0x0  }
0x16: {  	s3 =	sld [smem:$0x3FDB];
	s0 =	simm.s32 @p2 $0x1  }
0x17: {  	s4 =	simm.s32 $0x1BF5;
	[smem:$0x3FAD] =	sst s0  }
0x18: {  	s0 =	sld [smem:$0x3F90];
	_ =	swait.ge [sflag:s4], $0x0  }
0x19: {  	s7 =	sld [smem:$0x3F91]  }
0x1a: {  	s8 =	sadd.s32 $0xFFFFE003, lr  }
0x1b: {  	s9 =	sadd.s32 $0xFFFFFEF7, lr;
	s5 =	simm.s32 $0xFFFFFFFF;
	p2 =	slt.u32 s8, $0xFFFFF086  }
0x1c: {  	p1 =	slt.u32 s9, $0xF7A;
	s5 =	simm.s32 @!p2 $0x0  }
0x1d: {  	s5 =	simm.s32 @p1 $0x1;
	p0 =	seq.s32 s7, s2  }
0x1e: {  	s7 =	smul.u32 @!p0 $0xF7A, s2;
	p2 =	seq.s32 @!p0 s5, $0x0  }
0x1f: {  	s9 =	smul.u32 $0xF7A, s1;
	s8 =	simm.s32 @!p0 $0x1BF5;
	p2 =	por !p2, p0  }
0x20: {  	[sflag:s8] =	ssyncset.s32 @!p0 $0xFFFFF086;
	s6 =	sadd.s32 @!p0 s3, s7;
	s7 =	simm.s32 @!p0 $0x108  }
0x21: {  	s3 =	sadd.s32 s3, s9;
	s6 =	sadd.s32 @!p0 $0x88, s6;
	s7 =	simm.s32 @p2 $0x1082  }
0x22: {  	[simem:s7], [sflag:s8] =	dma.local @!p0 [hbm:s6], $0xF7A  }
0x23: {  	s9 =	sor.u32 $0xD0000000, s2;
	s6 =	simm.s32 $0x108;
	_ =	swait.ge @!p0 [sflag:s8], $0x0  }
0x24: {  	s3 =	sadd.s32 $0x88, s3;
	s6 =	simm.s32 @!p1 $0x1082;
	[sflag:s4] =	ssyncset.s32 $0xFFFFF086  }
0x25: {  	[simem:s6], [sflag:s4] =	dma.local [hbm:s3], $0xF7A  }
0x26: {  	[smem:$0x3F91] =	sst s1;
	(tag) =	ssettag s2;
	_ =	strace s9  }
0x27: {  	s1 =	sld [smem:$0x3FA1]  }
0x28: {  	s2 =	sld [smem:$0x3FA2]  }
0x29: {  	s4 =	sld [smem:$0x3FA4]  }
0x2a: {  	p0 =	seq.s32 s5, $0x0;
	s5 =	sld [smem:$0x3FA5]  }
0x2b: {  	s6 =	sld [smem:$0x3FA6]  }
0x2c: {  	s7 =	sld [smem:$0x3FA7]  }
0x2d: {  	s3 =	simm.s32 $0x108;
	s8 =	sld [smem:$0x3FA8]  }
0x2e: {  	s3 =	simm.s32 @!p0 $0x1082;
	s9 =	sld [smem:$0x3FA9]  }
0x2f: {  	lr =	sadd.s32 s0, s3;
	s0 =	sld [smem:$0x3FA0]  }
0x30: {  	s3 =	sld [smem:$0x3FA3]  }
0x31: {  	[smem:$0x3FAC] =	sst s10  }
0x32: {  	s10 =	sld [smem:$0x3FAA];
	_ =	sdelay $0x3  }
0x33: {  	p0 =	seq.s32 s10, $0x1;
	s10 =	sld [smem:$0x3FAC];
	_ =	sdelay $0x3  }
0x34: {  	[smem:$0x3FAC] =	sst s10  }
0x35: {  	s10 =	sld [smem:$0x3FAB];
	_ =	sdelay $0x3  }
0x36: {  	p1 =	seq.s32 s10, $0x1;
	s10 =	sld [smem:$0x3FAC];
	_ =	sdelay $0x3  }
0x37: {  	[smem:$0x3FAC] =	sst s10  }
0x38: {  	s10 =	sld [smem:$0x3FAD]  }
0x39: {  	_ = 	snop;
	(pc) =	sbr.ind lr, $3  }
0x3a: {  	_ = 	snop  }
0x3b: {  	_ = 	snop  }
0x3c: {  	p2 =	seq.s32 s10, $0x1;
	s10 =	sld [smem:$0x3FAC]  }
0x3d: {  	_ =	shalt  }
0x3e: {  	_ =	shalt  }
0x3f: {  	_ =	shalt  }
0x40: {  	_ =	shalt  }
0x41: {  	_ =	shalt  }
0x42: {  	_ =	shalt  }
0x43: {  	_ =	shalt  }
0x44: {  	_ =	shalt  }
0x45: {  	_ =	shalt  }
0x46: {  	_ =	shalt  }
0x47: {  	_ =	shalt  }
0x48: {  	_ =	shalt  }
0x49: {  	_ =	shalt  }
0x4a: {  	_ =	shalt  }
0x4b: {  	_ =	shalt  }
0x4c: {  	_ =	shalt  }
0x4d: {  	_ =	shalt  }
0x4e: {  	_ =	shalt  }
0x4f: {  	_ =	shalt  }
0x50: {  	_ =	shalt  }
0x51: {  	_ =	shalt  }
0x52: {  	_ =	shalt  }
0x53: {  	_ =	shalt  }
0x54: {  	_ =	shalt  }
0x55: {  	_ =	shalt  }
0x56: {  	_ =	shalt  }
0x57: {  	_ =	shalt  }
0x58: {  	_ =	shalt  }
0x59: {  	_ =	shalt  }
0x5a: {  	_ =	shalt  }
0x5b: {  	_ =	shalt  }
0x5c: {  	_ =	shalt  }
0x5d: {  	_ =	shalt  }
0x5e: {  	_ =	shalt  }
0x5f: {  	_ =	shalt  }
0x60: {  	_ =	shalt  }
0x61: {  	_ =	shalt  }
0x62: {  	_ =	shalt  }
0x63: {  	_ =	shalt  }
0x64: {  	_ =	shalt  }
0x65: {  	_ =	shalt  }
0x66: {  	_ =	shalt  }
0x67: {  	_ =	shalt  }
0x68: {  	_ =	shalt  }
0x69: {  	_ =	shalt  }
0x6a: {  	_ =	shalt  }
0x6b: {  	_ =	shalt  }
0x6c: {  	_ =	shalt  }
0x6d: {  	_ =	shalt  }
0x6e: {  	_ =	shalt  }
0x6f: {  	_ =	shalt  }
0x70: {  	_ =	shalt  }
0x71: {  	_ =	shalt  }
0x72: {  	_ =	shalt  }
0x73: {  	_ =	shalt  }
0x74: {  	_ =	shalt  }
0x75: {  	_ =	shalt  }
0x76: {  	_ =	shalt  }
0x77: {  	_ =	shalt  }
0x78: {  	_ =	shalt  }
0x79: {  	_ =	shalt  }
0x7a: {  	_ =	shalt  }
0x7b: {  	_ =	shalt  }
0x7c: {  	_ =	shalt  }
0x7d: {  	_ =	shalt  }
0x7e: {  	_ =	shalt  }
0x7f: {  	_ =	shalt  }
0x80: {  	_ =	shalt  }
0x81: {  	_ =	shalt  }
0x82: {  	_ =	shalt  }
0x83: {  	_ =	shalt  }
0x84: {  	_ =	shalt  }
0x85: {  	_ =	shalt  }
0x86: {  	_ =	shalt  }
0x87: {  	_ =	shalt  }
.Lfunc_end0:
.L_simem_size_0:
called_computation_lowered:
.L_overlay_start_0:
0x88: {  	s2 =	sld [smem:$0x3FD9]  }
0x89: {  	s3 =	sld [smem:$0x3FFE];
	_ =	sdelay $0x1  }
0x8a: {  	s1 =	srdreg.scid  }
0x8b: {  	s0 =	sand.u32 $0x1, s1  }
0x8c: {  	s17 =	sshll.u32 s0, $0xA;
	s2 =	sadd.s32 s3, s2  }
0x8d: {  	s2 =	sadd.s32 s2, s17  }
0x8e: {  	[smem:$0x3FB8] =	sst s2  }
0x8f: {  	_ = 	snop  }
0x90: {  	s2 =	sld [smem:$0x3FC7]  }
0x91: {  	s18 =	sld [smem:$0x3FC6];
	(tm) =	ssettm $0x1  }
0x92: {  	s4 =	sld [smem:$0x3FFB];
	_ =	sdelay $0x3  }
0x93: {  	_ =	strace s4  }
0x94: {  	s4 =	sld [smem:$0x3FFC];
	_ =	sdelay $0x3  }
0x95: {  	_ =	strace s4  }
0x96: {  	s4 =	sld [smem:$0x3FFD];
	_ =	sdelay $0x3  }
0x97: {  	_ =	strace s4  }
0x98: {  	_ =	strace $0x8FFFFFFF  }
0x99: {  	s19 =	sld [smem:$0x3FDB];
	_ =	sdelay $0x1  }
0x9a: {  	s5 =	simm.s32 $_scs_section_size  }
0x9b: {  	s6 =	simm.s32 $_size__tile_overlayer_lowered;
	s7 =	simm.s32 $_tile_overlayer_lowered  }
0x9c: {  	s22 =	simm.s32 $0x1BFF;
	s21 =	sshll.u32 s7, $0x1;
	s4 =	sadd.s32 s5, s19  }
0x9d: {  	s8 =	simm.s32 $0x0;
	s20 =	sshll.u32 s6, $0x1;
	s6 =	sadd.s32 s21, s4  }
0x9e: {  	[timem:s8], [sflag:s22] =	dma.local [hbm:s6], s20  }
0x9f: {  	_ =	swait.ge [sflag:s22], s20  }
0xa0: {  	s5 =	ssub.s32 $0x0, s20;
	[sflag:s22] =	ssyncset.done $0x0  }
0xa1: {  	[sflag:s22] =	ssyncadd.s32 s5;
	_ =	sdelay $0x1  }
0xa2: {  	s23 =	simm.s32 $0x1B8B  }
0xa3: {  	_ =	swait.ge [sflag:s23], $0x1  }
0xa4: {  	[sflag:s23] =	ssyncset.done $0x0  }
0xa5: {  	s25 =	simm.s32 $0x1B8E;
	s24 =	sld [smem:$0x3FFE];
	[sflag:s23] =	ssyncadd.s32 $0xFFFFFFFF  }
0xa6: {  	s26 =	simm.s32 $execute0_lowered;
	[smem:$0x3FD2] =	sst s25  }
0xa7: {  	s6 =	sshll.u32 s26, $0x1;
	_ =	strace $0x80000046;
	[dreg:$0x1] =	wrdreg $0xFFFFFFFF  }
0xa8: {  	s28 =	simm.s32 $_size_execute0_lowered;
	s4 =	sadd.s32 s4, s6;
	[dreg:$0x0] =	wrdreg $0x0  }
0xa9: {  	s6 =	sshll.u32 s28, $0x1;
	[dreg:$0x2] =	wrdreg s4  }
0xaa: {  	[dreg:$0x3] =	wrdreg s6  }
0xab: {  	[dreg:$0x4] =	wrdreg $0xC0  }
0xac: {  	_ =	task [dreg:s8], $0x5FFFF  }
0xad: {  	[dreg:$0x1] =	wrdreg $0xFFFFFFFF  }
0xae: {  	[dreg:$0x0] =	wrdreg $0x60  }
0xaf: {  	[dreg:$0x2] =	wrdreg s24  }
0xb0: {  	[dreg:$0x3] =	wrdreg s2  }
0xb1: {  	[dreg:$0x4] =	wrdreg s18  }
0xb2: {  	[dreg:$0x5] =	wrdreg $0x3E800  }
0xb3: {  	[dreg:$0x6] =	wrdreg $0x9  }
0xb4: {  	_ =	task.clear_ibuf [dreg:s8], $0x7FFFF;
	_ =	strace $0x90000046  }
0xb5: {  	s29 =	simm.s32 $0x9;
	_ =	strace $0x80000048  }
0xb6: {  	_ =	swait.ge [sflag:s29], $0x1  }
0xb7: {  	[sflag:s29] =	ssyncadd.s32 $0xFFFFFFFF  }
0xb8: {  	_ =	strace $0x90000048  }
0xb9: {  	_ =	sfence  }
0xba: {  	s30 =	sld [smem:$0x0];
	_ =	sdelay $0x2  }
0xbb: {  	s31 =	sshll.u32 s1, $0xD;
	s1 =	sshrl.u32 s1, $0x2  }
0xbc: {  	s3 =	sand.u32 $0x4000, s31;
	s1 =	sadd.s32 s1, s30  }
0xbd: {  	s0 =	sor.u32 s3, s0;
	s1 =	sshll.u32 s1, $0x11  }
0xbe: {  	s0 =	sor.u32 s1, s0  }
0xbf: {  	s0 =	sadd.s32 $0x8F2B, s0  }
0xc0: {  	[sflag:s0] =	ssyncadd.remote.s32 $0x1  }
0xc1: {  	_ =	sfence.sel $0xFFFF  }
0xc2: {  	[dreg:$0x0] =	wrdreg $0xFFFFFFFF;
	(pc) =	sbr.abs _section_cstart, $3  }
0xc3: {  	[dreg:$0x1] =	wrdreg $0xFFFFFFFF  }
0xc4: {  	_ =	task.clear_ibuf [dreg:s8], $0x2FFFF;
	_ =	strace $0x9FFFFFFF  }
0xc5: {  	(tm) =	ssettm $0x7FFFFFFF  }
tec
execute0_lowered:
.L_overlay_start_1:
0x0: {  	(tag) =	ssettag $0x1  }
0x1: {  	s0 =	rddreg [dreg:$0x0]  }
0x2: {  	s21 =	rddreg [dreg:$0x1]  }
0x3: {  	s29 =	rddreg [dreg:$0x2];
	s2 =	stileid.u32  }
0x4: {  	s4 =	simm.s32 $0x0;
	s1 =	srdreg.scid;
	s7 =	smul.u32 $0x61A80, s2  }
0x5: {  	[smem:$0x7FF] =	sst s4;
	s1 =	sand.u32 $0x1, s1;
	s19 =	smul.u32 $0x61A8, s2  }
0x6: {  	p0 =	sne.s32 s2, $0x0;
	s2 =	smul.u32 $0x1F4, s2;
	s9 =	ssub.s32 $0x2, s1  }
0x7: {  	s3 =	rddreg [dreg:$0x3];
	_ =	strace $0x80000047;
	s10 =	sshrl.u32 s9, $0x1  }
0x8: {  	s7 =	sshrl.u32 s7, $0x2;
	s23 =	sadd.s32 s21, s19;
	[dreg:$0x16] =	wrdreg s2  }
0x9: {  	s25 =	ssub.s32 s9, s10;
	s10 =	sadd.s32 s7, s3;
	[dreg:$0x14] =	wrdreg s23  }
0xa: {  	s30 =	sadd.s32 $0x64, s23;
	[dreg:$0x6] =	wrdreg s10  }
0xb: {  	s7 =	sadd.s32 $0x1900, s10;
	[dreg:$0x1b] =	wrdreg s30  }
0xc: {  	s26 =	sadd.s32 $0x3200, s10;
	[dreg:$0x7] =	wrdreg s7  }
0xd: {  	s9 =	sadd.s32 $0x4B00, s10;
	[dreg:$0x8] =	wrdreg s26  }
0xe: {  	s11 =	sadd.s32 $0x6400, s10;
	[dreg:$0x9] =	wrdreg s9  }
0xf: {  	s12 =	sadd.s32 $0x7D00, s10;
	[dreg:$0xa] =	wrdreg s11  }
0x10: {  	s31 =	simm.s32 $0x2580;
	s13 =	sadd.s32 $0x9600, s10;
	[dreg:$0xb] =	wrdreg s12  }
0x11: {  	s28 =	simm.s32 $0x1B80;
	s14 =	sadd.s32 $0xAF00, s10;
	[dreg:$0xc] =	wrdreg s13  }
0x12: {  	s5 =	sadd.s32 $0x36200, s0;
	s15 =	sadd.s32 $0xC800, s10;
	[dreg:$0xd] =	wrdreg s14  }
0x13: {  	s6 =	sadd.s32 $0x68200, s0;
	s16 =	sadd.s32 $0xE100, s10;
	[dreg:$0xe] =	wrdreg s15  }
0x14: {  	s8 =	smul.u32 $0x32000, s1;
	s17 =	sadd.s32 $0xFA00, s10;
	[dreg:$0xf] =	wrdreg s16  }
0x15: {  	p1 =	seq.s32 s1, $0x1;
	s18 =	sadd.s32 $0x11300, s10;
	[dreg:$0x10] =	wrdreg s17  }
0x16: {  	s0 =	sadd.s32 s8, s0;
	s20 =	sadd.s32 $0x12C00, s10;
	[dreg:$0x11] =	wrdreg s18  }
0x17: {  	s8 =	simm.s32 $0x960;
	s22 =	sadd.s32 $0x14500, s10;
	[dreg:$0x12] =	wrdreg s20  }
0x18: {  	s23 =	simm.s32 $0x190;
	s24 =	smax.u32 s25, $0x1;
	[dreg:$0x13] =	wrdreg s22  }
0x19: {  	s25 =	sadd.s32 $0x15E00, s10;
	s7 =	sadd.s32 s29, s19;
	[dreg:$0x18] =	wrdreg s24  }
0x1a: {  	s15 =	sadd.s32 $0x9A200, s0;
	[dreg:$0x19] =	wrdreg s25;
	s26 =	sadd.s32 $0x17700, s10  }
0x1b: {  	s0 =	simm.s32 $0x320;
	s9 =	simm.s32 $0x5;
	s10 =	simm.s32 $0x50  }
0x1c: {  	s12 =	simm.s32 $0x2A80;
	s11 =	simm.s32 $0x3C0;
	s14 =	simm.s32 $0x2F80  }
0x1d: {  	s29 =	simm.s32 $0x410;
	s16 =	simm.s32 $0x3480;
	s18 =	simm.s32 $0x3980  }
.Ltmp0:
0x1e: {  	s19 =	simm.s32 $0xC80;
	s20 =	simm.s32 $0x1180;
	(pc) =	sbr.rel .LBB2_1-.Ltmp0, $4  }
0x1f: {  	s25 =	simm.s32 $0x1680;
	s22 =	simm.s32 $0x2080;
	[dreg:$0x1a] =	wrdreg s26  }
0x20: {  	s24 =	simm.s32 $0x1;
	s17 =	simm.s32 $0x3;
	[dreg:$0x15] =	wrdreg s7  }
0x21: {  	s13 =	simm.s32 $0x0;
	s1 =	sadd.s32 $0x64, s7;
	[dreg:$0x17] =	wrdreg s15  }
0x22: {  	v0 =	vimm.f32 $0.0e+00;
	s7 =	simm.s32 $0x4;
	s26 =	simm.s32 $0x2;
	[dreg:$0x5] =	wrdreg s1  }
.LBB2_6:
0x23: {  	s15 =	rddreg [dreg:$0x17]  }
0x24: {  	s1 =	simm.s32 $0x140;
	s13 =	rddreg [dreg:$0x1c]  }
0x25: {  	[tilespmem:s22], [sflag:$0x1] =	stream.indirect.gather [hbm4b:s5+s10], $0x10, s1, s10, $0xb8;
	[tilespmem:$0x1C520] =	vst v63  }
0x26: {  	s21 =	smov.u32 s23;
	s1 =	rddreg [dreg:$0x5]  }
.LBB2_10:
0x27: {  	_ =	swait.ge [sflag:s24], $0x500  }
0x28: {  	[sflag:s24] =	ssyncset.done $0x0  }
0x29: {  	[sflag:s24] =	ssyncadd.s32 $0xFFFFFB00  }
0x2a: {  	_ =	swait.ge [sflag:s24], $0x500  }
0x2b: {  	[sflag:s24] =	ssyncset.done $0x0  }
0x2c: {  	[sflag:s24] =	ssyncadd.s32 $0xFFFFFB00  }
0x2d: {  	_ =	swait.ge [sflag:s24], $0x500  }
0x2e: {  	[sflag:s24] =	ssyncset.done $0x0  }
0x2f: {  	[sflag:s24] =	ssyncadd.s32 $0xFFFFFB00  }
0x30: {  	_ =	swait.ge [sflag:s24], $0x500  }
0x31: {  	[sflag:s24] =	ssyncset.done $0x0  }
0x32: {  	[sflag:s24] =	ssyncadd.s32 $0xFFFFFB00  }
0x33: {  	_ =	swait.ge [sflag:s24], $0x500  }
0x34: {  	[sflag:s24] =	ssyncset.done $0x0  }
0x35: {  	[sflag:s24] =	ssyncadd.s32 $0xFFFFFB00  }
0x36: {  	_ =	swait.ge [sflag:s7], $0x500  }
0x37: {  	[sflag:s7] =	ssyncset.done $0x0  }
0x38: {  	[sflag:s7] =	ssyncadd.s32 $0xFFFFFB00  }
0x39: {  	_ =	swait.ge [sflag:s7], $0x500  }
0x3a: {  	[sflag:s7] =	ssyncset.done $0x0  }
0x3b: {  	[sflag:s7] =	ssyncadd.s32 $0xFFFFFB00  }
0x3c: {  	_ =	swait.ge [sflag:s7], $0x500  }
0x3d: {  	[sflag:s7] =	ssyncset.done $0x0  }
0x3e: {  	[sflag:s7] =	ssyncadd.s32 $0xFFFFFB00  }
0x3f: {  	_ =	swait.ge [sflag:s7], $0x500  }
0x40: {  	[sflag:s7] =	ssyncset.done $0x0  }
0x41: {  	[sflag:s7] =	ssyncadd.s32 $0xFFFFFB00  }
0x42: {  	_ =	swait.ge [sflag:s7], $0x500  }
0x43: {  	[sflag:s7] =	ssyncset.done $0x0  }
0x44: {  	[sflag:s7] =	ssyncadd.s32 $0xFFFFFB00  }
0x45: {  	s2 =	sshrl.u32 @!p0 s3, $0x3;
	s11 =	simm.s32 @!p0 $0x1C06;
	[bflag:$0x0] =	sbarrier.arrive $0xFFFF  }
0x46: {  	[hbm:s15], [sflag:s11] =	dma.local @!p0 [spmem:s2], $0x30D40  }
0x47: {  	s2 =	simm.s32 @!p0 $0x6  }
0x48: {  	_ =	swait.ge @!p0 [sflag:s2], $0x30D40  }
0x49: {  	s13 =	sadd.s32 $0x1, s13;
	s23 =	rddreg [dreg:$0x18]  }
0x4a: {  	p2 =	sne.s32 s13, s23  }
.Ltmp1:
0x4b: {  	_ = 	snop;
	(pc) =	sbr.rel @!p2 .LBB2_11-.Ltmp1, $4  }
0x4c: {  	_ = 	snop  }
0x4d: {  	s0 =	simm.s32 $0x320;
	s29 =	simm.s32 $0x410  }
0x4e: {  	s8 =	simm.s32 $0x960;
	s11 =	simm.s32 $0x3C0;
	[sflag:s2] =	ssyncset.done @!p0 $0x0  }
0x4f: {  	s30 =	rddreg [dreg:$0x1b];
	[sflag:s2] =	ssyncadd.s32 @!p0 $0xFFFCF2C0;
	s23 =	simm.s32 $0x190  }
.LBB2_1:
0x50: {  	[dreg:$0x1c] =	wrdreg s13;
	s13 =	simm.s32 $0x40;
	s15 =	simm.s32 $0x0  }
.LBB2_2:
0x51: {  	p2 =	sne.s32 s13, $0x63C0;
	[tilespmem:s15+$0x2580] =	vst v0;
	s15 =	smov.u32 s13;
	s13 =	sadd.s32 $0x40, s13  }
.Ltmp2:
0x52: {  	(pc) =	sbr.rel @p2 .LBB2_2-.Ltmp2, $2  }
0x53: {  	_ =	sdelay $0x2  }
0x54: {  	s15 =	sshra.s32 s15, $0x2  }
0x55: {  	[tilespmem:s15+$0x2580] =	vst v0;
	s13 =	rddreg [dreg:$0x6];
	s15 =	simm.s32 $0x6  }
0x56: {  	[spmem:s13] =	stream.linear.scatter [tilespmem:s31], [sflag:$0x6], $0x1900, $0x38;
	[tilespmem:$0x1C520] =	vst v63  }
0x57: {  	_ =	swait.ge [sflag:s15], $0x1900  }
0x58: {  	[sflag:s15] =	ssyncset.done $0x0  }
0x59: {  	s2 =	rddreg [dreg:$0x7];
	[sflag:s15] =	ssyncadd.s32 $0xFFFFE700  }
0x5a: {  	[spmem:s2] =	stream.linear.scatter [tilespmem:s31], [sflag:$0x6], $0x1900, $0x38;
	[tilespmem:$0x1C520] =	vst v63  }
0x5b: {  	_ =	swait.ge [sflag:s15], $0x1900  }
0x5c: {  	[sflag:s15] =	ssyncset.done $0x0  }
0x5d: {  	s13 =	rddreg [dreg:$0x8];
	[sflag:s15] =	ssyncadd.s32 $0xFFFFE700  }
0x5e: {  	[spmem:s13] =	stream.linear.scatter [tilespmem:s31], [sflag:$0x6], $0x1900, $0x38;
	[tilespmem:$0x1C520] =	vst v63  }
0x5f: {  	_ =	swait.ge [sflag:s15], $0x1900  }
0x60: {  	[sflag:s15] =	ssyncset.done $0x0  }
0x61: {  	s13 =	rddreg [dreg:$0x9];
	[sflag:s15] =	ssyncadd.s32 $0xFFFFE700  }
0x62: {  	[spmem:s13] =	stream.linear.scatter [tilespmem:s31], [sflag:$0x6], $0x1900, $0x38;
	[tilespmem:$0x1C520] =	vst v63  }
0x63: {  	_ =	swait.ge [sflag:s15], $0x1900  }
0x64: {  	[sflag:s15] =	ssyncset.done $0x0  }
0x65: {  	s13 =	rddreg [dreg:$0xa];
	[sflag:s15] =	ssyncadd.s32 $0xFFFFE700  }
0x66: {  	[spmem:s13] =	stream.linear.scatter [tilespmem:s31], [sflag:$0x6], $0x1900, $0x38;
	[tilespmem:$0x1C520] =	vst v63  }
0x67: {  	_ =	swait.ge [sflag:s15], $0x1900  }
0x68: {  	[sflag:s15] =	ssyncset.done $0x0  }
0x69: {  	s13 =	rddreg [dreg:$0xb];
	[sflag:s15] =	ssyncadd.s32 $0xFFFFE700  }
0x6a: {  	[spmem:s13] =	stream.linear.scatter [tilespmem:s31], [sflag:$0x6], $0x1900, $0x38;
	[tilespmem:$0x1C520] =	vst v63  }
0x6b: {  	_ =	swait.ge [sflag:s15], $0x1900  }
0x6c: {  	[sflag:s15] =	ssyncset.done $0x0  }
0x6d: {  	s13 =	rddreg [dreg:$0xc];
	[sflag:s15] =	ssyncadd.s32 $0xFFFFE700  }
0x6e: {  	[spmem:s13] =	stream.linear.scatter [tilespmem:s31], [sflag:$0x6], $0x1900, $0x38;
	[tilespmem:$0x1C520] =	vst v63  }
0x6f: {  	_ =	swait.ge [sflag:s15], $0x1900  }
0x70: {  	[sflag:s15] =	ssyncset.done $0x0  }
0x71: {  	s13 =	rddreg [dreg:$0xd];
	[sflag:s15] =	ssyncadd.s32 $0xFFFFE700  }
0x72: {  	[spmem:s13] =	stream.linear.scatter [tilespmem:s31], [sflag:$0x6], $0x1900, $0x38;
	[tilespmem:$0x1C520] =	vst v63  }
0x73: {  	_ =	swait.ge [sflag:s15], $0x1900  }
0x74: {  	[sflag:s15] =	ssyncset.done $0x0  }
0x75: {  	s13 =	rddreg [dreg:$0xe];
	[sflag:s15] =	ssyncadd.s32 $0xFFFFE700  }
0x76: {  	[spmem:s13] =	stream.linear.scatter [tilespmem:s31], [sflag:$0x6], $0x1900, $0x38;
	[tilespmem:$0x1C520] =	vst v63  }
0x77: {  	_ =	swait.ge [sflag:s15], $0x1900  }
0x78: {  	[sflag:s15] =	ssyncset.done $0x0  }
0x79: {  	s13 =	rddreg [dreg:$0xf];
	[sflag:s15] =	ssyncadd.s32 $0xFFFFE700  }
0x7a: {  	[spmem:s13] =	stream.linear.scatter [tilespmem:s31], [sflag:$0x6], $0x1900, $0x38;
	[tilespmem:$0x1C520] =	vst v63  }
0x7b: {  	_ =	swait.ge [sflag:s15], $0x1900  }
0x7c: {  	[sflag:s15] =	ssyncset.done $0x0  }
0x7d: {  	s13 =	rddreg [dreg:$0x10];
	[sflag:s15] =	ssyncadd.s32 $0xFFFFE700  }
0x7e: {  	[spmem:s13] =	stream.linear.scatter [tilespmem:s31], [sflag:$0x6], $0x1900, $0x38;
	[tilespmem:$0x1C520] =	vst v63  }
0x7f: {  	_ =	swait.ge [sflag:s15], $0x1900  }
0x80: {  	[sflag:s15] =	ssyncset.done $0x0  }
0x81: {  	s13 =	rddreg [dreg:$0x11];
	[sflag:s15] =	ssyncadd.s32 $0xFFFFE700  }
0x82: {  	[spmem:s13] =	stream.linear.scatter [tilespmem:s31], [sflag:$0x6], $0x1900, $0x38;
	[tilespmem:$0x1C520] =	vst v63  }
0x83: {  	_ =	swait.ge [sflag:s15], $0x1900  }
0x84: {  	[sflag:s15] =	ssyncset.done $0x0  }
0x85: {  	s13 =	rddreg [dreg:$0x12];
	[sflag:s15] =	ssyncadd.s32 $0xFFFFE700  }
0x86: {  	[spmem:s13] =	stream.linear.scatter [tilespmem:s31], [sflag:$0x6], $0x1900, $0x38;
	[tilespmem:$0x1C520] =	vst v63  }
0x87: {  	_ =	swait.ge [sflag:s15], $0x1900  }
0x88: {  	[sflag:s15] =	ssyncset.done $0x0  }
0x89: {  	s13 =	rddreg [dreg:$0x13];
	[sflag:s15] =	ssyncadd.s32 $0xFFFFE700  }
0x8a: {  	[spmem:s13] =	stream.linear.scatter [tilespmem:s31], [sflag:$0x6], $0x1900, $0x38;
	[tilespmem:$0x1C520] =	vst v63  }
0x8b: {  	_ =	swait.ge [sflag:s15], $0x1900  }
0x8c: {  	[sflag:s15] =	ssyncset.done $0x0  }
0x8d: {  	s13 =	rddreg [dreg:$0x19];
	[sflag:s15] =	ssyncadd.s32 $0xFFFFE700  }
0x8e: {  	[spmem:s13] =	stream.linear.scatter [tilespmem:s31], [sflag:$0x6], $0x1900, $0x38;
	[tilespmem:$0x1C520] =	vst v63  }
0x8f: {  	_ =	swait.ge [sflag:s15], $0x1900  }
0x90: {  	[sflag:s15] =	ssyncset.done $0x0  }
0x91: {  	s13 =	rddreg [dreg:$0x1a];
	[sflag:s15] =	ssyncadd.s32 $0xFFFFE700  }
0x92: {  	[spmem:s13] =	stream.linear.scatter [tilespmem:s31], [sflag:$0x6], $0xFA0, $0x38;
	[tilespmem:$0x1C520] =	vst v63  }
0x93: {  	_ =	swait.ge [sflag:s15], $0xFA0  }
0x94: {  	[sflag:s15] =	ssyncset.done $0x0  }
0x95: {  	[sflag:s15] =	ssyncadd.s32 $0xFFFFF060  }
0x96: {  	[bflag:$0x0] =	sbarrier.arrive $0xFFFF  }
0x97: {  	s15 =	rddreg [dreg:$0x14]  }
0x98: {  	[tilespmem:s4], [sflag:$0x5] =	stream.linear.gather [hbm4b:s15+s4], $0x320, $0x38;
	[tilespmem:$0x1C520] =	vst v63  }
0x99: {  	s13 =	rddreg [dreg:$0x15]  }
0x9a: {  	[tilespmem:s0], [sflag:$0x5] =	stream.linear.gather [hbm4b:s13+s4], $0x320, $0x38;
	[tilespmem:$0x1C520] =	vst v63  }
0x9b: {  	_ =	swait.ge [sflag:s9], $0x320  }
0x9c: {  	[sflag:s9] =	ssyncset.done $0x0  }
0x9d: {  	[sflag:s9] =	ssyncadd.s32 $0xFFFFFCE0  }
0x9e: {  	_ =	swait.ge [sflag:s9], $0x320  }
0x9f: {  	[sflag:s9] =	ssyncset.done $0x0  }
0xa0: {  	[sflag:s9] =	ssyncadd.s32 $0xFFFFFCE0  }
0xa1: {  	[spmem:s3] =	stream.indirect.scatter.add.f32 [tilespmem:s31], [sflag:$0x4], $0x10, s0, s10, $0xb8;
	[tilespmem:$0x1C520] =	vst v63  }
0xa2: {  	s15 =	simm.s32 $0x370  }
0xa3: {  	[spmem:s3] =	stream.indirect.scatter.add.f32 [tilespmem:s12], [sflag:$0x4], $0x10, s15, s10, $0xb8;
	[tilespmem:$0x1C520] =	vst v63  }
0xa4: {  	_ = 	snop  }
0xa5: {  	[spmem:s3] =	stream.indirect.scatter.add.f32 [tilespmem:s14], [sflag:$0x4], $0x10, s11, s10, $0xb8;
	[tilespmem:$0x1C520] =	vst v63  }
.Ltmp3:
0xa6: {  	_ = 	snop;
	(pc) =	sbr.rel @!p1 .LBB2_4-.Ltmp3, $4  }
0xa7: {  	_ = 	snop  }
0xa8: {  	[spmem:s3] =	stream.indirect.scatter.add.f32 [tilespmem:s16], [sflag:$0x4], $0x10, s29, s10, $0xb8;
	[tilespmem:$0x1C520] =	vst v63  }
0xa9: {  	s15 =	simm.s32 $0x460  }
0xaa: {  	[spmem:s3] =	stream.indirect.scatter.add.f32 [tilespmem:s18], [sflag:$0x4], $0x10, s15, s10, $0xb8;
	[tilespmem:$0x1C520] =	vst v63  }
0xab: {  	s2 =	simm.s32 $0x0  }
0xac: {  	[tilespmem:s19], [sflag:$0x1] =	stream.indirect.gather [hbm4b:s6+s10], $0x10, s2, s10, $0xb8;
	[tilespmem:$0x1C520] =	vst v63  }
0xad: {  	_ = 	snop  }
0xae: {  	[tilespmem:s20], [sflag:$0x1] =	stream.indirect.gather [hbm4b:s6+s10], $0x10, s10, s10, $0xb8;
	[tilespmem:$0x1C520] =	vst v63  }
0xaf: {  	s8 =	simm.s32 $0xA0  }
0xb0: {  	[tilespmem:s25], [sflag:$0x1] =	stream.indirect.gather [hbm4b:s6+s10], $0x10, s8, s10, $0xb8;
	[tilespmem:$0x1C520] =	vst v63  }
0xb1: {  	s13 =	simm.s32 $0xF0  }
0xb2: {  	[tilespmem:s28], [sflag:$0x1] =	stream.indirect.gather [hbm4b:s6+s10], $0x10, s13, s10, $0xb8;
	[tilespmem:$0x1C520] =	vst v63  }
0xb3: {  	s23 =	simm.s32 $0x140  }
0xb4: {  	[tilespmem:s22], [sflag:$0x1] =	stream.indirect.gather [hbm4b:s6+s10], $0x10, s23, s10, $0xb8;
	[tilespmem:$0x1C520] =	vst v63  }
0xb5: {  	_ =	swait.ge [sflag:s7], $0x500  }
0xb6: {  	[sflag:s7] =	ssyncset.done $0x0  }
0xb7: {  	[sflag:s7] =	ssyncadd.s32 $0xFFFFFB00  }
0xb8: {  	_ =	swait.ge [sflag:s7], $0x500  }
0xb9: {  	[sflag:s7] =	ssyncset.done $0x0  }
0xba: {  	[sflag:s7] =	ssyncadd.s32 $0xFFFFFB00  }
0xbb: {  	_ =	swait.ge [sflag:s7], $0x500  }
0xbc: {  	[sflag:s7] =	ssyncset.done $0x0  }
0xbd: {  	[sflag:s7] =	ssyncadd.s32 $0xFFFFFB00  }
0xbe: {  	_ =	swait.ge [sflag:s7], $0x500  }
0xbf: {  	[sflag:s7] =	ssyncset.done $0x0  }
0xc0: {  	[sflag:s7] =	ssyncadd.s32 $0xFFFFFB00  }
0xc1: {  	_ =	swait.ge [sflag:s7], $0x500  }
0xc2: {  	[sflag:s7] =	ssyncset.done $0x0  }
0xc3: {  	s2 =	sadd.s32 $0x0, s30;
	s23 =	simm.s32 $0x640;
	[sflag:s7] =	ssyncadd.s32 $0xFFFFFB00  }
0xc4: {  	[tilespmem:s23], [sflag:$0x5] =	stream.linear.gather [hbm4b:s2+s4], $0x320, $0x38;
	[tilespmem:$0x1C520] =	vst v63  }
0xc5: {  	s1 =	sadd.s32 $0x0, s1;
	s8 =	simm.s32 $0x960  }
0xc6: {  	[tilespmem:s8], [sflag:$0x5] =	stream.linear.gather [hbm4b:s1+s4], $0x320, $0x38;
	[tilespmem:$0x1C520] =	vst v63  }
0xc7: {  	s13 =	simm.s32 $0x190  }
0xc8: {  	[tilespmem:s31], [sflag:$0x2] =	stream.indirect.gather [hbm4b:s6+s10], $0x10, s13, s10, $0xb8;
	[tilespmem:$0x1C520] =	vst v63  }
0xc9: {  	s13 =	simm.s32 $0x1E0  }
0xca: {  	[tilespmem:s12], [sflag:$0x2] =	stream.indirect.gather [hbm4b:s6+s10], $0x10, s13, s10, $0xb8;
	[tilespmem:$0x1C520] =	vst v63  }
0xcb: {  	s2 =	simm.s32 $0x230  }
0xcc: {  	[tilespmem:s14], [sflag:$0x2] =	stream.indirect.gather [hbm4b:s6+s10], $0x10, s2, s10, $0xb8;
	[tilespmem:$0x1C520] =	vst v63  }
0xcd: {  	s13 =	simm.s32 $0x280  }
0xce: {  	[tilespmem:s16], [sflag:$0x2] =	stream.indirect.gather [hbm4b:s6+s10], $0x10, s13, s10, $0xb8;
	[tilespmem:$0x1C520] =	vst v63  }
0xcf: {  	s2 =	simm.s32 $0x2D0  }
0xd0: {  	[tilespmem:s18], [sflag:$0x2] =	stream.indirect.gather [hbm4b:s6+s10], $0x10, s2, s10, $0xb8;
	[tilespmem:$0x1C520] =	vst v63  }
0xd1: {  	_ =	swait.ge [sflag:s24], $0x500  }
0xd2: {  	[sflag:s24] =	ssyncset.done $0x0  }
0xd3: {  	[sflag:s24] =	ssyncadd.s32 $0xFFFFFB00  }
0xd4: {  	_ =	swait.ge [sflag:s24], $0x500  }
0xd5: {  	[sflag:s24] =	ssyncset.done $0x0  }
0xd6: {  	[sflag:s24] =	ssyncadd.s32 $0xFFFFFB00  }
0xd7: {  	_ =	swait.ge [sflag:s24], $0x500  }
0xd8: {  	[sflag:s24] =	ssyncset.done $0x0  }
0xd9: {  	[sflag:s24] =	ssyncadd.s32 $0xFFFFFB00  }
0xda: {  	_ =	swait.ge [sflag:s24], $0x500  }
0xdb: {  	[sflag:s24] =	ssyncset.done $0x0  }
0xdc: {  	[sflag:s24] =	ssyncadd.s32 $0xFFFFFB00  }
0xdd: {  	_ =	swait.ge [sflag:s24], $0x500  }
0xde: {  	[sflag:s24] =	ssyncset.done $0x0  }
0xdf: {  	[sflag:s24] =	ssyncadd.s32 $0xFFFFFB00  }
0xe0: {  	[spmem:s3] =	stream.indirect.scatter.add.f32 [tilespmem:s19], [sflag:$0x3], $0x10, s0, s10, $0xb8;
	[tilespmem:$0x1C520] =	vst v63  }
0xe1: {  	s13 =	simm.s32 $0x370  }
0xe2: {  	[spmem:s3] =	stream.indirect.scatter.add.f32 [tilespmem:s20], [sflag:$0x3], $0x10, s13, s10, $0xb8;
	[tilespmem:$0x1C520] =	vst v63  }
0xe3: {  	_ = 	snop  }
0xe4: {  	[spmem:s3] =	stream.indirect.scatter.add.f32 [tilespmem:s25], [sflag:$0x3], $0x10, s11, s10, $0xb8;
	[tilespmem:$0x1C520] =	vst v63  }
0xe5: {  	_ = 	snop  }
0xe6: {  	[spmem:s3] =	stream.indirect.scatter.add.f32 [tilespmem:s28], [sflag:$0x3], $0x10, s29, s10, $0xb8;
	[tilespmem:$0x1C520] =	vst v63  }
0xe7: {  	_ = 	snop  }
0xe8: {  	[spmem:s3] =	stream.indirect.scatter.add.f32 [tilespmem:s22], [sflag:$0x3], $0x10, s15, s10, $0xb8;
	[tilespmem:$0x1C520] =	vst v63  }
0xe9: {  	_ =	swait.ge [sflag:s26], $0x500  }
0xea: {  	[sflag:s26] =	ssyncset.done $0x0  }
0xeb: {  	[sflag:s26] =	ssyncadd.s32 $0xFFFFFB00  }
0xec: {  	_ =	swait.ge [sflag:s26], $0x500  }
0xed: {  	[sflag:s26] =	ssyncset.done $0x0  }
0xee: {  	[sflag:s26] =	ssyncadd.s32 $0xFFFFFB00  }
0xef: {  	_ =	swait.ge [sflag:s26], $0x500  }
0xf0: {  	[sflag:s26] =	ssyncset.done $0x0  }
0xf1: {  	[sflag:s26] =	ssyncadd.s32 $0xFFFFFB00  }
0xf2: {  	_ =	swait.ge [sflag:s26], $0x500  }
0xf3: {  	[sflag:s26] =	ssyncset.done $0x0  }
0xf4: {  	[sflag:s26] =	ssyncadd.s32 $0xFFFFFB00  }
0xf5: {  	_ =	swait.ge [sflag:s26], $0x500  }
0xf6: {  	[sflag:s26] =	ssyncset.done $0x0  }
0xf7: {  	s1 =	simm.s32 $0x4B0;
	[sflag:s26] =	ssyncadd.s32 $0xFFFFFB00  }
0xf8: {  	[spmem:s3] =	stream.indirect.scatter.add.f32 [tilespmem:s31], [sflag:$0x4], $0x10, s1, s10, $0xb8;
	[tilespmem:$0x1C520] =	vst v63  }
0xf9: {  	s2 =	simm.s32 $0x500  }
0xfa: {  	[spmem:s3] =	stream.indirect.scatter.add.f32 [tilespmem:s12], [sflag:$0x4], $0x10, s2, s10, $0xb8;
	[tilespmem:$0x1C520] =	vst v63  }
0xfb: {  	s11 =	simm.s32 $0x550  }
0xfc: {  	[spmem:s3] =	stream.indirect.scatter.add.f32 [tilespmem:s14], [sflag:$0x4], $0x10, s11, s10, $0xb8;
	[tilespmem:$0x1C520] =	vst v63  }
0xfd: {  	s13 =	simm.s32 $0x5A0  }
0xfe: {  	[spmem:s3] =	stream.indirect.scatter.add.f32 [tilespmem:s16], [sflag:$0x4], $0x10, s13, s10, $0xb8;
	[tilespmem:$0x1C520] =	vst v63  }
0xff: {  	s15 =	simm.s32 $0x5F0  }
0x100: {  	[spmem:s3] =	stream.indirect.scatter.add.f32 [tilespmem:s18], [sflag:$0x4], $0x10, s15, s10, $0xb8;
	[tilespmem:$0x1C520] =	vst v63  }
0x101: {  	_ =	swait.ge [sflag:s17], $0x500  }
0x102: {  	[sflag:s17] =	ssyncset.done $0x0  }
0x103: {  	[sflag:s17] =	ssyncadd.s32 $0xFFFFFB00  }
0x104: {  	_ =	swait.ge [sflag:s17], $0x500  }
0x105: {  	[sflag:s17] =	ssyncset.done $0x0  }
0x106: {  	[sflag:s17] =	ssyncadd.s32 $0xFFFFFB00  }
0x107: {  	_ =	swait.ge [sflag:s17], $0x500  }
0x108: {  	[sflag:s17] =	ssyncset.done $0x0  }
0x109: {  	[sflag:s17] =	ssyncadd.s32 $0xFFFFFB00  }
0x10a: {  	_ =	swait.ge [sflag:s17], $0x500  }
0x10b: {  	[sflag:s17] =	ssyncset.done $0x0  }
0x10c: {  	[sflag:s17] =	ssyncadd.s32 $0xFFFFFB00  }
0x10d: {  	_ =	swait.ge [sflag:s17], $0x500  }
0x10e: {  	[sflag:s17] =	ssyncset.done $0x0  }
0x10f: {  	[sflag:s17] =	ssyncadd.s32 $0xFFFFFB00  }
0x110: {  	_ =	swait.ge [sflag:s9], $0x320  }
0x111: {  	[sflag:s9] =	ssyncset.done $0x0  }
0x112: {  	[sflag:s9] =	ssyncadd.s32 $0xFFFFFCE0  }
0x113: {  	_ =	swait.ge [sflag:s9], $0x320  }
0x114: {  	[sflag:s9] =	ssyncset.done $0x0  }
0x115: {  	[sflag:s9] =	ssyncadd.s32 $0xFFFFFCE0  }
0x116: {  	[tilespmem:s19], [sflag:$0x1] =	stream.indirect.gather [hbm4b:s6+s10], $0x10, s23, s10, $0xb8;
	[tilespmem:$0x1C520] =	vst v63  }
0x117: {  	s1 =	simm.s32 $0x690  }
0x118: {  	[tilespmem:s20], [sflag:$0x1] =	stream.indirect.gather [hbm4b:s6+s10], $0x10, s1, s10, $0xb8;
	[tilespmem:$0x1C520] =	vst v63  }
0x119: {  	s2 =	simm.s32 $0x6E0  }
0x11a: {  	[tilespmem:s25], [sflag:$0x1] =	stream.indirect.gather [hbm4b:s6+s10], $0x10, s2, s10, $0xb8;
	[tilespmem:$0x1C520] =	vst v63  }
0x11b: {  	s11 =	simm.s32 $0x730  }
0x11c: {  	[tilespmem:s28], [sflag:$0x1] =	stream.indirect.gather [hbm4b:s6+s10], $0x10, s11, s10, $0xb8;
	[tilespmem:$0x1C520] =	vst v63  }
0x11d: {  	s13 =	simm.s32 $0x780  }
0x11e: {  	[tilespmem:s22], [sflag:$0x1] =	stream.indirect.gather [hbm4b:s6+s10], $0x10, s13, s10, $0xb8;
	[tilespmem:$0x1C520] =	vst v63  }
0x11f: {  	_ =	swait.ge [sflag:s7], $0x500  }
0x120: {  	[sflag:s7] =	ssyncset.done $0x0  }
0x121: {  	[sflag:s7] =	ssyncadd.s32 $0xFFFFFB00  }
0x122: {  	_ =	swait.ge [sflag:s7], $0x500  }
0x123: {  	[sflag:s7] =	ssyncset.done $0x0  }
0x124: {  	[sflag:s7] =	ssyncadd.s32 $0xFFFFFB00  }
0x125: {  	_ =	swait.ge [sflag:s7], $0x500  }
0x126: {  	[sflag:s7] =	ssyncset.done $0x0  }
0x127: {  	[sflag:s7] =	ssyncadd.s32 $0xFFFFFB00  }
0x128: {  	p2 =	por $0x0, $0x0;
	s2 =	simm.s32 $0x4;
	_ =	swait.ge [sflag:s7], $0x500  }
0x129: {  	s2 =	simm.s32 @p2 $0x0;
	[sflag:s7] =	ssyncset.done $0x0;
	s29 =	rddreg [dreg:$0x16]  }
0x12a: {  	[sflag:s7] =	ssyncadd.s32 $0xFFFFFB00;
	s2 =	sadd.s32 s29, s2  }
0x12b: {  	_ =	swait.ge [sflag:s7], $0x500;
	s2 =	smul.u32 $0x32, s2  }
0x12c: {  	[sflag:s7] =	ssyncset.done $0x0  }
0x12d: {  	[sflag:s7] =	ssyncadd.s32 $0xFFFFFB00;
	s15 =	sadd.s32 s21, s2  }
0x12e: {  	[tilespmem:s4], [sflag:$0x5] =	stream.linear.gather [hbm4b:s15+s4], $0x320, $0x38;
	[tilespmem:$0x1C520] =	vst v63  }
0x12f: {  	s1 =	rddreg [dreg:$0x2]  }
0x130: {  	s0 =	simm.s32 $0x320;
	s2 =	sadd.s32 s1, s2  }
0x131: {  	[tilespmem:s0], [sflag:$0x5] =	stream.linear.gather [hbm4b:s2+s4], $0x320, $0x38;
	[tilespmem:$0x1C520] =	vst v63  }
0x132: {  	s23 =	simm.s32 $0x7D0  }
0x133: {  	[tilespmem:s31], [sflag:$0x2] =	stream.indirect.gather [hbm4b:s6+s10], $0x10, s23, s10, $0xb8;
	[tilespmem:$0x1C520] =	vst v63  }
0x134: {  	s13 =	simm.s32 $0x820  }
0x135: {  	[tilespmem:s12], [sflag:$0x2] =	stream.indirect.gather [hbm4b:s6+s10], $0x10, s13, s10, $0xb8;
	[tilespmem:$0x1C520] =	vst v63  }
0x136: {  	s15 =	simm.s32 $0x870  }
0x137: {  	[tilespmem:s14], [sflag:$0x2] =	stream.indirect.gather [hbm4b:s6+s10], $0x10, s15, s10, $0xb8;
	[tilespmem:$0x1C520] =	vst v63  }
0x138: {  	s23 =	simm.s32 $0x8C0  }
0x139: {  	[tilespmem:s16], [sflag:$0x2] =	stream.indirect.gather [hbm4b:s6+s10], $0x10, s23, s10, $0xb8;
	[tilespmem:$0x1C520] =	vst v63  }
0x13a: {  	s13 =	simm.s32 $0x910  }
0x13b: {  	[tilespmem:s18], [sflag:$0x2] =	stream.indirect.gather [hbm4b:s6+s10], $0x10, s13, s10, $0xb8;
	[tilespmem:$0x1C520] =	vst v63  }
0x13c: {  	_ =	swait.ge [sflag:s24], $0x500  }
0x13d: {  	[sflag:s24] =	ssyncset.done $0x0  }
0x13e: {  	[sflag:s24] =	ssyncadd.s32 $0xFFFFFB00  }
0x13f: {  	_ =	swait.ge [sflag:s24], $0x500  }
0x140: {  	[sflag:s24] =	ssyncset.done $0x0  }
0x141: {  	[sflag:s24] =	ssyncadd.s32 $0xFFFFFB00  }
0x142: {  	_ =	swait.ge [sflag:s24], $0x500  }
0x143: {  	[sflag:s24] =	ssyncset.done $0x0  }
0x144: {  	[sflag:s24] =	ssyncadd.s32 $0xFFFFFB00  }
0x145: {  	_ =	swait.ge [sflag:s24], $0x500  }
0x146: {  	[sflag:s24] =	ssyncset.done $0x0  }
0x147: {  	[sflag:s24] =	ssyncadd.s32 $0xFFFFFB00  }
0x148: {  	_ =	swait.ge [sflag:s24], $0x500  }
0x149: {  	[sflag:s24] =	ssyncset.done $0x0  }
0x14a: {  	[sflag:s24] =	ssyncadd.s32 $0xFFFFFB00  }
0x14b: {  	[spmem:s3] =	stream.indirect.scatter.add.f32 [tilespmem:s19], [sflag:$0x3], $0x10, s8, s10, $0xb8;
	[tilespmem:$0x1C520] =	vst v63  }
0x14c: {  	s15 =	simm.s32 $0x9B0  }
0x14d: {  	[spmem:s3] =	stream.indirect.scatter.add.f32 [tilespmem:s20], [sflag:$0x3], $0x10, s15, s10, $0xb8;
	[tilespmem:$0x1C520] =	vst v63  }
0x14e: {  	s23 =	simm.s32 $0xA00  }
0x14f: {  	[spmem:s3] =	stream.indirect.scatter.add.f32 [tilespmem:s25], [sflag:$0x3], $0x10, s23, s10, $0xb8;
	[tilespmem:$0x1C520] =	vst v63  }
0x150: {  	s8 =	simm.s32 $0xA50  }
0x151: {  	[spmem:s3] =	stream.indirect.scatter.add.f32 [tilespmem:s28], [sflag:$0x3], $0x10, s8, s10, $0xb8;
	[tilespmem:$0x1C520] =	vst v63  }
0x152: {  	s13 =	simm.s32 $0xAA0  }
0x153: {  	[spmem:s3] =	stream.indirect.scatter.add.f32 [tilespmem:s22], [sflag:$0x3], $0x10, s13, s10, $0xb8;
	[tilespmem:$0x1C520] =	vst v63  }
0x154: {  	_ =	swait.ge [sflag:s26], $0x500  }
0x155: {  	[sflag:s26] =	ssyncset.done $0x0  }
0x156: {  	[sflag:s26] =	ssyncadd.s32 $0xFFFFFB00  }
0x157: {  	_ =	swait.ge [sflag:s26], $0x500  }
0x158: {  	[sflag:s26] =	ssyncset.done $0x0  }
0x159: {  	[sflag:s26] =	ssyncadd.s32 $0xFFFFFB00  }
0x15a: {  	_ =	swait.ge [sflag:s26], $0x500  }
0x15b: {  	[sflag:s26] =	ssyncset.done $0x0  }
0x15c: {  	[sflag:s26] =	ssyncadd.s32 $0xFFFFFB00  }
0x15d: {  	_ =	swait.ge [sflag:s26], $0x500  }
0x15e: {  	[sflag:s26] =	ssyncset.done $0x0  }
0x15f: {  	[sflag:s26] =	ssyncadd.s32 $0xFFFFFB00  }
0x160: {  	_ =	swait.ge [sflag:s26], $0x500  }
0x161: {  	[sflag:s26] =	ssyncset.done $0x0  }
0x162: {  	s15 =	simm.s32 $0xAF0;
	[sflag:s26] =	ssyncadd.s32 $0xFFFFFB00  }
0x163: {  	[spmem:s3] =	stream.indirect.scatter.add.f32 [tilespmem:s31], [sflag:$0x4], $0x10, s15, s10, $0xb8;
	[tilespmem:$0x1C520] =	vst v63  }
0x164: {  	s23 =	simm.s32 $0xB40  }
0x165: {  	[spmem:s3] =	stream.indirect.scatter.add.f32 [tilespmem:s12], [sflag:$0x4], $0x10, s23, s10, $0xb8;
	[tilespmem:$0x1C520] =	vst v63  }
0x166: {  	s8 =	simm.s32 $0xB90  }
0x167: {  	[spmem:s3] =	stream.indirect.scatter.add.f32 [tilespmem:s14], [sflag:$0x4], $0x10, s8, s10, $0xb8;
	[tilespmem:$0x1C520] =	vst v63  }
0x168: {  	s13 =	simm.s32 $0xBE0  }
0x169: {  	[spmem:s3] =	stream.indirect.scatter.add.f32 [tilespmem:s16], [sflag:$0x4], $0x10, s13, s10, $0xb8;
	[tilespmem:$0x1C520] =	vst v63  }
0x16a: {  	s15 =	simm.s32 $0xC30  }
0x16b: {  	[spmem:s3] =	stream.indirect.scatter.add.f32 [tilespmem:s18], [sflag:$0x4], $0x10, s15, s10, $0xb8;
	[tilespmem:$0x1C520] =	vst v63  }
0x16c: {  	_ =	swait.ge [sflag:s17], $0x500  }
0x16d: {  	[sflag:s17] =	ssyncset.done $0x0  }
0x16e: {  	[sflag:s17] =	ssyncadd.s32 $0xFFFFFB00  }
0x16f: {  	_ =	swait.ge [sflag:s17], $0x500  }
0x170: {  	[sflag:s17] =	ssyncset.done $0x0  }
0x171: {  	[sflag:s17] =	ssyncadd.s32 $0xFFFFFB00  }
0x172: {  	_ =	swait.ge [sflag:s17], $0x500  }
0x173: {  	[sflag:s17] =	ssyncset.done $0x0  }
0x174: {  	[sflag:s17] =	ssyncadd.s32 $0xFFFFFB00  }
0x175: {  	_ =	swait.ge [sflag:s17], $0x500  }
0x176: {  	[sflag:s17] =	ssyncset.done $0x0  }
0x177: {  	[sflag:s17] =	ssyncadd.s32 $0xFFFFFB00  }
0x178: {  	_ =	swait.ge [sflag:s17], $0x500  }
0x179: {  	[sflag:s17] =	ssyncset.done $0x0  }
0x17a: {  	[sflag:s17] =	ssyncadd.s32 $0xFFFFFB00  }
0x17b: {  	_ =	swait.ge [sflag:s9], $0x320  }
0x17c: {  	[sflag:s9] =	ssyncset.done $0x0  }
0x17d: {  	[sflag:s9] =	ssyncadd.s32 $0xFFFFFCE0  }
0x17e: {  	_ =	swait.ge [sflag:s9], $0x320  }
0x17f: {  	[sflag:s9] =	ssyncset.done $0x0  }
0x180: {  	[sflag:s9] =	ssyncadd.s32 $0xFFFFFCE0  }
0x181: {  	[tilespmem:s19], [sflag:$0x1] =	stream.indirect.gather [hbm4b:s6+s10], $0x10, s4, s10, $0xb8;
	[tilespmem:$0x1C520] =	vst v63  }
0x182: {  	_ = 	snop  }
0x183: {  	[tilespmem:s20], [sflag:$0x1] =	stream.indirect.gather [hbm4b:s6+s10], $0x10, s10, s10, $0xb8;
	[tilespmem:$0x1C520] =	vst v63  }
0x184: {  	s2 =	simm.s32 $0xA0  }
0x185: {  	[tilespmem:s25], [sflag:$0x1] =	stream.indirect.gather [hbm4b:s6+s10], $0x10, s2, s10, $0xb8;
	[tilespmem:$0x1C520] =	vst v63  }
0x186: {  	s23 =	simm.s32 $0xF0;
	s13 =	simm.s32 $0xC8;
	s15 =	simm.s32 $0x8  }
0x187: {  	[tilespmem:s28], [sflag:$0x1] =	stream.indirect.gather [hbm4b:s6+s10], $0x10, s23, s10, $0xb8;
	[tilespmem:$0x1C520] =	vst v63  }
.LBB2_8:
0x188: {  	s2 =	simm.s32 $0x140  }
0x189: {  	[tilespmem:s22], [sflag:$0x1] =	stream.indirect.gather [hbm4b:s6+s10], $0x10, s2, s10, $0xb8;
	[tilespmem:$0x1C520] =	vst v63  }
0x18a: {  	_ =	swait.ge [sflag:s7], $0x500  }
0x18b: {  	[sflag:s7] =	ssyncset.done $0x0  }
0x18c: {  	[sflag:s7] =	ssyncadd.s32 $0xFFFFFB00  }
0x18d: {  	_ =	swait.ge [sflag:s7], $0x500  }
0x18e: {  	[sflag:s7] =	ssyncset.done $0x0  }
0x18f: {  	[sflag:s7] =	ssyncadd.s32 $0xFFFFFB00  }
0x190: {  	_ =	swait.ge [sflag:s7], $0x500  }
0x191: {  	[sflag:s7] =	ssyncset.done $0x0  }
0x192: {  	[sflag:s7] =	ssyncadd.s32 $0xFFFFFB00  }
0x193: {  	_ =	swait.ge [sflag:s7], $0x500  }
0x194: {  	[sflag:s7] =	ssyncset.done $0x0  }
0x195: {  	[sflag:s7] =	ssyncadd.s32 $0xFFFFFB00  }
0x196: {  	_ =	swait.ge [sflag:s7], $0x500  }
0x197: {  	s11 =	smov.u32 s21;
	s21 =	smov.u32 s13;
	[sflag:s7] =	ssyncset.done $0x0  }
0x198: {  	s23 =	simm.s32 $0x640;
	s8 =	sadd.s32 s21, s30;
	[sflag:s7] =	ssyncadd.s32 $0xFFFFFB00  }
0x199: {  	[tilespmem:s23], [sflag:$0x5] =	stream.linear.gather [hbm4b:s8+s4], $0x320, $0x38;
	[tilespmem:$0x1C520] =	vst v63  }
0x19a: {  	s8 =	rddreg [dreg:$0x5]  }
0x19b: {  	s2 =	sadd.s32 s21, s8;
	s8 =	simm.s32 $0x960  }
0x19c: {  	[tilespmem:s8], [sflag:$0x5] =	stream.linear.gather [hbm4b:s2+s4], $0x320, $0x38;
	[tilespmem:$0x1C520] =	vst v63  }
0x19d: {  	s2 =	simm.s32 $0x190  }
0x19e: {  	[tilespmem:s31], [sflag:$0x2] =	stream.indirect.gather [hbm4b:s6+s10], $0x10, s2, s10, $0xb8;
	[tilespmem:$0x1C520] =	vst v63  }
0x19f: {  	s2 =	simm.s32 $0x1E0  }
0x1a0: {  	[tilespmem:s12], [sflag:$0x2] =	stream.indirect.gather [hbm4b:s6+s10], $0x10, s2, s10, $0xb8;
	[tilespmem:$0x1C520] =	vst v63  }
0x1a1: {  	s2 =	simm.s32 $0x230  }
0x1a2: {  	[tilespmem:s14], [sflag:$0x2] =	stream.indirect.gather [hbm4b:s6+s10], $0x10, s2, s10, $0xb8;
	[tilespmem:$0x1C520] =	vst v63  }
0x1a3: {  	s2 =	simm.s32 $0x280  }
0x1a4: {  	[tilespmem:s16], [sflag:$0x2] =	stream.indirect.gather [hbm4b:s6+s10], $0x10, s2, s10, $0xb8;
	[tilespmem:$0x1C520] =	vst v63  }
0x1a5: {  	s2 =	simm.s32 $0x2D0  }
0x1a6: {  	[tilespmem:s18], [sflag:$0x2] =	stream.indirect.gather [hbm4b:s6+s10], $0x10, s2, s10, $0xb8;
	[tilespmem:$0x1C520] =	vst v63  }
0x1a7: {  	_ =	swait.ge [sflag:s24], $0x500  }
0x1a8: {  	[sflag:s24] =	ssyncset.done $0x0  }
0x1a9: {  	[sflag:s24] =	ssyncadd.s32 $0xFFFFFB00  }
0x1aa: {  	_ =	swait.ge [sflag:s24], $0x500  }
0x1ab: {  	[sflag:s24] =	ssyncset.done $0x0  }
0x1ac: {  	[sflag:s24] =	ssyncadd.s32 $0xFFFFFB00  }
0x1ad: {  	_ =	swait.ge [sflag:s24], $0x500  }
0x1ae: {  	[sflag:s24] =	ssyncset.done $0x0  }
0x1af: {  	[sflag:s24] =	ssyncadd.s32 $0xFFFFFB00  }
0x1b0: {  	_ =	swait.ge [sflag:s24], $0x500  }
0x1b1: {  	[sflag:s24] =	ssyncset.done $0x0  }
0x1b2: {  	[sflag:s24] =	ssyncadd.s32 $0xFFFFFB00  }
0x1b3: {  	_ =	swait.ge [sflag:s24], $0x500  }
0x1b4: {  	[sflag:s24] =	ssyncset.done $0x0  }
0x1b5: {  	[sflag:s24] =	ssyncadd.s32 $0xFFFFFB00  }
0x1b6: {  	[spmem:s3] =	stream.indirect.scatter.add.f32 [tilespmem:s19], [sflag:$0x3], $0x10, s0, s10, $0xb8;
	[tilespmem:$0x1C520] =	vst v63  }
0x1b7: {  	s2 =	simm.s32 $0x370  }
0x1b8: {  	[spmem:s3] =	stream.indirect.scatter.add.f32 [tilespmem:s20], [sflag:$0x3], $0x10, s2, s10, $0xb8;
	[tilespmem:$0x1C520] =	vst v63  }
0x1b9: {  	s2 =	simm.s32 $0x3C0  }
0x1ba: {  	[spmem:s3] =	stream.indirect.scatter.add.f32 [tilespmem:s25], [sflag:$0x3], $0x10, s2, s10, $0xb8;
	[tilespmem:$0x1C520] =	vst v63  }
0x1bb: {  	s2 =	simm.s32 $0x410  }
0x1bc: {  	[spmem:s3] =	stream.indirect.scatter.add.f32 [tilespmem:s28], [sflag:$0x3], $0x10, s2, s10, $0xb8;
	[tilespmem:$0x1C520] =	vst v63  }
0x1bd: {  	s2 =	simm.s32 $0x460  }
0x1be: {  	[spmem:s3] =	stream.indirect.scatter.add.f32 [tilespmem:s22], [sflag:$0x3], $0x10, s2, s10, $0xb8;
	[tilespmem:$0x1C520] =	vst v63  }
0x1bf: {  	_ =	swait.ge [sflag:s26], $0x500  }
0x1c0: {  	[sflag:s26] =	ssyncset.done $0x0  }
0x1c1: {  	[sflag:s26] =	ssyncadd.s32 $0xFFFFFB00  }
0x1c2: {  	_ =	swait.ge [sflag:s26], $0x500  }
0x1c3: {  	[sflag:s26] =	ssyncset.done $0x0  }
0x1c4: {  	[sflag:s26] =	ssyncadd.s32 $0xFFFFFB00  }
0x1c5: {  	_ =	swait.ge [sflag:s26], $0x500  }
0x1c6: {  	[sflag:s26] =	ssyncset.done $0x0  }
0x1c7: {  	[sflag:s26] =	ssyncadd.s32 $0xFFFFFB00  }
0x1c8: {  	_ =	swait.ge [sflag:s26], $0x500  }
0x1c9: {  	[sflag:s26] =	ssyncset.done $0x0  }
0x1ca: {  	[sflag:s26] =	ssyncadd.s32 $0xFFFFFB00  }
0x1cb: {  	_ =	swait.ge [sflag:s26], $0x500  }
0x1cc: {  	[sflag:s26] =	ssyncset.done $0x0  }
0x1cd: {  	s2 =	simm.s32 $0x4B0;
	[sflag:s26] =	ssyncadd.s32 $0xFFFFFB00  }
0x1ce: {  	[spmem:s3] =	stream.indirect.scatter.add.f32 [tilespmem:s31], [sflag:$0x4], $0x10, s2, s10, $0xb8;
	[tilespmem:$0x1C520] =	vst v63  }
0x1cf: {  	s2 =	simm.s32 $0x500  }
0x1d0: {  	[spmem:s3] =	stream.indirect.scatter.add.f32 [tilespmem:s12], [sflag:$0x4], $0x10, s2, s10, $0xb8;
	[tilespmem:$0x1C520] =	vst v63  }
0x1d1: {  	s2 =	simm.s32 $0x550  }
0x1d2: {  	[spmem:s3] =	stream.indirect.scatter.add.f32 [tilespmem:s14], [sflag:$0x4], $0x10, s2, s10, $0xb8;
	[tilespmem:$0x1C520] =	vst v63  }
0x1d3: {  	s2 =	simm.s32 $0x5A0  }
0x1d4: {  	[spmem:s3] =	stream.indirect.scatter.add.f32 [tilespmem:s16], [sflag:$0x4], $0x10, s2, s10, $0xb8;
	[tilespmem:$0x1C520] =	vst v63  }
0x1d5: {  	s2 =	simm.s32 $0x5F0  }
0x1d6: {  	[spmem:s3] =	stream.indirect.scatter.add.f32 [tilespmem:s18], [sflag:$0x4], $0x10, s2, s10, $0xb8;
	[tilespmem:$0x1C520] =	vst v63  }
0x1d7: {  	_ =	swait.ge [sflag:s17], $0x500  }
0x1d8: {  	[sflag:s17] =	ssyncset.done $0x0  }
0x1d9: {  	[sflag:s17] =	ssyncadd.s32 $0xFFFFFB00  }
0x1da: {  	_ =	swait.ge [sflag:s17], $0x500  }
0x1db: {  	[sflag:s17] =	ssyncset.done $0x0  }
0x1dc: {  	[sflag:s17] =	ssyncadd.s32 $0xFFFFFB00  }
0x1dd: {  	_ =	swait.ge [sflag:s17], $0x500  }
0x1de: {  	[sflag:s17] =	ssyncset.done $0x0  }
0x1df: {  	[sflag:s17] =	ssyncadd.s32 $0xFFFFFB00  }
0x1e0: {  	_ =	swait.ge [sflag:s17], $0x500  }
0x1e1: {  	[sflag:s17] =	ssyncset.done $0x0  }
0x1e2: {  	[sflag:s17] =	ssyncadd.s32 $0xFFFFFB00  }
0x1e3: {  	_ =	swait.ge [sflag:s17], $0x500  }
0x1e4: {  	[sflag:s17] =	ssyncset.done $0x0  }
0x1e5: {  	[sflag:s17] =	ssyncadd.s32 $0xFFFFFB00  }
0x1e6: {  	_ =	swait.ge [sflag:s9], $0x320  }
0x1e7: {  	[sflag:s9] =	ssyncset.done $0x0  }
0x1e8: {  	[sflag:s9] =	ssyncadd.s32 $0xFFFFFCE0  }
0x1e9: {  	_ =	swait.ge [sflag:s9], $0x320  }
0x1ea: {  	[sflag:s9] =	ssyncset.done $0x0  }
0x1eb: {  	[sflag:s9] =	ssyncadd.s32 $0xFFFFFCE0  }
0x1ec: {  	[tilespmem:s19], [sflag:$0x1] =	stream.indirect.gather [hbm4b:s6+s10], $0x10, s23, s10, $0xb8;
	[tilespmem:$0x1C520] =	vst v63  }
0x1ed: {  	s23 =	simm.s32 $0x690  }
0x1ee: {  	[tilespmem:s20], [sflag:$0x1] =	stream.indirect.gather [hbm4b:s6+s10], $0x10, s23, s10, $0xb8;
	[tilespmem:$0x1C520] =	vst v63  }
0x1ef: {  	s23 =	simm.s32 $0x6E0  }
0x1f0: {  	[tilespmem:s25], [sflag:$0x1] =	stream.indirect.gather [hbm4b:s6+s10], $0x10, s23, s10, $0xb8;
	[tilespmem:$0x1C520] =	vst v63  }
0x1f1: {  	s23 =	simm.s32 $0x730  }
0x1f2: {  	[tilespmem:s28], [sflag:$0x1] =	stream.indirect.gather [hbm4b:s6+s10], $0x10, s23, s10, $0xb8;
	[tilespmem:$0x1C520] =	vst v63  }
0x1f3: {  	s23 =	simm.s32 $0x780  }
0x1f4: {  	[tilespmem:s22], [sflag:$0x1] =	stream.indirect.gather [hbm4b:s6+s10], $0x10, s23, s10, $0xb8;
	[tilespmem:$0x1C520] =	vst v63  }
0x1f5: {  	_ =	swait.ge [sflag:s7], $0x500  }
0x1f6: {  	[sflag:s7] =	ssyncset.done $0x0  }
0x1f7: {  	[sflag:s7] =	ssyncadd.s32 $0xFFFFFB00  }
0x1f8: {  	_ =	swait.ge [sflag:s7], $0x500  }
0x1f9: {  	[sflag:s7] =	ssyncset.done $0x0  }
0x1fa: {  	[sflag:s7] =	ssyncadd.s32 $0xFFFFFB00  }
0x1fb: {  	_ =	swait.ge [sflag:s7], $0x500  }
0x1fc: {  	[sflag:s7] =	ssyncset.done $0x0  }
0x1fd: {  	[sflag:s7] =	ssyncadd.s32 $0xFFFFFB00  }
0x1fe: {  	p3 =	seq.s32 s21, $0x60E0;
	s2 =	smov.u32 s15;
	_ =	swait.ge [sflag:s7], $0x500  }
0x1ff: {  	s2 =	simm.s32 @p3 $0x0;
	[sflag:s7] =	ssyncset.done $0x0  }
0x200: {  	s2 =	sadd.s32 s29, s2;
	[sflag:s7] =	ssyncadd.s32 $0xFFFFFB00  }
0x201: {  	s2 =	smul.u32 $0x32, s2;
	_ =	swait.ge [sflag:s7], $0x500  }
0x202: {  	[sflag:s7] =	ssyncset.done $0x0  }
0x203: {  	s21 =	smov.u32 s11;
	s11 =	sadd.s32 s11, s2;
	[sflag:s7] =	ssyncadd.s32 $0xFFFFFB00  }
0x204: {  	[tilespmem:s4], [sflag:$0x5] =	stream.linear.gather [hbm4b:s11+s4], $0x320, $0x38;
	[tilespmem:$0x1C520] =	vst v63  }
0x205: {  	s2 =	sadd.s32 s1, s2  }
0x206: {  	[tilespmem:s0], [sflag:$0x5] =	stream.linear.gather [hbm4b:s2+s4], $0x320, $0x38;
	[tilespmem:$0x1C520] =	vst v63  }
0x207: {  	s23 =	simm.s32 $0x7D0  }
0x208: {  	[tilespmem:s31], [sflag:$0x2] =	stream.indirect.gather [hbm4b:s6+s10], $0x10, s23, s10, $0xb8;
	[tilespmem:$0x1C520] =	vst v63  }
0x209: {  	s23 =	simm.s32 $0x820  }
0x20a: {  	[tilespmem:s12], [sflag:$0x2] =	stream.indirect.gather [hbm4b:s6+s10], $0x10, s23, s10, $0xb8;
	[tilespmem:$0x1C520] =	vst v63  }
0x20b: {  	s23 =	simm.s32 $0x870  }
0x20c: {  	[tilespmem:s14], [sflag:$0x2] =	stream.indirect.gather [hbm4b:s6+s10], $0x10, s23, s10, $0xb8;
	[tilespmem:$0x1C520] =	vst v63  }
0x20d: {  	s23 =	simm.s32 $0x8C0  }
0x20e: {  	[tilespmem:s16], [sflag:$0x2] =	stream.indirect.gather [hbm4b:s6+s10], $0x10, s23, s10, $0xb8;
	[tilespmem:$0x1C520] =	vst v63  }
0x20f: {  	s23 =	simm.s32 $0x910  }
0x210: {  	[tilespmem:s18], [sflag:$0x2] =	stream.indirect.gather [hbm4b:s6+s10], $0x10, s23, s10, $0xb8;
	[tilespmem:$0x1C520] =	vst v63  }
0x211: {  	_ =	swait.ge [sflag:s24], $0x500  }
0x212: {  	[sflag:s24] =	ssyncset.done $0x0  }
0x213: {  	[sflag:s24] =	ssyncadd.s32 $0xFFFFFB00  }
0x214: {  	_ =	swait.ge [sflag:s24], $0x500  }
0x215: {  	[sflag:s24] =	ssyncset.done $0x0  }
0x216: {  	[sflag:s24] =	ssyncadd.s32 $0xFFFFFB00  }
0x217: {  	_ =	swait.ge [sflag:s24], $0x500  }
0x218: {  	[sflag:s24] =	ssyncset.done $0x0  }
0x219: {  	[sflag:s24] =	ssyncadd.s32 $0xFFFFFB00  }
0x21a: {  	_ =	swait.ge [sflag:s24], $0x500  }
0x21b: {  	[sflag:s24] =	ssyncset.done $0x0  }
0x21c: {  	[sflag:s24] =	ssyncadd.s32 $0xFFFFFB00  }
0x21d: {  	_ =	swait.ge [sflag:s24], $0x500  }
0x21e: {  	[sflag:s24] =	ssyncset.done $0x0  }
0x21f: {  	[sflag:s24] =	ssyncadd.s32 $0xFFFFFB00  }
0x220: {  	[spmem:s3] =	stream.indirect.scatter.add.f32 [tilespmem:s19], [sflag:$0x3], $0x10, s8, s10, $0xb8;
	[tilespmem:$0x1C520] =	vst v63  }
0x221: {  	s23 =	simm.s32 $0x9B0  }
0x222: {  	[spmem:s3] =	stream.indirect.scatter.add.f32 [tilespmem:s20], [sflag:$0x3], $0x10, s23, s10, $0xb8;
	[tilespmem:$0x1C520] =	vst v63  }
0x223: {  	s23 =	simm.s32 $0xA00  }
0x224: {  	[spmem:s3] =	stream.indirect.scatter.add.f32 [tilespmem:s25], [sflag:$0x3], $0x10, s23, s10, $0xb8;
	[tilespmem:$0x1C520] =	vst v63  }
0x225: {  	s8 =	simm.s32 $0xA50  }
0x226: {  	[spmem:s3] =	stream.indirect.scatter.add.f32 [tilespmem:s28], [sflag:$0x3], $0x10, s8, s10, $0xb8;
	[tilespmem:$0x1C520] =	vst v63  }
0x227: {  	s23 =	simm.s32 $0xAA0  }
0x228: {  	[spmem:s3] =	stream.indirect.scatter.add.f32 [tilespmem:s22], [sflag:$0x3], $0x10, s23, s10, $0xb8;
	[tilespmem:$0x1C520] =	vst v63  }
0x229: {  	_ =	swait.ge [sflag:s26], $0x500  }
0x22a: {  	[sflag:s26] =	ssyncset.done $0x0  }
0x22b: {  	[sflag:s26] =	ssyncadd.s32 $0xFFFFFB00  }
0x22c: {  	_ =	swait.ge [sflag:s26], $0x500  }
0x22d: {  	[sflag:s26] =	ssyncset.done $0x0  }
0x22e: {  	[sflag:s26] =	ssyncadd.s32 $0xFFFFFB00  }
0x22f: {  	_ =	swait.ge [sflag:s26], $0x500  }
0x230: {  	[sflag:s26] =	ssyncset.done $0x0  }
0x231: {  	[sflag:s26] =	ssyncadd.s32 $0xFFFFFB00  }
0x232: {  	_ =	swait.ge [sflag:s26], $0x500  }
0x233: {  	[sflag:s26] =	ssyncset.done $0x0  }
0x234: {  	[sflag:s26] =	ssyncadd.s32 $0xFFFFFB00  }
0x235: {  	_ =	swait.ge [sflag:s26], $0x500  }
0x236: {  	[sflag:s26] =	ssyncset.done $0x0  }
0x237: {  	s8 =	simm.s32 $0xAF0;
	[sflag:s26] =	ssyncadd.s32 $0xFFFFFB00  }
0x238: {  	[spmem:s3] =	stream.indirect.scatter.add.f32 [tilespmem:s31], [sflag:$0x4], $0x10, s8, s10, $0xb8;
	[tilespmem:$0x1C520] =	vst v63  }
0x239: {  	s23 =	simm.s32 $0xB40  }
0x23a: {  	[spmem:s3] =	stream.indirect.scatter.add.f32 [tilespmem:s12], [sflag:$0x4], $0x10, s23, s10, $0xb8;
	[tilespmem:$0x1C520] =	vst v63  }
0x23b: {  	s8 =	simm.s32 $0xB90  }
0x23c: {  	[spmem:s3] =	stream.indirect.scatter.add.f32 [tilespmem:s14], [sflag:$0x4], $0x10, s8, s10, $0xb8;
	[tilespmem:$0x1C520] =	vst v63  }
0x23d: {  	s23 =	simm.s32 $0xBE0  }
0x23e: {  	[spmem:s3] =	stream.indirect.scatter.add.f32 [tilespmem:s16], [sflag:$0x4], $0x10, s23, s10, $0xb8;
	[tilespmem:$0x1C520] =	vst v63  }
0x23f: {  	s8 =	simm.s32 $0xC30  }
0x240: {  	[spmem:s3] =	stream.indirect.scatter.add.f32 [tilespmem:s18], [sflag:$0x4], $0x10, s8, s10, $0xb8;
	[tilespmem:$0x1C520] =	vst v63  }
0x241: {  	_ =	swait.ge [sflag:s17], $0x500  }
0x242: {  	[sflag:s17] =	ssyncset.done $0x0  }
0x243: {  	[sflag:s17] =	ssyncadd.s32 $0xFFFFFB00  }
0x244: {  	_ =	swait.ge [sflag:s17], $0x500  }
0x245: {  	[sflag:s17] =	ssyncset.done $0x0  }
0x246: {  	[sflag:s17] =	ssyncadd.s32 $0xFFFFFB00  }
0x247: {  	_ =	swait.ge [sflag:s17], $0x500  }
0x248: {  	[sflag:s17] =	ssyncset.done $0x0  }
0x249: {  	[sflag:s17] =	ssyncadd.s32 $0xFFFFFB00  }
0x24a: {  	_ =	swait.ge [sflag:s17], $0x500  }
0x24b: {  	[sflag:s17] =	ssyncset.done $0x0  }
0x24c: {  	[sflag:s17] =	ssyncadd.s32 $0xFFFFFB00  }
0x24d: {  	_ =	swait.ge [sflag:s17], $0x500  }
0x24e: {  	[sflag:s17] =	ssyncset.done $0x0  }
0x24f: {  	[sflag:s17] =	ssyncadd.s32 $0xFFFFFB00  }
0x250: {  	_ =	swait.ge [sflag:s9], $0x320  }
0x251: {  	[sflag:s9] =	ssyncset.done $0x0  }
0x252: {  	[sflag:s9] =	ssyncadd.s32 $0xFFFFFCE0  }
0x253: {  	_ =	swait.ge [sflag:s9], $0x320  }
0x254: {  	[sflag:s9] =	ssyncset.done $0x0  }
0x255: {  	[sflag:s9] =	ssyncadd.s32 $0xFFFFFCE0  }
0x256: {  	[tilespmem:s19], [sflag:$0x1] =	stream.indirect.gather [hbm4b:s6+s10], $0x10, s4, s10, $0xb8;
	[tilespmem:$0x1C520] =	vst v63  }
0x257: {  	p2 =	sne.s32 s13, $0x60E0  }
0x258: {  	[tilespmem:s20], [sflag:$0x1] =	stream.indirect.gather [hbm4b:s6+s10], $0x10, s10, s10, $0xb8;
	[tilespmem:$0x1C520] =	vst v63  }
.Ltmp4:
0x259: {  	_ = 	snop;
	(pc) =	sbr.rel @p2 .LBB2_8-.Ltmp4, $4  }
0x25a: {  	s2 =	simm.s32 $0xA0  }
0x25b: {  	[tilespmem:s25], [sflag:$0x1] =	stream.indirect.gather [hbm4b:s6+s10], $0x10, s2, s10, $0xb8;
	[tilespmem:$0x1C520] =	vst v63  }
0x25c: {  	s13 =	sadd.s32 $0xC8, s13;
	s15 =	sadd.s32 $0x4, s15;
	s23 =	simm.s32 $0xF0  }
0x25d: {  	[tilespmem:s28], [sflag:$0x1] =	stream.indirect.gather [hbm4b:s6+s10], $0x10, s23, s10, $0xb8;
	[tilespmem:$0x1C520] =	vst v63  }
.Ltmp5:
0x25e: {  	(pc) =	sbr.rel .LBB2_10-.Ltmp5, $4  }
0x25f: {  	s13 =	rddreg [dreg:$0x1c]  }
0x260: {  	s1 =	rddreg [dreg:$0x5]  }
0x261: {  	s0 =	simm.s32 $0x140;
	s15 =	rddreg [dreg:$0x17]  }
0x262: {  	[tilespmem:s22], [sflag:$0x1] =	stream.indirect.gather [hbm4b:s6+s10], $0x10, s0, s10, $0xb8;
	[tilespmem:$0x1C520] =	vst v63  }
.LBB2_4:
0x263: {  	s13 =	simm.s32 $0x0  }
0x264: {  	[tilespmem:s19], [sflag:$0x1] =	stream.indirect.gather [hbm4b:s5+s10], $0x10, s13, s10, $0xb8;
	[tilespmem:$0x1C520] =	vst v63  }
0x265: {  	_ = 	snop  }
0x266: {  	[tilespmem:s20], [sflag:$0x1] =	stream.indirect.gather [hbm4b:s5+s10], $0x10, s10, s10, $0xb8;
	[tilespmem:$0x1C520] =	vst v63  }
0x267: {  	s2 =	simm.s32 $0xA0  }
0x268: {  	[tilespmem:s25], [sflag:$0x1] =	stream.indirect.gather [hbm4b:s5+s10], $0x10, s2, s10, $0xb8;
	[tilespmem:$0x1C520] =	vst v63  }
0x269: {  	s2 =	simm.s32 $0xF0  }
0x26a: {  	[tilespmem:s28], [sflag:$0x1] =	stream.indirect.gather [hbm4b:s5+s10], $0x10, s2, s10, $0xb8;
	[tilespmem:$0x1C520] =	vst v63  }
0x26b: {  	s2 =	simm.s32 $0x140  }
0x26c: {  	[tilespmem:s22], [sflag:$0x1] =	stream.indirect.gather [hbm4b:s5+s10], $0x10, s2, s10, $0xb8;
	[tilespmem:$0x1C520] =	vst v63  }
0x26d: {  	_ =	swait.ge [sflag:s7], $0x500  }
0x26e: {  	[sflag:s7] =	ssyncset.done $0x0  }
0x26f: {  	[sflag:s7] =	ssyncadd.s32 $0xFFFFFB00  }
0x270: {  	_ =	swait.ge [sflag:s7], $0x500  }
0x271: {  	[sflag:s7] =	ssyncset.done $0x0  }
0x272: {  	[sflag:s7] =	ssyncadd.s32 $0xFFFFFB00  }
0x273: {  	_ =	swait.ge [sflag:s7], $0x500  }
0x274: {  	[sflag:s7] =	ssyncset.done $0x0  }
0x275: {  	[sflag:s7] =	ssyncadd.s32 $0xFFFFFB00  }
0x276: {  	_ =	swait.ge [sflag:s7], $0x500  }
0x277: {  	[sflag:s7] =	ssyncset.done $0x0  }
0x278: {  	[sflag:s7] =	ssyncadd.s32 $0xFFFFFB00  }
0x279: {  	_ =	swait.ge [sflag:s7], $0x500  }
0x27a: {  	[sflag:s7] =	ssyncset.done $0x0  }
0x27b: {  	s13 =	sadd.s32 $0x0, s30;
	s2 =	simm.s32 $0x640;
	[sflag:s7] =	ssyncadd.s32 $0xFFFFFB00  }
0x27c: {  	[tilespmem:s2], [sflag:$0x5] =	stream.linear.gather [hbm4b:s13+s4], $0x320, $0x38;
	[tilespmem:$0x1C520] =	vst v63  }
0x27d: {  	s1 =	sadd.s32 $0x0, s1  }
0x27e: {  	[tilespmem:s8], [sflag:$0x5] =	stream.linear.gather [hbm4b:s1+s4], $0x320, $0x38;
	[tilespmem:$0x1C520] =	vst v63  }
0x27f: {  	_ = 	snop  }
0x280: {  	[tilespmem:s31], [sflag:$0x2] =	stream.indirect.gather [hbm4b:s5+s10], $0x10, s23, s10, $0xb8;
	[tilespmem:$0x1C520] =	vst v63  }
0x281: {  	s1 =	simm.s32 $0x1E0  }
0x282: {  	[tilespmem:s12], [sflag:$0x2] =	stream.indirect.gather [hbm4b:s5+s10], $0x10, s1, s10, $0xb8;
	[tilespmem:$0x1C520] =	vst v63  }
0x283: {  	s23 =	simm.s32 $0x230  }
0x284: {  	[tilespmem:s14], [sflag:$0x2] =	stream.indirect.gather [hbm4b:s5+s10], $0x10, s23, s10, $0xb8;
	[tilespmem:$0x1C520] =	vst v63  }
0x285: {  	s1 =	simm.s32 $0x280  }
0x286: {  	[tilespmem:s16], [sflag:$0x2] =	stream.indirect.gather [hbm4b:s5+s10], $0x10, s1, s10, $0xb8;
	[tilespmem:$0x1C520] =	vst v63  }
0x287: {  	s23 =	simm.s32 $0x2D0  }
0x288: {  	[tilespmem:s18], [sflag:$0x2] =	stream.indirect.gather [hbm4b:s5+s10], $0x10, s23, s10, $0xb8;
	[tilespmem:$0x1C520] =	vst v63  }
0x289: {  	_ =	swait.ge [sflag:s24], $0x500  }
0x28a: {  	[sflag:s24] =	ssyncset.done $0x0  }
0x28b: {  	[sflag:s24] =	ssyncadd.s32 $0xFFFFFB00  }
0x28c: {  	_ =	swait.ge [sflag:s24], $0x500  }
0x28d: {  	[sflag:s24] =	ssyncset.done $0x0  }
0x28e: {  	[sflag:s24] =	ssyncadd.s32 $0xFFFFFB00  }
0x28f: {  	_ =	swait.ge [sflag:s24], $0x500  }
0x290: {  	[sflag:s24] =	ssyncset.done $0x0  }
0x291: {  	[sflag:s24] =	ssyncadd.s32 $0xFFFFFB00  }
0x292: {  	_ =	swait.ge [sflag:s24], $0x500  }
0x293: {  	[sflag:s24] =	ssyncset.done $0x0  }
0x294: {  	[sflag:s24] =	ssyncadd.s32 $0xFFFFFB00  }
0x295: {  	_ =	swait.ge [sflag:s24], $0x500  }
0x296: {  	[sflag:s24] =	ssyncset.done $0x0  }
0x297: {  	[sflag:s24] =	ssyncadd.s32 $0xFFFFFB00  }
0x298: {  	[spmem:s3] =	stream.indirect.scatter.add.f32 [tilespmem:s19], [sflag:$0x3], $0x10, s0, s10, $0xb8;
	[tilespmem:$0x1C520] =	vst v63  }
0x299: {  	s1 =	simm.s32 $0x370  }
0x29a: {  	[spmem:s3] =	stream.indirect.scatter.add.f32 [tilespmem:s20], [sflag:$0x3], $0x10, s1, s10, $0xb8;
	[tilespmem:$0x1C520] =	vst v63  }
0x29b: {  	_ = 	snop  }
0x29c: {  	[spmem:s3] =	stream.indirect.scatter.add.f32 [tilespmem:s25], [sflag:$0x3], $0x10, s11, s10, $0xb8;
	[tilespmem:$0x1C520] =	vst v63  }
0x29d: {  	_ = 	snop  }
0x29e: {  	[spmem:s3] =	stream.indirect.scatter.add.f32 [tilespmem:s28], [sflag:$0x3], $0x10, s29, s10, $0xb8;
	[tilespmem:$0x1C520] =	vst v63  }
0x29f: {  	_ = 	snop  }
0x2a0: {  	[spmem:s3] =	stream.indirect.scatter.add.f32 [tilespmem:s22], [sflag:$0x3], $0x10, s15, s10, $0xb8;
	[tilespmem:$0x1C520] =	vst v63  }
0x2a1: {  	_ =	swait.ge [sflag:s26], $0x500  }
0x2a2: {  	[sflag:s26] =	ssyncset.done $0x0  }
0x2a3: {  	[sflag:s26] =	ssyncadd.s32 $0xFFFFFB00  }
0x2a4: {  	_ =	swait.ge [sflag:s26], $0x500  }
0x2a5: {  	[sflag:s26] =	ssyncset.done $0x0  }
0x2a6: {  	[sflag:s26] =	ssyncadd.s32 $0xFFFFFB00  }
0x2a7: {  	_ =	swait.ge [sflag:s26], $0x500  }
0x2a8: {  	[sflag:s26] =	ssyncset.done $0x0  }
0x2a9: {  	[sflag:s26] =	ssyncadd.s32 $0xFFFFFB00  }
0x2aa: {  	_ =	swait.ge [sflag:s26], $0x500  }
0x2ab: {  	[sflag:s26] =	ssyncset.done $0x0  }
0x2ac: {  	[sflag:s26] =	ssyncadd.s32 $0xFFFFFB00  }
0x2ad: {  	_ =	swait.ge [sflag:s26], $0x500  }
0x2ae: {  	[sflag:s26] =	ssyncset.done $0x0  }
0x2af: {  	s13 =	simm.s32 $0x4B0;
	[sflag:s26] =	ssyncadd.s32 $0xFFFFFB00  }
0x2b0: {  	[spmem:s3] =	stream.indirect.scatter.add.f32 [tilespmem:s31], [sflag:$0x4], $0x10, s13, s10, $0xb8;
	[tilespmem:$0x1C520] =	vst v63  }
0x2b1: {  	s15 =	simm.s32 $0x500  }
0x2b2: {  	[spmem:s3] =	stream.indirect.scatter.add.f32 [tilespmem:s12], [sflag:$0x4], $0x10, s15, s10, $0xb8;
	[tilespmem:$0x1C520] =	vst v63  }
0x2b3: {  	s23 =	simm.s32 $0x550  }
0x2b4: {  	[spmem:s3] =	stream.indirect.scatter.add.f32 [tilespmem:s14], [sflag:$0x4], $0x10, s23, s10, $0xb8;
	[tilespmem:$0x1C520] =	vst v63  }
0x2b5: {  	s29 =	simm.s32 $0x5A0  }
0x2b6: {  	[spmem:s3] =	stream.indirect.scatter.add.f32 [tilespmem:s16], [sflag:$0x4], $0x10, s29, s10, $0xb8;
	[tilespmem:$0x1C520] =	vst v63  }
0x2b7: {  	s1 =	simm.s32 $0x5F0  }
0x2b8: {  	[spmem:s3] =	stream.indirect.scatter.add.f32 [tilespmem:s18], [sflag:$0x4], $0x10, s1, s10, $0xb8;
	[tilespmem:$0x1C520] =	vst v63  }
0x2b9: {  	_ =	swait.ge [sflag:s17], $0x500  }
0x2ba: {  	[sflag:s17] =	ssyncset.done $0x0  }
0x2bb: {  	[sflag:s17] =	ssyncadd.s32 $0xFFFFFB00  }
0x2bc: {  	_ =	swait.ge [sflag:s17], $0x500  }
0x2bd: {  	[sflag:s17] =	ssyncset.done $0x0  }
0x2be: {  	[sflag:s17] =	ssyncadd.s32 $0xFFFFFB00  }
0x2bf: {  	_ =	swait.ge [sflag:s17], $0x500  }
0x2c0: {  	[sflag:s17] =	ssyncset.done $0x0  }
0x2c1: {  	[sflag:s17] =	ssyncadd.s32 $0xFFFFFB00  }
0x2c2: {  	_ =	swait.ge [sflag:s17], $0x500  }
0x2c3: {  	[sflag:s17] =	ssyncset.done $0x0  }
0x2c4: {  	[sflag:s17] =	ssyncadd.s32 $0xFFFFFB00  }
0x2c5: {  	_ =	swait.ge [sflag:s17], $0x500  }
0x2c6: {  	[sflag:s17] =	ssyncset.done $0x0  }
0x2c7: {  	[sflag:s17] =	ssyncadd.s32 $0xFFFFFB00  }
0x2c8: {  	_ =	swait.ge [sflag:s9], $0x320  }
0x2c9: {  	[sflag:s9] =	ssyncset.done $0x0  }
0x2ca: {  	[sflag:s9] =	ssyncadd.s32 $0xFFFFFCE0  }
0x2cb: {  	_ =	swait.ge [sflag:s9], $0x320  }
0x2cc: {  	[sflag:s9] =	ssyncset.done $0x0  }
0x2cd: {  	[sflag:s9] =	ssyncadd.s32 $0xFFFFFCE0  }
0x2ce: {  	[tilespmem:s19], [sflag:$0x1] =	stream.indirect.gather [hbm4b:s5+s10], $0x10, s2, s10, $0xb8;
	[tilespmem:$0x1C520] =	vst v63  }
0x2cf: {  	s13 =	simm.s32 $0x690  }
0x2d0: {  	[tilespmem:s20], [sflag:$0x1] =	stream.indirect.gather [hbm4b:s5+s10], $0x10, s13, s10, $0xb8;
	[tilespmem:$0x1C520] =	vst v63  }
0x2d1: {  	s15 =	simm.s32 $0x6E0  }
0x2d2: {  	[tilespmem:s25], [sflag:$0x1] =	stream.indirect.gather [hbm4b:s5+s10], $0x10, s15, s10, $0xb8;
	[tilespmem:$0x1C520] =	vst v63  }
0x2d3: {  	s23 =	simm.s32 $0x730  }
0x2d4: {  	[tilespmem:s28], [sflag:$0x1] =	stream.indirect.gather [hbm4b:s5+s10], $0x10, s23, s10, $0xb8;
	[tilespmem:$0x1C520] =	vst v63  }
0x2d5: {  	s29 =	simm.s32 $0x780  }
0x2d6: {  	[tilespmem:s22], [sflag:$0x1] =	stream.indirect.gather [hbm4b:s5+s10], $0x10, s29, s10, $0xb8;
	[tilespmem:$0x1C520] =	vst v63  }
0x2d7: {  	_ =	swait.ge [sflag:s7], $0x500  }
0x2d8: {  	[sflag:s7] =	ssyncset.done $0x0  }
0x2d9: {  	[sflag:s7] =	ssyncadd.s32 $0xFFFFFB00  }
0x2da: {  	_ =	swait.ge [sflag:s7], $0x500  }
0x2db: {  	[sflag:s7] =	ssyncset.done $0x0  }
0x2dc: {  	[sflag:s7] =	ssyncadd.s32 $0xFFFFFB00  }
0x2dd: {  	_ =	swait.ge [sflag:s7], $0x500  }
0x2de: {  	[sflag:s7] =	ssyncset.done $0x0  }
0x2df: {  	[sflag:s7] =	ssyncadd.s32 $0xFFFFFB00  }
0x2e0: {  	p2 =	por $0x0, $0x0;
	s13 =	simm.s32 $0x4;
	_ =	swait.ge [sflag:s7], $0x500  }
0x2e1: {  	s13 =	simm.s32 @p2 $0x0;
	[sflag:s7] =	ssyncset.done $0x0;
	s2 =	rddreg [dreg:$0x16]  }
0x2e2: {  	s13 =	sadd.s32 s2, s13;
	[sflag:s7] =	ssyncadd.s32 $0xFFFFFB00  }
0x2e3: {  	s13 =	smul.u32 $0x32, s13;
	_ =	swait.ge [sflag:s7], $0x500  }
0x2e4: {  	[sflag:s7] =	ssyncset.done $0x0  }
0x2e5: {  	[sflag:s7] =	ssyncadd.s32 $0xFFFFFB00;
	s1 =	sadd.s32 s21, s13  }
0x2e6: {  	[tilespmem:s4], [sflag:$0x5] =	stream.linear.gather [hbm4b:s1+s4], $0x320, $0x38;
	[tilespmem:$0x1C520] =	vst v63  }
0x2e7: {  	s11 =	rddreg [dreg:$0x2]  }
0x2e8: {  	s13 =	sadd.s32 s11, s13  }
0x2e9: {  	[tilespmem:s0], [sflag:$0x5] =	stream.linear.gather [hbm4b:s13+s4], $0x320, $0x38;
	[tilespmem:$0x1C520] =	vst v63  }
0x2ea: {  	s15 =	simm.s32 $0x7D0  }
0x2eb: {  	[tilespmem:s31], [sflag:$0x2] =	stream.indirect.gather [hbm4b:s5+s10], $0x10, s15, s10, $0xb8;
	[tilespmem:$0x1C520] =	vst v63  }
0x2ec: {  	s23 =	simm.s32 $0x820  }
0x2ed: {  	[tilespmem:s12], [sflag:$0x2] =	stream.indirect.gather [hbm4b:s5+s10], $0x10, s23, s10, $0xb8;
	[tilespmem:$0x1C520] =	vst v63  }
0x2ee: {  	s29 =	simm.s32 $0x870  }
0x2ef: {  	[tilespmem:s14], [sflag:$0x2] =	stream.indirect.gather [hbm4b:s5+s10], $0x10, s29, s10, $0xb8;
	[tilespmem:$0x1C520] =	vst v63  }
0x2f0: {  	s1 =	simm.s32 $0x8C0  }
0x2f1: {  	[tilespmem:s16], [sflag:$0x2] =	stream.indirect.gather [hbm4b:s5+s10], $0x10, s1, s10, $0xb8;
	[tilespmem:$0x1C520] =	vst v63  }
0x2f2: {  	s11 =	simm.s32 $0x910  }
0x2f3: {  	[tilespmem:s18], [sflag:$0x2] =	stream.indirect.gather [hbm4b:s5+s10], $0x10, s11, s10, $0xb8;
	[tilespmem:$0x1C520] =	vst v63  }
0x2f4: {  	_ =	swait.ge [sflag:s24], $0x500  }
0x2f5: {  	[sflag:s24] =	ssyncset.done $0x0  }
0x2f6: {  	[sflag:s24] =	ssyncadd.s32 $0xFFFFFB00  }
0x2f7: {  	_ =	swait.ge [sflag:s24], $0x500  }
0x2f8: {  	[sflag:s24] =	ssyncset.done $0x0  }
0x2f9: {  	[sflag:s24] =	ssyncadd.s32 $0xFFFFFB00  }
0x2fa: {  	_ =	swait.ge [sflag:s24], $0x500  }
0x2fb: {  	[sflag:s24] =	ssyncset.done $0x0  }
0x2fc: {  	[sflag:s24] =	ssyncadd.s32 $0xFFFFFB00  }
0x2fd: {  	_ =	swait.ge [sflag:s24], $0x500  }
0x2fe: {  	[sflag:s24] =	ssyncset.done $0x0  }
0x2ff: {  	[sflag:s24] =	ssyncadd.s32 $0xFFFFFB00  }
0x300: {  	_ =	swait.ge [sflag:s24], $0x500  }
0x301: {  	[sflag:s24] =	ssyncset.done $0x0  }
0x302: {  	[sflag:s24] =	ssyncadd.s32 $0xFFFFFB00  }
0x303: {  	[spmem:s3] =	stream.indirect.scatter.add.f32 [tilespmem:s19], [sflag:$0x3], $0x10, s8, s10, $0xb8;
	[tilespmem:$0x1C520] =	vst v63  }
0x304: {  	s13 =	simm.s32 $0x9B0  }
0x305: {  	[spmem:s3] =	stream.indirect.scatter.add.f32 [tilespmem:s20], [sflag:$0x3], $0x10, s13, s10, $0xb8;
	[tilespmem:$0x1C520] =	vst v63  }
0x306: {  	s15 =	simm.s32 $0xA00  }
0x307: {  	[spmem:s3] =	stream.indirect.scatter.add.f32 [tilespmem:s25], [sflag:$0x3], $0x10, s15, s10, $0xb8;
	[tilespmem:$0x1C520] =	vst v63  }
0x308: {  	s23 =	simm.s32 $0xA50  }
0x309: {  	[spmem:s3] =	stream.indirect.scatter.add.f32 [tilespmem:s28], [sflag:$0x3], $0x10, s23, s10, $0xb8;
	[tilespmem:$0x1C520] =	vst v63  }
0x30a: {  	s29 =	simm.s32 $0xAA0  }
0x30b: {  	[spmem:s3] =	stream.indirect.scatter.add.f32 [tilespmem:s22], [sflag:$0x3], $0x10, s29, s10, $0xb8;
	[tilespmem:$0x1C520] =	vst v63  }
0x30c: {  	_ =	swait.ge [sflag:s26], $0x500  }
0x30d: {  	[sflag:s26] =	ssyncset.done $0x0  }
0x30e: {  	[sflag:s26] =	ssyncadd.s32 $0xFFFFFB00  }
0x30f: {  	_ =	swait.ge [sflag:s26], $0x500  }
0x310: {  	[sflag:s26] =	ssyncset.done $0x0  }
0x311: {  	[sflag:s26] =	ssyncadd.s32 $0xFFFFFB00  }
0x312: {  	_ =	swait.ge [sflag:s26], $0x500  }
0x313: {  	[sflag:s26] =	ssyncset.done $0x0  }
0x314: {  	[sflag:s26] =	ssyncadd.s32 $0xFFFFFB00  }
0x315: {  	_ =	swait.ge [sflag:s26], $0x500  }
0x316: {  	[sflag:s26] =	ssyncset.done $0x0  }
0x317: {  	[sflag:s26] =	ssyncadd.s32 $0xFFFFFB00  }
0x318: {  	_ =	swait.ge [sflag:s26], $0x500  }
0x319: {  	[sflag:s26] =	ssyncset.done $0x0  }
0x31a: {  	s1 =	simm.s32 $0xAF0;
	[sflag:s26] =	ssyncadd.s32 $0xFFFFFB00  }
0x31b: {  	[spmem:s3] =	stream.indirect.scatter.add.f32 [tilespmem:s31], [sflag:$0x4], $0x10, s1, s10, $0xb8;
	[tilespmem:$0x1C520] =	vst v63  }
0x31c: {  	s8 =	simm.s32 $0xB40  }
0x31d: {  	[spmem:s3] =	stream.indirect.scatter.add.f32 [tilespmem:s12], [sflag:$0x4], $0x10, s8, s10, $0xb8;
	[tilespmem:$0x1C520] =	vst v63  }
0x31e: {  	s11 =	simm.s32 $0xB90  }
0x31f: {  	[spmem:s3] =	stream.indirect.scatter.add.f32 [tilespmem:s14], [sflag:$0x4], $0x10, s11, s10, $0xb8;
	[tilespmem:$0x1C520] =	vst v63  }
0x320: {  	s13 =	simm.s32 $0xBE0  }
0x321: {  	[spmem:s3] =	stream.indirect.scatter.add.f32 [tilespmem:s16], [sflag:$0x4], $0x10, s13, s10, $0xb8;
	[tilespmem:$0x1C520] =	vst v63  }
0x322: {  	s15 =	simm.s32 $0xC30  }
0x323: {  	[spmem:s3] =	stream.indirect.scatter.add.f32 [tilespmem:s18], [sflag:$0x4], $0x10, s15, s10, $0xb8;
	[tilespmem:$0x1C520] =	vst v63  }
0x324: {  	_ =	swait.ge [sflag:s17], $0x500  }
0x325: {  	[sflag:s17] =	ssyncset.done $0x0  }
0x326: {  	[sflag:s17] =	ssyncadd.s32 $0xFFFFFB00  }
0x327: {  	_ =	swait.ge [sflag:s17], $0x500  }
0x328: {  	[sflag:s17] =	ssyncset.done $0x0  }
0x329: {  	[sflag:s17] =	ssyncadd.s32 $0xFFFFFB00  }
0x32a: {  	_ =	swait.ge [sflag:s17], $0x500  }
0x32b: {  	[sflag:s17] =	ssyncset.done $0x0  }
0x32c: {  	[sflag:s17] =	ssyncadd.s32 $0xFFFFFB00  }
0x32d: {  	_ =	swait.ge [sflag:s17], $0x500  }
0x32e: {  	[sflag:s17] =	ssyncset.done $0x0  }
0x32f: {  	[sflag:s17] =	ssyncadd.s32 $0xFFFFFB00  }
0x330: {  	_ =	swait.ge [sflag:s17], $0x500  }
0x331: {  	[sflag:s17] =	ssyncset.done $0x0  }
0x332: {  	[sflag:s17] =	ssyncadd.s32 $0xFFFFFB00  }
0x333: {  	_ =	swait.ge [sflag:s9], $0x320  }
0x334: {  	[sflag:s9] =	ssyncset.done $0x0  }
0x335: {  	[sflag:s9] =	ssyncadd.s32 $0xFFFFFCE0  }
0x336: {  	_ =	swait.ge [sflag:s9], $0x320  }
0x337: {  	[sflag:s9] =	ssyncset.done $0x0  }
0x338: {  	[sflag:s9] =	ssyncadd.s32 $0xFFFFFCE0  }
0x339: {  	[tilespmem:s19], [sflag:$0x1] =	stream.indirect.gather [hbm4b:s5+s10], $0x10, s4, s10, $0xb8;
	[tilespmem:$0x1C520] =	vst v63  }
0x33a: {  	s23 =	simm.s32 $0xA0  }
0x33b: {  	[tilespmem:s20], [sflag:$0x1] =	stream.indirect.gather [hbm4b:s5+s10], $0x10, s10, s10, $0xb8;
	[tilespmem:$0x1C520] =	vst v63  }
0x33c: {  	s29 =	simm.s32 $0xF0;
	s8 =	smov.u32 s30;
	s30 =	smov.u32 s2  }
0x33d: {  	[tilespmem:s25], [sflag:$0x1] =	stream.indirect.gather [hbm4b:s5+s10], $0x10, s23, s10, $0xb8;
	[tilespmem:$0x1C520] =	vst v63  }
0x33e: {  	s13 =	simm.s32 $0xC8;
	s15 =	simm.s32 $0x8;
	s23 =	smov.u32 s21  }
0x33f: {  	[tilespmem:s28], [sflag:$0x1] =	stream.indirect.gather [hbm4b:s5+s10], $0x10, s29, s10, $0xb8;
	[tilespmem:$0x1C520] =	vst v63  }
.LBB2_5:
0x340: {  	s2 =	simm.s32 $0x140  }
0x341: {  	[tilespmem:s22], [sflag:$0x1] =	stream.indirect.gather [hbm4b:s5+s10], $0x10, s2, s10, $0xb8;
	[tilespmem:$0x1C520] =	vst v63  }
0x342: {  	_ =	swait.ge [sflag:s7], $0x500  }
0x343: {  	[sflag:s7] =	ssyncset.done $0x0  }
0x344: {  	[sflag:s7] =	ssyncadd.s32 $0xFFFFFB00  }
0x345: {  	_ =	swait.ge [sflag:s7], $0x500  }
0x346: {  	[sflag:s7] =	ssyncset.done $0x0  }
0x347: {  	[sflag:s7] =	ssyncadd.s32 $0xFFFFFB00  }
0x348: {  	_ =	swait.ge [sflag:s7], $0x500  }
0x349: {  	[sflag:s7] =	ssyncset.done $0x0  }
0x34a: {  	[sflag:s7] =	ssyncadd.s32 $0xFFFFFB00  }
0x34b: {  	_ =	swait.ge [sflag:s7], $0x500  }
0x34c: {  	[sflag:s7] =	ssyncset.done $0x0  }
0x34d: {  	[sflag:s7] =	ssyncadd.s32 $0xFFFFFB00  }
0x34e: {  	_ =	swait.ge [sflag:s7], $0x500  }
0x34f: {  	s29 =	smov.u32 s13;
	s1 =	simm.s32 $0x640;
	[sflag:s7] =	ssyncset.done $0x0  }
0x350: {  	s11 =	sadd.s32 s29, s8;
	s0 =	rddreg [dreg:$0x5];
	[sflag:s7] =	ssyncadd.s32 $0xFFFFFB00  }
0x351: {  	[tilespmem:s1], [sflag:$0x5] =	stream.linear.gather [hbm4b:s11+s4], $0x320, $0x38;
	[tilespmem:$0x1C520] =	vst v63  }
0x352: {  	s2 =	sadd.s32 s29, s0;
	s0 =	simm.s32 $0x960  }
0x353: {  	[tilespmem:s0], [sflag:$0x5] =	stream.linear.gather [hbm4b:s2+s4], $0x320, $0x38;
	[tilespmem:$0x1C520] =	vst v63  }
0x354: {  	s29 =	simm.s32 $0x190  }
0x355: {  	[tilespmem:s31], [sflag:$0x2] =	stream.indirect.gather [hbm4b:s5+s10], $0x10, s29, s10, $0xb8;
	[tilespmem:$0x1C520] =	vst v63  }
0x356: {  	s29 =	simm.s32 $0x1E0  }
0x357: {  	[tilespmem:s12], [sflag:$0x2] =	stream.indirect.gather [hbm4b:s5+s10], $0x10, s29, s10, $0xb8;
	[tilespmem:$0x1C520] =	vst v63  }
0x358: {  	s29 =	simm.s32 $0x230  }
0x359: {  	[tilespmem:s14], [sflag:$0x2] =	stream.indirect.gather [hbm4b:s5+s10], $0x10, s29, s10, $0xb8;
	[tilespmem:$0x1C520] =	vst v63  }
0x35a: {  	s29 =	simm.s32 $0x280  }
0x35b: {  	[tilespmem:s16], [sflag:$0x2] =	stream.indirect.gather [hbm4b:s5+s10], $0x10, s29, s10, $0xb8;
	[tilespmem:$0x1C520] =	vst v63  }
0x35c: {  	s29 =	simm.s32 $0x2D0  }
0x35d: {  	[tilespmem:s18], [sflag:$0x2] =	stream.indirect.gather [hbm4b:s5+s10], $0x10, s29, s10, $0xb8;
	[tilespmem:$0x1C520] =	vst v63  }
0x35e: {  	_ =	swait.ge [sflag:s24], $0x500  }
0x35f: {  	[sflag:s24] =	ssyncset.done $0x0  }
0x360: {  	[sflag:s24] =	ssyncadd.s32 $0xFFFFFB00  }
0x361: {  	_ =	swait.ge [sflag:s24], $0x500  }
0x362: {  	[sflag:s24] =	ssyncset.done $0x0  }
0x363: {  	[sflag:s24] =	ssyncadd.s32 $0xFFFFFB00  }
0x364: {  	_ =	swait.ge [sflag:s24], $0x500  }
0x365: {  	[sflag:s24] =	ssyncset.done $0x0  }
0x366: {  	[sflag:s24] =	ssyncadd.s32 $0xFFFFFB00  }
0x367: {  	_ =	swait.ge [sflag:s24], $0x500  }
0x368: {  	[sflag:s24] =	ssyncset.done $0x0  }
0x369: {  	[sflag:s24] =	ssyncadd.s32 $0xFFFFFB00  }
0x36a: {  	_ =	swait.ge [sflag:s24], $0x500  }
0x36b: {  	[sflag:s24] =	ssyncset.done $0x0  }
0x36c: {  	s29 =	simm.s32 $0x320;
	[sflag:s24] =	ssyncadd.s32 $0xFFFFFB00  }
0x36d: {  	[spmem:s3] =	stream.indirect.scatter.add.f32 [tilespmem:s19], [sflag:$0x3], $0x10, s29, s10, $0xb8;
	[tilespmem:$0x1C520] =	vst v63  }
0x36e: {  	s2 =	simm.s32 $0x370  }
0x36f: {  	[spmem:s3] =	stream.indirect.scatter.add.f32 [tilespmem:s20], [sflag:$0x3], $0x10, s2, s10, $0xb8;
	[tilespmem:$0x1C520] =	vst v63  }
0x370: {  	s2 =	simm.s32 $0x3C0  }
0x371: {  	[spmem:s3] =	stream.indirect.scatter.add.f32 [tilespmem:s25], [sflag:$0x3], $0x10, s2, s10, $0xb8;
	[tilespmem:$0x1C520] =	vst v63  }
0x372: {  	s2 =	simm.s32 $0x410  }
0x373: {  	[spmem:s3] =	stream.indirect.scatter.add.f32 [tilespmem:s28], [sflag:$0x3], $0x10, s2, s10, $0xb8;
	[tilespmem:$0x1C520] =	vst v63  }
0x374: {  	s2 =	simm.s32 $0x460  }
0x375: {  	[spmem:s3] =	stream.indirect.scatter.add.f32 [tilespmem:s22], [sflag:$0x3], $0x10, s2, s10, $0xb8;
	[tilespmem:$0x1C520] =	vst v63  }
0x376: {  	_ =	swait.ge [sflag:s26], $0x500  }
0x377: {  	[sflag:s26] =	ssyncset.done $0x0  }
0x378: {  	[sflag:s26] =	ssyncadd.s32 $0xFFFFFB00  }
0x379: {  	_ =	swait.ge [sflag:s26], $0x500  }
0x37a: {  	[sflag:s26] =	ssyncset.done $0x0  }
0x37b: {  	[sflag:s26] =	ssyncadd.s32 $0xFFFFFB00  }
0x37c: {  	_ =	swait.ge [sflag:s26], $0x500  }
0x37d: {  	[sflag:s26] =	ssyncset.done $0x0  }
0x37e: {  	[sflag:s26] =	ssyncadd.s32 $0xFFFFFB00  }
0x37f: {  	_ =	swait.ge [sflag:s26], $0x500  }
0x380: {  	[sflag:s26] =	ssyncset.done $0x0  }
0x381: {  	[sflag:s26] =	ssyncadd.s32 $0xFFFFFB00  }
0x382: {  	_ =	swait.ge [sflag:s26], $0x500  }
0x383: {  	[sflag:s26] =	ssyncset.done $0x0  }
0x384: {  	s2 =	simm.s32 $0x4B0;
	[sflag:s26] =	ssyncadd.s32 $0xFFFFFB00  }
0x385: {  	[spmem:s3] =	stream.indirect.scatter.add.f32 [tilespmem:s31], [sflag:$0x4], $0x10, s2, s10, $0xb8;
	[tilespmem:$0x1C520] =	vst v63  }
0x386: {  	s2 =	simm.s32 $0x500  }
0x387: {  	[spmem:s3] =	stream.indirect.scatter.add.f32 [tilespmem:s12], [sflag:$0x4], $0x10, s2, s10, $0xb8;
	[tilespmem:$0x1C520] =	vst v63  }
0x388: {  	s2 =	simm.s32 $0x550  }
0x389: {  	[spmem:s3] =	stream.indirect.scatter.add.f32 [tilespmem:s14], [sflag:$0x4], $0x10, s2, s10, $0xb8;
	[tilespmem:$0x1C520] =	vst v63  }
0x38a: {  	s2 =	simm.s32 $0x5A0  }
0x38b: {  	[spmem:s3] =	stream.indirect.scatter.add.f32 [tilespmem:s16], [sflag:$0x4], $0x10, s2, s10, $0xb8;
	[tilespmem:$0x1C520] =	vst v63  }
0x38c: {  	s2 =	simm.s32 $0x5F0  }
0x38d: {  	[spmem:s3] =	stream.indirect.scatter.add.f32 [tilespmem:s18], [sflag:$0x4], $0x10, s2, s10, $0xb8;
	[tilespmem:$0x1C520] =	vst v63  }
0x38e: {  	_ =	swait.ge [sflag:s17], $0x500  }
0x38f: {  	[sflag:s17] =	ssyncset.done $0x0  }
0x390: {  	[sflag:s17] =	ssyncadd.s32 $0xFFFFFB00  }
0x391: {  	_ =	swait.ge [sflag:s17], $0x500  }
0x392: {  	[sflag:s17] =	ssyncset.done $0x0  }
0x393: {  	[sflag:s17] =	ssyncadd.s32 $0xFFFFFB00  }
0x394: {  	_ =	swait.ge [sflag:s17], $0x500  }
0x395: {  	[sflag:s17] =	ssyncset.done $0x0  }
0x396: {  	[sflag:s17] =	ssyncadd.s32 $0xFFFFFB00  }
0x397: {  	_ =	swait.ge [sflag:s17], $0x500  }
0x398: {  	[sflag:s17] =	ssyncset.done $0x0  }
0x399: {  	[sflag:s17] =	ssyncadd.s32 $0xFFFFFB00  }
0x39a: {  	_ =	swait.ge [sflag:s17], $0x500  }
0x39b: {  	[sflag:s17] =	ssyncset.done $0x0  }
0x39c: {  	[sflag:s17] =	ssyncadd.s32 $0xFFFFFB00  }
0x39d: {  	_ =	swait.ge [sflag:s9], $0x320  }
0x39e: {  	[sflag:s9] =	ssyncset.done $0x0  }
0x39f: {  	[sflag:s9] =	ssyncadd.s32 $0xFFFFFCE0  }
0x3a0: {  	_ =	swait.ge [sflag:s9], $0x320  }
0x3a1: {  	[sflag:s9] =	ssyncset.done $0x0  }
0x3a2: {  	[sflag:s9] =	ssyncadd.s32 $0xFFFFFCE0  }
0x3a3: {  	[tilespmem:s19], [sflag:$0x1] =	stream.indirect.gather [hbm4b:s5+s10], $0x10, s1, s10, $0xb8;
	[tilespmem:$0x1C520] =	vst v63  }
0x3a4: {  	s2 =	simm.s32 $0x690  }
0x3a5: {  	[tilespmem:s20], [sflag:$0x1] =	stream.indirect.gather [hbm4b:s5+s10], $0x10, s2, s10, $0xb8;
	[tilespmem:$0x1C520] =	vst v63  }
0x3a6: {  	s2 =	simm.s32 $0x6E0  }
0x3a7: {  	[tilespmem:s25], [sflag:$0x1] =	stream.indirect.gather [hbm4b:s5+s10], $0x10, s2, s10, $0xb8;
	[tilespmem:$0x1C520] =	vst v63  }
0x3a8: {  	s2 =	simm.s32 $0x730  }
0x3a9: {  	[tilespmem:s28], [sflag:$0x1] =	stream.indirect.gather [hbm4b:s5+s10], $0x10, s2, s10, $0xb8;
	[tilespmem:$0x1C520] =	vst v63  }
0x3aa: {  	s2 =	simm.s32 $0x780  }
0x3ab: {  	[tilespmem:s22], [sflag:$0x1] =	stream.indirect.gather [hbm4b:s5+s10], $0x10, s2, s10, $0xb8;
	[tilespmem:$0x1C520] =	vst v63  }
0x3ac: {  	_ =	swait.ge [sflag:s7], $0x500  }
0x3ad: {  	[sflag:s7] =	ssyncset.done $0x0  }
0x3ae: {  	[sflag:s7] =	ssyncadd.s32 $0xFFFFFB00  }
0x3af: {  	_ =	swait.ge [sflag:s7], $0x500  }
0x3b0: {  	[sflag:s7] =	ssyncset.done $0x0  }
0x3b1: {  	[sflag:s7] =	ssyncadd.s32 $0xFFFFFB00  }
0x3b2: {  	_ =	swait.ge [sflag:s7], $0x500  }
0x3b3: {  	[sflag:s7] =	ssyncset.done $0x0  }
0x3b4: {  	[sflag:s7] =	ssyncadd.s32 $0xFFFFFB00  }
0x3b5: {  	p2 =	seq.s32 s13, $0x60E0;
	s21 =	smov.u32 s15;
	_ =	swait.ge [sflag:s7], $0x500  }
0x3b6: {  	s21 =	simm.s32 @p2 $0x0;
	[sflag:s7] =	ssyncset.done $0x0  }
0x3b7: {  	s21 =	sadd.s32 s30, s21;
	[sflag:s7] =	ssyncadd.s32 $0xFFFFFB00  }
0x3b8: {  	s21 =	smul.u32 $0x32, s21;
	_ =	swait.ge [sflag:s7], $0x500  }
0x3b9: {  	[sflag:s7] =	ssyncset.done $0x0  }
0x3ba: {  	s1 =	sadd.s32 s23, s21;
	[sflag:s7] =	ssyncadd.s32 $0xFFFFFB00  }
0x3bb: {  	[tilespmem:s4], [sflag:$0x5] =	stream.linear.gather [hbm4b:s1+s4], $0x320, $0x38;
	[tilespmem:$0x1C520] =	vst v63  }
0x3bc: {  	s2 =	rddreg [dreg:$0x2]  }
0x3bd: {  	s21 =	sadd.s32 s2, s21  }
0x3be: {  	[tilespmem:s29], [sflag:$0x5] =	stream.linear.gather [hbm4b:s21+s4], $0x320, $0x38;
	[tilespmem:$0x1C520] =	vst v63  }
0x3bf: {  	s11 =	simm.s32 $0x7D0  }
0x3c0: {  	[tilespmem:s31], [sflag:$0x2] =	stream.indirect.gather [hbm4b:s5+s10], $0x10, s11, s10, $0xb8;
	[tilespmem:$0x1C520] =	vst v63  }
0x3c1: {  	s1 =	simm.s32 $0x820  }
0x3c2: {  	[tilespmem:s12], [sflag:$0x2] =	stream.indirect.gather [hbm4b:s5+s10], $0x10, s1, s10, $0xb8;
	[tilespmem:$0x1C520] =	vst v63  }
0x3c3: {  	s21 =	simm.s32 $0x870  }
0x3c4: {  	[tilespmem:s14], [sflag:$0x2] =	stream.indirect.gather [hbm4b:s5+s10], $0x10, s21, s10, $0xb8;
	[tilespmem:$0x1C520] =	vst v63  }
0x3c5: {  	s29 =	simm.s32 $0x8C0  }
0x3c6: {  	[tilespmem:s16], [sflag:$0x2] =	stream.indirect.gather [hbm4b:s5+s10], $0x10, s29, s10, $0xb8;
	[tilespmem:$0x1C520] =	vst v63  }
0x3c7: {  	s1 =	simm.s32 $0x910  }
0x3c8: {  	[tilespmem:s18], [sflag:$0x2] =	stream.indirect.gather [hbm4b:s5+s10], $0x10, s1, s10, $0xb8;
	[tilespmem:$0x1C520] =	vst v63  }
0x3c9: {  	_ =	swait.ge [sflag:s24], $0x500  }
0x3ca: {  	[sflag:s24] =	ssyncset.done $0x0  }
0x3cb: {  	[sflag:s24] =	ssyncadd.s32 $0xFFFFFB00  }
0x3cc: {  	_ =	swait.ge [sflag:s24], $0x500  }
0x3cd: {  	[sflag:s24] =	ssyncset.done $0x0  }
0x3ce: {  	[sflag:s24] =	ssyncadd.s32 $0xFFFFFB00  }
0x3cf: {  	_ =	swait.ge [sflag:s24], $0x500  }
0x3d0: {  	[sflag:s24] =	ssyncset.done $0x0  }
0x3d1: {  	[sflag:s24] =	ssyncadd.s32 $0xFFFFFB00  }
0x3d2: {  	_ =	swait.ge [sflag:s24], $0x500  }
0x3d3: {  	[sflag:s24] =	ssyncset.done $0x0  }
0x3d4: {  	[sflag:s24] =	ssyncadd.s32 $0xFFFFFB00  }
0x3d5: {  	_ =	swait.ge [sflag:s24], $0x500  }
0x3d6: {  	[sflag:s24] =	ssyncset.done $0x0  }
0x3d7: {  	[sflag:s24] =	ssyncadd.s32 $0xFFFFFB00  }
0x3d8: {  	[spmem:s3] =	stream.indirect.scatter.add.f32 [tilespmem:s19], [sflag:$0x3], $0x10, s0, s10, $0xb8;
	[tilespmem:$0x1C520] =	vst v63  }
0x3d9: {  	s21 =	simm.s32 $0x9B0  }
0x3da: {  	[spmem:s3] =	stream.indirect.scatter.add.f32 [tilespmem:s20], [sflag:$0x3], $0x10, s21, s10, $0xb8;
	[tilespmem:$0x1C520] =	vst v63  }
0x3db: {  	s29 =	simm.s32 $0xA00  }
0x3dc: {  	[spmem:s3] =	stream.indirect.scatter.add.f32 [tilespmem:s25], [sflag:$0x3], $0x10, s29, s10, $0xb8;
	[tilespmem:$0x1C520] =	vst v63  }
0x3dd: {  	s0 =	simm.s32 $0xA50  }
0x3de: {  	[spmem:s3] =	stream.indirect.scatter.add.f32 [tilespmem:s28], [sflag:$0x3], $0x10, s0, s10, $0xb8;
	[tilespmem:$0x1C520] =	vst v63  }
0x3df: {  	s1 =	simm.s32 $0xAA0  }
0x3e0: {  	[spmem:s3] =	stream.indirect.scatter.add.f32 [tilespmem:s22], [sflag:$0x3], $0x10, s1, s10, $0xb8;
	[tilespmem:$0x1C520] =	vst v63  }
0x3e1: {  	_ =	swait.ge [sflag:s26], $0x500  }
0x3e2: {  	[sflag:s26] =	ssyncset.done $0x0  }
0x3e3: {  	[sflag:s26] =	ssyncadd.s32 $0xFFFFFB00  }
0x3e4: {  	_ =	swait.ge [sflag:s26], $0x500  }
0x3e5: {  	[sflag:s26] =	ssyncset.done $0x0  }
0x3e6: {  	[sflag:s26] =	ssyncadd.s32 $0xFFFFFB00  }
0x3e7: {  	_ =	swait.ge [sflag:s26], $0x500  }
0x3e8: {  	[sflag:s26] =	ssyncset.done $0x0  }
0x3e9: {  	[sflag:s26] =	ssyncadd.s32 $0xFFFFFB00  }
0x3ea: {  	_ =	swait.ge [sflag:s26], $0x500  }
0x3eb: {  	[sflag:s26] =	ssyncset.done $0x0  }
0x3ec: {  	[sflag:s26] =	ssyncadd.s32 $0xFFFFFB00  }
0x3ed: {  	_ =	swait.ge [sflag:s26], $0x500  }
0x3ee: {  	[sflag:s26] =	ssyncset.done $0x0  }
0x3ef: {  	s21 =	simm.s32 $0xAF0;
	[sflag:s26] =	ssyncadd.s32 $0xFFFFFB00  }
0x3f0: {  	[spmem:s3] =	stream.indirect.scatter.add.f32 [tilespmem:s31], [sflag:$0x4], $0x10, s21, s10, $0xb8;
	[tilespmem:$0x1C520] =	vst v63  }
0x3f1: {  	s29 =	simm.s32 $0xB40  }
0x3f2: {  	[spmem:s3] =	stream.indirect.scatter.add.f32 [tilespmem:s12], [sflag:$0x4], $0x10, s29, s10, $0xb8;
	[tilespmem:$0x1C520] =	vst v63  }
0x3f3: {  	s0 =	simm.s32 $0xB90  }
0x3f4: {  	[spmem:s3] =	stream.indirect.scatter.add.f32 [tilespmem:s14], [sflag:$0x4], $0x10, s0, s10, $0xb8;
	[tilespmem:$0x1C520] =	vst v63  }
0x3f5: {  	s1 =	simm.s32 $0xBE0  }
0x3f6: {  	[spmem:s3] =	stream.indirect.scatter.add.f32 [tilespmem:s16], [sflag:$0x4], $0x10, s1, s10, $0xb8;
	[tilespmem:$0x1C520] =	vst v63  }
0x3f7: {  	s21 =	simm.s32 $0xC30  }
0x3f8: {  	[spmem:s3] =	stream.indirect.scatter.add.f32 [tilespmem:s18], [sflag:$0x4], $0x10, s21, s10, $0xb8;
	[tilespmem:$0x1C520] =	vst v63  }
0x3f9: {  	_ =	swait.ge [sflag:s17], $0x500  }
0x3fa: {  	[sflag:s17] =	ssyncset.done $0x0  }
0x3fb: {  	[sflag:s17] =	ssyncadd.s32 $0xFFFFFB00  }
0x3fc: {  	_ =	swait.ge [sflag:s17], $0x500  }
0x3fd: {  	[sflag:s17] =	ssyncset.done $0x0  }
0x3fe: {  	[sflag:s17] =	ssyncadd.s32 $0xFFFFFB00  }
0x3ff: {  	_ =	swait.ge [sflag:s17], $0x500  }
0x400: {  	[sflag:s17] =	ssyncset.done $0x0  }
0x401: {  	[sflag:s17] =	ssyncadd.s32 $0xFFFFFB00  }
0x402: {  	_ =	swait.ge [sflag:s17], $0x500  }
0x403: {  	[sflag:s17] =	ssyncset.done $0x0  }
0x404: {  	[sflag:s17] =	ssyncadd.s32 $0xFFFFFB00  }
0x405: {  	_ =	swait.ge [sflag:s17], $0x500  }
0x406: {  	[sflag:s17] =	ssyncset.done $0x0  }
0x407: {  	[sflag:s17] =	ssyncadd.s32 $0xFFFFFB00  }
0x408: {  	_ =	swait.ge [sflag:s9], $0x320  }
0x409: {  	[sflag:s9] =	ssyncset.done $0x0  }
0x40a: {  	[sflag:s9] =	ssyncadd.s32 $0xFFFFFCE0  }
0x40b: {  	_ =	swait.ge [sflag:s9], $0x320  }
0x40c: {  	[sflag:s9] =	ssyncset.done $0x0  }
0x40d: {  	[sflag:s9] =	ssyncadd.s32 $0xFFFFFCE0  }
0x40e: {  	[tilespmem:s19], [sflag:$0x1] =	stream.indirect.gather [hbm4b:s5+s10], $0x10, s4, s10, $0xb8;
	[tilespmem:$0x1C520] =	vst v63  }
0x40f: {  	_ = 	snop  }
0x410: {  	[tilespmem:s20], [sflag:$0x1] =	stream.indirect.gather [hbm4b:s5+s10], $0x10, s10, s10, $0xb8;
	[tilespmem:$0x1C520] =	vst v63  }
.Ltmp6:
0x411: {  	_ = 	snop;
	(pc) =	sbr.rel @!p2 .LBB2_5-.Ltmp6, $4  }
0x412: {  	s2 =	simm.s32 $0xA0  }
0x413: {  	[tilespmem:s25], [sflag:$0x1] =	stream.indirect.gather [hbm4b:s5+s10], $0x10, s2, s10, $0xb8;
	[tilespmem:$0x1C520] =	vst v63  }
0x414: {  	s13 =	sadd.s32 $0xC8, s13;
	s15 =	sadd.s32 $0x4, s15;
	s29 =	simm.s32 $0xF0  }
0x415: {  	[tilespmem:s28], [sflag:$0x1] =	stream.indirect.gather [hbm4b:s5+s10], $0x10, s29, s10, $0xb8;
	[tilespmem:$0x1C520] =	vst v63  }
.Ltmp7:
0x416: {  	_ = 	snop;
	(pc) =	sbr.rel .LBB2_6-.Ltmp7, $1  }
0x417: {  	_ =	sdelay $0x3  }
.LBB2_11:
0x418: {  	_ =	sfence.sel $0x180000  }
0x419: {  	[bflag:$0x0] =	sbarrier.arrive $0xFFFF  }
0x41a: {  	_ =	strace $0x90000047  }
0x41b: {  	[bflag:$0x2] =	sbarrier.arrive $0xFFFF  }
0x41c: {  	s0 =	rddreg [dreg:$0x4]  }
0x41d: {  	s0 =	sadd.s32 @!p0 $0x100000, s0  }
0x41e: {  	[sflag:s0] =	ssyncadd.tile.s32 @!p0 $0x1;
	_ =	shalt  }
.Lfunc_end2:
_tile_overlayer_lowered:
.L_overlay_start_2:
0x41f: {  	(tag) =	ssettag $0x2  }
0x420: {  	s0 =	rddreg [dreg:$0x0];
	s2 =	stileid.u32  }
0x421: {  	s1 =	rddreg [dreg:$0x1];
	p0 =	sne.s32 s2, $0x0  }
0x422: {  	s3 =	rddreg [dreg:$0x2];
	[bflag:$0x3] =	sbarrier.arrive $0xFFFF;
	s2 =	simm.s32 @!p0 $0x1C06  }
0x423: {  	[timem:s3], [sflag:s2] =	dma.local @!p0 [hbm:s0], s1  }
0x424: {  	s0 =	simm.s32 @!p0 $0x6  }
0x425: {  	_ =	swait.ge @!p0 [sflag:s0], s1  }
0x426: {  	s1 =	ssub.s32 @!p0 $0x0, s1;
	[sflag:s0] =	ssyncset.done @!p0 $0x0  }
0x427: {  	[sflag:s0] =	ssyncadd.s32 @!p0 s1  }
0x428: {  	[bflag:$0x3] =	sbarrier.arrive $0xFFFF  }
0x429: {  	_ =	shalt  }

</sc_bundles>
